<compile_context>
chip_gen: v7x
topology: tpu7x:2x2x1
jax: 0.10.2.dev20260603
libtpu: 0.0.44.dev20260713+nightly
codegen_flags: <defaults>
</compile_context>

<pallas_src>
import functools

import jax
import jax.numpy as jnp
from jax import lax
from jax.experimental import pallas as pl
from jax.experimental.pallas import tpu as pltpu
from jax.experimental.pallas import tpu_sc as plsc

B, L, H, D = 8, 2048, 4, 128
NUM_BLOCKS, BLOCK_SIZE = 512, 64
NC, NS = 2, 16
NW = NC * NS
BPW = NUM_BLOCKS // NW


def _sc_store(key_states, value_states, zero_blk, bidx, tok0, vstart, vend):
    mesh = plsc.VectorSubcoreMesh(core_axis_name="c", subcore_axis_name="s")

    @functools.partial(
        pl.kernel,
        out_type=jax.ShapeDtypeStruct((2, NUM_BLOCKS, BLOCK_SIZE, H, D),
                                      jnp.float32),
        mesh=mesh,
        scratch_types=[
            pltpu.VMEM((BPW,), jnp.int32),
            pltpu.VMEM((BPW,), jnp.int32),
            pltpu.VMEM((BPW,), jnp.int32),
            pltpu.VMEM((BPW,), jnp.int32),
            pltpu.VMEM((BLOCK_SIZE, H, D), jnp.float32),
            pltpu.SemaphoreType.DMA,
        ],
    )
    def k(key_hbm, val_hbm, zero_hbm, bidx_hbm, tok0_hbm, vs_hbm, ve_hbm,
          out_hbm, bidx_v, tok0_v, vs_v, ve_v, zero_v, sem):
        wid = lax.axis_index("s") * NC + lax.axis_index("c")
        base = wid * BPW
        pltpu.sync_copy(zero_hbm, zero_v)
        pltpu.sync_copy(bidx_hbm.at[pl.ds(base, BPW)], bidx_v)
        pltpu.sync_copy(tok0_hbm.at[pl.ds(base, BPW)], tok0_v)
        pltpu.sync_copy(vs_hbm.at[pl.ds(base, BPW)], vs_v)
        pltpu.sync_copy(ve_hbm.at[pl.ds(base, BPW)], ve_v)
        bvec = bidx_v[...]
        tvec = tok0_v[...]
        svec = vs_v[...]
        evec = ve_v[...]

        for j in range(BPW):
            p = base + j
            b = bvec[j]
            t0 = tvec[j]
            s0 = svec[j]
            s1 = evec[j]
            n = s1 - s0
            for c, src in ((0, key_hbm), (1, val_hbm)):
                @pl.when(n == BLOCK_SIZE)
                def _():
                    pltpu.async_copy(src.at[b, pl.ds(t0, BLOCK_SIZE)],
                                     out_hbm.at[c, p], sem)

                @pl.when(n == 0)
                def _():
                    pltpu.async_copy(zero_v, out_hbm.at[c, p], sem)

                @pl.when((n > 0) & (n < BLOCK_SIZE))
                def _():
                    def row(s, carry):
                        valid = (s >= s0) & (s < s1)

                        @pl.when(valid)
                        def _():
                            pltpu.async_copy(src.at[b, t0 + s],
                                             out_hbm.at[c, p, s], sem)

                        @pl.when(jnp.logical_not(valid))
                        def _():
                            pltpu.async_copy(zero_v.at[0],
                                             out_hbm.at[c, p, s], sem)
                        return carry

                    lax.fori_loop(0, BLOCK_SIZE, row, 0)

        for j in range(BPW):
            for c in (0, 1):
                pltpu.make_async_copy(zero_hbm, out_hbm.at[c, base + j],
                                      sem).wait()

    return k(key_states, value_states, zero_blk, bidx, tok0, vstart, vend)


def kernel(key_states, value_states, k_cache, v_cache, input_lengths,
           prefix_lengths, kv_cache_block_id_host):
    del k_cache, v_cache
    bt = kv_cache_block_id_host.reshape(-1).astype(jnp.int32)
    inv = jnp.zeros((NUM_BLOCKS,), jnp.int32).at[bt].set(
        jnp.arange(NUM_BLOCKS, dtype=jnp.int32))
    b = inv // (NUM_BLOCKS // B)
    lb = inv % (NUM_BLOCKS // B)
    pre = prefix_lengths.astype(jnp.int32)[b]
    il = input_lengths.astype(jnp.int32)[b]
    i0 = lb * BLOCK_SIZE - pre
    vstart = jnp.clip(-i0, 0, BLOCK_SIZE)
    vend = jnp.maximum(jnp.clip(il - i0, 0, BLOCK_SIZE), vstart)
    zero_blk = jnp.zeros((BLOCK_SIZE, H, D), jnp.float32)
    return _sc_store(key_states, value_states, zero_blk, b, i0, vstart, vend)

# --- scband reference (transcript-rebuilt; emitter-appended) ---
"""Pipeline reference for scband-write-cache-store-op-19146964206294 (READ-ONLY COPY).

The authoritative reference and input builder live on the scoring server;
editing this copy changes nothing except your own understanding.
"""

import jax, jax.numpy as jnp
import numpy as np

B, L, H, D = 8, 2048, 4, 128
NUM_BLOCKS, BLOCK_SIZE, MAX_BLOCKS = 512, 64, 64


def setup_inputs(seed: int = 0) -> dict:
    key = jax.random.key(seed)
    ks = jax.random.split(key, 8)
    # Paged-KV block table: each sequence owns a disjoint set of physical blocks
    # (realistic paged allocator; also keeps scatter writes collision-free / deterministic).
    block_table = jax.random.permutation(ks[4], jnp.arange(NUM_BLOCKS, dtype=jnp.int32)).reshape(B, MAX_BLOCKS)
    return {
        "key_states": jax.random.normal(ks[0], (B, L, H, D), dtype=jnp.float32),
        "value_states": jax.random.normal(ks[1], (B, L, H, D), dtype=jnp.float32),
        "k_cache": jnp.zeros((NUM_BLOCKS + 1, BLOCK_SIZE, H, D), dtype=jnp.float32),
        "v_cache": jnp.zeros((NUM_BLOCKS + 1, BLOCK_SIZE, H, D), dtype=jnp.float32),
        "input_lengths": jax.random.randint(ks[2], (B,), 1, L, dtype=jnp.int32),
        "prefix_lengths": jax.random.randint(ks[3], (B,), 0, L, dtype=jnp.int32),
        "kv_cache_block_id_host": block_table,
    }


def reference(key_states, value_states, k_cache, v_cache, input_lengths, prefix_lengths, kv_cache_block_id_host):
    # write_cache_store: scatter newly-computed K/V token states into the paged
    # KV cache. Token i of sequence b lands at logical position
    # p = prefix_lengths[b] + i; physical block = block_table[b, p // bs],
    # slot within block = p % bs. Tokens beyond input_lengths[b] are padding and
    # are routed to a dummy block that is sliced off.
    Bq, Lq, Hq, Dq = key_states.shape
    bs = k_cache.shape[1]
    dummy = k_cache.shape[0] - 1
    offs = jnp.arange(Lq, dtype=jnp.int32)[None, :]                     # [1, L]
    pos = prefix_lengths.astype(jnp.int32)[:, None] + offs              # [B, L]
    valid = offs < input_lengths.astype(jnp.int32)[:, None]             # [B, L]
    blk = pos // bs                                                     # logical block idx
    slot = pos % bs                                                     # slot within block
    phys = jnp.take_along_axis(kv_cache_block_id_host, blk, axis=1)     # [B, L] gather from block table
    phys = jnp.where(valid, phys, dummy)
    pf = phys.reshape(-1)
    sf = slot.reshape(-1)
    kf = key_states.reshape(Bq * Lq, Hq, Dq)
    vf = value_states.reshape(Bq * Lq, Hq, Dq)
    new_k = k_cache.at[pf, sf].set(kf)                                  # scatter-overwrite
    new_v = v_cache.at[pf, sf].set(vf)
    return jnp.stack([new_k[:dummy], new_v[:dummy]], axis=0)

if __name__ == "__main__":
    import jax
    _d = setup_inputs()
    print(jax.jit(kernel)(*tuple(_d.values())))

</pallas_src>

<mosaic_0001>
#map = affine_map<(d0, d1) -> (0, 0, 0, 0)>
#map1 = affine_map<(d0, d1) -> (0, 0, 0)>
#map2 = affine_map<(d0, d1) -> (0)>
#map3 = affine_map<(d0, d1) -> (0, 0, 0, 0, 0)>
module attributes {stable_mosaic.version = 14 : i64} {
  func.func @k(%arg0: i32, %arg1: i32, %arg2: memref<8x2048x4x128xf32, #tpu.memory_space<hbm>>, %arg3: memref<8x2048x4x128xf32, #tpu.memory_space<hbm>>, %arg4: memref<64x4x128xf32, #tpu.memory_space<hbm>>, %arg5: memref<512xi32, #tpu.memory_space<hbm>>, %arg6: memref<512xi32, #tpu.memory_space<hbm>>, %arg7: memref<512xi32, #tpu.memory_space<hbm>>, %arg8: memref<512xi32, #tpu.memory_space<hbm>>, %arg9: memref<2x512x64x4x128xf32, #tpu.memory_space<hbm>>, %arg10: memref<16xi32, #tpu.memory_space<vmem>>, %arg11: memref<16xi32, #tpu.memory_space<vmem>>, %arg12: memref<16xi32, #tpu.memory_space<vmem>>, %arg13: memref<16xi32, #tpu.memory_space<vmem>>, %arg14: memref<64x4x128xf32, #tpu.memory_space<vmem>>, %arg15: memref<!tpu.dma_semaphore, #tpu.memory_space<semaphore_mem>>) attributes {dimension_semantics = [#tpu.dimension_semantics<core_parallel>, #tpu.dimension_semantics<subcore_parallel>], iteration_bounds = array<i64: 2, 16>, scalar_prefetch = 0 : i64, scratch_operands = 6 : i64, tpu.core_type = #tpu.core_type<sc_vector_subcore>, window_params = [{transform_indices = #map}, {transform_indices = #map}, {transform_indices = #map1}, {transform_indices = #map2}, {transform_indices = #map2}, {transform_indices = #map2}, {transform_indices = #map2}, {transform_indices = #map3}]} {
    %mul3A = arith.constant 2 : i32
    %mul3A_0 = arith.muli %arg1, %mul3A : i32
    %add3A = arith.addi %mul3A_0, %arg0 : i32
    %mul3A_1 = arith.constant 16 : i32
    %mul3A_2 = arith.muli %add3A, %mul3A_1 : i32
    "tpu.region"() ({
      %run_scoped3A = tpu.sem_alloc : memref<!tpu.dma_semaphore, #tpu.memory_space<semaphore_mem>>
      tpu.enqueue_dma source(%arg4 : memref<64x4x128xf32, #tpu.memory_space<hbm>>) target(%arg14 : memref<64x4x128xf32, #tpu.memory_space<vmem>>) target_semaphore(%run_scoped3A : memref<!tpu.dma_semaphore, #tpu.memory_space<semaphore_mem>>)
      tpu.wait_dma2 semaphore(%run_scoped3A : memref<!tpu.dma_semaphore, #tpu.memory_space<semaphore_mem>>) src(%arg4 : memref<64x4x128xf32, #tpu.memory_space<hbm>>) dst(%arg14 : memref<64x4x128xf32, #tpu.memory_space<vmem>>)
      tpu.yield
    }) : () -> ()
    "tpu.region"() ({
      %run_scoped3A = tpu.sem_alloc : memref<!tpu.dma_semaphore, #tpu.memory_space<semaphore_mem>>
      %dma_start3A = tpu.memref_slice %arg5[%mul3A_2] : memref<512xi32, #tpu.memory_space<hbm>> -> memref<16xi32, #tpu.memory_space<hbm>>
      %dma_start3A_1012 = tpu.memref_slice %arg5[%mul3A_2] : memref<512xi32, #tpu.memory_space<hbm>> -> memref<16xi32, #tpu.memory_space<hbm>>
      tpu.enqueue_dma source(%dma_start3A_1012 : memref<16xi32, #tpu.memory_space<hbm>>) target(%arg10 : memref<16xi32, #tpu.memory_space<vmem>>) target_semaphore(%run_scoped3A : memref<!tpu.dma_semaphore, #tpu.memory_space<semaphore_mem>>)
      %dma_wait3A_1013 = tpu.memref_slice %arg5[%mul3A_2] : memref<512xi32, #tpu.memory_space<hbm>> -> memref<16xi32, #tpu.memory_space<hbm>>
      %dma_wait3A_1014 = tpu.memref_slice %arg5[%mul3A_2] : memref<512xi32, #tpu.memory_space<hbm>> -> memref<16xi32, #tpu.memory_space<hbm>>
      tpu.wait_dma2 semaphore(%run_scoped3A : memref<!tpu.dma_semaphore, #tpu.memory_space<semaphore_mem>>) src(%dma_wait3A_1014 : memref<16xi32, #tpu.memory_space<hbm>>) dst(%arg10 : memref<16xi32, #tpu.memory_space<vmem>>)
      tpu.yield
    }) : () -> ()
    "tpu.region"() ({
      %run_scoped3A = tpu.sem_alloc : memref<!tpu.dma_semaphore, #tpu.memory_space<semaphore_mem>>
      %dma_start3A = tpu.memref_slice %arg6[%mul3A_2] : memref<512xi32, #tpu.memory_space<hbm>> -> memref<16xi32, #tpu.memory_space<hbm>>
      %dma_start3A_1012 = tpu.memref_slice %arg6[%mul3A_2] : memref<512xi32, #tpu.memory_space<hbm>> -> memref<16xi32, #tpu.memory_space<hbm>>
      tpu.enqueue_dma source(%dma_start3A_1012 : memref<16xi32, #tpu.memory_space<hbm>>) target(%arg11 : memref<16xi32, #tpu.memory_space<vmem>>) target_semaphore(%run_scoped3A : memref<!tpu.dma_semaphore, #tpu.memory_space<semaphore_mem>>)
      %dma_wait3A_1013 = tpu.memref_slice %arg6[%mul3A_2] : memref<512xi32, #tpu.memory_space<hbm>> -> memref<16xi32, #tpu.memory_space<hbm>>
      %dma_wait3A_1014 = tpu.memref_slice %arg6[%mul3A_2] : memref<512xi32, #tpu.memory_space<hbm>> -> memref<16xi32, #tpu.memory_space<hbm>>
      tpu.wait_dma2 semaphore(%run_scoped3A : memref<!tpu.dma_semaphore, #tpu.memory_space<semaphore_mem>>) src(%dma_wait3A_1014 : memref<16xi32, #tpu.memory_space<hbm>>) dst(%arg11 : memref<16xi32, #tpu.memory_space<vmem>>)
      tpu.yield
    }) : () -> ()
    "tpu.region"() ({
      %run_scoped3A = tpu.sem_alloc : memref<!tpu.dma_semaphore, #tpu.memory_space<semaphore_mem>>
      %dma_start3A = tpu.memref_slice %arg7[%mul3A_2] : memref<512xi32, #tpu.memory_space<hbm>> -> memref<16xi32, #tpu.memory_space<hbm>>
      %dma_start3A_1012 = tpu.memref_slice %arg7[%mul3A_2] : memref<512xi32, #tpu.memory_space<hbm>> -> memref<16xi32, #tpu.memory_space<hbm>>
      tpu.enqueue_dma source(%dma_start3A_1012 : memref<16xi32, #tpu.memory_space<hbm>>) target(%arg12 : memref<16xi32, #tpu.memory_space<vmem>>) target_semaphore(%run_scoped3A : memref<!tpu.dma_semaphore, #tpu.memory_space<semaphore_mem>>)
      %dma_wait3A_1013 = tpu.memref_slice %arg7[%mul3A_2] : memref<512xi32, #tpu.memory_space<hbm>> -> memref<16xi32, #tpu.memory_space<hbm>>
      %dma_wait3A_1014 = tpu.memref_slice %arg7[%mul3A_2] : memref<512xi32, #tpu.memory_space<hbm>> -> memref<16xi32, #tpu.memory_space<hbm>>
      tpu.wait_dma2 semaphore(%run_scoped3A : memref<!tpu.dma_semaphore, #tpu.memory_space<semaphore_mem>>) src(%dma_wait3A_1014 : memref<16xi32, #tpu.memory_space<hbm>>) dst(%arg12 : memref<16xi32, #tpu.memory_space<vmem>>)
      tpu.yield
    }) : () -> ()
    "tpu.region"() ({
      %run_scoped3A = tpu.sem_alloc : memref<!tpu.dma_semaphore, #tpu.memory_space<semaphore_mem>>
      %dma_start3A = tpu.memref_slice %arg8[%mul3A_2] : memref<512xi32, #tpu.memory_space<hbm>> -> memref<16xi32, #tpu.memory_space<hbm>>
      %dma_start3A_1012 = tpu.memref_slice %arg8[%mul3A_2] : memref<512xi32, #tpu.memory_space<hbm>> -> memref<16xi32, #tpu.memory_space<hbm>>
      tpu.enqueue_dma source(%dma_start3A_1012 : memref<16xi32, #tpu.memory_space<hbm>>) target(%arg13 : memref<16xi32, #tpu.memory_space<vmem>>) target_semaphore(%run_scoped3A : memref<!tpu.dma_semaphore, #tpu.memory_space<semaphore_mem>>)
      %dma_wait3A_1013 = tpu.memref_slice %arg8[%mul3A_2] : memref<512xi32, #tpu.memory_space<hbm>> -> memref<16xi32, #tpu.memory_space<hbm>>
      %dma_wait3A_1014 = tpu.memref_slice %arg8[%mul3A_2] : memref<512xi32, #tpu.memory_space<hbm>> -> memref<16xi32, #tpu.memory_space<hbm>>
      tpu.wait_dma2 semaphore(%run_scoped3A : memref<!tpu.dma_semaphore, #tpu.memory_space<semaphore_mem>>) src(%dma_wait3A_1014 : memref<16xi32, #tpu.memory_space<hbm>>) dst(%arg13 : memref<16xi32, #tpu.memory_space<vmem>>)
      tpu.yield
    }) : () -> ()
    %get3A = arith.constant 0 : index
    %get3A_3 = tpu.vector_load %arg10[%get3A] {strides = array<i32>} : memref<16xi32, #tpu.memory_space<vmem>>, vector<16xi32>,
    %get3A_4 = vector.shape_cast %get3A_3 : vector<16xi32> to vector<16xi32>
    %get3A_5 = arith.constant 0 : index
    %get3A_6 = tpu.vector_load %arg11[%get3A_5] {strides = array<i32>} : memref<16xi32, #tpu.memory_space<vmem>>, vector<16xi32>,
    %get3A_7 = vector.shape_cast %get3A_6 : vector<16xi32> to vector<16xi32>
    %get3A_8 = arith.constant 0 : index
    %get3A_9 = tpu.vector_load %arg12[%get3A_8] {strides = array<i32>} : memref<16xi32, #tpu.memory_space<vmem>>, vector<16xi32>,
    %get3A_10 = vector.shape_cast %get3A_9 : vector<16xi32> to vector<16xi32>
    %get3A_11 = arith.constant 0 : index
    %get3A_12 = tpu.vector_load %arg13[%get3A_11] {strides = array<i32>} : memref<16xi32, #tpu.memory_space<vmem>>, vector<16xi32>,
    %get3A_13 = vector.shape_cast %get3A_12 : vector<16xi32> to vector<16xi32>
    %add3A_14 = arith.constant 0 : i32
    %add3A_15 = arith.addi %mul3A_2, %add3A_14 : i32
    %slice3A = vector.extract_strided_slice %get3A_4 {offsets = [0], sizes = [1], strides = [1]} : vector<16xi32> to vector<1xi32>
    %squeeze3A = vector.extract %slice3A[0] : i32 from vector<1xi32>
    %slice3A_16 = vector.extract_strided_slice %get3A_7 {offsets = [0], sizes = [1], strides = [1]} : vector<16xi32> to vector<1xi32>
    %squeeze3A_17 = vector.extract %slice3A_16[0] : i32 from vector<1xi32>
    %slice3A_18 = vector.extract_strided_slice %get3A_10 {offsets = [0], sizes = [1], strides = [1]} : vector<16xi32> to vector<1xi32>
    %squeeze3A_19 = vector.extract %slice3A_18[0] : i32 from vector<1xi32>
    %slice3A_20 = vector.extract_strided_slice %get3A_13 {offsets = [0], sizes = [1], strides = [1]} : vector<16xi32> to vector<1xi32>
    %squeeze3A_21 = vector.extract %slice3A_20[0] : i32 from vector<1xi32>
    %sub3A = arith.subi %squeeze3A_21, %squeeze3A_19 : i32
    %eq3A = arith.constant 64 : i32
    %eq3A_22 = arith.cmpi eq, %sub3A, %eq3A : i32
    %convert_element_type3A = arith.extui %eq3A_22 : i1 to i32
    %cond3A = arith.constant 0 : i32
    %cond3A_23 = arith.cmpi ne, %convert_element_type3A, %cond3A : i32
    scf.if %cond3A_23 {
      %dma_start3A = arith.constant 0 : i32
      %dma_start3A_1012 = arith.constant 0 : i32
      %dma_start3A_1013 = arith.constant 0 : i32
      %dma_start3A_1014 = arith.constant 0 : i32
      %dma_start3A_1015 = tpu.memref_slice %arg9[%dma_start3A, %add3A_15, %dma_start3A_1012, %dma_start3A_1013, %dma_start3A_1014] : memref<2x512x64x4x128xf32, #tpu.memory_space<hbm>> -> memref<1x1x64x4x128xf32, #tpu.memory_space<hbm>>
      %dma_start3A_1016 = tpu.memref_squeeze %dma_start3A_1015 : memref<1x1x64x4x128xf32, #tpu.memory_space<hbm>> -> memref<64x4x128xf32, #tpu.memory_space<hbm>>
      %dma_start3A_1017 = arith.constant 0 : i32
      %dma_start3A_1018 = arith.constant 0 : i32
      %dma_start3A_1019 = tpu.memref_slice %arg2[%squeeze3A, %squeeze3A_17, %dma_start3A_1017, %dma_start3A_1018] : memref<8x2048x4x128xf32, #tpu.memory_space<hbm>> -> memref<1x64x4x128xf32, #tpu.memory_space<hbm>>
      %dma_start3A_1020 = tpu.memref_squeeze %dma_start3A_1019 : memref<1x64x4x128xf32, #tpu.memory_space<hbm>> -> memref<64x4x128xf32, #tpu.memory_space<hbm>>
      tpu.enqueue_dma source(%dma_start3A_1020 : memref<64x4x128xf32, #tpu.memory_space<hbm>>) target(%dma_start3A_1016 : memref<64x4x128xf32, #tpu.memory_space<hbm>>) target_semaphore(%arg15 : memref<!tpu.dma_semaphore, #tpu.memory_space<semaphore_mem>>)
    } else {
    }
    %eq3A_24 = arith.constant 0 : i32
    %eq3A_25 = arith.cmpi eq, %sub3A, %eq3A_24 : i32
    %convert_element_type3A_26 = arith.extui %eq3A_25 : i1 to i32
    %cond3A_27 = arith.constant 0 : i32
    %cond3A_28 = arith.cmpi ne, %convert_element_type3A_26, %cond3A_27 : i32
    scf.if %cond3A_28 {
      %dma_start3A = arith.constant 0 : i32
      %dma_start3A_1012 = arith.constant 0 : i32
      %dma_start3A_1013 = arith.constant 0 : i32
      %dma_start3A_1014 = arith.constant 0 : i32
      %dma_start3A_1015 = tpu.memref_slice %arg9[%dma_start3A, %add3A_15, %dma_start3A_1012, %dma_start3A_1013, %dma_start3A_1014] : memref<2x512x64x4x128xf32, #tpu.memory_space<hbm>> -> memref<1x1x64x4x128xf32, #tpu.memory_space<hbm>>
      %dma_start3A_1016 = tpu.memref_squeeze %dma_start3A_1015 : memref<1x1x64x4x128xf32, #tpu.memory_space<hbm>> -> memref<64x4x128xf32, #tpu.memory_space<hbm>>
      %dma_start3A_1017 = arith.constant 0 : i32
      %dma_start3A_1018 = arith.constant 0 : i32
      %dma_start3A_1019 = arith.constant 0 : i32
      %dma_start3A_1020 = tpu.memref_slice %arg9[%dma_start3A, %add3A_15, %dma_start3A_1017, %dma_start3A_1018, %dma_start3A_1019] : memref<2x512x64x4x128xf32, #tpu.memory_space<hbm>> -> memref<1x1x64x4x128xf32, #tpu.memory_space<hbm>>
      %dma_start3A_1021 = tpu.memref_squeeze %dma_start3A_1020 : memref<1x1x64x4x128xf32, #tpu.memory_space<hbm>> -> memref<64x4x128xf32, #tpu.memory_space<hbm>>
      tpu.enqueue_dma source(%arg14 : memref<64x4x128xf32, #tpu.memory_space<vmem>>) target(%dma_start3A_1021 : memref<64x4x128xf32, #tpu.memory_space<hbm>>) target_semaphore(%arg15 : memref<!tpu.dma_semaphore, #tpu.memory_space<semaphore_mem>>)
    } else {
    }
    %gt3A = arith.constant 0 : i32
    %gt3A_29 = arith.cmpi sgt, %sub3A, %gt3A : i32
    %lt3A = arith.constant 64 : i32
    %lt3A_30 = arith.cmpi slt, %sub3A, %lt3A : i32
    %and3A = arith.andi %gt3A_29, %lt3A_30 : i1
    %convert_element_type3A_31 = arith.extui %and3A : i1 to i32
    %cond3A_32 = arith.constant 0 : i32
    %cond3A_33 = arith.cmpi ne, %convert_element_type3A_31, %cond3A_32 : i32
    scf.if %cond3A_33 {
      %scan3A = arith.constant 0 : i32
      %scan3A_1012 = arith.constant 0 : i32
      %scan3A_1013 = arith.constant 64 : i32
      %scan3A_1014 = arith.addi %scan3A_1012, %scan3A_1013 : i32
      %scan3A_1015 = arith.constant 1 : i32
      scf.for %scan3A_1017 = %scan3A_1012 to %scan3A_1014 step %scan3A_1015  : i32 {
        %ge3A = arith.cmpi sge, %scan3A_1017, %squeeze3A_19 : i32
        %lt3A_1018 = arith.cmpi slt, %scan3A_1017, %squeeze3A_21 : i32
        %and3A_1019 = arith.andi %ge3A, %lt3A_1018 : i1
        %convert_element_type3A_1020 = arith.extui %and3A_1019 : i1 to i32
        %cond3A_1021 = arith.constant 0 : i32
        %cond3A_1022 = arith.cmpi ne, %convert_element_type3A_1020, %cond3A_1021 : i32
        scf.if %cond3A_1022 {
          %add3A_1027 = arith.addi %squeeze3A_17, %scan3A_1017 : i32
          %dma_start3A = arith.constant 0 : i32
          %dma_start3A_1028 = arith.constant 0 : i32
          %dma_start3A_1029 = arith.constant 0 : i32
          %dma_start3A_1030 = tpu.memref_slice %arg9[%dma_start3A, %add3A_15, %scan3A_1017, %dma_start3A_1028, %dma_start3A_1029] : memref<2x512x64x4x128xf32, #tpu.memory_space<hbm>> -> memref<1x1x1x4x128xf32, #tpu.memory_space<hbm>>
          %dma_start3A_1031 = tpu.memref_squeeze %dma_start3A_1030 : memref<1x1x1x4x128xf32, #tpu.memory_space<hbm>> -> memref<4x128xf32, #tpu.memory_space<hbm>>
          %dma_start3A_1032 = arith.constant 0 : i32
          %dma_start3A_1033 = arith.constant 0 : i32
          %dma_start3A_1034 = tpu.memref_slice %arg2[%squeeze3A, %add3A_1027, %dma_start3A_1032, %dma_start3A_1033] : memref<8x2048x4x128xf32, #tpu.memory_space<hbm>> -> memref<1x1x4x128xf32, #tpu.memory_space<hbm>>
          %dma_start3A_1035 = tpu.memref_squeeze %dma_start3A_1034 : memref<1x1x4x128xf32, #tpu.memory_space<hbm>> -> memref<4x128xf32, #tpu.memory_space<hbm>>
          tpu.enqueue_dma source(%dma_start3A_1035 : memref<4x128xf32, #tpu.memory_space<hbm>>) target(%dma_start3A_1031 : memref<4x128xf32, #tpu.memory_space<hbm>>) target_semaphore(%arg15 : memref<!tpu.dma_semaphore, #tpu.memory_space<semaphore_mem>>)
        } else {
        }
        %not3A = arith.constant true
        %not3A_1023 = arith.xori %and3A_1019, %not3A : i1
        %convert_element_type3A_1024 = arith.extui %not3A_1023 : i1 to i32
        %cond3A_1025 = arith.constant 0 : i32
        %cond3A_1026 = arith.cmpi ne, %convert_element_type3A_1024, %cond3A_1025 : i32
        scf.if %cond3A_1026 {
          %dma_start3A = arith.constant 0 : i32
          %dma_start3A_1027 = arith.constant 0 : i32
          %dma_start3A_1028 = arith.constant 0 : i32
          %dma_start3A_1029 = arith.constant 0 : i32
          %dma_start3A_1030 = tpu.memref_slice %arg14[%dma_start3A, %dma_start3A_1028, %dma_start3A_1029] : memref<64x4x128xf32, #tpu.memory_space<vmem>> -> memref<1x4x128xf32, #tpu.memory_space<vmem>>
          %dma_start3A_1031 = tpu.memref_squeeze %dma_start3A_1030 : memref<1x4x128xf32, #tpu.memory_space<vmem>> -> memref<4x128xf32, #tpu.memory_space<vmem>>
          %dma_start3A_1032 = arith.constant 0 : i32
          %dma_start3A_1033 = arith.constant 0 : i32
          %dma_start3A_1034 = tpu.memref_slice %arg9[%dma_start3A_1027, %add3A_15, %scan3A_1017, %dma_start3A_1032, %dma_start3A_1033] : memref<2x512x64x4x128xf32, #tpu.memory_space<hbm>> -> memref<1x1x1x4x128xf32, #tpu.memory_space<hbm>>
          %dma_start3A_1035 = tpu.memref_squeeze %dma_start3A_1034 : memref<1x1x1x4x128xf32, #tpu.memory_space<hbm>> -> memref<4x128xf32, #tpu.memory_space<hbm>>
          %dma_start3A_1036 = arith.constant 0 : i32
          %dma_start3A_1037 = arith.constant 0 : i32
          %dma_start3A_1038 = tpu.memref_slice %arg9[%dma_start3A_1027, %add3A_15, %scan3A_1017, %dma_start3A_1036, %dma_start3A_1037] : memref<2x512x64x4x128xf32, #tpu.memory_space<hbm>> -> memref<1x1x1x4x128xf32, #tpu.memory_space<hbm>>
          %dma_start3A_1039 = tpu.memref_squeeze %dma_start3A_1038 : memref<1x1x1x4x128xf32, #tpu.memory_space<hbm>> -> memref<4x128xf32, #tpu.memory_space<hbm>>
          %dma_start3A_1040 = arith.constant 0 : i32
          %dma_start3A_1041 = arith.constant 0 : i32
          %dma_start3A_1042 = tpu.memref_slice %arg14[%dma_start3A, %dma_start3A_1040, %dma_start3A_1041] : memref<64x4x128xf32, #tpu.memory_space<vmem>> -> memref<1x4x128xf32, #tpu.memory_space<vmem>>
          %dma_start3A_1043 = tpu.memref_squeeze %dma_start3A_1042 : memref<1x4x128xf32, #tpu.memory_space<vmem>> -> memref<4x128xf32, #tpu.memory_space<vmem>>
          tpu.enqueue_dma source(%dma_start3A_1043 : memref<4x128xf32, #tpu.memory_space<vmem>>) target(%dma_start3A_1039 : memref<4x128xf32, #tpu.memory_space<hbm>>) target_semaphore(%arg15 : memref<!tpu.dma_semaphore, #tpu.memory_space<semaphore_mem>>)
        } else {
        }
      }
      %scan3A_1016 = arith.constant 64 : i32
    } else {
    }
    %eq3A_34 = arith.constant 64 : i32
    %eq3A_35 = arith.cmpi eq, %sub3A, %eq3A_34 : i32
    %convert_element_type3A_36 = arith.extui %eq3A_35 : i1 to i32
    %cond3A_37 = arith.constant 0 : i32
    %cond3A_38 = arith.cmpi ne, %convert_element_type3A_36, %cond3A_37 : i32
    scf.if %cond3A_38 {
      %dma_start3A = arith.constant 1 : i32
      %dma_start3A_1012 = arith.constant 0 : i32
      %dma_start3A_1013 = arith.constant 0 : i32
      %dma_start3A_1014 = arith.constant 0 : i32
      %dma_start3A_1015 = tpu.memref_slice %arg9[%dma_start3A, %add3A_15, %dma_start3A_1012, %dma_start3A_1013, %dma_start3A_1014] : memref<2x512x64x4x128xf32, #tpu.memory_space<hbm>> -> memref<1x1x64x4x128xf32, #tpu.memory_space<hbm>>
      %dma_start3A_1016 = tpu.memref_squeeze %dma_start3A_1015 : memref<1x1x64x4x128xf32, #tpu.memory_space<hbm>> -> memref<64x4x128xf32, #tpu.memory_space<hbm>>
      %dma_start3A_1017 = arith.constant 0 : i32
      %dma_start3A_1018 = arith.constant 0 : i32
      %dma_start3A_1019 = tpu.memref_slice %arg3[%squeeze3A, %squeeze3A_17, %dma_start3A_1017, %dma_start3A_1018] : memref<8x2048x4x128xf32, #tpu.memory_space<hbm>> -> memref<1x64x4x128xf32, #tpu.memory_space<hbm>>
      %dma_start3A_1020 = tpu.memref_squeeze %dma_start3A_1019 : memref<1x64x4x128xf32, #tpu.memory_space<hbm>> -> memref<64x4x128xf32, #tpu.memory_space<hbm>>
      tpu.enqueue_dma source(%dma_start3A_1020 : memref<64x4x128xf32, #tpu.memory_space<hbm>>) target(%dma_start3A_1016 : memref<64x4x128xf32, #tpu.memory_space<hbm>>) target_semaphore(%arg15 : memref<!tpu.dma_semaphore, #tpu.memory_space<semaphore_mem>>)
    } else {
    }
    %eq3A_39 = arith.constant 0 : i32
    %eq3A_40 = arith.cmpi eq, %sub3A, %eq3A_39 : i32
    %convert_element_type3A_41 = arith.extui %eq3A_40 : i1 to i32
    %cond3A_42 = arith.constant 0 : i32
    %cond3A_43 = arith.cmpi ne, %convert_element_type3A_41, %cond3A_42 : i32
    scf.if %cond3A_43 {
      %dma_start3A = arith.constant 1 : i32
      %dma_start3A_1012 = arith.constant 0 : i32
      %dma_start3A_1013 = arith.constant 0 : i32
      %dma_start3A_1014 = arith.constant 0 : i32
      %dma_start3A_1015 = tpu.memref_slice %arg9[%dma_start3A, %add3A_15, %dma_start3A_1012, %dma_start3A_1013, %dma_start3A_1014] : memref<2x512x64x4x128xf32, #tpu.memory_space<hbm>> -> memref<1x1x64x4x128xf32, #tpu.memory_space<hbm>>
      %dma_start3A_1016 = tpu.memref_squeeze %dma_start3A_1015 : memref<1x1x64x4x128xf32, #tpu.memory_space<hbm>> -> memref<64x4x128xf32, #tpu.memory_space<hbm>>
      %dma_start3A_1017 = arith.constant 0 : i32
      %dma_start3A_1018 = arith.constant 0 : i32
      %dma_start3A_1019 = arith.constant 0 : i32
      %dma_start3A_1020 = tpu.memref_slice %arg9[%dma_start3A, %add3A_15, %dma_start3A_1017, %dma_start3A_1018, %dma_start3A_1019] : memref<2x512x64x4x128xf32, #tpu.memory_space<hbm>> -> memref<1x1x64x4x128xf32, #tpu.memory_space<hbm>>
      %dma_start3A_1021 = tpu.memref_squeeze %dma_start3A_1020 : memref<1x1x64x4x128xf32, #tpu.memory_space<hbm>> -> memref<64x4x128xf32, #tpu.memory_space<hbm>>
      tpu.enqueue_dma source(%arg14 : memref<64x4x128xf32, #tpu.memory_space<vmem>>) target(%dma_start3A_1021 : memref<64x4x128xf32, #tpu.memory_space<hbm>>) target_semaphore(%arg15 : memref<!tpu.dma_semaphore, #tpu.memory_space<semaphore_mem>>)
    } else {
    }
    %gt3A_44 = arith.constant 0 : i32
    %gt3A_45 = arith.cmpi sgt, %sub3A, %gt3A_44 : i32
    %lt3A_46 = arith.constant 64 : i32
    %lt3A_47 = arith.cmpi slt, %sub3A, %lt3A_46 : i32
    %and3A_48 = arith.andi %gt3A_45, %lt3A_47 : i1
    %convert_element_type3A_49 = arith.extui %and3A_48 : i1 to i32
    %cond3A_50 = arith.constant 0 : i32
    %cond3A_51 = arith.cmpi ne, %convert_element_type3A_49, %cond3A_50 : i32
    scf.if %cond3A_51 {
      %scan3A = arith.constant 0 : i32
      %scan3A_1012 = arith.constant 0 : i32
      %scan3A_1013 = arith.constant 64 : i32
      %scan3A_1014 = arith.addi %scan3A_1012, %scan3A_1013 : i32
      %scan3A_1015 = arith.constant 1 : i32
      scf.for %scan3A_1017 = %scan3A_1012 to %scan3A_1014 step %scan3A_1015  : i32 {
        %ge3A = arith.cmpi sge, %scan3A_1017, %squeeze3A_19 : i32
        %lt3A_1018 = arith.cmpi slt, %scan3A_1017, %squeeze3A_21 : i32
        %and3A_1019 = arith.andi %ge3A, %lt3A_1018 : i1
        %convert_element_type3A_1020 = arith.extui %and3A_1019 : i1 to i32
        %cond3A_1021 = arith.constant 0 : i32
        %cond3A_1022 = arith.cmpi ne, %convert_element_type3A_1020, %cond3A_1021 : i32
        scf.if %cond3A_1022 {
          %add3A_1027 = arith.addi %squeeze3A_17, %scan3A_1017 : i32
          %dma_start3A = arith.constant 1 : i32
          %dma_start3A_1028 = arith.constant 0 : i32
          %dma_start3A_1029 = arith.constant 0 : i32
          %dma_start3A_1030 = tpu.memref_slice %arg9[%dma_start3A, %add3A_15, %scan3A_1017, %dma_start3A_1028, %dma_start3A_1029] : memref<2x512x64x4x128xf32, #tpu.memory_space<hbm>> -> memref<1x1x1x4x128xf32, #tpu.memory_space<hbm>>
          %dma_start3A_1031 = tpu.memref_squeeze %dma_start3A_1030 : memref<1x1x1x4x128xf32, #tpu.memory_space<hbm>> -> memref<4x128xf32, #tpu.memory_space<hbm>>
          %dma_start3A_1032 = arith.constant 0 : i32
          %dma_start3A_1033 = arith.constant 0 : i32
          %dma_start3A_1034 = tpu.memref_slice %arg3[%squeeze3A, %add3A_1027, %dma_start3A_1032, %dma_start3A_1033] : memref<8x2048x4x128xf32, #tpu.memory_space<hbm>> -> memref<1x1x4x128xf32, #tpu.memory_space<hbm>>
          %dma_start3A_1035 = tpu.memref_squeeze %dma_start3A_1034 : memref<1x1x4x128xf32, #tpu.memory_space<hbm>> -> memref<4x128xf32, #tpu.memory_space<hbm>>
          tpu.enqueue_dma source(%dma_start3A_1035 : memref<4x128xf32, #tpu.memory_space<hbm>>) target(%dma_start3A_1031 : memref<4x128xf32, #tpu.memory_space<hbm>>) target_semaphore(%arg15 : memref<!tpu.dma_semaphore, #tpu.memory_space<semaphore_mem>>)
        } else {
        }
        %not3A = arith.constant true
        %not3A_1023 = arith.xori %and3A_1019, %not3A : i1
        %convert_element_type3A_1024 = arith.extui %not3A_1023 : i1 to i32
        %cond3A_1025 = arith.constant 0 : i32
        %cond3A_1026 = arith.cmpi ne, %convert_element_type3A_1024, %cond3A_1025 : i32
        scf.if %cond3A_1026 {
          %dma_start3A = arith.constant 0 : i32
          %dma_start3A_1027 = arith.constant 1 : i32
          %dma_start3A_1028 = arith.constant 0 : i32
          %dma_start3A_1029 = arith.constant 0 : i32
          %dma_start3A_1030 = tpu.memref_slice %arg14[%dma_start3A, %dma_start3A_1028, %dma_start3A_1029] : memref<64x4x128xf32, #tpu.memory_space<vmem>> -> memref<1x4x128xf32, #tpu.memory_space<vmem>>
          %dma_start3A_1031 = tpu.memref_squeeze %dma_start3A_1030 : memref<1x4x128xf32, #tpu.memory_space<vmem>> -> memref<4x128xf32, #tpu.memory_space<vmem>>
          %dma_start3A_1032 = arith.constant 0 : i32
          %dma_start3A_1033 = arith.constant 0 : i32
          %dma_start3A_1034 = tpu.memref_slice %arg9[%dma_start3A_1027, %add3A_15, %scan3A_1017, %dma_start3A_1032, %dma_start3A_1033] : memref<2x512x64x4x128xf32, #tpu.memory_space<hbm>> -> memref<1x1x1x4x128xf32, #tpu.memory_space<hbm>>
          %dma_start3A_1035 = tpu.memref_squeeze %dma_start3A_1034 : memref<1x1x1x4x128xf32, #tpu.memory_space<hbm>> -> memref<4x128xf32, #tpu.memory_space<hbm>>
          %dma_start3A_1036 = arith.constant 0 : i32
          %dma_start3A_1037 = arith.constant 0 : i32
          %dma_start3A_1038 = tpu.memref_slice %arg9[%dma_start3A_1027, %add3A_15, %scan3A_1017, %dma_start3A_1036, %dma_start3A_1037] : memref<2x512x64x4x128xf32, #tpu.memory_space<hbm>> -> memref<1x1x1x4x128xf32, #tpu.memory_space<hbm>>
          %dma_start3A_1039 = tpu.memref_squeeze %dma_start3A_1038 : memref<1x1x1x4x128xf32, #tpu.memory_space<hbm>> -> memref<4x128xf32, #tpu.memory_space<hbm>>
          %dma_start3A_1040 = arith.constant 0 : i32
          %dma_start3A_1041 = arith.constant 0 : i32
          %dma_start3A_1042 = tpu.memref_slice %arg14[%dma_start3A, %dma_start3A_1040, %dma_start3A_1041] : memref<64x4x128xf32, #tpu.memory_space<vmem>> -> memref<1x4x128xf32, #tpu.memory_space<vmem>>
          %dma_start3A_1043 = tpu.memref_squeeze %dma_start3A_1042 : memref<1x4x128xf32, #tpu.memory_space<vmem>> -> memref<4x128xf32, #tpu.memory_space<vmem>>
          tpu.enqueue_dma source(%dma_start3A_1043 : memref<4x128xf32, #tpu.memory_space<vmem>>) target(%dma_start3A_1039 : memref<4x128xf32, #tpu.memory_space<hbm>>) target_semaphore(%arg15 : memref<!tpu.dma_semaphore, #tpu.memory_space<semaphore_mem>>)
        } else {
        }
      }
      %scan3A_1016 = arith.constant 64 : i32
    } else {
    }
    %add3A_52 = arith.constant 1 : i32
    %add3A_53 = arith.addi %mul3A_2, %add3A_52 : i32
    %slice3A_54 = vector.extract_strided_slice %get3A_4 {offsets = [1], sizes = [1], strides = [1]} : vector<16xi32> to vector<1xi32>
    %squeeze3A_55 = vector.extract %slice3A_54[0] : i32 from vector<1xi32>
    %slice3A_56 = vector.extract_strided_slice %get3A_7 {offsets = [1], sizes = [1], strides = [1]} : vector<16xi32> to vector<1xi32>
    %squeeze3A_57 = vector.extract %slice3A_56[0] : i32 from vector<1xi32>
    %slice3A_58 = vector.extract_strided_slice %get3A_10 {offsets = [1], sizes = [1], strides = [1]} : vector<16xi32> to vector<1xi32>
    %squeeze3A_59 = vector.extract %slice3A_58[0] : i32 from vector<1xi32>
    %slice3A_60 = vector.extract_strided_slice %get3A_13 {offsets = [1], sizes = [1], strides = [1]} : vector<16xi32> to vector<1xi32>
    %squeeze3A_61 = vector.extract %slice3A_60[0] : i32 from vector<1xi32>
    %sub3A_62 = arith.subi %squeeze3A_61, %squeeze3A_59 : i32
    %eq3A_63 = arith.constant 64 : i32
    %eq3A_64 = arith.cmpi eq, %sub3A_62, %eq3A_63 : i32
    %convert_element_type3A_65 = arith.extui %eq3A_64 : i1 to i32
    %cond3A_66 = arith.constant 0 : i32
    %cond3A_67 = arith.cmpi ne, %convert_element_type3A_65, %cond3A_66 : i32
    scf.if %cond3A_67 {
      %dma_start3A = arith.constant 0 : i32
      %dma_start3A_1012 = arith.constant 0 : i32
      %dma_start3A_1013 = arith.constant 0 : i32
      %dma_start3A_1014 = arith.constant 0 : i32
      %dma_start3A_1015 = tpu.memref_slice %arg9[%dma_start3A, %add3A_53, %dma_start3A_1012, %dma_start3A_1013, %dma_start3A_1014] : memref<2x512x64x4x128xf32, #tpu.memory_space<hbm>> -> memref<1x1x64x4x128xf32, #tpu.memory_space<hbm>>
      %dma_start3A_1016 = tpu.memref_squeeze %dma_start3A_1015 : memref<1x1x64x4x128xf32, #tpu.memory_space<hbm>> -> memref<64x4x128xf32, #tpu.memory_space<hbm>>
      %dma_start3A_1017 = arith.constant 0 : i32
      %dma_start3A_1018 = arith.constant 0 : i32
      %dma_start3A_1019 = tpu.memref_slice %arg2[%squeeze3A_55, %squeeze3A_57, %dma_start3A_1017, %dma_start3A_1018] : memref<8x2048x4x128xf32, #tpu.memory_space<hbm>> -> memref<1x64x4x128xf32, #tpu.memory_space<hbm>>
      %dma_start3A_1020 = tpu.memref_squeeze %dma_start3A_1019 : memref<1x64x4x128xf32, #tpu.memory_space<hbm>> -> memref<64x4x128xf32, #tpu.memory_space<hbm>>
      tpu.enqueue_dma source(%dma_start3A_1020 : memref<64x4x128xf32, #tpu.memory_space<hbm>>) target(%dma_start3A_1016 : memref<64x4x128xf32, #tpu.memory_space<hbm>>) target_semaphore(%arg15 : memref<!tpu.dma_semaphore, #tpu.memory_space<semaphore_mem>>)
    } else {
    }
    %eq3A_68 = arith.constant 0 : i32
    %eq3A_69 = arith.cmpi eq, %sub3A_62, %eq3A_68 : i32
    %convert_element_type3A_70 = arith.extui %eq3A_69 : i1 to i32
    %cond3A_71 = arith.constant 0 : i32
    %cond3A_72 = arith.cmpi ne, %convert_element_type3A_70, %cond3A_71 : i32
    scf.if %cond3A_72 {
      %dma_start3A = arith.constant 0 : i32
      %dma_start3A_1012 = arith.constant 0 : i32
      %dma_start3A_1013 = arith.constant 0 : i32
      %dma_start3A_1014 = arith.constant 0 : i32
      %dma_start3A_1015 = tpu.memref_slice %arg9[%dma_start3A, %add3A_53, %dma_start3A_1012, %dma_start3A_1013, %dma_start3A_1014] : memref<2x512x64x4x128xf32, #tpu.memory_space<hbm>> -> memref<1x1x64x4x128xf32, #tpu.memory_space<hbm>>
      %dma_start3A_1016 = tpu.memref_squeeze %dma_start3A_1015 : memref<1x1x64x4x128xf32, #tpu.memory_space<hbm>> -> memref<64x4x128xf32, #tpu.memory_space<hbm>>
      %dma_start3A_1017 = arith.constant 0 : i32
      %dma_start3A_1018 = arith.constant 0 : i32
      %dma_start3A_1019 = arith.constant 0 : i32
      %dma_start3A_1020 = tpu.memref_slice %arg9[%dma_start3A, %add3A_53, %dma_start3A_1017, %dma_start3A_1018, %dma_start3A_1019] : memref<2x512x64x4x128xf32, #tpu.memory_space<hbm>> -> memref<1x1x64x4x128xf32, #tpu.memory_space<hbm>>
      %dma_start3A_1021 = tpu.memref_squeeze %dma_start3A_1020 : memref<1x1x64x4x128xf32, #tpu.memory_space<hbm>> -> memref<64x4x128xf32, #tpu.memory_space<hbm>>
      tpu.enqueue_dma source(%arg14 : memref<64x4x128xf32, #tpu.memory_space<vmem>>) target(%dma_start3A_1021 : memref<64x4x128xf32, #tpu.memory_space<hbm>>) target_semaphore(%arg15 : memref<!tpu.dma_semaphore, #tpu.memory_space<semaphore_mem>>)
    } else {
    }
    %gt3A_73 = arith.constant 0 : i32
    %gt3A_74 = arith.cmpi sgt, %sub3A_62, %gt3A_73 : i32
    %lt3A_75 = arith.constant 64 : i32
    %lt3A_76 = arith.cmpi slt, %sub3A_62, %lt3A_75 : i32
    %and3A_77 = arith.andi %gt3A_74, %lt3A_76 : i1
    %convert_element_type3A_78 = arith.extui %and3A_77 : i1 to i32
    %cond3A_79 = arith.constant 0 : i32
    %cond3A_80 = arith.cmpi ne, %convert_element_type3A_78, %cond3A_79 : i32
    scf.if %cond3A_80 {
      %scan3A = arith.constant 0 : i32
      %scan3A_1012 = arith.constant 0 : i32
      %scan3A_1013 = arith.constant 64 : i32
      %scan3A_1014 = arith.addi %scan3A_1012, %scan3A_1013 : i32
      %scan3A_1015 = arith.constant 1 : i32
      scf.for %scan3A_1017 = %scan3A_1012 to %scan3A_1014 step %scan3A_1015  : i32 {
        %ge3A = arith.cmpi sge, %scan3A_1017, %squeeze3A_59 : i32
        %lt3A_1018 = arith.cmpi slt, %scan3A_1017, %squeeze3A_61 : i32
        %and3A_1019 = arith.andi %ge3A, %lt3A_1018 : i1
        %convert_element_type3A_1020 = arith.extui %and3A_1019 : i1 to i32
        %cond3A_1021 = arith.constant 0 : i32
        %cond3A_1022 = arith.cmpi ne, %convert_element_type3A_1020, %cond3A_1021 : i32
        scf.if %cond3A_1022 {
          %add3A_1027 = arith.addi %squeeze3A_57, %scan3A_1017 : i32
          %dma_start3A = arith.constant 0 : i32
          %dma_start3A_1028 = arith.constant 0 : i32
          %dma_start3A_1029 = arith.constant 0 : i32
          %dma_start3A_1030 = tpu.memref_slice %arg9[%dma_start3A, %add3A_53, %scan3A_1017, %dma_start3A_1028, %dma_start3A_1029] : memref<2x512x64x4x128xf32, #tpu.memory_space<hbm>> -> memref<1x1x1x4x128xf32, #tpu.memory_space<hbm>>
          %dma_start3A_1031 = tpu.memref_squeeze %dma_start3A_1030 : memref<1x1x1x4x128xf32, #tpu.memory_space<hbm>> -> memref<4x128xf32, #tpu.memory_space<hbm>>
          %dma_start3A_1032 = arith.constant 0 : i32
          %dma_start3A_1033 = arith.constant 0 : i32
          %dma_start3A_1034 = tpu.memref_slice %arg2[%squeeze3A_55, %add3A_1027, %dma_start3A_1032, %dma_start3A_1033] : memref<8x2048x4x128xf32, #tpu.memory_space<hbm>> -> memref<1x1x4x128xf32, #tpu.memory_space<hbm>>
          %dma_start3A_1035 = tpu.memref_squeeze %dma_start3A_1034 : memref<1x1x4x128xf32, #tpu.memory_space<hbm>> -> memref<4x128xf32, #tpu.memory_space<hbm>>
          tpu.enqueue_dma source(%dma_start3A_1035 : memref<4x128xf32, #tpu.memory_space<hbm>>) target(%dma_start3A_1031 : memref<4x128xf32, #tpu.memory_space<hbm>>) target_semaphore(%arg15 : memref<!tpu.dma_semaphore, #tpu.memory_space<semaphore_mem>>)
        } else {
        }
        %not3A = arith.constant true
        %not3A_1023 = arith.xori %and3A_1019, %not3A : i1
        %convert_element_type3A_1024 = arith.extui %not3A_1023 : i1 to i32
        %cond3A_1025 = arith.constant 0 : i32
        %cond3A_1026 = arith.cmpi ne, %convert_element_type3A_1024, %cond3A_1025 : i32
        scf.if %cond3A_1026 {
          %dma_start3A = arith.constant 0 : i32
          %dma_start3A_1027 = arith.constant 0 : i32
          %dma_start3A_1028 = arith.constant 0 : i32
          %dma_start3A_1029 = arith.constant 0 : i32
          %dma_start3A_1030 = tpu.memref_slice %arg14[%dma_start3A, %dma_start3A_1028, %dma_start3A_1029] : memref<64x4x128xf32, #tpu.memory_space<vmem>> -> memref<1x4x128xf32, #tpu.memory_space<vmem>>
          %dma_start3A_1031 = tpu.memref_squeeze %dma_start3A_1030 : memref<1x4x128xf32, #tpu.memory_space<vmem>> -> memref<4x128xf32, #tpu.memory_space<vmem>>
          %dma_start3A_1032 = arith.constant 0 : i32
          %dma_start3A_1033 = arith.constant 0 : i32
          %dma_start3A_1034 = tpu.memref_slice %arg9[%dma_start3A_1027, %add3A_53, %scan3A_1017, %dma_start3A_1032, %dma_start3A_1033] : memref<2x512x64x4x128xf32, #tpu.memory_space<hbm>> -> memref<1x1x1x4x128xf32, #tpu.memory_space<hbm>>
          %dma_start3A_1035 = tpu.memref_squeeze %dma_start3A_1034 : memref<1x1x1x4x128xf32, #tpu.memory_space<hbm>> -> memref<4x128xf32, #tpu.memory_space<hbm>>
          %dma_start3A_1036 = arith.constant 0 : i32
          %dma_start3A_1037 = arith.constant 0 : i32
          %dma_start3A_1038 = tpu.memref_slice %arg9[%dma_start3A_1027, %add3A_53, %scan3A_1017, %dma_start3A_1036, %dma_start3A_1037] : memref<2x512x64x4x128xf32, #tpu.memory_space<hbm>> -> memref<1x1x1x4x128xf32, #tpu.memory_space<hbm>>
          %dma_start3A_1039 = tpu.memref_squeeze %dma_start3A_1038 : memref<1x1x1x4x128xf32, #tpu.memory_space<hbm>> -> memref<4x128xf32, #tpu.memory_space<hbm>>
          %dma_start3A_1040 = arith.constant 0 : i32
          %dma_start3A_1041 = arith.constant 0 : i32
          %dma_start3A_1042 = tpu.memref_slice %arg14[%dma_start3A, %dma_start3A_1040, %dma_start3A_1041] : memref<64x4x128xf32, #tpu.memory_space<vmem>> -> memref<1x4x128xf32, #tpu.memory_space<vmem>>
          %dma_start3A_1043 = tpu.memref_squeeze %dma_start3A_1042 : memref<1x4x128xf32, #tpu.memory_space<vmem>> -> memref<4x128xf32, #tpu.memory_space<vmem>>
          tpu.enqueue_dma source(%dma_start3A_1043 : memref<4x128xf32, #tpu.memory_space<vmem>>) target(%dma_start3A_1039 : memref<4x128xf32, #tpu.memory_space<hbm>>) target_semaphore(%arg15 : memref<!tpu.dma_semaphore, #tpu.memory_space<semaphore_mem>>)
        } else {
        }
      }
      %scan3A_1016 = arith.constant 64 : i32
    } else {
    }
    %eq3A_81 = arith.constant 64 : i32
    %eq3A_82 = arith.cmpi eq, %sub3A_62, %eq3A_81 : i32
    %convert_element_type3A_83 = arith.extui %eq3A_82 : i1 to i32
    %cond3A_84 = arith.constant 0 : i32
    %cond3A_85 = arith.cmpi ne, %convert_element_type3A_83, %cond3A_84 : i32
    scf.if %cond3A_85 {
      %dma_start3A = arith.constant 1 : i32
      %dma_start3A_1012 = arith.constant 0 : i32
      %dma_start3A_1013 = arith.constant 0 : i32
      %dma_start3A_1014 = arith.constant 0 : i32
      %dma_start3A_1015 = tpu.memref_slice %arg9[%dma_start3A, %add3A_53, %dma_start3A_1012, %dma_start3A_1013, %dma_start3A_1014] : memref<2x512x64x4x128xf32, #tpu.memory_space<hbm>> -> memref<1x1x64x4x128xf32, #tpu.memory_space<hbm>>
      %dma_start3A_1016 = tpu.memref_squeeze %dma_start3A_1015 : memref<1x1x64x4x128xf32, #tpu.memory_space<hbm>> -> memref<64x4x128xf32, #tpu.memory_space<hbm>>
      %dma_start3A_1017 = arith.constant 0 : i32
      %dma_start3A_1018 = arith.constant 0 : i32
      %dma_start3A_1019 = tpu.memref_slice %arg3[%squeeze3A_55, %squeeze3A_57, %dma_start3A_1017, %dma_start3A_1018] : memref<8x2048x4x128xf32, #tpu.memory_space<hbm>> -> memref<1x64x4x128xf32, #tpu.memory_space<hbm>>
      %dma_start3A_1020 = tpu.memref_squeeze %dma_start3A_1019 : memref<1x64x4x128xf32, #tpu.memory_space<hbm>> -> memref<64x4x128xf32, #tpu.memory_space<hbm>>
      tpu.enqueue_dma source(%dma_start3A_1020 : memref<64x4x128xf32, #tpu.memory_space<hbm>>) target(%dma_start3A_1016 : memref<64x4x128xf32, #tpu.memory_space<hbm>>) target_semaphore(%arg15 : memref<!tpu.dma_semaphore, #tpu.memory_space<semaphore_mem>>)
    } else {
    }
    %eq3A_86 = arith.constant 0 : i32
    %eq3A_87 = arith.cmpi eq, %sub3A_62, %eq3A_86 : i32
    %convert_element_type3A_88 = arith.extui %eq3A_87 : i1 to i32
    %cond3A_89 = arith.constant 0 : i32
    %cond3A_90 = arith.cmpi ne, %convert_element_type3A_88, %cond3A_89 : i32
    scf.if %cond3A_90 {
      %dma_start3A = arith.constant 1 : i32
      %dma_start3A_1012 = arith.constant 0 : i32
      %dma_start3A_1013 = arith.constant 0 : i32
      %dma_start3A_1014 = arith.constant 0 : i32
      %dma_start3A_1015 = tpu.memref_slice %arg9[%dma_start3A, %add3A_53, %dma_start3A_1012, %dma_start3A_1013, %dma_start3A_1014] : memref<2x512x64x4x128xf32, #tpu.memory_space<hbm>> -> memref<1x1x64x4x128xf32, #tpu.memory_space<hbm>>
      %dma_start3A_1016 = tpu.memref_squeeze %dma_start3A_1015 : memref<1x1x64x4x128xf32, #tpu.memory_space<hbm>> -> memref<64x4x128xf32, #tpu.memory_space<hbm>>
      %dma_start3A_1017 = arith.constant 0 : i32
      %dma_start3A_1018 = arith.constant 0 : i32
      %dma_start3A_1019 = arith.constant 0 : i32
      %dma_start3A_1020 = tpu.memref_slice %arg9[%dma_start3A, %add3A_53, %dma_start3A_1017, %dma_start3A_1018, %dma_start3A_1019] : memref<2x512x64x4x128xf32, #tpu.memory_space<hbm>> -> memref<1x1x64x4x128xf32, #tpu.memory_space<hbm>>
      %dma_start3A_1021 = tpu.memref_squeeze %dma_start3A_1020 : memref<1x1x64x4x128xf32, #tpu.memory_space<hbm>> -> memref<64x4x128xf32, #tpu.memory_space<hbm>>
      tpu.enqueue_dma source(%arg14 : memref<64x4x128xf32, #tpu.memory_space<vmem>>) target(%dma_start3A_1021 : memref<64x4x128xf32, #tpu.memory_space<hbm>>) target_semaphore(%arg15 : memref<!tpu.dma_semaphore, #tpu.memory_space<semaphore_mem>>)
    } else {
    }
    %gt3A_91 = arith.constant 0 : i32
    %gt3A_92 = arith.cmpi sgt, %sub3A_62, %gt3A_91 : i32
    %lt3A_93 = arith.constant 64 : i32
    %lt3A_94 = arith.cmpi slt, %sub3A_62, %lt3A_93 : i32
    %and3A_95 = arith.andi %gt3A_92, %lt3A_94 : i1
    %convert_element_type3A_96 = arith.extui %and3A_95 : i1 to i32
    %cond3A_97 = arith.constant 0 : i32
    %cond3A_98 = arith.cmpi ne, %convert_element_type3A_96, %cond3A_97 : i32
    scf.if %cond3A_98 {
      %scan3A = arith.constant 0 : i32
      %scan3A_1012 = arith.constant 0 : i32
      %scan3A_1013 = arith.constant 64 : i32
      %scan3A_1014 = arith.addi %scan3A_1012, %scan3A_1013 : i32
      %scan3A_1015 = arith.constant 1 : i32
      scf.for %scan3A_1017 = %scan3A_1012 to %scan3A_1014 step %scan3A_1015  : i32 {
        %ge3A = arith.cmpi sge, %scan3A_1017, %squeeze3A_59 : i32
        %lt3A_1018 = arith.cmpi slt, %scan3A_1017, %squeeze3A_61 : i32
        %and3A_1019 = arith.andi %ge3A, %lt3A_1018 : i1
        %convert_element_type3A_1020 = arith.extui %and3A_1019 : i1 to i32
        %cond3A_1021 = arith.constant 0 : i32
        %cond3A_1022 = arith.cmpi ne, %convert_element_type3A_1020, %cond3A_1021 : i32
        scf.if %cond3A_1022 {
          %add3A_1027 = arith.addi %squeeze3A_57, %scan3A_1017 : i32
          %dma_start3A = arith.constant 1 : i32
          %dma_start3A_1028 = arith.constant 0 : i32
          %dma_start3A_1029 = arith.constant 0 : i32
          %dma_start3A_1030 = tpu.memref_slice %arg9[%dma_start3A, %add3A_53, %scan3A_1017, %dma_start3A_1028, %dma_start3A_1029] : memref<2x512x64x4x128xf32, #tpu.memory_space<hbm>> -> memref<1x1x1x4x128xf32, #tpu.memory_space<hbm>>
          %dma_start3A_1031 = tpu.memref_squeeze %dma_start3A_1030 : memref<1x1x1x4x128xf32, #tpu.memory_space<hbm>> -> memref<4x128xf32, #tpu.memory_space<hbm>>
          %dma_start3A_1032 = arith.constant 0 : i32
          %dma_start3A_1033 = arith.constant 0 : i32
          %dma_start3A_1034 = tpu.memref_slice %arg3[%squeeze3A_55, %add3A_1027, %dma_start3A_1032, %dma_start3A_1033] : memref<8x2048x4x128xf32, #tpu.memory_space<hbm>> -> memref<1x1x4x128xf32, #tpu.memory_space<hbm>>
          %dma_start3A_1035 = tpu.memref_squeeze %dma_start3A_1034 : memref<1x1x4x128xf32, #tpu.memory_space<hbm>> -> memref<4x128xf32, #tpu.memory_space<hbm>>
          tpu.enqueue_dma source(%dma_start3A_1035 : memref<4x128xf32, #tpu.memory_space<hbm>>) target(%dma_start3A_1031 : memref<4x128xf32, #tpu.memory_space<hbm>>) target_semaphore(%arg15 : memref<!tpu.dma_semaphore, #tpu.memory_space<semaphore_mem>>)
        } else {
        }
        %not3A = arith.constant true
        %not3A_1023 = arith.xori %and3A_1019, %not3A : i1
        %convert_element_type3A_1024 = arith.extui %not3A_1023 : i1 to i32
        %cond3A_1025 = arith.constant 0 : i32
        %cond3A_1026 = arith.cmpi ne, %convert_element_type3A_1024, %cond3A_1025 : i32
        scf.if %cond3A_1026 {
          %dma_start3A = arith.constant 0 : i32
          %dma_start3A_1027 = arith.constant 1 : i32
          %dma_start3A_1028 = arith.constant 0 : i32
          %dma_start3A_1029 = arith.constant 0 : i32
          %dma_start3A_1030 = tpu.memref_slice %arg14[%dma_start3A, %dma_start3A_1028, %dma_start3A_1029] : memref<64x4x128xf32, #tpu.memory_space<vmem>> -> memref<1x4x128xf32, #tpu.memory_space<vmem>>
          %dma_start3A_1031 = tpu.memref_squeeze %dma_start3A_1030 : memref<1x4x128xf32, #tpu.memory_space<vmem>> -> memref<4x128xf32, #tpu.memory_space<vmem>>
          %dma_start3A_1032 = arith.constant 0 : i32
          %dma_start3A_1033 = arith.constant 0 : i32
          %dma_start3A_1034 = tpu.memref_slice %arg9[%dma_start3A_1027, %add3A_53, %scan3A_1017, %dma_start3A_1032, %dma_start3A_1033] : memref<2x512x64x4x128xf32, #tpu.memory_space<hbm>> -> memref<1x1x1x4x128xf32, #tpu.memory_space<hbm>>
          %dma_start3A_1035 = tpu.memref_squeeze %dma_start3A_1034 : memref<1x1x1x4x128xf32, #tpu.memory_space<hbm>> -> memref<4x128xf32, #tpu.memory_space<hbm>>
          %dma_start3A_1036 = arith.constant 0 : i32
          %dma_start3A_1037 = arith.constant 0 : i32
          %dma_start3A_1038 = tpu.memref_slice %arg9[%dma_start3A_1027, %add3A_53, %scan3A_1017, %dma_start3A_1036, %dma_start3A_1037] : memref<2x512x64x4x128xf32, #tpu.memory_space<hbm>> -> memref<1x1x1x4x128xf32, #tpu.memory_space<hbm>>
          %dma_start3A_1039 = tpu.memref_squeeze %dma_start3A_1038 : memref<1x1x1x4x128xf32, #tpu.memory_space<hbm>> -> memref<4x128xf32, #tpu.memory_space<hbm>>
          %dma_start3A_1040 = arith.constant 0 : i32
          %dma_start3A_1041 = arith.constant 0 : i32
          %dma_start3A_1042 = tpu.memref_slice %arg14[%dma_start3A, %dma_start3A_1040, %dma_start3A_1041] : memref<64x4x128xf32, #tpu.memory_space<vmem>> -> memref<1x4x128xf32, #tpu.memory_space<vmem>>
          %dma_start3A_1043 = tpu.memref_squeeze %dma_start3A_1042 : memref<1x4x128xf32, #tpu.memory_space<vmem>> -> memref<4x128xf32, #tpu.memory_space<vmem>>
          tpu.enqueue_dma source(%dma_start3A_1043 : memref<4x128xf32, #tpu.memory_space<vmem>>) target(%dma_start3A_1039 : memref<4x128xf32, #tpu.memory_space<hbm>>) target_semaphore(%arg15 : memref<!tpu.dma_semaphore, #tpu.memory_space<semaphore_mem>>)
        } else {
        }
      }
      %scan3A_1016 = arith.constant 64 : i32
    } else {
    }
    %add3A_99 = arith.constant 2 : i32
    %add3A_100 = arith.addi %mul3A_2, %add3A_99 : i32
    %slice3A_101 = vector.extract_strided_slice %get3A_4 {offsets = [2], sizes = [1], strides = [1]} : vector<16xi32> to vector<1xi32>
    %squeeze3A_102 = vector.extract %slice3A_101[0] : i32 from vector<1xi32>
    %slice3A_103 = vector.extract_strided_slice %get3A_7 {offsets = [2], sizes = [1], strides = [1]} : vector<16xi32> to vector<1xi32>
    %squeeze3A_104 = vector.extract %slice3A_103[0] : i32 from vector<1xi32>
    %slice3A_105 = vector.extract_strided_slice %get3A_10 {offsets = [2], sizes = [1], strides = [1]} : vector<16xi32> to vector<1xi32>
    %squeeze3A_106 = vector.extract %slice3A_105[0] : i32 from vector<1xi32>
    %slice3A_107 = vector.extract_strided_slice %get3A_13 {offsets = [2], sizes = [1], strides = [1]} : vector<16xi32> to vector<1xi32>
    %squeeze3A_108 = vector.extract %slice3A_107[0] : i32 from vector<1xi32>
    %sub3A_109 = arith.subi %squeeze3A_108, %squeeze3A_106 : i32
    %eq3A_110 = arith.constant 64 : i32
    %eq3A_111 = arith.cmpi eq, %sub3A_109, %eq3A_110 : i32
    %convert_element_type3A_112 = arith.extui %eq3A_111 : i1 to i32
    %cond3A_113 = arith.constant 0 : i32
    %cond3A_114 = arith.cmpi ne, %convert_element_type3A_112, %cond3A_113 : i32
    scf.if %cond3A_114 {
      %dma_start3A = arith.constant 0 : i32
      %dma_start3A_1012 = arith.constant 0 : i32
      %dma_start3A_1013 = arith.constant 0 : i32
      %dma_start3A_1014 = arith.constant 0 : i32
      %dma_start3A_1015 = tpu.memref_slice %arg9[%dma_start3A, %add3A_100, %dma_start3A_1012, %dma_start3A_1013, %dma_start3A_1014] : memref<2x512x64x4x128xf32, #tpu.memory_space<hbm>> -> memref<1x1x64x4x128xf32, #tpu.memory_space<hbm>>
      %dma_start3A_1016 = tpu.memref_squeeze %dma_start3A_1015 : memref<1x1x64x4x128xf32, #tpu.memory_space<hbm>> -> memref<64x4x128xf32, #tpu.memory_space<hbm>>
      %dma_start3A_1017 = arith.constant 0 : i32
      %dma_start3A_1018 = arith.constant 0 : i32
      %dma_start3A_1019 = tpu.memref_slice %arg2[%squeeze3A_102, %squeeze3A_104, %dma_start3A_1017, %dma_start3A_1018] : memref<8x2048x4x128xf32, #tpu.memory_space<hbm>> -> memref<1x64x4x128xf32, #tpu.memory_space<hbm>>
      %dma_start3A_1020 = tpu.memref_squeeze %dma_start3A_1019 : memref<1x64x4x128xf32, #tpu.memory_space<hbm>> -> memref<64x4x128xf32, #tpu.memory_space<hbm>>
      tpu.enqueue_dma source(%dma_start3A_1020 : memref<64x4x128xf32, #tpu.memory_space<hbm>>) target(%dma_start3A_1016 : memref<64x4x128xf32, #tpu.memory_space<hbm>>) target_semaphore(%arg15 : memref<!tpu.dma_semaphore, #tpu.memory_space<semaphore_mem>>)
    } else {
    }
    %eq3A_115 = arith.constant 0 : i32
    %eq3A_116 = arith.cmpi eq, %sub3A_109, %eq3A_115 : i32
    %convert_element_type3A_117 = arith.extui %eq3A_116 : i1 to i32
    %cond3A_118 = arith.constant 0 : i32
    %cond3A_119 = arith.cmpi ne, %convert_element_type3A_117, %cond3A_118 : i32
    scf.if %cond3A_119 {
      %dma_start3A = arith.constant 0 : i32
      %dma_start3A_1012 = arith.constant 0 : i32
      %dma_start3A_1013 = arith.constant 0 : i32
      %dma_start3A_1014 = arith.constant 0 : i32
      %dma_start3A_1015 = tpu.memref_slice %arg9[%dma_start3A, %add3A_100, %dma_start3A_1012, %dma_start3A_1013, %dma_start3A_1014] : memref<2x512x64x4x128xf32, #tpu.memory_space<hbm>> -> memref<1x1x64x4x128xf32, #tpu.memory_space<hbm>>
      %dma_start3A_1016 = tpu.memref_squeeze %dma_start3A_1015 : memref<1x1x64x4x128xf32, #tpu.memory_space<hbm>> -> memref<64x4x128xf32, #tpu.memory_space<hbm>>
      %dma_start3A_1017 = arith.constant 0 : i32
      %dma_start3A_1018 = arith.constant 0 : i32
      %dma_start3A_1019 = arith.constant 0 : i32
      %dma_start3A_1020 = tpu.memref_slice %arg9[%dma_start3A, %add3A_100, %dma_start3A_1017, %dma_start3A_1018, %dma_start3A_1019] : memref<2x512x64x4x128xf32, #tpu.memory_space<hbm>> -> memref<1x1x64x4x128xf32, #tpu.memory_space<hbm>>
      %dma_start3A_1021 = tpu.memref_squeeze %dma_start3A_1020 : memref<1x1x64x4x128xf32, #tpu.memory_space<hbm>> -> memref<64x4x128xf32, #tpu.memory_space<hbm>>
      tpu.enqueue_dma source(%arg14 : memref<64x4x128xf32, #tpu.memory_space<vmem>>) target(%dma_start3A_1021 : memref<64x4x128xf32, #tpu.memory_space<hbm>>) target_semaphore(%arg15 : memref<!tpu.dma_semaphore, #tpu.memory_space<semaphore_mem>>)
    } else {
    }
    %gt3A_120 = arith.constant 0 : i32
    %gt3A_121 = arith.cmpi sgt, %sub3A_109, %gt3A_120 : i32
    %lt3A_122 = arith.constant 64 : i32
    %lt3A_123 = arith.cmpi slt, %sub3A_109, %lt3A_122 : i32
    %and3A_124 = arith.andi %gt3A_121, %lt3A_123 : i1
    %convert_element_type3A_125 = arith.extui %and3A_124 : i1 to i32
    %cond3A_126 = arith.constant 0 : i32
    %cond3A_127 = arith.cmpi ne, %convert_element_type3A_125, %cond3A_126 : i32
    scf.if %cond3A_127 {
      %scan3A = arith.constant 0 : i32
      %scan3A_1012 = arith.constant 0 : i32
      %scan3A_1013 = arith.constant 64 : i32
      %scan3A_1014 = arith.addi %scan3A_1012, %scan3A_1013 : i32
      %scan3A_1015 = arith.constant 1 : i32
      scf.for %scan3A_1017 = %scan3A_1012 to %scan3A_1014 step %scan3A_1015  : i32 {
        %ge3A = arith.cmpi sge, %scan3A_1017, %squeeze3A_106 : i32
        %lt3A_1018 = arith.cmpi slt, %scan3A_1017, %squeeze3A_108 : i32
        %and3A_1019 = arith.andi %ge3A, %lt3A_1018 : i1
        %convert_element_type3A_1020 = arith.extui %and3A_1019 : i1 to i32
        %cond3A_1021 = arith.constant 0 : i32
        %cond3A_1022 = arith.cmpi ne, %convert_element_type3A_1020, %cond3A_1021 : i32
        scf.if %cond3A_1022 {
          %add3A_1027 = arith.addi %squeeze3A_104, %scan3A_1017 : i32
          %dma_start3A = arith.constant 0 : i32
          %dma_start3A_1028 = arith.constant 0 : i32
          %dma_start3A_1029 = arith.constant 0 : i32
          %dma_start3A_1030 = tpu.memref_slice %arg9[%dma_start3A, %add3A_100, %scan3A_1017, %dma_start3A_1028, %dma_start3A_1029] : memref<2x512x64x4x128xf32, #tpu.memory_space<hbm>> -> memref<1x1x1x4x128xf32, #tpu.memory_space<hbm>>
          %dma_start3A_1031 = tpu.memref_squeeze %dma_start3A_1030 : memref<1x1x1x4x128xf32, #tpu.memory_space<hbm>> -> memref<4x128xf32, #tpu.memory_space<hbm>>
          %dma_start3A_1032 = arith.constant 0 : i32
          %dma_start3A_1033 = arith.constant 0 : i32
          %dma_start3A_1034 = tpu.memref_slice %arg2[%squeeze3A_102, %add3A_1027, %dma_start3A_1032, %dma_start3A_1033] : memref<8x2048x4x128xf32, #tpu.memory_space<hbm>> -> memref<1x1x4x128xf32, #tpu.memory_space<hbm>>
          %dma_start3A_1035 = tpu.memref_squeeze %dma_start3A_1034 : memref<1x1x4x128xf32, #tpu.memory_space<hbm>> -> memref<4x128xf32, #tpu.memory_space<hbm>>
          tpu.enqueue_dma source(%dma_start3A_1035 : memref<4x128xf32, #tpu.memory_space<hbm>>) target(%dma_start3A_1031 : memref<4x128xf32, #tpu.memory_space<hbm>>) target_semaphore(%arg15 : memref<!tpu.dma_semaphore, #tpu.memory_space<semaphore_mem>>)
        } else {
        }
        %not3A = arith.constant true
        %not3A_1023 = arith.xori %and3A_1019, %not3A : i1
        %convert_element_type3A_1024 = arith.extui %not3A_1023 : i1 to i32
        %cond3A_1025 = arith.constant 0 : i32
        %cond3A_1026 = arith.cmpi ne, %convert_element_type3A_1024, %cond3A_1025 : i32
        scf.if %cond3A_1026 {
          %dma_start3A = arith.constant 0 : i32
          %dma_start3A_1027 = arith.constant 0 : i32
          %dma_start3A_1028 = arith.constant 0 : i32
          %dma_start3A_1029 = arith.constant 0 : i32
          %dma_start3A_1030 = tpu.memref_slice %arg14[%dma_start3A, %dma_start3A_1028, %dma_start3A_1029] : memref<64x4x128xf32, #tpu.memory_space<vmem>> -> memref<1x4x128xf32, #tpu.memory_space<vmem>>
          %dma_start3A_1031 = tpu.memref_squeeze %dma_start3A_1030 : memref<1x4x128xf32, #tpu.memory_space<vmem>> -> memref<4x128xf32, #tpu.memory_space<vmem>>
          %dma_start3A_1032 = arith.constant 0 : i32
          %dma_start3A_1033 = arith.constant 0 : i32
          %dma_start3A_1034 = tpu.memref_slice %arg9[%dma_start3A_1027, %add3A_100, %scan3A_1017, %dma_start3A_1032, %dma_start3A_1033] : memref<2x512x64x4x128xf32, #tpu.memory_space<hbm>> -> memref<1x1x1x4x128xf32, #tpu.memory_space<hbm>>
          %dma_start3A_1035 = tpu.memref_squeeze %dma_start3A_1034 : memref<1x1x1x4x128xf32, #tpu.memory_space<hbm>> -> memref<4x128xf32, #tpu.memory_space<hbm>>
          %dma_start3A_1036 = arith.constant 0 : i32
          %dma_start3A_1037 = arith.constant 0 : i32
          %dma_start3A_1038 = tpu.memref_slice %arg9[%dma_start3A_1027, %add3A_100, %scan3A_1017, %dma_start3A_1036, %dma_start3A_1037] : memref<2x512x64x4x128xf32, #tpu.memory_space<hbm>> -> memref<1x1x1x4x128xf32, #tpu.memory_space<hbm>>
          %dma_start3A_1039 = tpu.memref_squeeze %dma_start3A_1038 : memref<1x1x1x4x128xf32, #tpu.memory_space<hbm>> -> memref<4x128xf32, #tpu.memory_space<hbm>>
          %dma_start3A_1040 = arith.constant 0 : i32
          %dma_start3A_1041 = arith.constant 0 : i32
          %dma_start3A_1042 = tpu.memref_slice %arg14[%dma_start3A, %dma_start3A_1040, %dma_start3A_1041] : memref<64x4x128xf32, #tpu.memory_space<vmem>> -> memref<1x4x128xf32, #tpu.memory_space<vmem>>
          %dma_start3A_1043 = tpu.memref_squeeze %dma_start3A_1042 : memref<1x4x128xf32, #tpu.memory_space<vmem>> -> memref<4x128xf32, #tpu.memory_space<vmem>>
          tpu.enqueue_dma source(%dma_start3A_1043 : memref<4x128xf32, #tpu.memory_space<vmem>>) target(%dma_start3A_1039 : memref<4x128xf32, #tpu.memory_space<hbm>>) target_semaphore(%arg15 : memref<!tpu.dma_semaphore, #tpu.memory_space<semaphore_mem>>)
        } else {
        }
      }
      %scan3A_1016 = arith.constant 64 : i32
    } else {
    }
    %eq3A_128 = arith.constant 64 : i32
    %eq3A_129 = arith.cmpi eq, %sub3A_109, %eq3A_128 : i32
    %convert_element_type3A_130 = arith.extui %eq3A_129 : i1 to i32
    %cond3A_131 = arith.constant 0 : i32
    %cond3A_132 = arith.cmpi ne, %convert_element_type3A_130, %cond3A_131 : i32
    scf.if %cond3A_132 {
      %dma_start3A = arith.constant 1 : i32
      %dma_start3A_1012 = arith.constant 0 : i32
      %dma_start3A_1013 = arith.constant 0 : i32
      %dma_start3A_1014 = arith.constant 0 : i32
      %dma_start3A_1015 = tpu.memref_slice %arg9[%dma_start3A, %add3A_100, %dma_start3A_1012, %dma_start3A_1013, %dma_start3A_1014] : memref<2x512x64x4x128xf32, #tpu.memory_space<hbm>> -> memref<1x1x64x4x128xf32, #tpu.memory_space<hbm>>
      %dma_start3A_1016 = tpu.memref_squeeze %dma_start3A_1015 : memref<1x1x64x4x128xf32, #tpu.memory_space<hbm>> -> memref<64x4x128xf32, #tpu.memory_space<hbm>>
      %dma_start3A_1017 = arith.constant 0 : i32
      %dma_start3A_1018 = arith.constant 0 : i32
      %dma_start3A_1019 = tpu.memref_slice %arg3[%squeeze3A_102, %squeeze3A_104, %dma_start3A_1017, %dma_start3A_1018] : memref<8x2048x4x128xf32, #tpu.memory_space<hbm>> -> memref<1x64x4x128xf32, #tpu.memory_space<hbm>>
      %dma_start3A_1020 = tpu.memref_squeeze %dma_start3A_1019 : memref<1x64x4x128xf32, #tpu.memory_space<hbm>> -> memref<64x4x128xf32, #tpu.memory_space<hbm>>
      tpu.enqueue_dma source(%dma_start3A_1020 : memref<64x4x128xf32, #tpu.memory_space<hbm>>) target(%dma_start3A_1016 : memref<64x4x128xf32, #tpu.memory_space<hbm>>) target_semaphore(%arg15 : memref<!tpu.dma_semaphore, #tpu.memory_space<semaphore_mem>>)
    } else {
    }
    %eq3A_133 = arith.constant 0 : i32
    %eq3A_134 = arith.cmpi eq, %sub3A_109, %eq3A_133 : i32
    %convert_element_type3A_135 = arith.extui %eq3A_134 : i1 to i32
    %cond3A_136 = arith.constant 0 : i32
    %cond3A_137 = arith.cmpi ne, %convert_element_type3A_135, %cond3A_136 : i32
    scf.if %cond3A_137 {
      %dma_start3A = arith.constant 1 : i32
      %dma_start3A_1012 = arith.constant 0 : i32
      %dma_start3A_1013 = arith.constant 0 : i32
      %dma_start3A_1014 = arith.constant 0 : i32
      %dma_start3A_1015 = tpu.memref_slice %arg9[%dma_start3A, %add3A_100, %dma_start3A_1012, %dma_start3A_1013, %dma_start3A_1014] : memref<2x512x64x4x128xf32, #tpu.memory_space<hbm>> -> memref<1x1x64x4x128xf32, #tpu.memory_space<hbm>>
      %dma_start3A_1016 = tpu.memref_squeeze %dma_start3A_1015 : memref<1x1x64x4x128xf32, #tpu.memory_space<hbm>> -> memref<64x4x128xf32, #tpu.memory_space<hbm>>
      %dma_start3A_1017 = arith.constant 0 : i32
      %dma_start3A_1018 = arith.constant 0 : i32
      %dma_start3A_1019 = arith.constant 0 : i32
      %dma_start3A_1020 = tpu.memref_slice %arg9[%dma_start3A, %add3A_100, %dma_start3A_1017, %dma_start3A_1018, %dma_start3A_1019] : memref<2x512x64x4x128xf32, #tpu.memory_space<hbm>> -> memref<1x1x64x4x128xf32, #tpu.memory_space<hbm>>
      %dma_start3A_1021 = tpu.memref_squeeze %dma_start3A_1020 : memref<1x1x64x4x128xf32, #tpu.memory_space<hbm>> -> memref<64x4x128xf32, #tpu.memory_space<hbm>>
      tpu.enqueue_dma source(%arg14 : memref<64x4x128xf32, #tpu.memory_space<vmem>>) target(%dma_start3A_1021 : memref<64x4x128xf32, #tpu.memory_space<hbm>>) target_semaphore(%arg15 : memref<!tpu.dma_semaphore, #tpu.memory_space<semaphore_mem>>)
    } else {
    }
    %gt3A_138 = arith.constant 0 : i32
    %gt3A_139 = arith.cmpi sgt, %sub3A_109, %gt3A_138 : i32
    %lt3A_140 = arith.constant 64 : i32
    %lt3A_141 = arith.cmpi slt, %sub3A_109, %lt3A_140 : i32
    %and3A_142 = arith.andi %gt3A_139, %lt3A_141 : i1
    %convert_element_type3A_143 = arith.extui %and3A_142 : i1 to i32
    %cond3A_144 = arith.constant 0 : i32
    %cond3A_145 = arith.cmpi ne, %convert_element_type3A_143, %cond3A_144 : i32
    scf.if %cond3A_145 {
      %scan3A = arith.constant 0 : i32
      %scan3A_1012 = arith.constant 0 : i32
      %scan3A_1013 = arith.constant 64 : i32
      %scan3A_1014 = arith.addi %scan3A_1012, %scan3A_1013 : i32
      %scan3A_1015 = arith.constant 1 : i32
      scf.for %scan3A_1017 = %scan3A_1012 to %scan3A_1014 step %scan3A_1015  : i32 {
        %ge3A = arith.cmpi sge, %scan3A_1017, %squeeze3A_106 : i32
        %lt3A_1018 = arith.cmpi slt, %scan3A_1017, %squeeze3A_108 : i32
        %and3A_1019 = arith.andi %ge3A, %lt3A_1018 : i1
        %convert_element_type3A_1020 = arith.extui %and3A_1019 : i1 to i32
        %cond3A_1021 = arith.constant 0 : i32
        %cond3A_1022 = arith.cmpi ne, %convert_element_type3A_1020, %cond3A_1021 : i32
        scf.if %cond3A_1022 {
          %add3A_1027 = arith.addi %squeeze3A_104, %scan3A_1017 : i32
          %dma_start3A = arith.constant 1 : i32
          %dma_start3A_1028 = arith.constant 0 : i32
          %dma_start3A_1029 = arith.constant 0 : i32
          %dma_start3A_1030 = tpu.memref_slice %arg9[%dma_start3A, %add3A_100, %scan3A_1017, %dma_start3A_1028, %dma_start3A_1029] : memref<2x512x64x4x128xf32, #tpu.memory_space<hbm>> -> memref<1x1x1x4x128xf32, #tpu.memory_space<hbm>>
          %dma_start3A_1031 = tpu.memref_squeeze %dma_start3A_1030 : memref<1x1x1x4x128xf32, #tpu.memory_space<hbm>> -> memref<4x128xf32, #tpu.memory_space<hbm>>
          %dma_start3A_1032 = arith.constant 0 : i32
          %dma_start3A_1033 = arith.constant 0 : i32
          %dma_start3A_1034 = tpu.memref_slice %arg3[%squeeze3A_102, %add3A_1027, %dma_start3A_1032, %dma_start3A_1033] : memref<8x2048x4x128xf32, #tpu.memory_space<hbm>> -> memref<1x1x4x128xf32, #tpu.memory_space<hbm>>
          %dma_start3A_1035 = tpu.memref_squeeze %dma_start3A_1034 : memref<1x1x4x128xf32, #tpu.memory_space<hbm>> -> memref<4x128xf32, #tpu.memory_space<hbm>>
          tpu.enqueue_dma source(%dma_start3A_1035 : memref<4x128xf32, #tpu.memory_space<hbm>>) target(%dma_start3A_1031 : memref<4x128xf32, #tpu.memory_space<hbm>>) target_semaphore(%arg15 : memref<!tpu.dma_semaphore, #tpu.memory_space<semaphore_mem>>)
        } else {
        }
        %not3A = arith.constant true
        %not3A_1023 = arith.xori %and3A_1019, %not3A : i1
        %convert_element_type3A_1024 = arith.extui %not3A_1023 : i1 to i32
        %cond3A_1025 = arith.constant 0 : i32
        %cond3A_1026 = arith.cmpi ne, %convert_element_type3A_1024, %cond3A_1025 : i32
        scf.if %cond3A_1026 {
          %dma_start3A = arith.constant 0 : i32
          %dma_start3A_1027 = arith.constant 1 : i32
          %dma_start3A_1028 = arith.constant 0 : i32
          %dma_start3A_1029 = arith.constant 0 : i32
          %dma_start3A_1030 = tpu.memref_slice %arg14[%dma_start3A, %dma_start3A_1028, %dma_start3A_1029] : memref<64x4x128xf32, #tpu.memory_space<vmem>> -> memref<1x4x128xf32, #tpu.memory_space<vmem>>
          %dma_start3A_1031 = tpu.memref_squeeze %dma_start3A_1030 : memref<1x4x128xf32, #tpu.memory_space<vmem>> -> memref<4x128xf32, #tpu.memory_space<vmem>>
          %dma_start3A_1032 = arith.constant 0 : i32
          %dma_start3A_1033 = arith.constant 0 : i32
          %dma_start3A_1034 = tpu.memref_slice %arg9[%dma_start3A_1027, %add3A_100, %scan3A_1017, %dma_start3A_1032, %dma_start3A_1033] : memref<2x512x64x4x128xf32, #tpu.memory_space<hbm>> -> memref<1x1x1x4x128xf32, #tpu.memory_space<hbm>>
          %dma_start3A_1035 = tpu.memref_squeeze %dma_start3A_1034 : memref<1x1x1x4x128xf32, #tpu.memory_space<hbm>> -> memref<4x128xf32, #tpu.memory_space<hbm>>
          %dma_start3A_1036 = arith.constant 0 : i32
          %dma_start3A_1037 = arith.constant 0 : i32
          %dma_start3A_1038 = tpu.memref_slice %arg9[%dma_start3A_1027, %add3A_100, %scan3A_1017, %dma_start3A_1036, %dma_start3A_1037] : memref<2x512x64x4x128xf32, #tpu.memory_space<hbm>> -> memref<1x1x1x4x128xf32, #tpu.memory_space<hbm>>
          %dma_start3A_1039 = tpu.memref_squeeze %dma_start3A_1038 : memref<1x1x1x4x128xf32, #tpu.memory_space<hbm>> -> memref<4x128xf32, #tpu.memory_space<hbm>>
          %dma_start3A_1040 = arith.constant 0 : i32
          %dma_start3A_1041 = arith.constant 0 : i32
          %dma_start3A_1042 = tpu.memref_slice %arg14[%dma_start3A, %dma_start3A_1040, %dma_start3A_1041] : memref<64x4x128xf32, #tpu.memory_space<vmem>> -> memref<1x4x128xf32, #tpu.memory_space<vmem>>
          %dma_start3A_1043 = tpu.memref_squeeze %dma_start3A_1042 : memref<1x4x128xf32, #tpu.memory_space<vmem>> -> memref<4x128xf32, #tpu.memory_space<vmem>>
          tpu.enqueue_dma source(%dma_start3A_1043 : memref<4x128xf32, #tpu.memory_space<vmem>>) target(%dma_start3A_1039 : memref<4x128xf32, #tpu.memory_space<hbm>>) target_semaphore(%arg15 : memref<!tpu.dma_semaphore, #tpu.memory_space<semaphore_mem>>)
        } else {
        }
      }
      %scan3A_1016 = arith.constant 64 : i32
    } else {
    }
    %add3A_146 = arith.constant 3 : i32
    %add3A_147 = arith.addi %mul3A_2, %add3A_146 : i32
    %slice3A_148 = vector.extract_strided_slice %get3A_4 {offsets = [3], sizes = [1], strides = [1]} : vector<16xi32> to vector<1xi32>
    %squeeze3A_149 = vector.extract %slice3A_148[0] : i32 from vector<1xi32>
    %slice3A_150 = vector.extract_strided_slice %get3A_7 {offsets = [3], sizes = [1], strides = [1]} : vector<16xi32> to vector<1xi32>
    %squeeze3A_151 = vector.extract %slice3A_150[0] : i32 from vector<1xi32>
    %slice3A_152 = vector.extract_strided_slice %get3A_10 {offsets = [3], sizes = [1], strides = [1]} : vector<16xi32> to vector<1xi32>
    %squeeze3A_153 = vector.extract %slice3A_152[0] : i32 from vector<1xi32>
    %slice3A_154 = vector.extract_strided_slice %get3A_13 {offsets = [3], sizes = [1], strides = [1]} : vector<16xi32> to vector<1xi32>
    %squeeze3A_155 = vector.extract %slice3A_154[0] : i32 from vector<1xi32>
    %sub3A_156 = arith.subi %squeeze3A_155, %squeeze3A_153 : i32
    %eq3A_157 = arith.constant 64 : i32
    %eq3A_158 = arith.cmpi eq, %sub3A_156, %eq3A_157 : i32
    %convert_element_type3A_159 = arith.extui %eq3A_158 : i1 to i32
    %cond3A_160 = arith.constant 0 : i32
    %cond3A_161 = arith.cmpi ne, %convert_element_type3A_159, %cond3A_160 : i32
    scf.if %cond3A_161 {
      %dma_start3A = arith.constant 0 : i32
      %dma_start3A_1012 = arith.constant 0 : i32
      %dma_start3A_1013 = arith.constant 0 : i32
      %dma_start3A_1014 = arith.constant 0 : i32
      %dma_start3A_1015 = tpu.memref_slice %arg9[%dma_start3A, %add3A_147, %dma_start3A_1012, %dma_start3A_1013, %dma_start3A_1014] : memref<2x512x64x4x128xf32, #tpu.memory_space<hbm>> -> memref<1x1x64x4x128xf32, #tpu.memory_space<hbm>>
      %dma_start3A_1016 = tpu.memref_squeeze %dma_start3A_1015 : memref<1x1x64x4x128xf32, #tpu.memory_space<hbm>> -> memref<64x4x128xf32, #tpu.memory_space<hbm>>
      %dma_start3A_1017 = arith.constant 0 : i32
      %dma_start3A_1018 = arith.constant 0 : i32
      %dma_start3A_1019 = tpu.memref_slice %arg2[%squeeze3A_149, %squeeze3A_151, %dma_start3A_1017, %dma_start3A_1018] : memref<8x2048x4x128xf32, #tpu.memory_space<hbm>> -> memref<1x64x4x128xf32, #tpu.memory_space<hbm>>
      %dma_start3A_1020 = tpu.memref_squeeze %dma_start3A_1019 : memref<1x64x4x128xf32, #tpu.memory_space<hbm>> -> memref<64x4x128xf32, #tpu.memory_space<hbm>>
      tpu.enqueue_dma source(%dma_start3A_1020 : memref<64x4x128xf32, #tpu.memory_space<hbm>>) target(%dma_start3A_1016 : memref<64x4x128xf32, #tpu.memory_space<hbm>>) target_semaphore(%arg15 : memref<!tpu.dma_semaphore, #tpu.memory_space<semaphore_mem>>)
    } else {
    }
    %eq3A_162 = arith.constant 0 : i32
    %eq3A_163 = arith.cmpi eq, %sub3A_156, %eq3A_162 : i32
    %convert_element_type3A_164 = arith.extui %eq3A_163 : i1 to i32
    %cond3A_165 = arith.constant 0 : i32
    %cond3A_166 = arith.cmpi ne, %convert_element_type3A_164, %cond3A_165 : i32
    scf.if %cond3A_166 {
      %dma_start3A = arith.constant 0 : i32
      %dma_start3A_1012 = arith.constant 0 : i32
      %dma_start3A_1013 = arith.constant 0 : i32
      %dma_start3A_1014 = arith.constant 0 : i32
      %dma_start3A_1015 = tpu.memref_slice %arg9[%dma_start3A, %add3A_147, %dma_start3A_1012, %dma_start3A_1013, %dma_start3A_1014] : memref<2x512x64x4x128xf32, #tpu.memory_space<hbm>> -> memref<1x1x64x4x128xf32, #tpu.memory_space<hbm>>
      %dma_start3A_1016 = tpu.memref_squeeze %dma_start3A_1015 : memref<1x1x64x4x128xf32, #tpu.memory_space<hbm>> -> memref<64x4x128xf32, #tpu.memory_space<hbm>>
      %dma_start3A_1017 = arith.constant 0 : i32
      %dma_start3A_1018 = arith.constant 0 : i32
      %dma_start3A_1019 = arith.constant 0 : i32
      %dma_start3A_1020 = tpu.memref_slice %arg9[%dma_start3A, %add3A_147, %dma_start3A_1017, %dma_start3A_1018, %dma_start3A_1019] : memref<2x512x64x4x128xf32, #tpu.memory_space<hbm>> -> memref<1x1x64x4x128xf32, #tpu.memory_space<hbm>>
      %dma_start3A_1021 = tpu.memref_squeeze %dma_start3A_1020 : memref<1x1x64x4x128xf32, #tpu.memory_space<hbm>> -> memref<64x4x128xf32, #tpu.memory_space<hbm>>
      tpu.enqueue_dma source(%arg14 : memref<64x4x128xf32, #tpu.memory_space<vmem>>) target(%dma_start3A_1021 : memref<64x4x128xf32, #tpu.memory_space<hbm>>) target_semaphore(%arg15 : memref<!tpu.dma_semaphore, #tpu.memory_space<semaphore_mem>>)
    } else {
    }
    %gt3A_167 = arith.constant 0 : i32
    %gt3A_168 = arith.cmpi sgt, %sub3A_156, %gt3A_167 : i32
    %lt3A_169 = arith.constant 64 : i32
    %lt3A_170 = arith.cmpi slt, %sub3A_156, %lt3A_169 : i32
    %and3A_171 = arith.andi %gt3A_168, %lt3A_170 : i1
    %convert_element_type3A_172 = arith.extui %and3A_171 : i1 to i32
    %cond3A_173 = arith.constant 0 : i32
    %cond3A_174 = arith.cmpi ne, %convert_element_type3A_172, %cond3A_173 : i32
    scf.if %cond3A_174 {
      %scan3A = arith.constant 0 : i32
      %scan3A_1012 = arith.constant 0 : i32
      %scan3A_1013 = arith.constant 64 : i32
      %scan3A_1014 = arith.addi %scan3A_1012, %scan3A_1013 : i32
      %scan3A_1015 = arith.constant 1 : i32
      scf.for %scan3A_1017 = %scan3A_1012 to %scan3A_1014 step %scan3A_1015  : i32 {
        %ge3A = arith.cmpi sge, %scan3A_1017, %squeeze3A_153 : i32
        %lt3A_1018 = arith.cmpi slt, %scan3A_1017, %squeeze3A_155 : i32
        %and3A_1019 = arith.andi %ge3A, %lt3A_1018 : i1
        %convert_element_type3A_1020 = arith.extui %and3A_1019 : i1 to i32
        %cond3A_1021 = arith.constant 0 : i32
        %cond3A_1022 = arith.cmpi ne, %convert_element_type3A_1020, %cond3A_1021 : i32
        scf.if %cond3A_1022 {
          %add3A_1027 = arith.addi %squeeze3A_151, %scan3A_1017 : i32
          %dma_start3A = arith.constant 0 : i32
          %dma_start3A_1028 = arith.constant 0 : i32
          %dma_start3A_1029 = arith.constant 0 : i32
          %dma_start3A_1030 = tpu.memref_slice %arg9[%dma_start3A, %add3A_147, %scan3A_1017, %dma_start3A_1028, %dma_start3A_1029] : memref<2x512x64x4x128xf32, #tpu.memory_space<hbm>> -> memref<1x1x1x4x128xf32, #tpu.memory_space<hbm>>
          %dma_start3A_1031 = tpu.memref_squeeze %dma_start3A_1030 : memref<1x1x1x4x128xf32, #tpu.memory_space<hbm>> -> memref<4x128xf32, #tpu.memory_space<hbm>>
          %dma_start3A_1032 = arith.constant 0 : i32
          %dma_start3A_1033 = arith.constant 0 : i32
          %dma_start3A_1034 = tpu.memref_slice %arg2[%squeeze3A_149, %add3A_1027, %dma_start3A_1032, %dma_start3A_1033] : memref<8x2048x4x128xf32, #tpu.memory_space<hbm>> -> memref<1x1x4x128xf32, #tpu.memory_space<hbm>>
          %dma_start3A_1035 = tpu.memref_squeeze %dma_start3A_1034 : memref<1x1x4x128xf32, #tpu.memory_space<hbm>> -> memref<4x128xf32, #tpu.memory_space<hbm>>
          tpu.enqueue_dma source(%dma_start3A_1035 : memref<4x128xf32, #tpu.memory_space<hbm>>) target(%dma_start3A_1031 : memref<4x128xf32, #tpu.memory_space<hbm>>) target_semaphore(%arg15 : memref<!tpu.dma_semaphore, #tpu.memory_space<semaphore_mem>>)
        } else {
        }
        %not3A = arith.constant true
        %not3A_1023 = arith.xori %and3A_1019, %not3A : i1
        %convert_element_type3A_1024 = arith.extui %not3A_1023 : i1 to i32
        %cond3A_1025 = arith.constant 0 : i32
        %cond3A_1026 = arith.cmpi ne, %convert_element_type3A_1024, %cond3A_1025 : i32
        scf.if %cond3A_1026 {
          %dma_start3A = arith.constant 0 : i32
          %dma_start3A_1027 = arith.constant 0 : i32
          %dma_start3A_1028 = arith.constant 0 : i32
          %dma_start3A_1029 = arith.constant 0 : i32
          %dma_start3A_1030 = tpu.memref_slice %arg14[%dma_start3A, %dma_start3A_1028, %dma_start3A_1029] : memref<64x4x128xf32, #tpu.memory_space<vmem>> -> memref<1x4x128xf32, #tpu.memory_space<vmem>>
          %dma_start3A_1031 = tpu.memref_squeeze %dma_start3A_1030 : memref<1x4x128xf32, #tpu.memory_space<vmem>> -> memref<4x128xf32, #tpu.memory_space<vmem>>
          %dma_start3A_1032 = arith.constant 0 : i32
          %dma_start3A_1033 = arith.constant 0 : i32
          %dma_start3A_1034 = tpu.memref_slice %arg9[%dma_start3A_1027, %add3A_147, %scan3A_1017, %dma_start3A_1032, %dma_start3A_1033] : memref<2x512x64x4x128xf32, #tpu.memory_space<hbm>> -> memref<1x1x1x4x128xf32, #tpu.memory_space<hbm>>
          %dma_start3A_1035 = tpu.memref_squeeze %dma_start3A_1034 : memref<1x1x1x4x128xf32, #tpu.memory_space<hbm>> -> memref<4x128xf32, #tpu.memory_space<hbm>>
          %dma_start3A_1036 = arith.constant 0 : i32
          %dma_start3A_1037 = arith.constant 0 : i32
          %dma_start3A_1038 = tpu.memref_slice %arg9[%dma_start3A_1027, %add3A_147, %scan3A_1017, %dma_start3A_1036, %dma_start3A_1037] : memref<2x512x64x4x128xf32, #tpu.memory_space<hbm>> -> memref<1x1x1x4x128xf32, #tpu.memory_space<hbm>>
          %dma_start3A_1039 = tpu.memref_squeeze %dma_start3A_1038 : memref<1x1x1x4x128xf32, #tpu.memory_space<hbm>> -> memref<4x128xf32, #tpu.memory_space<hbm>>
          %dma_start3A_1040 = arith.constant 0 : i32
          %dma_start3A_1041 = arith.constant 0 : i32
          %dma_start3A_1042 = tpu.memref_slice %arg14[%dma_start3A, %dma_start3A_1040, %dma_start3A_1041] : memref<64x4x128xf32, #tpu.memory_space<vmem>> -> memref<1x4x128xf32, #tpu.memory_space<vmem>>
          %dma_start3A_1043 = tpu.memref_squeeze %dma_start3A_1042 : memref<1x4x128xf32, #tpu.memory_space<vmem>> -> memref<4x128xf32, #tpu.memory_space<vmem>>
          tpu.enqueue_dma source(%dma_start3A_1043 : memref<4x128xf32, #tpu.memory_space<vmem>>) target(%dma_start3A_1039 : memref<4x128xf32, #tpu.memory_space<hbm>>) target_semaphore(%arg15 : memref<!tpu.dma_semaphore, #tpu.memory_space<semaphore_mem>>)
        } else {
        }
      }
      %scan3A_1016 = arith.constant 64 : i32
    } else {
    }
    %eq3A_175 = arith.constant 64 : i32
    %eq3A_176 = arith.cmpi eq, %sub3A_156, %eq3A_175 : i32
    %convert_element_type3A_177 = arith.extui %eq3A_176 : i1 to i32
    %cond3A_178 = arith.constant 0 : i32
    %cond3A_179 = arith.cmpi ne, %convert_element_type3A_177, %cond3A_178 : i32
    scf.if %cond3A_179 {
      %dma_start3A = arith.constant 1 : i32
      %dma_start3A_1012 = arith.constant 0 : i32
      %dma_start3A_1013 = arith.constant 0 : i32
      %dma_start3A_1014 = arith.constant 0 : i32
      %dma_start3A_1015 = tpu.memref_slice %arg9[%dma_start3A, %add3A_147, %dma_start3A_1012, %dma_start3A_1013, %dma_start3A_1014] : memref<2x512x64x4x128xf32, #tpu.memory_space<hbm>> -> memref<1x1x64x4x128xf32, #tpu.memory_space<hbm>>
      %dma_start3A_1016 = tpu.memref_squeeze %dma_start3A_1015 : memref<1x1x64x4x128xf32, #tpu.memory_space<hbm>> -> memref<64x4x128xf32, #tpu.memory_space<hbm>>
      %dma_start3A_1017 = arith.constant 0 : i32
      %dma_start3A_1018 = arith.constant 0 : i32
      %dma_start3A_1019 = tpu.memref_slice %arg3[%squeeze3A_149, %squeeze3A_151, %dma_start3A_1017, %dma_start3A_1018] : memref<8x2048x4x128xf32, #tpu.memory_space<hbm>> -> memref<1x64x4x128xf32, #tpu.memory_space<hbm>>
      %dma_start3A_1020 = tpu.memref_squeeze %dma_start3A_1019 : memref<1x64x4x128xf32, #tpu.memory_space<hbm>> -> memref<64x4x128xf32, #tpu.memory_space<hbm>>
      tpu.enqueue_dma source(%dma_start3A_1020 : memref<64x4x128xf32, #tpu.memory_space<hbm>>) target(%dma_start3A_1016 : memref<64x4x128xf32, #tpu.memory_space<hbm>>) target_semaphore(%arg15 : memref<!tpu.dma_semaphore, #tpu.memory_space<semaphore_mem>>)
    } else {
    }
    %eq3A_180 = arith.constant 0 : i32
    %eq3A_181 = arith.cmpi eq, %sub3A_156, %eq3A_180 : i32
    %convert_element_type3A_182 = arith.extui %eq3A_181 : i1 to i32
    %cond3A_183 = arith.constant 0 : i32
    %cond3A_184 = arith.cmpi ne, %convert_element_type3A_182, %cond3A_183 : i32
    scf.if %cond3A_184 {
      %dma_start3A = arith.constant 1 : i32
      %dma_start3A_1012 = arith.constant 0 : i32
      %dma_start3A_1013 = arith.constant 0 : i32
      %dma_start3A_1014 = arith.constant 0 : i32
      %dma_start3A_1015 = tpu.memref_slice %arg9[%dma_start3A, %add3A_147, %dma_start3A_1012, %dma_start3A_1013, %dma_start3A_1014] : memref<2x512x64x4x128xf32, #tpu.memory_space<hbm>> -> memref<1x1x64x4x128xf32, #tpu.memory_space<hbm>>
      %dma_start3A_1016 = tpu.memref_squeeze %dma_start3A_1015 : memref<1x1x64x4x128xf32, #tpu.memory_space<hbm>> -> memref<64x4x128xf32, #tpu.memory_space<hbm>>
      %dma_start3A_1017 = arith.constant 0 : i32
      %dma_start3A_1018 = arith.constant 0 : i32
      %dma_start3A_1019 = arith.constant 0 : i32
      %dma_start3A_1020 = tpu.memref_slice %arg9[%dma_start3A, %add3A_147, %dma_start3A_1017, %dma_start3A_1018, %dma_start3A_1019] : memref<2x512x64x4x128xf32, #tpu.memory_space<hbm>> -> memref<1x1x64x4x128xf32, #tpu.memory_space<hbm>>
      %dma_start3A_1021 = tpu.memref_squeeze %dma_start3A_1020 : memref<1x1x64x4x128xf32, #tpu.memory_space<hbm>> -> memref<64x4x128xf32, #tpu.memory_space<hbm>>
      tpu.enqueue_dma source(%arg14 : memref<64x4x128xf32, #tpu.memory_space<vmem>>) target(%dma_start3A_1021 : memref<64x4x128xf32, #tpu.memory_space<hbm>>) target_semaphore(%arg15 : memref<!tpu.dma_semaphore, #tpu.memory_space<semaphore_mem>>)
    } else {
    }
    %gt3A_185 = arith.constant 0 : i32
    %gt3A_186 = arith.cmpi sgt, %sub3A_156, %gt3A_185 : i32
    %lt3A_187 = arith.constant 64 : i32
    %lt3A_188 = arith.cmpi slt, %sub3A_156, %lt3A_187 : i32
    %and3A_189 = arith.andi %gt3A_186, %lt3A_188 : i1
    %convert_element_type3A_190 = arith.extui %and3A_189 : i1 to i32
    %cond3A_191 = arith.constant 0 : i32
    %cond3A_192 = arith.cmpi ne, %convert_element_type3A_190, %cond3A_191 : i32
    scf.if %cond3A_192 {
      %scan3A = arith.constant 0 : i32
      %scan3A_1012 = arith.constant 0 : i32
      %scan3A_1013 = arith.constant 64 : i32
      %scan3A_1014 = arith.addi %scan3A_1012, %scan3A_1013 : i32
      %scan3A_1015 = arith.constant 1 : i32
      scf.for %scan3A_1017 = %scan3A_1012 to %scan3A_1014 step %scan3A_1015  : i32 {
        %ge3A = arith.cmpi sge, %scan3A_1017, %squeeze3A_153 : i32
        %lt3A_1018 = arith.cmpi slt, %scan3A_1017, %squeeze3A_155 : i32
        %and3A_1019 = arith.andi %ge3A, %lt3A_1018 : i1
        %convert_element_type3A_1020 = arith.extui %and3A_1019 : i1 to i32
        %cond3A_1021 = arith.constant 0 : i32
        %cond3A_1022 = arith.cmpi ne, %convert_element_type3A_1020, %cond3A_1021 : i32
        scf.if %cond3A_1022 {
          %add3A_1027 = arith.addi %squeeze3A_151, %scan3A_1017 : i32
          %dma_start3A = arith.constant 1 : i32
          %dma_start3A_1028 = arith.constant 0 : i32
          %dma_start3A_1029 = arith.constant 0 : i32
          %dma_start3A_1030 = tpu.memref_slice %arg9[%dma_start3A, %add3A_147, %scan3A_1017, %dma_start3A_1028, %dma_start3A_1029] : memref<2x512x64x4x128xf32, #tpu.memory_space<hbm>> -> memref<1x1x1x4x128xf32, #tpu.memory_space<hbm>>
          %dma_start3A_1031 = tpu.memref_squeeze %dma_start3A_1030 : memref<1x1x1x4x128xf32, #tpu.memory_space<hbm>> -> memref<4x128xf32, #tpu.memory_space<hbm>>
          %dma_start3A_1032 = arith.constant 0 : i32
          %dma_start3A_1033 = arith.constant 0 : i32
          %dma_start3A_1034 = tpu.memref_slice %arg3[%squeeze3A_149, %add3A_1027, %dma_start3A_1032, %dma_start3A_1033] : memref<8x2048x4x128xf32, #tpu.memory_space<hbm>> -> memref<1x1x4x128xf32, #tpu.memory_space<hbm>>
          %dma_start3A_1035 = tpu.memref_squeeze %dma_start3A_1034 : memref<1x1x4x128xf32, #tpu.memory_space<hbm>> -> memref<4x128xf32, #tpu.memory_space<hbm>>
          tpu.enqueue_dma source(%dma_start3A_1035 : memref<4x128xf32, #tpu.memory_space<hbm>>) target(%dma_start3A_1031 : memref<4x128xf32, #tpu.memory_space<hbm>>) target_semaphore(%arg15 : memref<!tpu.dma_semaphore, #tpu.memory_space<semaphore_mem>>)
        } else {
        }
        %not3A = arith.constant true
        %not3A_1023 = arith.xori %and3A_1019, %not3A : i1
        %convert_element_type3A_1024 = arith.extui %not3A_1023 : i1 to i32
        %cond3A_1025 = arith.constant 0 : i32
        %cond3A_1026 = arith.cmpi ne, %convert_element_type3A_1024, %cond3A_1025 : i32
        scf.if %cond3A_1026 {
          %dma_start3A = arith.constant 0 : i32
          %dma_start3A_1027 = arith.constant 1 : i32
          %dma_start3A_1028 = arith.constant 0 : i32
          %dma_start3A_1029 = arith.constant 0 : i32
          %dma_start3A_1030 = tpu.memref_slice %arg14[%dma_start3A, %dma_start3A_1028, %dma_start3A_1029] : memref<64x4x128xf32, #tpu.memory_space<vmem>> -> memref<1x4x128xf32, #tpu.memory_space<vmem>>
          %dma_start3A_1031 = tpu.memref_squeeze %dma_start3A_1030 : memref<1x4x128xf32, #tpu.memory_space<vmem>> -> memref<4x128xf32, #tpu.memory_space<vmem>>
          %dma_start3A_1032 = arith.constant 0 : i32
          %dma_start3A_1033 = arith.constant 0 : i32
          %dma_start3A_1034 = tpu.memref_slice %arg9[%dma_start3A_1027, %add3A_147, %scan3A_1017, %dma_start3A_1032, %dma_start3A_1033] : memref<2x512x64x4x128xf32, #tpu.memory_space<hbm>> -> memref<1x1x1x4x128xf32, #tpu.memory_space<hbm>>
          %dma_start3A_1035 = tpu.memref_squeeze %dma_start3A_1034 : memref<1x1x1x4x128xf32, #tpu.memory_space<hbm>> -> memref<4x128xf32, #tpu.memory_space<hbm>>
          %dma_start3A_1036 = arith.constant 0 : i32
          %dma_start3A_1037 = arith.constant 0 : i32
          %dma_start3A_1038 = tpu.memref_slice %arg9[%dma_start3A_1027, %add3A_147, %scan3A_1017, %dma_start3A_1036, %dma_start3A_1037] : memref<2x512x64x4x128xf32, #tpu.memory_space<hbm>> -> memref<1x1x1x4x128xf32, #tpu.memory_space<hbm>>
          %dma_start3A_1039 = tpu.memref_squeeze %dma_start3A_1038 : memref<1x1x1x4x128xf32, #tpu.memory_space<hbm>> -> memref<4x128xf32, #tpu.memory_space<hbm>>
          %dma_start3A_1040 = arith.constant 0 : i32
          %dma_start3A_1041 = arith.constant 0 : i32
          %dma_start3A_1042 = tpu.memref_slice %arg14[%dma_start3A, %dma_start3A_1040, %dma_start3A_1041] : memref<64x4x128xf32, #tpu.memory_space<vmem>> -> memref<1x4x128xf32, #tpu.memory_space<vmem>>
          %dma_start3A_1043 = tpu.memref_squeeze %dma_start3A_1042 : memref<1x4x128xf32, #tpu.memory_space<vmem>> -> memref<4x128xf32, #tpu.memory_space<vmem>>
          tpu.enqueue_dma source(%dma_start3A_1043 : memref<4x128xf32, #tpu.memory_space<vmem>>) target(%dma_start3A_1039 : memref<4x128xf32, #tpu.memory_space<hbm>>) target_semaphore(%arg15 : memref<!tpu.dma_semaphore, #tpu.memory_space<semaphore_mem>>)
        } else {
        }
      }
      %scan3A_1016 = arith.constant 64 : i32
    } else {
    }
    %add3A_193 = arith.constant 4 : i32
    %add3A_194 = arith.addi %mul3A_2, %add3A_193 : i32
    %slice3A_195 = vector.extract_strided_slice %get3A_4 {offsets = [4], sizes = [1], strides = [1]} : vector<16xi32> to vector<1xi32>
    %squeeze3A_196 = vector.extract %slice3A_195[0] : i32 from vector<1xi32>
    %slice3A_197 = vector.extract_strided_slice %get3A_7 {offsets = [4], sizes = [1], strides = [1]} : vector<16xi32> to vector<1xi32>
    %squeeze3A_198 = vector.extract %slice3A_197[0] : i32 from vector<1xi32>
    %slice3A_199 = vector.extract_strided_slice %get3A_10 {offsets = [4], sizes = [1], strides = [1]} : vector<16xi32> to vector<1xi32>
    %squeeze3A_200 = vector.extract %slice3A_199[0] : i32 from vector<1xi32>
    %slice3A_201 = vector.extract_strided_slice %get3A_13 {offsets = [4], sizes = [1], strides = [1]} : vector<16xi32> to vector<1xi32>
    %squeeze3A_202 = vector.extract %slice3A_201[0] : i32 from vector<1xi32>
    %sub3A_203 = arith.subi %squeeze3A_202, %squeeze3A_200 : i32
    %eq3A_204 = arith.constant 64 : i32
    %eq3A_205 = arith.cmpi eq, %sub3A_203, %eq3A_204 : i32
    %convert_element_type3A_206 = arith.extui %eq3A_205 : i1 to i32
    %cond3A_207 = arith.constant 0 : i32
    %cond3A_208 = arith.cmpi ne, %convert_element_type3A_206, %cond3A_207 : i32
    scf.if %cond3A_208 {
      %dma_start3A = arith.constant 0 : i32
      %dma_start3A_1012 = arith.constant 0 : i32
      %dma_start3A_1013 = arith.constant 0 : i32
      %dma_start3A_1014 = arith.constant 0 : i32
      %dma_start3A_1015 = tpu.memref_slice %arg9[%dma_start3A, %add3A_194, %dma_start3A_1012, %dma_start3A_1013, %dma_start3A_1014] : memref<2x512x64x4x128xf32, #tpu.memory_space<hbm>> -> memref<1x1x64x4x128xf32, #tpu.memory_space<hbm>>
      %dma_start3A_1016 = tpu.memref_squeeze %dma_start3A_1015 : memref<1x1x64x4x128xf32, #tpu.memory_space<hbm>> -> memref<64x4x128xf32, #tpu.memory_space<hbm>>
      %dma_start3A_1017 = arith.constant 0 : i32
      %dma_start3A_1018 = arith.constant 0 : i32
      %dma_start3A_1019 = tpu.memref_slice %arg2[%squeeze3A_196, %squeeze3A_198, %dma_start3A_1017, %dma_start3A_1018] : memref<8x2048x4x128xf32, #tpu.memory_space<hbm>> -> memref<1x64x4x128xf32, #tpu.memory_space<hbm>>
      %dma_start3A_1020 = tpu.memref_squeeze %dma_start3A_1019 : memref<1x64x4x128xf32, #tpu.memory_space<hbm>> -> memref<64x4x128xf32, #tpu.memory_space<hbm>>
      tpu.enqueue_dma source(%dma_start3A_1020 : memref<64x4x128xf32, #tpu.memory_space<hbm>>) target(%dma_start3A_1016 : memref<64x4x128xf32, #tpu.memory_space<hbm>>) target_semaphore(%arg15 : memref<!tpu.dma_semaphore, #tpu.memory_space<semaphore_mem>>)
    } else {
    }
    %eq3A_209 = arith.constant 0 : i32
    %eq3A_210 = arith.cmpi eq, %sub3A_203, %eq3A_209 : i32
    %convert_element_type3A_211 = arith.extui %eq3A_210 : i1 to i32
    %cond3A_212 = arith.constant 0 : i32
    %cond3A_213 = arith.cmpi ne, %convert_element_type3A_211, %cond3A_212 : i32
    scf.if %cond3A_213 {
      %dma_start3A = arith.constant 0 : i32
      %dma_start3A_1012 = arith.constant 0 : i32
      %dma_start3A_1013 = arith.constant 0 : i32
      %dma_start3A_1014 = arith.constant 0 : i32
      %dma_start3A_1015 = tpu.memref_slice %arg9[%dma_start3A, %add3A_194, %dma_start3A_1012, %dma_start3A_1013, %dma_start3A_1014] : memref<2x512x64x4x128xf32, #tpu.memory_space<hbm>> -> memref<1x1x64x4x128xf32, #tpu.memory_space<hbm>>
      %dma_start3A_1016 = tpu.memref_squeeze %dma_start3A_1015 : memref<1x1x64x4x128xf32, #tpu.memory_space<hbm>> -> memref<64x4x128xf32, #tpu.memory_space<hbm>>
      %dma_start3A_1017 = arith.constant 0 : i32
      %dma_start3A_1018 = arith.constant 0 : i32
      %dma_start3A_1019 = arith.constant 0 : i32
      %dma_start3A_1020 = tpu.memref_slice %arg9[%dma_start3A, %add3A_194, %dma_start3A_1017, %dma_start3A_1018, %dma_start3A_1019] : memref<2x512x64x4x128xf32, #tpu.memory_space<hbm>> -> memref<1x1x64x4x128xf32, #tpu.memory_space<hbm>>
      %dma_start3A_1021 = tpu.memref_squeeze %dma_start3A_1020 : memref<1x1x64x4x128xf32, #tpu.memory_space<hbm>> -> memref<64x4x128xf32, #tpu.memory_space<hbm>>
      tpu.enqueue_dma source(%arg14 : memref<64x4x128xf32, #tpu.memory_space<vmem>>) target(%dma_start3A_1021 : memref<64x4x128xf32, #tpu.memory_space<hbm>>) target_semaphore(%arg15 : memref<!tpu.dma_semaphore, #tpu.memory_space<semaphore_mem>>)
    } else {
    }
    %gt3A_214 = arith.constant 0 : i32
    %gt3A_215 = arith.cmpi sgt, %sub3A_203, %gt3A_214 : i32
    %lt3A_216 = arith.constant 64 : i32
    %lt3A_217 = arith.cmpi slt, %sub3A_203, %lt3A_216 : i32
    %and3A_218 = arith.andi %gt3A_215, %lt3A_217 : i1
    %convert_element_type3A_219 = arith.extui %and3A_218 : i1 to i32
    %cond3A_220 = arith.constant 0 : i32
    %cond3A_221 = arith.cmpi ne, %convert_element_type3A_219, %cond3A_220 : i32
    scf.if %cond3A_221 {
      %scan3A = arith.constant 0 : i32
      %scan3A_1012 = arith.constant 0 : i32
      %scan3A_1013 = arith.constant 64 : i32
      %scan3A_1014 = arith.addi %scan3A_1012, %scan3A_1013 : i32
      %scan3A_1015 = arith.constant 1 : i32
      scf.for %scan3A_1017 = %scan3A_1012 to %scan3A_1014 step %scan3A_1015  : i32 {
        %ge3A = arith.cmpi sge, %scan3A_1017, %squeeze3A_200 : i32
        %lt3A_1018 = arith.cmpi slt, %scan3A_1017, %squeeze3A_202 : i32
        %and3A_1019 = arith.andi %ge3A, %lt3A_1018 : i1
        %convert_element_type3A_1020 = arith.extui %and3A_1019 : i1 to i32
        %cond3A_1021 = arith.constant 0 : i32
        %cond3A_1022 = arith.cmpi ne, %convert_element_type3A_1020, %cond3A_1021 : i32
        scf.if %cond3A_1022 {
          %add3A_1027 = arith.addi %squeeze3A_198, %scan3A_1017 : i32
          %dma_start3A = arith.constant 0 : i32
          %dma_start3A_1028 = arith.constant 0 : i32
          %dma_start3A_1029 = arith.constant 0 : i32
          %dma_start3A_1030 = tpu.memref_slice %arg9[%dma_start3A, %add3A_194, %scan3A_1017, %dma_start3A_1028, %dma_start3A_1029] : memref<2x512x64x4x128xf32, #tpu.memory_space<hbm>> -> memref<1x1x1x4x128xf32, #tpu.memory_space<hbm>>
          %dma_start3A_1031 = tpu.memref_squeeze %dma_start3A_1030 : memref<1x1x1x4x128xf32, #tpu.memory_space<hbm>> -> memref<4x128xf32, #tpu.memory_space<hbm>>
          %dma_start3A_1032 = arith.constant 0 : i32
          %dma_start3A_1033 = arith.constant 0 : i32
          %dma_start3A_1034 = tpu.memref_slice %arg2[%squeeze3A_196, %add3A_1027, %dma_start3A_1032, %dma_start3A_1033] : memref<8x2048x4x128xf32, #tpu.memory_space<hbm>> -> memref<1x1x4x128xf32, #tpu.memory_space<hbm>>
          %dma_start3A_1035 = tpu.memref_squeeze %dma_start3A_1034 : memref<1x1x4x128xf32, #tpu.memory_space<hbm>> -> memref<4x128xf32, #tpu.memory_space<hbm>>
          tpu.enqueue_dma source(%dma_start3A_1035 : memref<4x128xf32, #tpu.memory_space<hbm>>) target(%dma_start3A_1031 : memref<4x128xf32, #tpu.memory_space<hbm>>) target_semaphore(%arg15 : memref<!tpu.dma_semaphore, #tpu.memory_space<semaphore_mem>>)
        } else {
        }
        %not3A = arith.constant true
        %not3A_1023 = arith.xori %and3A_1019, %not3A : i1
        %convert_element_type3A_1024 = arith.extui %not3A_1023 : i1 to i32
        %cond3A_1025 = arith.constant 0 : i32
        %cond3A_1026 = arith.cmpi ne, %convert_element_type3A_1024, %cond3A_1025 : i32
        scf.if %cond3A_1026 {
          %dma_start3A = arith.constant 0 : i32
          %dma_start3A_1027 = arith.constant 0 : i32
          %dma_start3A_1028 = arith.constant 0 : i32
          %dma_start3A_1029 = arith.constant 0 : i32
          %dma_start3A_1030 = tpu.memref_slice %arg14[%dma_start3A, %dma_start3A_1028, %dma_start3A_1029] : memref<64x4x128xf32, #tpu.memory_space<vmem>> -> memref<1x4x128xf32, #tpu.memory_space<vmem>>
          %dma_start3A_1031 = tpu.memref_squeeze %dma_start3A_1030 : memref<1x4x128xf32, #tpu.memory_space<vmem>> -> memref<4x128xf32, #tpu.memory_space<vmem>>
          %dma_start3A_1032 = arith.constant 0 : i32
          %dma_start3A_1033 = arith.constant 0 : i32
          %dma_start3A_1034 = tpu.memref_slice %arg9[%dma_start3A_1027, %add3A_194, %scan3A_1017, %dma_start3A_1032, %dma_start3A_1033] : memref<2x512x64x4x128xf32, #tpu.memory_space<hbm>> -> memref<1x1x1x4x128xf32, #tpu.memory_space<hbm>>
          %dma_start3A_1035 = tpu.memref_squeeze %dma_start3A_1034 : memref<1x1x1x4x128xf32, #tpu.memory_space<hbm>> -> memref<4x128xf32, #tpu.memory_space<hbm>>
          %dma_start3A_1036 = arith.constant 0 : i32
          %dma_start3A_1037 = arith.constant 0 : i32
          %dma_start3A_1038 = tpu.memref_slice %arg9[%dma_start3A_1027, %add3A_194, %scan3A_1017, %dma_start3A_1036, %dma_start3A_1037] : memref<2x512x64x4x128xf32, #tpu.memory_space<hbm>> -> memref<1x1x1x4x128xf32, #tpu.memory_space<hbm>>
          %dma_start3A_1039 = tpu.memref_squeeze %dma_start3A_1038 : memref<1x1x1x4x128xf32, #tpu.memory_space<hbm>> -> memref<4x128xf32, #tpu.memory_space<hbm>>
          %dma_start3A_1040 = arith.constant 0 : i32
          %dma_start3A_1041 = arith.constant 0 : i32
          %dma_start3A_1042 = tpu.memref_slice %arg14[%dma_start3A, %dma_start3A_1040, %dma_start3A_1041] : memref<64x4x128xf32, #tpu.memory_space<vmem>> -> memref<1x4x128xf32, #tpu.memory_space<vmem>>
          %dma_start3A_1043 = tpu.memref_squeeze %dma_start3A_1042 : memref<1x4x128xf32, #tpu.memory_space<vmem>> -> memref<4x128xf32, #tpu.memory_space<vmem>>
          tpu.enqueue_dma source(%dma_start3A_1043 : memref<4x128xf32, #tpu.memory_space<vmem>>) target(%dma_start3A_1039 : memref<4x128xf32, #tpu.memory_space<hbm>>) target_semaphore(%arg15 : memref<!tpu.dma_semaphore, #tpu.memory_space<semaphore_mem>>)
        } else {
        }
      }
      %scan3A_1016 = arith.constant 64 : i32
    } else {
    }
    %eq3A_222 = arith.constant 64 : i32
    %eq3A_223 = arith.cmpi eq, %sub3A_203, %eq3A_222 : i32
    %convert_element_type3A_224 = arith.extui %eq3A_223 : i1 to i32
    %cond3A_225 = arith.constant 0 : i32
    %cond3A_226 = arith.cmpi ne, %convert_element_type3A_224, %cond3A_225 : i32
    scf.if %cond3A_226 {
      %dma_start3A = arith.constant 1 : i32
      %dma_start3A_1012 = arith.constant 0 : i32
      %dma_start3A_1013 = arith.constant 0 : i32
      %dma_start3A_1014 = arith.constant 0 : i32
      %dma_start3A_1015 = tpu.memref_slice %arg9[%dma_start3A, %add3A_194, %dma_start3A_1012, %dma_start3A_1013, %dma_start3A_1014] : memref<2x512x64x4x128xf32, #tpu.memory_space<hbm>> -> memref<1x1x64x4x128xf32, #tpu.memory_space<hbm>>
      %dma_start3A_1016 = tpu.memref_squeeze %dma_start3A_1015 : memref<1x1x64x4x128xf32, #tpu.memory_space<hbm>> -> memref<64x4x128xf32, #tpu.memory_space<hbm>>
      %dma_start3A_1017 = arith.constant 0 : i32
      %dma_start3A_1018 = arith.constant 0 : i32
      %dma_start3A_1019 = tpu.memref_slice %arg3[%squeeze3A_196, %squeeze3A_198, %dma_start3A_1017, %dma_start3A_1018] : memref<8x2048x4x128xf32, #tpu.memory_space<hbm>> -> memref<1x64x4x128xf32, #tpu.memory_space<hbm>>
      %dma_start3A_1020 = tpu.memref_squeeze %dma_start3A_1019 : memref<1x64x4x128xf32, #tpu.memory_space<hbm>> -> memref<64x4x128xf32, #tpu.memory_space<hbm>>
      tpu.enqueue_dma source(%dma_start3A_1020 : memref<64x4x128xf32, #tpu.memory_space<hbm>>) target(%dma_start3A_1016 : memref<64x4x128xf32, #tpu.memory_space<hbm>>) target_semaphore(%arg15 : memref<!tpu.dma_semaphore, #tpu.memory_space<semaphore_mem>>)
    } else {
    }
    %eq3A_227 = arith.constant 0 : i32
    %eq3A_228 = arith.cmpi eq, %sub3A_203, %eq3A_227 : i32
    %convert_element_type3A_229 = arith.extui %eq3A_228 : i1 to i32
    %cond3A_230 = arith.constant 0 : i32
    %cond3A_231 = arith.cmpi ne, %convert_element_type3A_229, %cond3A_230 : i32
    scf.if %cond3A_231 {
      %dma_start3A = arith.constant 1 : i32
      %dma_start3A_1012 = arith.constant 0 : i32
      %dma_start3A_1013 = arith.constant 0 : i32
      %dma_start3A_1014 = arith.constant 0 : i32
      %dma_start3A_1015 = tpu.memref_slice %arg9[%dma_start3A, %add3A_194, %dma_start3A_1012, %dma_start3A_1013, %dma_start3A_1014] : memref<2x512x64x4x128xf32, #tpu.memory_space<hbm>> -> memref<1x1x64x4x128xf32, #tpu.memory_space<hbm>>
      %dma_start3A_1016 = tpu.memref_squeeze %dma_start3A_1015 : memref<1x1x64x4x128xf32, #tpu.memory_space<hbm>> -> memref<64x4x128xf32, #tpu.memory_space<hbm>>
      %dma_start3A_1017 = arith.constant 0 : i32
      %dma_start3A_1018 = arith.constant 0 : i32
      %dma_start3A_1019 = arith.constant 0 : i32
      %dma_start3A_1020 = tpu.memref_slice %arg9[%dma_start3A, %add3A_194, %dma_start3A_1017, %dma_start3A_1018, %dma_start3A_1019] : memref<2x512x64x4x128xf32, #tpu.memory_space<hbm>> -> memref<1x1x64x4x128xf32, #tpu.memory_space<hbm>>
      %dma_start3A_1021 = tpu.memref_squeeze %dma_start3A_1020 : memref<1x1x64x4x128xf32, #tpu.memory_space<hbm>> -> memref<64x4x128xf32, #tpu.memory_space<hbm>>
      tpu.enqueue_dma source(%arg14 : memref<64x4x128xf32, #tpu.memory_space<vmem>>) target(%dma_start3A_1021 : memref<64x4x128xf32, #tpu.memory_space<hbm>>) target_semaphore(%arg15 : memref<!tpu.dma_semaphore, #tpu.memory_space<semaphore_mem>>)
    } else {
    }
    %gt3A_232 = arith.constant 0 : i32
    %gt3A_233 = arith.cmpi sgt, %sub3A_203, %gt3A_232 : i32
    %lt3A_234 = arith.constant 64 : i32
    %lt3A_235 = arith.cmpi slt, %sub3A_203, %lt3A_234 : i32
    %and3A_236 = arith.andi %gt3A_233, %lt3A_235 : i1
    %convert_element_type3A_237 = arith.extui %and3A_236 : i1 to i32
    %cond3A_238 = arith.constant 0 : i32
    %cond3A_239 = arith.cmpi ne, %convert_element_type3A_237, %cond3A_238 : i32
    scf.if %cond3A_239 {
      %scan3A = arith.constant 0 : i32
      %scan3A_1012 = arith.constant 0 : i32
      %scan3A_1013 = arith.constant 64 : i32
      %scan3A_1014 = arith.addi %scan3A_1012, %scan3A_1013 : i32
      %scan3A_1015 = arith.constant 1 : i32
      scf.for %scan3A_1017 = %scan3A_1012 to %scan3A_1014 step %scan3A_1015  : i32 {
        %ge3A = arith.cmpi sge, %scan3A_1017, %squeeze3A_200 : i32
        %lt3A_1018 = arith.cmpi slt, %scan3A_1017, %squeeze3A_202 : i32
        %and3A_1019 = arith.andi %ge3A, %lt3A_1018 : i1
        %convert_element_type3A_1020 = arith.extui %and3A_1019 : i1 to i32
        %cond3A_1021 = arith.constant 0 : i32
        %cond3A_1022 = arith.cmpi ne, %convert_element_type3A_1020, %cond3A_1021 : i32
        scf.if %cond3A_1022 {
          %add3A_1027 = arith.addi %squeeze3A_198, %scan3A_1017 : i32
          %dma_start3A = arith.constant 1 : i32
          %dma_start3A_1028 = arith.constant 0 : i32
          %dma_start3A_1029 = arith.constant 0 : i32
          %dma_start3A_1030 = tpu.memref_slice %arg9[%dma_start3A, %add3A_194, %scan3A_1017, %dma_start3A_1028, %dma_start3A_1029] : memref<2x512x64x4x128xf32, #tpu.memory_space<hbm>> -> memref<1x1x1x4x128xf32, #tpu.memory_space<hbm>>
          %dma_start3A_1031 = tpu.memref_squeeze %dma_start3A_1030 : memref<1x1x1x4x128xf32, #tpu.memory_space<hbm>> -> memref<4x128xf32, #tpu.memory_space<hbm>>
          %dma_start3A_1032 = arith.constant 0 : i32
          %dma_start3A_1033 = arith.constant 0 : i32
          %dma_start3A_1034 = tpu.memref_slice %arg3[%squeeze3A_196, %add3A_1027, %dma_start3A_1032, %dma_start3A_1033] : memref<8x2048x4x128xf32, #tpu.memory_space<hbm>> -> memref<1x1x4x128xf32, #tpu.memory_space<hbm>>
          %dma_start3A_1035 = tpu.memref_squeeze %dma_start3A_1034 : memref<1x1x4x128xf32, #tpu.memory_space<hbm>> -> memref<4x128xf32, #tpu.memory_space<hbm>>
          tpu.enqueue_dma source(%dma_start3A_1035 : memref<4x128xf32, #tpu.memory_space<hbm>>) target(%dma_start3A_1031 : memref<4x128xf32, #tpu.memory_space<hbm>>) target_semaphore(%arg15 : memref<!tpu.dma_semaphore, #tpu.memory_space<semaphore_mem>>)
        } else {
        }
        %not3A = arith.constant true
        %not3A_1023 = arith.xori %and3A_1019, %not3A : i1
        %convert_element_type3A_1024 = arith.extui %not3A_1023 : i1 to i32
        %cond3A_1025 = arith.constant 0 : i32
        %cond3A_1026 = arith.cmpi ne, %convert_element_type3A_1024, %cond3A_1025 : i32
        scf.if %cond3A_1026 {
          %dma_start3A = arith.constant 0 : i32
          %dma_start3A_1027 = arith.constant 1 : i32
          %dma_start3A_1028 = arith.constant 0 : i32
          %dma_start3A_1029 = arith.constant 0 : i32
          %dma_start3A_1030 = tpu.memref_slice %arg14[%dma_start3A, %dma_start3A_1028, %dma_start3A_1029] : memref<64x4x128xf32, #tpu.memory_space<vmem>> -> memref<1x4x128xf32, #tpu.memory_space<vmem>>
          %dma_start3A_1031 = tpu.memref_squeeze %dma_start3A_1030 : memref<1x4x128xf32, #tpu.memory_space<vmem>> -> memref<4x128xf32, #tpu.memory_space<vmem>>
          %dma_start3A_1032 = arith.constant 0 : i32
          %dma_start3A_1033 = arith.constant 0 : i32
          %dma_start3A_1034 = tpu.memref_slice %arg9[%dma_start3A_1027, %add3A_194, %scan3A_1017, %dma_start3A_1032, %dma_start3A_1033] : memref<2x512x64x4x128xf32, #tpu.memory_space<hbm>> -> memref<1x1x1x4x128xf32, #tpu.memory_space<hbm>>
          %dma_start3A_1035 = tpu.memref_squeeze %dma_start3A_1034 : memref<1x1x1x4x128xf32, #tpu.memory_space<hbm>> -> memref<4x128xf32, #tpu.memory_space<hbm>>
          %dma_start3A_1036 = arith.constant 0 : i32
          %dma_start3A_1037 = arith.constant 0 : i32
          %dma_start3A_1038 = tpu.memref_slice %arg9[%dma_start3A_1027, %add3A_194, %scan3A_1017, %dma_start3A_1036, %dma_start3A_1037] : memref<2x512x64x4x128xf32, #tpu.memory_space<hbm>> -> memref<1x1x1x4x128xf32, #tpu.memory_space<hbm>>
          %dma_start3A_1039 = tpu.memref_squeeze %dma_start3A_1038 : memref<1x1x1x4x128xf32, #tpu.memory_space<hbm>> -> memref<4x128xf32, #tpu.memory_space<hbm>>
          %dma_start3A_1040 = arith.constant 0 : i32
          %dma_start3A_1041 = arith.constant 0 : i32
          %dma_start3A_1042 = tpu.memref_slice %arg14[%dma_start3A, %dma_start3A_1040, %dma_start3A_1041] : memref<64x4x128xf32, #tpu.memory_space<vmem>> -> memref<1x4x128xf32, #tpu.memory_space<vmem>>
          %dma_start3A_1043 = tpu.memref_squeeze %dma_start3A_1042 : memref<1x4x128xf32, #tpu.memory_space<vmem>> -> memref<4x128xf32, #tpu.memory_space<vmem>>
          tpu.enqueue_dma source(%dma_start3A_1043 : memref<4x128xf32, #tpu.memory_space<vmem>>) target(%dma_start3A_1039 : memref<4x128xf32, #tpu.memory_space<hbm>>) target_semaphore(%arg15 : memref<!tpu.dma_semaphore, #tpu.memory_space<semaphore_mem>>)
        } else {
        }
      }
      %scan3A_1016 = arith.constant 64 : i32
    } else {
    }
    %add3A_240 = arith.constant 5 : i32
    %add3A_241 = arith.addi %mul3A_2, %add3A_240 : i32
    %slice3A_242 = vector.extract_strided_slice %get3A_4 {offsets = [5], sizes = [1], strides = [1]} : vector<16xi32> to vector<1xi32>
    %squeeze3A_243 = vector.extract %slice3A_242[0] : i32 from vector<1xi32>
    %slice3A_244 = vector.extract_strided_slice %get3A_7 {offsets = [5], sizes = [1], strides = [1]} : vector<16xi32> to vector<1xi32>
    %squeeze3A_245 = vector.extract %slice3A_244[0] : i32 from vector<1xi32>
    %slice3A_246 = vector.extract_strided_slice %get3A_10 {offsets = [5], sizes = [1], strides = [1]} : vector<16xi32> to vector<1xi32>
    %squeeze3A_247 = vector.extract %slice3A_246[0] : i32 from vector<1xi32>
    %slice3A_248 = vector.extract_strided_slice %get3A_13 {offsets = [5], sizes = [1], strides = [1]} : vector<16xi32> to vector<1xi32>
    %squeeze3A_249 = vector.extract %slice3A_248[0] : i32 from vector<1xi32>
    %sub3A_250 = arith.subi %squeeze3A_249, %squeeze3A_247 : i32
    %eq3A_251 = arith.constant 64 : i32
    %eq3A_252 = arith.cmpi eq, %sub3A_250, %eq3A_251 : i32
    %convert_element_type3A_253 = arith.extui %eq3A_252 : i1 to i32
    %cond3A_254 = arith.constant 0 : i32
    %cond3A_255 = arith.cmpi ne, %convert_element_type3A_253, %cond3A_254 : i32
    scf.if %cond3A_255 {
      %dma_start3A = arith.constant 0 : i32
      %dma_start3A_1012 = arith.constant 0 : i32
      %dma_start3A_1013 = arith.constant 0 : i32
      %dma_start3A_1014 = arith.constant 0 : i32
      %dma_start3A_1015 = tpu.memref_slice %arg9[%dma_start3A, %add3A_241, %dma_start3A_1012, %dma_start3A_1013, %dma_start3A_1014] : memref<2x512x64x4x128xf32, #tpu.memory_space<hbm>> -> memref<1x1x64x4x128xf32, #tpu.memory_space<hbm>>
      %dma_start3A_1016 = tpu.memref_squeeze %dma_start3A_1015 : memref<1x1x64x4x128xf32, #tpu.memory_space<hbm>> -> memref<64x4x128xf32, #tpu.memory_space<hbm>>
      %dma_start3A_1017 = arith.constant 0 : i32
      %dma_start3A_1018 = arith.constant 0 : i32
      %dma_start3A_1019 = tpu.memref_slice %arg2[%squeeze3A_243, %squeeze3A_245, %dma_start3A_1017, %dma_start3A_1018] : memref<8x2048x4x128xf32, #tpu.memory_space<hbm>> -> memref<1x64x4x128xf32, #tpu.memory_space<hbm>>
      %dma_start3A_1020 = tpu.memref_squeeze %dma_start3A_1019 : memref<1x64x4x128xf32, #tpu.memory_space<hbm>> -> memref<64x4x128xf32, #tpu.memory_space<hbm>>
      tpu.enqueue_dma source(%dma_start3A_1020 : memref<64x4x128xf32, #tpu.memory_space<hbm>>) target(%dma_start3A_1016 : memref<64x4x128xf32, #tpu.memory_space<hbm>>) target_semaphore(%arg15 : memref<!tpu.dma_semaphore, #tpu.memory_space<semaphore_mem>>)
    } else {
    }
    %eq3A_256 = arith.constant 0 : i32
    %eq3A_257 = arith.cmpi eq, %sub3A_250, %eq3A_256 : i32
    %convert_element_type3A_258 = arith.extui %eq3A_257 : i1 to i32
    %cond3A_259 = arith.constant 0 : i32
    %cond3A_260 = arith.cmpi ne, %convert_element_type3A_258, %cond3A_259 : i32
    scf.if %cond3A_260 {
      %dma_start3A = arith.constant 0 : i32
      %dma_start3A_1012 = arith.constant 0 : i32
      %dma_start3A_1013 = arith.constant 0 : i32
      %dma_start3A_1014 = arith.constant 0 : i32
      %dma_start3A_1015 = tpu.memref_slice %arg9[%dma_start3A, %add3A_241, %dma_start3A_1012, %dma_start3A_1013, %dma_start3A_1014] : memref<2x512x64x4x128xf32, #tpu.memory_space<hbm>> -> memref<1x1x64x4x128xf32, #tpu.memory_space<hbm>>
      %dma_start3A_1016 = tpu.memref_squeeze %dma_start3A_1015 : memref<1x1x64x4x128xf32, #tpu.memory_space<hbm>> -> memref<64x4x128xf32, #tpu.memory_space<hbm>>
      %dma_start3A_1017 = arith.constant 0 : i32
      %dma_start3A_1018 = arith.constant 0 : i32
      %dma_start3A_1019 = arith.constant 0 : i32
      %dma_start3A_1020 = tpu.memref_slice %arg9[%dma_start3A, %add3A_241, %dma_start3A_1017, %dma_start3A_1018, %dma_start3A_1019] : memref<2x512x64x4x128xf32, #tpu.memory_space<hbm>> -> memref<1x1x64x4x128xf32, #tpu.memory_space<hbm>>
      %dma_start3A_1021 = tpu.memref_squeeze %dma_start3A_1020 : memref<1x1x64x4x128xf32, #tpu.memory_space<hbm>> -> memref<64x4x128xf32, #tpu.memory_space<hbm>>
      tpu.enqueue_dma source(%arg14 : memref<64x4x128xf32, #tpu.memory_space<vmem>>) target(%dma_start3A_1021 : memref<64x4x128xf32, #tpu.memory_space<hbm>>) target_semaphore(%arg15 : memref<!tpu.dma_semaphore, #tpu.memory_space<semaphore_mem>>)
    } else {
    }
    %gt3A_261 = arith.constant 0 : i32
    %gt3A_262 = arith.cmpi sgt, %sub3A_250, %gt3A_261 : i32
    %lt3A_263 = arith.constant 64 : i32
    %lt3A_264 = arith.cmpi slt, %sub3A_250, %lt3A_263 : i32
    %and3A_265 = arith.andi %gt3A_262, %lt3A_264 : i1
    %convert_element_type3A_266 = arith.extui %and3A_265 : i1 to i32
    %cond3A_267 = arith.constant 0 : i32
    %cond3A_268 = arith.cmpi ne, %convert_element_type3A_266, %cond3A_267 : i32
    scf.if %cond3A_268 {
      %scan3A = arith.constant 0 : i32
      %scan3A_1012 = arith.constant 0 : i32
      %scan3A_1013 = arith.constant 64 : i32
      %scan3A_1014 = arith.addi %scan3A_1012, %scan3A_1013 : i32
      %scan3A_1015 = arith.constant 1 : i32
      scf.for %scan3A_1017 = %scan3A_1012 to %scan3A_1014 step %scan3A_1015  : i32 {
        %ge3A = arith.cmpi sge, %scan3A_1017, %squeeze3A_247 : i32
        %lt3A_1018 = arith.cmpi slt, %scan3A_1017, %squeeze3A_249 : i32
        %and3A_1019 = arith.andi %ge3A, %lt3A_1018 : i1
        %convert_element_type3A_1020 = arith.extui %and3A_1019 : i1 to i32
        %cond3A_1021 = arith.constant 0 : i32
        %cond3A_1022 = arith.cmpi ne, %convert_element_type3A_1020, %cond3A_1021 : i32
        scf.if %cond3A_1022 {
          %add3A_1027 = arith.addi %squeeze3A_245, %scan3A_1017 : i32
          %dma_start3A = arith.constant 0 : i32
          %dma_start3A_1028 = arith.constant 0 : i32
          %dma_start3A_1029 = arith.constant 0 : i32
          %dma_start3A_1030 = tpu.memref_slice %arg9[%dma_start3A, %add3A_241, %scan3A_1017, %dma_start3A_1028, %dma_start3A_1029] : memref<2x512x64x4x128xf32, #tpu.memory_space<hbm>> -> memref<1x1x1x4x128xf32, #tpu.memory_space<hbm>>
          %dma_start3A_1031 = tpu.memref_squeeze %dma_start3A_1030 : memref<1x1x1x4x128xf32, #tpu.memory_space<hbm>> -> memref<4x128xf32, #tpu.memory_space<hbm>>
          %dma_start3A_1032 = arith.constant 0 : i32
          %dma_start3A_1033 = arith.constant 0 : i32
          %dma_start3A_1034 = tpu.memref_slice %arg2[%squeeze3A_243, %add3A_1027, %dma_start3A_1032, %dma_start3A_1033] : memref<8x2048x4x128xf32, #tpu.memory_space<hbm>> -> memref<1x1x4x128xf32, #tpu.memory_space<hbm>>
          %dma_start3A_1035 = tpu.memref_squeeze %dma_start3A_1034 : memref<1x1x4x128xf32, #tpu.memory_space<hbm>> -> memref<4x128xf32, #tpu.memory_space<hbm>>
          tpu.enqueue_dma source(%dma_start3A_1035 : memref<4x128xf32, #tpu.memory_space<hbm>>) target(%dma_start3A_1031 : memref<4x128xf32, #tpu.memory_space<hbm>>) target_semaphore(%arg15 : memref<!tpu.dma_semaphore, #tpu.memory_space<semaphore_mem>>)
        } else {
        }
        %not3A = arith.constant true
        %not3A_1023 = arith.xori %and3A_1019, %not3A : i1
        %convert_element_type3A_1024 = arith.extui %not3A_1023 : i1 to i32
        %cond3A_1025 = arith.constant 0 : i32
        %cond3A_1026 = arith.cmpi ne, %convert_element_type3A_1024, %cond3A_1025 : i32
        scf.if %cond3A_1026 {
          %dma_start3A = arith.constant 0 : i32
          %dma_start3A_1027 = arith.constant 0 : i32
          %dma_start3A_1028 = arith.constant 0 : i32
          %dma_start3A_1029 = arith.constant 0 : i32
          %dma_start3A_1030 = tpu.memref_slice %arg14[%dma_start3A, %dma_start3A_1028, %dma_start3A_1029] : memref<64x4x128xf32, #tpu.memory_space<vmem>> -> memref<1x4x128xf32, #tpu.memory_space<vmem>>
          %dma_start3A_1031 = tpu.memref_squeeze %dma_start3A_1030 : memref<1x4x128xf32, #tpu.memory_space<vmem>> -> memref<4x128xf32, #tpu.memory_space<vmem>>
          %dma_start3A_1032 = arith.constant 0 : i32
          %dma_start3A_1033 = arith.constant 0 : i32
          %dma_start3A_1034 = tpu.memref_slice %arg9[%dma_start3A_1027, %add3A_241, %scan3A_1017, %dma_start3A_1032, %dma_start3A_1033] : memref<2x512x64x4x128xf32, #tpu.memory_space<hbm>> -> memref<1x1x1x4x128xf32, #tpu.memory_space<hbm>>
          %dma_start3A_1035 = tpu.memref_squeeze %dma_start3A_1034 : memref<1x1x1x4x128xf32, #tpu.memory_space<hbm>> -> memref<4x128xf32, #tpu.memory_space<hbm>>
          %dma_start3A_1036 = arith.constant 0 : i32
          %dma_start3A_1037 = arith.constant 0 : i32
          %dma_start3A_1038 = tpu.memref_slice %arg9[%dma_start3A_1027, %add3A_241, %scan3A_1017, %dma_start3A_1036, %dma_start3A_1037] : memref<2x512x64x4x128xf32, #tpu.memory_space<hbm>> -> memref<1x1x1x4x128xf32, #tpu.memory_space<hbm>>
          %dma_start3A_1039 = tpu.memref_squeeze %dma_start3A_1038 : memref<1x1x1x4x128xf32, #tpu.memory_space<hbm>> -> memref<4x128xf32, #tpu.memory_space<hbm>>
          %dma_start3A_1040 = arith.constant 0 : i32
          %dma_start3A_1041 = arith.constant 0 : i32
          %dma_start3A_1042 = tpu.memref_slice %arg14[%dma_start3A, %dma_start3A_1040, %dma_start3A_1041] : memref<64x4x128xf32, #tpu.memory_space<vmem>> -> memref<1x4x128xf32, #tpu.memory_space<vmem>>
          %dma_start3A_1043 = tpu.memref_squeeze %dma_start3A_1042 : memref<1x4x128xf32, #tpu.memory_space<vmem>> -> memref<4x128xf32, #tpu.memory_space<vmem>>
          tpu.enqueue_dma source(%dma_start3A_1043 : memref<4x128xf32, #tpu.memory_space<vmem>>) target(%dma_start3A_1039 : memref<4x128xf32, #tpu.memory_space<hbm>>) target_semaphore(%arg15 : memref<!tpu.dma_semaphore, #tpu.memory_space<semaphore_mem>>)
        } else {
        }
      }
      %scan3A_1016 = arith.constant 64 : i32
    } else {
    }
    %eq3A_269 = arith.constant 64 : i32
    %eq3A_270 = arith.cmpi eq, %sub3A_250, %eq3A_269 : i32
    %convert_element_type3A_271 = arith.extui %eq3A_270 : i1 to i32
    %cond3A_272 = arith.constant 0 : i32
    %cond3A_273 = arith.cmpi ne, %convert_element_type3A_271, %cond3A_272 : i32
    scf.if %cond3A_273 {
      %dma_start3A = arith.constant 1 : i32
      %dma_start3A_1012 = arith.constant 0 : i32
      %dma_start3A_1013 = arith.constant 0 : i32
      %dma_start3A_1014 = arith.constant 0 : i32
      %dma_start3A_1015 = tpu.memref_slice %arg9[%dma_start3A, %add3A_241, %dma_start3A_1012, %dma_start3A_1013, %dma_start3A_1014] : memref<2x512x64x4x128xf32, #tpu.memory_space<hbm>> -> memref<1x1x64x4x128xf32, #tpu.memory_space<hbm>>
      %dma_start3A_1016 = tpu.memref_squeeze %dma_start3A_1015 : memref<1x1x64x4x128xf32, #tpu.memory_space<hbm>> -> memref<64x4x128xf32, #tpu.memory_space<hbm>>
      %dma_start3A_1017 = arith.constant 0 : i32
      %dma_start3A_1018 = arith.constant 0 : i32
      %dma_start3A_1019 = tpu.memref_slice %arg3[%squeeze3A_243, %squeeze3A_245, %dma_start3A_1017, %dma_start3A_1018] : memref<8x2048x4x128xf32, #tpu.memory_space<hbm>> -> memref<1x64x4x128xf32, #tpu.memory_space<hbm>>
      %dma_start3A_1020 = tpu.memref_squeeze %dma_start3A_1019 : memref<1x64x4x128xf32, #tpu.memory_space<hbm>> -> memref<64x4x128xf32, #tpu.memory_space<hbm>>
      tpu.enqueue_dma source(%dma_start3A_1020 : memref<64x4x128xf32, #tpu.memory_space<hbm>>) target(%dma_start3A_1016 : memref<64x4x128xf32, #tpu.memory_space<hbm>>) target_semaphore(%arg15 : memref<!tpu.dma_semaphore, #tpu.memory_space<semaphore_mem>>)
    } else {
    }
    %eq3A_274 = arith.constant 0 : i32
    %eq3A_275 = arith.cmpi eq, %sub3A_250, %eq3A_274 : i32
    %convert_element_type3A_276 = arith.extui %eq3A_275 : i1 to i32
    %cond3A_277 = arith.constant 0 : i32
    %cond3A_278 = arith.cmpi ne, %convert_element_type3A_276, %cond3A_277 : i32
    scf.if %cond3A_278 {
      %dma_start3A = arith.constant 1 : i32
      %dma_start3A_1012 = arith.constant 0 : i32
      %dma_start3A_1013 = arith.constant 0 : i32
      %dma_start3A_1014 = arith.constant 0 : i32
      %dma_start3A_1015 = tpu.memref_slice %arg9[%dma_start3A, %add3A_241, %dma_start3A_1012, %dma_start3A_1013, %dma_start3A_1014] : memref<2x512x64x4x128xf32, #tpu.memory_space<hbm>> -> memref<1x1x64x4x128xf32, #tpu.memory_space<hbm>>
      %dma_start3A_1016 = tpu.memref_squeeze %dma_start3A_1015 : memref<1x1x64x4x128xf32, #tpu.memory_space<hbm>> -> memref<64x4x128xf32, #tpu.memory_space<hbm>>
      %dma_start3A_1017 = arith.constant 0 : i32
      %dma_start3A_1018 = arith.constant 0 : i32
      %dma_start3A_1019 = arith.constant 0 : i32
      %dma_start3A_1020 = tpu.memref_slice %arg9[%dma_start3A, %add3A_241, %dma_start3A_1017, %dma_start3A_1018, %dma_start3A_1019] : memref<2x512x64x4x128xf32, #tpu.memory_space<hbm>> -> memref<1x1x64x4x128xf32, #tpu.memory_space<hbm>>
      %dma_start3A_1021 = tpu.memref_squeeze %dma_start3A_1020 : memref<1x1x64x4x128xf32, #tpu.memory_space<hbm>> -> memref<64x4x128xf32, #tpu.memory_space<hbm>>
      tpu.enqueue_dma source(%arg14 : memref<64x4x128xf32, #tpu.memory_space<vmem>>) target(%dma_start3A_1021 : memref<64x4x128xf32, #tpu.memory_space<hbm>>) target_semaphore(%arg15 : memref<!tpu.dma_semaphore, #tpu.memory_space<semaphore_mem>>)
    } else {
    }
    %gt3A_279 = arith.constant 0 : i32
    %gt3A_280 = arith.cmpi sgt, %sub3A_250, %gt3A_279 : i32
    %lt3A_281 = arith.constant 64 : i32
    %lt3A_282 = arith.cmpi slt, %sub3A_250, %lt3A_281 : i32
    %and3A_283 = arith.andi %gt3A_280, %lt3A_282 : i1
    %convert_element_type3A_284 = arith.extui %and3A_283 : i1 to i32
    %cond3A_285 = arith.constant 0 : i32
    %cond3A_286 = arith.cmpi ne, %convert_element_type3A_284, %cond3A_285 : i32
    scf.if %cond3A_286 {
      %scan3A = arith.constant 0 : i32
      %scan3A_1012 = arith.constant 0 : i32
      %scan3A_1013 = arith.constant 64 : i32
      %scan3A_1014 = arith.addi %scan3A_1012, %scan3A_1013 : i32
      %scan3A_1015 = arith.constant 1 : i32
      scf.for %scan3A_1017 = %scan3A_1012 to %scan3A_1014 step %scan3A_1015  : i32 {
        %ge3A = arith.cmpi sge, %scan3A_1017, %squeeze3A_247 : i32
        %lt3A_1018 = arith.cmpi slt, %scan3A_1017, %squeeze3A_249 : i32
        %and3A_1019 = arith.andi %ge3A, %lt3A_1018 : i1
        %convert_element_type3A_1020 = arith.extui %and3A_1019 : i1 to i32
        %cond3A_1021 = arith.constant 0 : i32
        %cond3A_1022 = arith.cmpi ne, %convert_element_type3A_1020, %cond3A_1021 : i32
        scf.if %cond3A_1022 {
          %add3A_1027 = arith.addi %squeeze3A_245, %scan3A_1017 : i32
          %dma_start3A = arith.constant 1 : i32
          %dma_start3A_1028 = arith.constant 0 : i32
          %dma_start3A_1029 = arith.constant 0 : i32
          %dma_start3A_1030 = tpu.memref_slice %arg9[%dma_start3A, %add3A_241, %scan3A_1017, %dma_start3A_1028, %dma_start3A_1029] : memref<2x512x64x4x128xf32, #tpu.memory_space<hbm>> -> memref<1x1x1x4x128xf32, #tpu.memory_space<hbm>>
          %dma_start3A_1031 = tpu.memref_squeeze %dma_start3A_1030 : memref<1x1x1x4x128xf32, #tpu.memory_space<hbm>> -> memref<4x128xf32, #tpu.memory_space<hbm>>
          %dma_start3A_1032 = arith.constant 0 : i32
          %dma_start3A_1033 = arith.constant 0 : i32
          %dma_start3A_1034 = tpu.memref_slice %arg3[%squeeze3A_243, %add3A_1027, %dma_start3A_1032, %dma_start3A_1033] : memref<8x2048x4x128xf32, #tpu.memory_space<hbm>> -> memref<1x1x4x128xf32, #tpu.memory_space<hbm>>
          %dma_start3A_1035 = tpu.memref_squeeze %dma_start3A_1034 : memref<1x1x4x128xf32, #tpu.memory_space<hbm>> -> memref<4x128xf32, #tpu.memory_space<hbm>>
          tpu.enqueue_dma source(%dma_start3A_1035 : memref<4x128xf32, #tpu.memory_space<hbm>>) target(%dma_start3A_1031 : memref<4x128xf32, #tpu.memory_space<hbm>>) target_semaphore(%arg15 : memref<!tpu.dma_semaphore, #tpu.memory_space<semaphore_mem>>)
        } else {
        }
        %not3A = arith.constant true
        %not3A_1023 = arith.xori %and3A_1019, %not3A : i1
        %convert_element_type3A_1024 = arith.extui %not3A_1023 : i1 to i32
        %cond3A_1025 = arith.constant 0 : i32
        %cond3A_1026 = arith.cmpi ne, %convert_element_type3A_1024, %cond3A_1025 : i32
        scf.if %cond3A_1026 {
          %dma_start3A = arith.constant 0 : i32
          %dma_start3A_1027 = arith.constant 1 : i32
          %dma_start3A_1028 = arith.constant 0 : i32
          %dma_start3A_1029 = arith.constant 0 : i32
          %dma_start3A_1030 = tpu.memref_slice %arg14[%dma_start3A, %dma_start3A_1028, %dma_start3A_1029] : memref<64x4x128xf32, #tpu.memory_space<vmem>> -> memref<1x4x128xf32, #tpu.memory_space<vmem>>
          %dma_start3A_1031 = tpu.memref_squeeze %dma_start3A_1030 : memref<1x4x128xf32, #tpu.memory_space<vmem>> -> memref<4x128xf32, #tpu.memory_space<vmem>>
          %dma_start3A_1032 = arith.constant 0 : i32
          %dma_start3A_1033 = arith.constant 0 : i32
          %dma_start3A_1034 = tpu.memref_slice %arg9[%dma_start3A_1027, %add3A_241, %scan3A_1017, %dma_start3A_1032, %dma_start3A_1033] : memref<2x512x64x4x128xf32, #tpu.memory_space<hbm>> -> memref<1x1x1x4x128xf32, #tpu.memory_space<hbm>>
          %dma_start3A_1035 = tpu.memref_squeeze %dma_start3A_1034 : memref<1x1x1x4x128xf32, #tpu.memory_space<hbm>> -> memref<4x128xf32, #tpu.memory_space<hbm>>
          %dma_start3A_1036 = arith.constant 0 : i32
          %dma_start3A_1037 = arith.constant 0 : i32
          %dma_start3A_1038 = tpu.memref_slice %arg9[%dma_start3A_1027, %add3A_241, %scan3A_1017, %dma_start3A_1036, %dma_start3A_1037] : memref<2x512x64x4x128xf32, #tpu.memory_space<hbm>> -> memref<1x1x1x4x128xf32, #tpu.memory_space<hbm>>
          %dma_start3A_1039 = tpu.memref_squeeze %dma_start3A_1038 : memref<1x1x1x4x128xf32, #tpu.memory_space<hbm>> -> memref<4x128xf32, #tpu.memory_space<hbm>>
          %dma_start3A_1040 = arith.constant 0 : i32
          %dma_start3A_1041 = arith.constant 0 : i32
          %dma_start3A_1042 = tpu.memref_slice %arg14[%dma_start3A, %dma_start3A_1040, %dma_start3A_1041] : memref<64x4x128xf32, #tpu.memory_space<vmem>> -> memref<1x4x128xf32, #tpu.memory_space<vmem>>
          %dma_start3A_1043 = tpu.memref_squeeze %dma_start3A_1042 : memref<1x4x128xf32, #tpu.memory_space<vmem>> -> memref<4x128xf32, #tpu.memory_space<vmem>>
          tpu.enqueue_dma source(%dma_start3A_1043 : memref<4x128xf32, #tpu.memory_space<vmem>>) target(%dma_start3A_1039 : memref<4x128xf32, #tpu.memory_space<hbm>>) target_semaphore(%arg15 : memref<!tpu.dma_semaphore, #tpu.memory_space<semaphore_mem>>)
        } else {
        }
      }
      %scan3A_1016 = arith.constant 64 : i32
    } else {
    }
    %add3A_287 = arith.constant 6 : i32
    %add3A_288 = arith.addi %mul3A_2, %add3A_287 : i32
    %slice3A_289 = vector.extract_strided_slice %get3A_4 {offsets = [6], sizes = [1], strides = [1]} : vector<16xi32> to vector<1xi32>
    %squeeze3A_290 = vector.extract %slice3A_289[0] : i32 from vector<1xi32>
    %slice3A_291 = vector.extract_strided_slice %get3A_7 {offsets = [6], sizes = [1], strides = [1]} : vector<16xi32> to vector<1xi32>
    %squeeze3A_292 = vector.extract %slice3A_291[0] : i32 from vector<1xi32>
    %slice3A_293 = vector.extract_strided_slice %get3A_10 {offsets = [6], sizes = [1], strides = [1]} : vector<16xi32> to vector<1xi32>
    %squeeze3A_294 = vector.extract %slice3A_293[0] : i32 from vector<1xi32>
    %slice3A_295 = vector.extract_strided_slice %get3A_13 {offsets = [6], sizes = [1], strides = [1]} : vector<16xi32> to vector<1xi32>
    %squeeze3A_296 = vector.extract %slice3A_295[0] : i32 from vector<1xi32>
    %sub3A_297 = arith.subi %squeeze3A_296, %squeeze3A_294 : i32
    %eq3A_298 = arith.constant 64 : i32
    %eq3A_299 = arith.cmpi eq, %sub3A_297, %eq3A_298 : i32
    %convert_element_type3A_300 = arith.extui %eq3A_299 : i1 to i32
    %cond3A_301 = arith.constant 0 : i32
    %cond3A_302 = arith.cmpi ne, %convert_element_type3A_300, %cond3A_301 : i32
    scf.if %cond3A_302 {
      %dma_start3A = arith.constant 0 : i32
      %dma_start3A_1012 = arith.constant 0 : i32
      %dma_start3A_1013 = arith.constant 0 : i32
      %dma_start3A_1014 = arith.constant 0 : i32
      %dma_start3A_1015 = tpu.memref_slice %arg9[%dma_start3A, %add3A_288, %dma_start3A_1012, %dma_start3A_1013, %dma_start3A_1014] : memref<2x512x64x4x128xf32, #tpu.memory_space<hbm>> -> memref<1x1x64x4x128xf32, #tpu.memory_space<hbm>>
      %dma_start3A_1016 = tpu.memref_squeeze %dma_start3A_1015 : memref<1x1x64x4x128xf32, #tpu.memory_space<hbm>> -> memref<64x4x128xf32, #tpu.memory_space<hbm>>
      %dma_start3A_1017 = arith.constant 0 : i32
      %dma_start3A_1018 = arith.constant 0 : i32
      %dma_start3A_1019 = tpu.memref_slice %arg2[%squeeze3A_290, %squeeze3A_292, %dma_start3A_1017, %dma_start3A_1018] : memref<8x2048x4x128xf32, #tpu.memory_space<hbm>> -> memref<1x64x4x128xf32, #tpu.memory_space<hbm>>
      %dma_start3A_1020 = tpu.memref_squeeze %dma_start3A_1019 : memref<1x64x4x128xf32, #tpu.memory_space<hbm>> -> memref<64x4x128xf32, #tpu.memory_space<hbm>>
      tpu.enqueue_dma source(%dma_start3A_1020 : memref<64x4x128xf32, #tpu.memory_space<hbm>>) target(%dma_start3A_1016 : memref<64x4x128xf32, #tpu.memory_space<hbm>>) target_semaphore(%arg15 : memref<!tpu.dma_semaphore, #tpu.memory_space<semaphore_mem>>)
    } else {
    }
    %eq3A_303 = arith.constant 0 : i32
    %eq3A_304 = arith.cmpi eq, %sub3A_297, %eq3A_303 : i32
    %convert_element_type3A_305 = arith.extui %eq3A_304 : i1 to i32
    %cond3A_306 = arith.constant 0 : i32
    %cond3A_307 = arith.cmpi ne, %convert_element_type3A_305, %cond3A_306 : i32
    scf.if %cond3A_307 {
      %dma_start3A = arith.constant 0 : i32
      %dma_start3A_1012 = arith.constant 0 : i32
      %dma_start3A_1013 = arith.constant 0 : i32
      %dma_start3A_1014 = arith.constant 0 : i32
      %dma_start3A_1015 = tpu.memref_slice %arg9[%dma_start3A, %add3A_288, %dma_start3A_1012, %dma_start3A_1013, %dma_start3A_1014] : memref<2x512x64x4x128xf32, #tpu.memory_space<hbm>> -> memref<1x1x64x4x128xf32, #tpu.memory_space<hbm>>
      %dma_start3A_1016 = tpu.memref_squeeze %dma_start3A_1015 : memref<1x1x64x4x128xf32, #tpu.memory_space<hbm>> -> memref<64x4x128xf32, #tpu.memory_space<hbm>>
      %dma_start3A_1017 = arith.constant 0 : i32
      %dma_start3A_1018 = arith.constant 0 : i32
      %dma_start3A_1019 = arith.constant 0 : i32
      %dma_start3A_1020 = tpu.memref_slice %arg9[%dma_start3A, %add3A_288, %dma_start3A_1017, %dma_start3A_1018, %dma_start3A_1019] : memref<2x512x64x4x128xf32, #tpu.memory_space<hbm>> -> memref<1x1x64x4x128xf32, #tpu.memory_space<hbm>>
      %dma_start3A_1021 = tpu.memref_squeeze %dma_start3A_1020 : memref<1x1x64x4x128xf32, #tpu.memory_space<hbm>> -> memref<64x4x128xf32, #tpu.memory_space<hbm>>
      tpu.enqueue_dma source(%arg14 : memref<64x4x128xf32, #tpu.memory_space<vmem>>) target(%dma_start3A_1021 : memref<64x4x128xf32, #tpu.memory_space<hbm>>) target_semaphore(%arg15 : memref<!tpu.dma_semaphore, #tpu.memory_space<semaphore_mem>>)
    } else {
    }
    %gt3A_308 = arith.constant 0 : i32
    %gt3A_309 = arith.cmpi sgt, %sub3A_297, %gt3A_308 : i32
    %lt3A_310 = arith.constant 64 : i32
    %lt3A_311 = arith.cmpi slt, %sub3A_297, %lt3A_310 : i32
    %and3A_312 = arith.andi %gt3A_309, %lt3A_311 : i1
    %convert_element_type3A_313 = arith.extui %and3A_312 : i1 to i32
    %cond3A_314 = arith.constant 0 : i32
    %cond3A_315 = arith.cmpi ne, %convert_element_type3A_313, %cond3A_314 : i32
    scf.if %cond3A_315 {
      %scan3A = arith.constant 0 : i32
      %scan3A_1012 = arith.constant 0 : i32
      %scan3A_1013 = arith.constant 64 : i32
      %scan3A_1014 = arith.addi %scan3A_1012, %scan3A_1013 : i32
      %scan3A_1015 = arith.constant 1 : i32
      scf.for %scan3A_1017 = %scan3A_1012 to %scan3A_1014 step %scan3A_1015  : i32 {
        %ge3A = arith.cmpi sge, %scan3A_1017, %squeeze3A_294 : i32
        %lt3A_1018 = arith.cmpi slt, %scan3A_1017, %squeeze3A_296 : i32
        %and3A_1019 = arith.andi %ge3A, %lt3A_1018 : i1
        %convert_element_type3A_1020 = arith.extui %and3A_1019 : i1 to i32
        %cond3A_1021 = arith.constant 0 : i32
        %cond3A_1022 = arith.cmpi ne, %convert_element_type3A_1020, %cond3A_1021 : i32
        scf.if %cond3A_1022 {
          %add3A_1027 = arith.addi %squeeze3A_292, %scan3A_1017 : i32
          %dma_start3A = arith.constant 0 : i32
          %dma_start3A_1028 = arith.constant 0 : i32
          %dma_start3A_1029 = arith.constant 0 : i32
          %dma_start3A_1030 = tpu.memref_slice %arg9[%dma_start3A, %add3A_288, %scan3A_1017, %dma_start3A_1028, %dma_start3A_1029] : memref<2x512x64x4x128xf32, #tpu.memory_space<hbm>> -> memref<1x1x1x4x128xf32, #tpu.memory_space<hbm>>
          %dma_start3A_1031 = tpu.memref_squeeze %dma_start3A_1030 : memref<1x1x1x4x128xf32, #tpu.memory_space<hbm>> -> memref<4x128xf32, #tpu.memory_space<hbm>>
          %dma_start3A_1032 = arith.constant 0 : i32
          %dma_start3A_1033 = arith.constant 0 : i32
          %dma_start3A_1034 = tpu.memref_slice %arg2[%squeeze3A_290, %add3A_1027, %dma_start3A_1032, %dma_start3A_1033] : memref<8x2048x4x128xf32, #tpu.memory_space<hbm>> -> memref<1x1x4x128xf32, #tpu.memory_space<hbm>>
          %dma_start3A_1035 = tpu.memref_squeeze %dma_start3A_1034 : memref<1x1x4x128xf32, #tpu.memory_space<hbm>> -> memref<4x128xf32, #tpu.memory_space<hbm>>
          tpu.enqueue_dma source(%dma_start3A_1035 : memref<4x128xf32, #tpu.memory_space<hbm>>) target(%dma_start3A_1031 : memref<4x128xf32, #tpu.memory_space<hbm>>) target_semaphore(%arg15 : memref<!tpu.dma_semaphore, #tpu.memory_space<semaphore_mem>>)
        } else {
        }
        %not3A = arith.constant true
        %not3A_1023 = arith.xori %and3A_1019, %not3A : i1
        %convert_element_type3A_1024 = arith.extui %not3A_1023 : i1 to i32
        %cond3A_1025 = arith.constant 0 : i32
        %cond3A_1026 = arith.cmpi ne, %convert_element_type3A_1024, %cond3A_1025 : i32
        scf.if %cond3A_1026 {
          %dma_start3A = arith.constant 0 : i32
          %dma_start3A_1027 = arith.constant 0 : i32
          %dma_start3A_1028 = arith.constant 0 : i32
          %dma_start3A_1029 = arith.constant 0 : i32
          %dma_start3A_1030 = tpu.memref_slice %arg14[%dma_start3A, %dma_start3A_1028, %dma_start3A_1029] : memref<64x4x128xf32, #tpu.memory_space<vmem>> -> memref<1x4x128xf32, #tpu.memory_space<vmem>>
          %dma_start3A_1031 = tpu.memref_squeeze %dma_start3A_1030 : memref<1x4x128xf32, #tpu.memory_space<vmem>> -> memref<4x128xf32, #tpu.memory_space<vmem>>
          %dma_start3A_1032 = arith.constant 0 : i32
          %dma_start3A_1033 = arith.constant 0 : i32
          %dma_start3A_1034 = tpu.memref_slice %arg9[%dma_start3A_1027, %add3A_288, %scan3A_1017, %dma_start3A_1032, %dma_start3A_1033] : memref<2x512x64x4x128xf32, #tpu.memory_space<hbm>> -> memref<1x1x1x4x128xf32, #tpu.memory_space<hbm>>
          %dma_start3A_1035 = tpu.memref_squeeze %dma_start3A_1034 : memref<1x1x1x4x128xf32, #tpu.memory_space<hbm>> -> memref<4x128xf32, #tpu.memory_space<hbm>>
          %dma_start3A_1036 = arith.constant 0 : i32
          %dma_start3A_1037 = arith.constant 0 : i32
          %dma_start3A_1038 = tpu.memref_slice %arg9[%dma_start3A_1027, %add3A_288, %scan3A_1017, %dma_start3A_1036, %dma_start3A_1037] : memref<2x512x64x4x128xf32, #tpu.memory_space<hbm>> -> memref<1x1x1x4x128xf32, #tpu.memory_space<hbm>>
          %dma_start3A_1039 = tpu.memref_squeeze %dma_start3A_1038 : memref<1x1x1x4x128xf32, #tpu.memory_space<hbm>> -> memref<4x128xf32, #tpu.memory_space<hbm>>
          %dma_start3A_1040 = arith.constant 0 : i32
          %dma_start3A_1041 = arith.constant 0 : i32
          %dma_start3A_1042 = tpu.memref_slice %arg14[%dma_start3A, %dma_start3A_1040, %dma_start3A_1041] : memref<64x4x128xf32, #tpu.memory_space<vmem>> -> memref<1x4x128xf32, #tpu.memory_space<vmem>>
          %dma_start3A_1043 = tpu.memref_squeeze %dma_start3A_1042 : memref<1x4x128xf32, #tpu.memory_space<vmem>> -> memref<4x128xf32, #tpu.memory_space<vmem>>
          tpu.enqueue_dma source(%dma_start3A_1043 : memref<4x128xf32, #tpu.memory_space<vmem>>) target(%dma_start3A_1039 : memref<4x128xf32, #tpu.memory_space<hbm>>) target_semaphore(%arg15 : memref<!tpu.dma_semaphore, #tpu.memory_space<semaphore_mem>>)
        } else {
        }
      }
      %scan3A_1016 = arith.constant 64 : i32
    } else {
    }
    %eq3A_316 = arith.constant 64 : i32
    %eq3A_317 = arith.cmpi eq, %sub3A_297, %eq3A_316 : i32
    %convert_element_type3A_318 = arith.extui %eq3A_317 : i1 to i32
    %cond3A_319 = arith.constant 0 : i32
    %cond3A_320 = arith.cmpi ne, %convert_element_type3A_318, %cond3A_319 : i32
    scf.if %cond3A_320 {
      %dma_start3A = arith.constant 1 : i32
      %dma_start3A_1012 = arith.constant 0 : i32
      %dma_start3A_1013 = arith.constant 0 : i32
      %dma_start3A_1014 = arith.constant 0 : i32
      %dma_start3A_1015 = tpu.memref_slice %arg9[%dma_start3A, %add3A_288, %dma_start3A_1012, %dma_start3A_1013, %dma_start3A_1014] : memref<2x512x64x4x128xf32, #tpu.memory_space<hbm>> -> memref<1x1x64x4x128xf32, #tpu.memory_space<hbm>>
      %dma_start3A_1016 = tpu.memref_squeeze %dma_start3A_1015 : memref<1x1x64x4x128xf32, #tpu.memory_space<hbm>> -> memref<64x4x128xf32, #tpu.memory_space<hbm>>
      %dma_start3A_1017 = arith.constant 0 : i32
      %dma_start3A_1018 = arith.constant 0 : i32
      %dma_start3A_1019 = tpu.memref_slice %arg3[%squeeze3A_290, %squeeze3A_292, %dma_start3A_1017, %dma_start3A_1018] : memref<8x2048x4x128xf32, #tpu.memory_space<hbm>> -> memref<1x64x4x128xf32, #tpu.memory_space<hbm>>
      %dma_start3A_1020 = tpu.memref_squeeze %dma_start3A_1019 : memref<1x64x4x128xf32, #tpu.memory_space<hbm>> -> memref<64x4x128xf32, #tpu.memory_space<hbm>>
      tpu.enqueue_dma source(%dma_start3A_1020 : memref<64x4x128xf32, #tpu.memory_space<hbm>>) target(%dma_start3A_1016 : memref<64x4x128xf32, #tpu.memory_space<hbm>>) target_semaphore(%arg15 : memref<!tpu.dma_semaphore, #tpu.memory_space<semaphore_mem>>)
    } else {
    }
    %eq3A_321 = arith.constant 0 : i32
    %eq3A_322 = arith.cmpi eq, %sub3A_297, %eq3A_321 : i32
    %convert_element_type3A_323 = arith.extui %eq3A_322 : i1 to i32
    %cond3A_324 = arith.constant 0 : i32
    %cond3A_325 = arith.cmpi ne, %convert_element_type3A_323, %cond3A_324 : i32
    scf.if %cond3A_325 {
      %dma_start3A = arith.constant 1 : i32
      %dma_start3A_1012 = arith.constant 0 : i32
      %dma_start3A_1013 = arith.constant 0 : i32
      %dma_start3A_1014 = arith.constant 0 : i32
      %dma_start3A_1015 = tpu.memref_slice %arg9[%dma_start3A, %add3A_288, %dma_start3A_1012, %dma_start3A_1013, %dma_start3A_1014] : memref<2x512x64x4x128xf32, #tpu.memory_space<hbm>> -> memref<1x1x64x4x128xf32, #tpu.memory_space<hbm>>
      %dma_start3A_1016 = tpu.memref_squeeze %dma_start3A_1015 : memref<1x1x64x4x128xf32, #tpu.memory_space<hbm>> -> memref<64x4x128xf32, #tpu.memory_space<hbm>>
      %dma_start3A_1017 = arith.constant 0 : i32
      %dma_start3A_1018 = arith.constant 0 : i32
      %dma_start3A_1019 = arith.constant 0 : i32
      %dma_start3A_1020 = tpu.memref_slice %arg9[%dma_start3A, %add3A_288, %dma_start3A_1017, %dma_start3A_1018, %dma_start3A_1019] : memref<2x512x64x4x128xf32, #tpu.memory_space<hbm>> -> memref<1x1x64x4x128xf32, #tpu.memory_space<hbm>>
      %dma_start3A_1021 = tpu.memref_squeeze %dma_start3A_1020 : memref<1x1x64x4x128xf32, #tpu.memory_space<hbm>> -> memref<64x4x128xf32, #tpu.memory_space<hbm>>
      tpu.enqueue_dma source(%arg14 : memref<64x4x128xf32, #tpu.memory_space<vmem>>) target(%dma_start3A_1021 : memref<64x4x128xf32, #tpu.memory_space<hbm>>) target_semaphore(%arg15 : memref<!tpu.dma_semaphore, #tpu.memory_space<semaphore_mem>>)
    } else {
    }
    %gt3A_326 = arith.constant 0 : i32
    %gt3A_327 = arith.cmpi sgt, %sub3A_297, %gt3A_326 : i32
    %lt3A_328 = arith.constant 64 : i32
    %lt3A_329 = arith.cmpi slt, %sub3A_297, %lt3A_328 : i32
    %and3A_330 = arith.andi %gt3A_327, %lt3A_329 : i1
    %convert_element_type3A_331 = arith.extui %and3A_330 : i1 to i32
    %cond3A_332 = arith.constant 0 : i32
    %cond3A_333 = arith.cmpi ne, %convert_element_type3A_331, %cond3A_332 : i32
    scf.if %cond3A_333 {
      %scan3A = arith.constant 0 : i32
      %scan3A_1012 = arith.constant 0 : i32
      %scan3A_1013 = arith.constant 64 : i32
      %scan3A_1014 = arith.addi %scan3A_1012, %scan3A_1013 : i32
      %scan3A_1015 = arith.constant 1 : i32
      scf.for %scan3A_1017 = %scan3A_1012 to %scan3A_1014 step %scan3A_1015  : i32 {
        %ge3A = arith.cmpi sge, %scan3A_1017, %squeeze3A_294 : i32
        %lt3A_1018 = arith.cmpi slt, %scan3A_1017, %squeeze3A_296 : i32
        %and3A_1019 = arith.andi %ge3A, %lt3A_1018 : i1
        %convert_element_type3A_1020 = arith.extui %and3A_1019 : i1 to i32
        %cond3A_1021 = arith.constant 0 : i32
        %cond3A_1022 = arith.cmpi ne, %convert_element_type3A_1020, %cond3A_1021 : i32
        scf.if %cond3A_1022 {
          %add3A_1027 = arith.addi %squeeze3A_292, %scan3A_1017 : i32
          %dma_start3A = arith.constant 1 : i32
          %dma_start3A_1028 = arith.constant 0 : i32
          %dma_start3A_1029 = arith.constant 0 : i32
          %dma_start3A_1030 = tpu.memref_slice %arg9[%dma_start3A, %add3A_288, %scan3A_1017, %dma_start3A_1028, %dma_start3A_1029] : memref<2x512x64x4x128xf32, #tpu.memory_space<hbm>> -> memref<1x1x1x4x128xf32, #tpu.memory_space<hbm>>
          %dma_start3A_1031 = tpu.memref_squeeze %dma_start3A_1030 : memref<1x1x1x4x128xf32, #tpu.memory_space<hbm>> -> memref<4x128xf32, #tpu.memory_space<hbm>>
          %dma_start3A_1032 = arith.constant 0 : i32
          %dma_start3A_1033 = arith.constant 0 : i32
          %dma_start3A_1034 = tpu.memref_slice %arg3[%squeeze3A_290, %add3A_1027, %dma_start3A_1032, %dma_start3A_1033] : memref<8x2048x4x128xf32, #tpu.memory_space<hbm>> -> memref<1x1x4x128xf32, #tpu.memory_space<hbm>>
          %dma_start3A_1035 = tpu.memref_squeeze %dma_start3A_1034 : memref<1x1x4x128xf32, #tpu.memory_space<hbm>> -> memref<4x128xf32, #tpu.memory_space<hbm>>
          tpu.enqueue_dma source(%dma_start3A_1035 : memref<4x128xf32, #tpu.memory_space<hbm>>) target(%dma_start3A_1031 : memref<4x128xf32, #tpu.memory_space<hbm>>) target_semaphore(%arg15 : memref<!tpu.dma_semaphore, #tpu.memory_space<semaphore_mem>>)
        } else {
        }
        %not3A = arith.constant true
        %not3A_1023 = arith.xori %and3A_1019, %not3A : i1
        %convert_element_type3A_1024 = arith.extui %not3A_1023 : i1 to i32
        %cond3A_1025 = arith.constant 0 : i32
        %cond3A_1026 = arith.cmpi ne, %convert_element_type3A_1024, %cond3A_1025 : i32
        scf.if %cond3A_1026 {
          %dma_start3A = arith.constant 0 : i32
          %dma_start3A_1027 = arith.constant 1 : i32
          %dma_start3A_1028 = arith.constant 0 : i32
          %dma_start3A_1029 = arith.constant 0 : i32
          %dma_start3A_1030 = tpu.memref_slice %arg14[%dma_start3A, %dma_start3A_1028, %dma_start3A_1029] : memref<64x4x128xf32, #tpu.memory_space<vmem>> -> memref<1x4x128xf32, #tpu.memory_space<vmem>>
          %dma_start3A_1031 = tpu.memref_squeeze %dma_start3A_1030 : memref<1x4x128xf32, #tpu.memory_space<vmem>> -> memref<4x128xf32, #tpu.memory_space<vmem>>
          %dma_start3A_1032 = arith.constant 0 : i32
          %dma_start3A_1033 = arith.constant 0 : i32
          %dma_start3A_1034 = tpu.memref_slice %arg9[%dma_start3A_1027, %add3A_288, %scan3A_1017, %dma_start3A_1032, %dma_start3A_1033] : memref<2x512x64x4x128xf32, #tpu.memory_space<hbm>> -> memref<1x1x1x4x128xf32, #tpu.memory_space<hbm>>
          %dma_start3A_1035 = tpu.memref_squeeze %dma_start3A_1034 : memref<1x1x1x4x128xf32, #tpu.memory_space<hbm>> -> memref<4x128xf32, #tpu.memory_space<hbm>>
          %dma_start3A_1036 = arith.constant 0 : i32
          %dma_start3A_1037 = arith.constant 0 : i32
          %dma_start3A_1038 = tpu.memref_slice %arg9[%dma_start3A_1027, %add3A_288, %scan3A_1017, %dma_start3A_1036, %dma_start3A_1037] : memref<2x512x64x4x128xf32, #tpu.memory_space<hbm>> -> memref<1x1x1x4x128xf32, #tpu.memory_space<hbm>>
          %dma_start3A_1039 = tpu.memref_squeeze %dma_start3A_1038 : memref<1x1x1x4x128xf32, #tpu.memory_space<hbm>> -> memref<4x128xf32, #tpu.memory_space<hbm>>
          %dma_start3A_1040 = arith.constant 0 : i32
          %dma_start3A_1041 = arith.constant 0 : i32
          %dma_start3A_1042 = tpu.memref_slice %arg14[%dma_start3A, %dma_start3A_1040, %dma_start3A_1041] : memref<64x4x128xf32, #tpu.memory_space<vmem>> -> memref<1x4x128xf32, #tpu.memory_space<vmem>>
          %dma_start3A_1043 = tpu.memref_squeeze %dma_start3A_1042 : memref<1x4x128xf32, #tpu.memory_space<vmem>> -> memref<4x128xf32, #tpu.memory_space<vmem>>
          tpu.enqueue_dma source(%dma_start3A_1043 : memref<4x128xf32, #tpu.memory_space<vmem>>) target(%dma_start3A_1039 : memref<4x128xf32, #tpu.memory_space<hbm>>) target_semaphore(%arg15 : memref<!tpu.dma_semaphore, #tpu.memory_space<semaphore_mem>>)
        } else {
        }
      }
      %scan3A_1016 = arith.constant 64 : i32
    } else {
    }
    %add3A_334 = arith.constant 7 : i32
    %add3A_335 = arith.addi %mul3A_2, %add3A_334 : i32
    %slice3A_336 = vector.extract_strided_slice %get3A_4 {offsets = [7], sizes = [1], strides = [1]} : vector<16xi32> to vector<1xi32>
    %squeeze3A_337 = vector.extract %slice3A_336[0] : i32 from vector<1xi32>
    %slice3A_338 = vector.extract_strided_slice %get3A_7 {offsets = [7], sizes = [1], strides = [1]} : vector<16xi32> to vector<1xi32>
    %squeeze3A_339 = vector.extract %slice3A_338[0] : i32 from vector<1xi32>
    %slice3A_340 = vector.extract_strided_slice %get3A_10 {offsets = [7], sizes = [1], strides = [1]} : vector<16xi32> to vector<1xi32>
    %squeeze3A_341 = vector.extract %slice3A_340[0] : i32 from vector<1xi32>
    %slice3A_342 = vector.extract_strided_slice %get3A_13 {offsets = [7], sizes = [1], strides = [1]} : vector<16xi32> to vector<1xi32>
    %squeeze3A_343 = vector.extract %slice3A_342[0] : i32 from vector<1xi32>
    %sub3A_344 = arith.subi %squeeze3A_343, %squeeze3A_341 : i32
    %eq3A_345 = arith.constant 64 : i32
    %eq3A_346 = arith.cmpi eq, %sub3A_344, %eq3A_345 : i32
    %convert_element_type3A_347 = arith.extui %eq3A_346 : i1 to i32
    %cond3A_348 = arith.constant 0 : i32
    %cond3A_349 = arith.cmpi ne, %convert_element_type3A_347, %cond3A_348 : i32
    scf.if %cond3A_349 {
      %dma_start3A = arith.constant 0 : i32
      %dma_start3A_1012 = arith.constant 0 : i32
      %dma_start3A_1013 = arith.constant 0 : i32
      %dma_start3A_1014 = arith.constant 0 : i32
      %dma_start3A_1015 = tpu.memref_slice %arg9[%dma_start3A, %add3A_335, %dma_start3A_1012, %dma_start3A_1013, %dma_start3A_1014] : memref<2x512x64x4x128xf32, #tpu.memory_space<hbm>> -> memref<1x1x64x4x128xf32, #tpu.memory_space<hbm>>
      %dma_start3A_1016 = tpu.memref_squeeze %dma_start3A_1015 : memref<1x1x64x4x128xf32, #tpu.memory_space<hbm>> -> memref<64x4x128xf32, #tpu.memory_space<hbm>>
      %dma_start3A_1017 = arith.constant 0 : i32
      %dma_start3A_1018 = arith.constant 0 : i32
      %dma_start3A_1019 = tpu.memref_slice %arg2[%squeeze3A_337, %squeeze3A_339, %dma_start3A_1017, %dma_start3A_1018] : memref<8x2048x4x128xf32, #tpu.memory_space<hbm>> -> memref<1x64x4x128xf32, #tpu.memory_space<hbm>>
      %dma_start3A_1020 = tpu.memref_squeeze %dma_start3A_1019 : memref<1x64x4x128xf32, #tpu.memory_space<hbm>> -> memref<64x4x128xf32, #tpu.memory_space<hbm>>
      tpu.enqueue_dma source(%dma_start3A_1020 : memref<64x4x128xf32, #tpu.memory_space<hbm>>) target(%dma_start3A_1016 : memref<64x4x128xf32, #tpu.memory_space<hbm>>) target_semaphore(%arg15 : memref<!tpu.dma_semaphore, #tpu.memory_space<semaphore_mem>>)
    } else {
    }
    %eq3A_350 = arith.constant 0 : i32
    %eq3A_351 = arith.cmpi eq, %sub3A_344, %eq3A_350 : i32
    %convert_element_type3A_352 = arith.extui %eq3A_351 : i1 to i32
    %cond3A_353 = arith.constant 0 : i32
    %cond3A_354 = arith.cmpi ne, %convert_element_type3A_352, %cond3A_353 : i32
    scf.if %cond3A_354 {
      %dma_start3A = arith.constant 0 : i32
      %dma_start3A_1012 = arith.constant 0 : i32
      %dma_start3A_1013 = arith.constant 0 : i32
      %dma_start3A_1014 = arith.constant 0 : i32
      %dma_start3A_1015 = tpu.memref_slice %arg9[%dma_start3A, %add3A_335, %dma_start3A_1012, %dma_start3A_1013, %dma_start3A_1014] : memref<2x512x64x4x128xf32, #tpu.memory_space<hbm>> -> memref<1x1x64x4x128xf32, #tpu.memory_space<hbm>>
      %dma_start3A_1016 = tpu.memref_squeeze %dma_start3A_1015 : memref<1x1x64x4x128xf32, #tpu.memory_space<hbm>> -> memref<64x4x128xf32, #tpu.memory_space<hbm>>
      %dma_start3A_1017 = arith.constant 0 : i32
      %dma_start3A_1018 = arith.constant 0 : i32
      %dma_start3A_1019 = arith.constant 0 : i32
      %dma_start3A_1020 = tpu.memref_slice %arg9[%dma_start3A, %add3A_335, %dma_start3A_1017, %dma_start3A_1018, %dma_start3A_1019] : memref<2x512x64x4x128xf32, #tpu.memory_space<hbm>> -> memref<1x1x64x4x128xf32, #tpu.memory_space<hbm>>
      %dma_start3A_1021 = tpu.memref_squeeze %dma_start3A_1020 : memref<1x1x64x4x128xf32, #tpu.memory_space<hbm>> -> memref<64x4x128xf32, #tpu.memory_space<hbm>>
      tpu.enqueue_dma source(%arg14 : memref<64x4x128xf32, #tpu.memory_space<vmem>>) target(%dma_start3A_1021 : memref<64x4x128xf32, #tpu.memory_space<hbm>>) target_semaphore(%arg15 : memref<!tpu.dma_semaphore, #tpu.memory_space<semaphore_mem>>)
    } else {
    }
    %gt3A_355 = arith.constant 0 : i32
    %gt3A_356 = arith.cmpi sgt, %sub3A_344, %gt3A_355 : i32
    %lt3A_357 = arith.constant 64 : i32
    %lt3A_358 = arith.cmpi slt, %sub3A_344, %lt3A_357 : i32
    %and3A_359 = arith.andi %gt3A_356, %lt3A_358 : i1
    %convert_element_type3A_360 = arith.extui %and3A_359 : i1 to i32
    %cond3A_361 = arith.constant 0 : i32
    %cond3A_362 = arith.cmpi ne, %convert_element_type3A_360, %cond3A_361 : i32
    scf.if %cond3A_362 {
      %scan3A = arith.constant 0 : i32
      %scan3A_1012 = arith.constant 0 : i32
      %scan3A_1013 = arith.constant 64 : i32
      %scan3A_1014 = arith.addi %scan3A_1012, %scan3A_1013 : i32
      %scan3A_1015 = arith.constant 1 : i32
      scf.for %scan3A_1017 = %scan3A_1012 to %scan3A_1014 step %scan3A_1015  : i32 {
        %ge3A = arith.cmpi sge, %scan3A_1017, %squeeze3A_341 : i32
        %lt3A_1018 = arith.cmpi slt, %scan3A_1017, %squeeze3A_343 : i32
        %and3A_1019 = arith.andi %ge3A, %lt3A_1018 : i1
        %convert_element_type3A_1020 = arith.extui %and3A_1019 : i1 to i32
        %cond3A_1021 = arith.constant 0 : i32
        %cond3A_1022 = arith.cmpi ne, %convert_element_type3A_1020, %cond3A_1021 : i32
        scf.if %cond3A_1022 {
          %add3A_1027 = arith.addi %squeeze3A_339, %scan3A_1017 : i32
          %dma_start3A = arith.constant 0 : i32
          %dma_start3A_1028 = arith.constant 0 : i32
          %dma_start3A_1029 = arith.constant 0 : i32
          %dma_start3A_1030 = tpu.memref_slice %arg9[%dma_start3A, %add3A_335, %scan3A_1017, %dma_start3A_1028, %dma_start3A_1029] : memref<2x512x64x4x128xf32, #tpu.memory_space<hbm>> -> memref<1x1x1x4x128xf32, #tpu.memory_space<hbm>>
          %dma_start3A_1031 = tpu.memref_squeeze %dma_start3A_1030 : memref<1x1x1x4x128xf32, #tpu.memory_space<hbm>> -> memref<4x128xf32, #tpu.memory_space<hbm>>
          %dma_start3A_1032 = arith.constant 0 : i32
          %dma_start3A_1033 = arith.constant 0 : i32
          %dma_start3A_1034 = tpu.memref_slice %arg2[%squeeze3A_337, %add3A_1027, %dma_start3A_1032, %dma_start3A_1033] : memref<8x2048x4x128xf32, #tpu.memory_space<hbm>> -> memref<1x1x4x128xf32, #tpu.memory_space<hbm>>
          %dma_start3A_1035 = tpu.memref_squeeze %dma_start3A_1034 : memref<1x1x4x128xf32, #tpu.memory_space<hbm>> -> memref<4x128xf32, #tpu.memory_space<hbm>>
          tpu.enqueue_dma source(%dma_start3A_1035 : memref<4x128xf32, #tpu.memory_space<hbm>>) target(%dma_start3A_1031 : memref<4x128xf32, #tpu.memory_space<hbm>>) target_semaphore(%arg15 : memref<!tpu.dma_semaphore, #tpu.memory_space<semaphore_mem>>)
        } else {
        }
        %not3A = arith.constant true
        %not3A_1023 = arith.xori %and3A_1019, %not3A : i1
        %convert_element_type3A_1024 = arith.extui %not3A_1023 : i1 to i32
        %cond3A_1025 = arith.constant 0 : i32
        %cond3A_1026 = arith.cmpi ne, %convert_element_type3A_1024, %cond3A_1025 : i32
        scf.if %cond3A_1026 {
          %dma_start3A = arith.constant 0 : i32
          %dma_start3A_1027 = arith.constant 0 : i32
          %dma_start3A_1028 = arith.constant 0 : i32
          %dma_start3A_1029 = arith.constant 0 : i32
          %dma_start3A_1030 = tpu.memref_slice %arg14[%dma_start3A, %dma_start3A_1028, %dma_start3A_1029] : memref<64x4x128xf32, #tpu.memory_space<vmem>> -> memref<1x4x128xf32, #tpu.memory_space<vmem>>
          %dma_start3A_1031 = tpu.memref_squeeze %dma_start3A_1030 : memref<1x4x128xf32, #tpu.memory_space<vmem>> -> memref<4x128xf32, #tpu.memory_space<vmem>>
          %dma_start3A_1032 = arith.constant 0 : i32
          %dma_start3A_1033 = arith.constant 0 : i32
          %dma_start3A_1034 = tpu.memref_slice %arg9[%dma_start3A_1027, %add3A_335, %scan3A_1017, %dma_start3A_1032, %dma_start3A_1033] : memref<2x512x64x4x128xf32, #tpu.memory_space<hbm>> -> memref<1x1x1x4x128xf32, #tpu.memory_space<hbm>>
          %dma_start3A_1035 = tpu.memref_squeeze %dma_start3A_1034 : memref<1x1x1x4x128xf32, #tpu.memory_space<hbm>> -> memref<4x128xf32, #tpu.memory_space<hbm>>
          %dma_start3A_1036 = arith.constant 0 : i32
          %dma_start3A_1037 = arith.constant 0 : i32
          %dma_start3A_1038 = tpu.memref_slice %arg9[%dma_start3A_1027, %add3A_335, %scan3A_1017, %dma_start3A_1036, %dma_start3A_1037] : memref<2x512x64x4x128xf32, #tpu.memory_space<hbm>> -> memref<1x1x1x4x128xf32, #tpu.memory_space<hbm>>
          %dma_start3A_1039 = tpu.memref_squeeze %dma_start3A_1038 : memref<1x1x1x4x128xf32, #tpu.memory_space<hbm>> -> memref<4x128xf32, #tpu.memory_space<hbm>>
          %dma_start3A_1040 = arith.constant 0 : i32
          %dma_start3A_1041 = arith.constant 0 : i32
          %dma_start3A_1042 = tpu.memref_slice %arg14[%dma_start3A, %dma_start3A_1040, %dma_start3A_1041] : memref<64x4x128xf32, #tpu.memory_space<vmem>> -> memref<1x4x128xf32, #tpu.memory_space<vmem>>
          %dma_start3A_1043 = tpu.memref_squeeze %dma_start3A_1042 : memref<1x4x128xf32, #tpu.memory_space<vmem>> -> memref<4x128xf32, #tpu.memory_space<vmem>>
          tpu.enqueue_dma source(%dma_start3A_1043 : memref<4x128xf32, #tpu.memory_space<vmem>>) target(%dma_start3A_1039 : memref<4x128xf32, #tpu.memory_space<hbm>>) target_semaphore(%arg15 : memref<!tpu.dma_semaphore, #tpu.memory_space<semaphore_mem>>)
        } else {
        }
      }
      %scan3A_1016 = arith.constant 64 : i32
    } else {
    }
    %eq3A_363 = arith.constant 64 : i32
    %eq3A_364 = arith.cmpi eq, %sub3A_344, %eq3A_363 : i32
    %convert_element_type3A_365 = arith.extui %eq3A_364 : i1 to i32
    %cond3A_366 = arith.constant 0 : i32
    %cond3A_367 = arith.cmpi ne, %convert_element_type3A_365, %cond3A_366 : i32
    scf.if %cond3A_367 {
      %dma_start3A = arith.constant 1 : i32
      %dma_start3A_1012 = arith.constant 0 : i32
      %dma_start3A_1013 = arith.constant 0 : i32
      %dma_start3A_1014 = arith.constant 0 : i32
      %dma_start3A_1015 = tpu.memref_slice %arg9[%dma_start3A, %add3A_335, %dma_start3A_1012, %dma_start3A_1013, %dma_start3A_1014] : memref<2x512x64x4x128xf32, #tpu.memory_space<hbm>> -> memref<1x1x64x4x128xf32, #tpu.memory_space<hbm>>
      %dma_start3A_1016 = tpu.memref_squeeze %dma_start3A_1015 : memref<1x1x64x4x128xf32, #tpu.memory_space<hbm>> -> memref<64x4x128xf32, #tpu.memory_space<hbm>>
      %dma_start3A_1017 = arith.constant 0 : i32
      %dma_start3A_1018 = arith.constant 0 : i32
      %dma_start3A_1019 = tpu.memref_slice %arg3[%squeeze3A_337, %squeeze3A_339, %dma_start3A_1017, %dma_start3A_1018] : memref<8x2048x4x128xf32, #tpu.memory_space<hbm>> -> memref<1x64x4x128xf32, #tpu.memory_space<hbm>>
      %dma_start3A_1020 = tpu.memref_squeeze %dma_start3A_1019 : memref<1x64x4x128xf32, #tpu.memory_space<hbm>> -> memref<64x4x128xf32, #tpu.memory_space<hbm>>
      tpu.enqueue_dma source(%dma_start3A_1020 : memref<64x4x128xf32, #tpu.memory_space<hbm>>) target(%dma_start3A_1016 : memref<64x4x128xf32, #tpu.memory_space<hbm>>) target_semaphore(%arg15 : memref<!tpu.dma_semaphore, #tpu.memory_space<semaphore_mem>>)
    } else {
    }
    %eq3A_368 = arith.constant 0 : i32
    %eq3A_369 = arith.cmpi eq, %sub3A_344, %eq3A_368 : i32
    %convert_element_type3A_370 = arith.extui %eq3A_369 : i1 to i32
    %cond3A_371 = arith.constant 0 : i32
    %cond3A_372 = arith.cmpi ne, %convert_element_type3A_370, %cond3A_371 : i32
    scf.if %cond3A_372 {
      %dma_start3A = arith.constant 1 : i32
      %dma_start3A_1012 = arith.constant 0 : i32
      %dma_start3A_1013 = arith.constant 0 : i32
      %dma_start3A_1014 = arith.constant 0 : i32
      %dma_start3A_1015 = tpu.memref_slice %arg9[%dma_start3A, %add3A_335, %dma_start3A_1012, %dma_start3A_1013, %dma_start3A_1014] : memref<2x512x64x4x128xf32, #tpu.memory_space<hbm>> -> memref<1x1x64x4x128xf32, #tpu.memory_space<hbm>>
      %dma_start3A_1016 = tpu.memref_squeeze %dma_start3A_1015 : memref<1x1x64x4x128xf32, #tpu.memory_space<hbm>> -> memref<64x4x128xf32, #tpu.memory_space<hbm>>
      %dma_start3A_1017 = arith.constant 0 : i32
      %dma_start3A_1018 = arith.constant 0 : i32
      %dma_start3A_1019 = arith.constant 0 : i32
      %dma_start3A_1020 = tpu.memref_slice %arg9[%dma_start3A, %add3A_335, %dma_start3A_1017, %dma_start3A_1018, %dma_start3A_1019] : memref<2x512x64x4x128xf32, #tpu.memory_space<hbm>> -> memref<1x1x64x4x128xf32, #tpu.memory_space<hbm>>
      %dma_start3A_1021 = tpu.memref_squeeze %dma_start3A_1020 : memref<1x1x64x4x128xf32, #tpu.memory_space<hbm>> -> memref<64x4x128xf32, #tpu.memory_space<hbm>>
      tpu.enqueue_dma source(%arg14 : memref<64x4x128xf32, #tpu.memory_space<vmem>>) target(%dma_start3A_1021 : memref<64x4x128xf32, #tpu.memory_space<hbm>>) target_semaphore(%arg15 : memref<!tpu.dma_semaphore, #tpu.memory_space<semaphore_mem>>)
    } else {
    }
    %gt3A_373 = arith.constant 0 : i32
    %gt3A_374 = arith.cmpi sgt, %sub3A_344, %gt3A_373 : i32
    %lt3A_375 = arith.constant 64 : i32
    %lt3A_376 = arith.cmpi slt, %sub3A_344, %lt3A_375 : i32
    %and3A_377 = arith.andi %gt3A_374, %lt3A_376 : i1
    %convert_element_type3A_378 = arith.extui %and3A_377 : i1 to i32
    %cond3A_379 = arith.constant 0 : i32
    %cond3A_380 = arith.cmpi ne, %convert_element_type3A_378, %cond3A_379 : i32
    scf.if %cond3A_380 {
      %scan3A = arith.constant 0 : i32
      %scan3A_1012 = arith.constant 0 : i32
      %scan3A_1013 = arith.constant 64 : i32
      %scan3A_1014 = arith.addi %scan3A_1012, %scan3A_1013 : i32
      %scan3A_1015 = arith.constant 1 : i32
      scf.for %scan3A_1017 = %scan3A_1012 to %scan3A_1014 step %scan3A_1015  : i32 {
        %ge3A = arith.cmpi sge, %scan3A_1017, %squeeze3A_341 : i32
        %lt3A_1018 = arith.cmpi slt, %scan3A_1017, %squeeze3A_343 : i32
        %and3A_1019 = arith.andi %ge3A, %lt3A_1018 : i1
        %convert_element_type3A_1020 = arith.extui %and3A_1019 : i1 to i32
        %cond3A_1021 = arith.constant 0 : i32
        %cond3A_1022 = arith.cmpi ne, %convert_element_type3A_1020, %cond3A_1021 : i32
        scf.if %cond3A_1022 {
          %add3A_1027 = arith.addi %squeeze3A_339, %scan3A_1017 : i32
          %dma_start3A = arith.constant 1 : i32
          %dma_start3A_1028 = arith.constant 0 : i32
          %dma_start3A_1029 = arith.constant 0 : i32
          %dma_start3A_1030 = tpu.memref_slice %arg9[%dma_start3A, %add3A_335, %scan3A_1017, %dma_start3A_1028, %dma_start3A_1029] : memref<2x512x64x4x128xf32, #tpu.memory_space<hbm>> -> memref<1x1x1x4x128xf32, #tpu.memory_space<hbm>>
          %dma_start3A_1031 = tpu.memref_squeeze %dma_start3A_1030 : memref<1x1x1x4x128xf32, #tpu.memory_space<hbm>> -> memref<4x128xf32, #tpu.memory_space<hbm>>
          %dma_start3A_1032 = arith.constant 0 : i32
          %dma_start3A_1033 = arith.constant 0 : i32
          %dma_start3A_1034 = tpu.memref_slice %arg3[%squeeze3A_337, %add3A_1027, %dma_start3A_1032, %dma_start3A_1033] : memref<8x2048x4x128xf32, #tpu.memory_space<hbm>> -> memref<1x1x4x128xf32, #tpu.memory_space<hbm>>
          %dma_start3A_1035 = tpu.memref_squeeze %dma_start3A_1034 : memref<1x1x4x128xf32, #tpu.memory_space<hbm>> -> memref<4x128xf32, #tpu.memory_space<hbm>>
          tpu.enqueue_dma source(%dma_start3A_1035 : memref<4x128xf32, #tpu.memory_space<hbm>>) target(%dma_start3A_1031 : memref<4x128xf32, #tpu.memory_space<hbm>>) target_semaphore(%arg15 : memref<!tpu.dma_semaphore, #tpu.memory_space<semaphore_mem>>)
        } else {
        }
        %not3A = arith.constant true
        %not3A_1023 = arith.xori %and3A_1019, %not3A : i1
        %convert_element_type3A_1024 = arith.extui %not3A_1023 : i1 to i32
        %cond3A_1025 = arith.constant 0 : i32
        %cond3A_1026 = arith.cmpi ne, %convert_element_type3A_1024, %cond3A_1025 : i32
        scf.if %cond3A_1026 {
          %dma_start3A = arith.constant 0 : i32
          %dma_start3A_1027 = arith.constant 1 : i32
          %dma_start3A_1028 = arith.constant 0 : i32
          %dma_start3A_1029 = arith.constant 0 : i32
          %dma_start3A_1030 = tpu.memref_slice %arg14[%dma_start3A, %dma_start3A_1028, %dma_start3A_1029] : memref<64x4x128xf32, #tpu.memory_space<vmem>> -> memref<1x4x128xf32, #tpu.memory_space<vmem>>
          %dma_start3A_1031 = tpu.memref_squeeze %dma_start3A_1030 : memref<1x4x128xf32, #tpu.memory_space<vmem>> -> memref<4x128xf32, #tpu.memory_space<vmem>>
          %dma_start3A_1032 = arith.constant 0 : i32
          %dma_start3A_1033 = arith.constant 0 : i32
          %dma_start3A_1034 = tpu.memref_slice %arg9[%dma_start3A_1027, %add3A_335, %scan3A_1017, %dma_start3A_1032, %dma_start3A_1033] : memref<2x512x64x4x128xf32, #tpu.memory_space<hbm>> -> memref<1x1x1x4x128xf32, #tpu.memory_space<hbm>>
          %dma_start3A_1035 = tpu.memref_squeeze %dma_start3A_1034 : memref<1x1x1x4x128xf32, #tpu.memory_space<hbm>> -> memref<4x128xf32, #tpu.memory_space<hbm>>
          %dma_start3A_1036 = arith.constant 0 : i32
          %dma_start3A_1037 = arith.constant 0 : i32
          %dma_start3A_1038 = tpu.memref_slice %arg9[%dma_start3A_1027, %add3A_335, %scan3A_1017, %dma_start3A_1036, %dma_start3A_1037] : memref<2x512x64x4x128xf32, #tpu.memory_space<hbm>> -> memref<1x1x1x4x128xf32, #tpu.memory_space<hbm>>
          %dma_start3A_1039 = tpu.memref_squeeze %dma_start3A_1038 : memref<1x1x1x4x128xf32, #tpu.memory_space<hbm>> -> memref<4x128xf32, #tpu.memory_space<hbm>>
          %dma_start3A_1040 = arith.constant 0 : i32
          %dma_start3A_1041 = arith.constant 0 : i32
          %dma_start3A_1042 = tpu.memref_slice %arg14[%dma_start3A, %dma_start3A_1040, %dma_start3A_1041] : memref<64x4x128xf32, #tpu.memory_space<vmem>> -> memref<1x4x128xf32, #tpu.memory_space<vmem>>
          %dma_start3A_1043 = tpu.memref_squeeze %dma_start3A_1042 : memref<1x4x128xf32, #tpu.memory_space<vmem>> -> memref<4x128xf32, #tpu.memory_space<vmem>>
          tpu.enqueue_dma source(%dma_start3A_1043 : memref<4x128xf32, #tpu.memory_space<vmem>>) target(%dma_start3A_1039 : memref<4x128xf32, #tpu.memory_space<hbm>>) target_semaphore(%arg15 : memref<!tpu.dma_semaphore, #tpu.memory_space<semaphore_mem>>)
        } else {
        }
      }
      %scan3A_1016 = arith.constant 64 : i32
    } else {
    }
    %add3A_381 = arith.constant 8 : i32
    %add3A_382 = arith.addi %mul3A_2, %add3A_381 : i32
    %slice3A_383 = vector.extract_strided_slice %get3A_4 {offsets = [8], sizes = [1], strides = [1]} : vector<16xi32> to vector<1xi32>
    %squeeze3A_384 = vector.extract %slice3A_383[0] : i32 from vector<1xi32>
    %slice3A_385 = vector.extract_strided_slice %get3A_7 {offsets = [8], sizes = [1], strides = [1]} : vector<16xi32> to vector<1xi32>
    %squeeze3A_386 = vector.extract %slice3A_385[0] : i32 from vector<1xi32>
    %slice3A_387 = vector.extract_strided_slice %get3A_10 {offsets = [8], sizes = [1], strides = [1]} : vector<16xi32> to vector<1xi32>
    %squeeze3A_388 = vector.extract %slice3A_387[0] : i32 from vector<1xi32>
    %slice3A_389 = vector.extract_strided_slice %get3A_13 {offsets = [8], sizes = [1], strides = [1]} : vector<16xi32> to vector<1xi32>
    %squeeze3A_390 = vector.extract %slice3A_389[0] : i32 from vector<1xi32>
    %sub3A_391 = arith.subi %squeeze3A_390, %squeeze3A_388 : i32
    %eq3A_392 = arith.constant 64 : i32
    %eq3A_393 = arith.cmpi eq, %sub3A_391, %eq3A_392 : i32
    %convert_element_type3A_394 = arith.extui %eq3A_393 : i1 to i32
    %cond3A_395 = arith.constant 0 : i32
    %cond3A_396 = arith.cmpi ne, %convert_element_type3A_394, %cond3A_395 : i32
    scf.if %cond3A_396 {
      %dma_start3A = arith.constant 0 : i32
      %dma_start3A_1012 = arith.constant 0 : i32
      %dma_start3A_1013 = arith.constant 0 : i32
      %dma_start3A_1014 = arith.constant 0 : i32
      %dma_start3A_1015 = tpu.memref_slice %arg9[%dma_start3A, %add3A_382, %dma_start3A_1012, %dma_start3A_1013, %dma_start3A_1014] : memref<2x512x64x4x128xf32, #tpu.memory_space<hbm>> -> memref<1x1x64x4x128xf32, #tpu.memory_space<hbm>>
      %dma_start3A_1016 = tpu.memref_squeeze %dma_start3A_1015 : memref<1x1x64x4x128xf32, #tpu.memory_space<hbm>> -> memref<64x4x128xf32, #tpu.memory_space<hbm>>
      %dma_start3A_1017 = arith.constant 0 : i32
      %dma_start3A_1018 = arith.constant 0 : i32
      %dma_start3A_1019 = tpu.memref_slice %arg2[%squeeze3A_384, %squeeze3A_386, %dma_start3A_1017, %dma_start3A_1018] : memref<8x2048x4x128xf32, #tpu.memory_space<hbm>> -> memref<1x64x4x128xf32, #tpu.memory_space<hbm>>
      %dma_start3A_1020 = tpu.memref_squeeze %dma_start3A_1019 : memref<1x64x4x128xf32, #tpu.memory_space<hbm>> -> memref<64x4x128xf32, #tpu.memory_space<hbm>>
      tpu.enqueue_dma source(%dma_start3A_1020 : memref<64x4x128xf32, #tpu.memory_space<hbm>>) target(%dma_start3A_1016 : memref<64x4x128xf32, #tpu.memory_space<hbm>>) target_semaphore(%arg15 : memref<!tpu.dma_semaphore, #tpu.memory_space<semaphore_mem>>)
    } else {
    }
    %eq3A_397 = arith.constant 0 : i32
    %eq3A_398 = arith.cmpi eq, %sub3A_391, %eq3A_397 : i32
    %convert_element_type3A_399 = arith.extui %eq3A_398 : i1 to i32
    %cond3A_400 = arith.constant 0 : i32
    %cond3A_401 = arith.cmpi ne, %convert_element_type3A_399, %cond3A_400 : i32
    scf.if %cond3A_401 {
      %dma_start3A = arith.constant 0 : i32
      %dma_start3A_1012 = arith.constant 0 : i32
      %dma_start3A_1013 = arith.constant 0 : i32
      %dma_start3A_1014 = arith.constant 0 : i32
      %dma_start3A_1015 = tpu.memref_slice %arg9[%dma_start3A, %add3A_382, %dma_start3A_1012, %dma_start3A_1013, %dma_start3A_1014] : memref<2x512x64x4x128xf32, #tpu.memory_space<hbm>> -> memref<1x1x64x4x128xf32, #tpu.memory_space<hbm>>
      %dma_start3A_1016 = tpu.memref_squeeze %dma_start3A_1015 : memref<1x1x64x4x128xf32, #tpu.memory_space<hbm>> -> memref<64x4x128xf32, #tpu.memory_space<hbm>>
      %dma_start3A_1017 = arith.constant 0 : i32
      %dma_start3A_1018 = arith.constant 0 : i32
      %dma_start3A_1019 = arith.constant 0 : i32
      %dma_start3A_1020 = tpu.memref_slice %arg9[%dma_start3A, %add3A_382, %dma_start3A_1017, %dma_start3A_1018, %dma_start3A_1019] : memref<2x512x64x4x128xf32, #tpu.memory_space<hbm>> -> memref<1x1x64x4x128xf32, #tpu.memory_space<hbm>>
      %dma_start3A_1021 = tpu.memref_squeeze %dma_start3A_1020 : memref<1x1x64x4x128xf32, #tpu.memory_space<hbm>> -> memref<64x4x128xf32, #tpu.memory_space<hbm>>
      tpu.enqueue_dma source(%arg14 : memref<64x4x128xf32, #tpu.memory_space<vmem>>) target(%dma_start3A_1021 : memref<64x4x128xf32, #tpu.memory_space<hbm>>) target_semaphore(%arg15 : memref<!tpu.dma_semaphore, #tpu.memory_space<semaphore_mem>>)
    } else {
    }
    %gt3A_402 = arith.constant 0 : i32
    %gt3A_403 = arith.cmpi sgt, %sub3A_391, %gt3A_402 : i32
    %lt3A_404 = arith.constant 64 : i32
    %lt3A_405 = arith.cmpi slt, %sub3A_391, %lt3A_404 : i32
    %and3A_406 = arith.andi %gt3A_403, %lt3A_405 : i1
    %convert_element_type3A_407 = arith.extui %and3A_406 : i1 to i32
    %cond3A_408 = arith.constant 0 : i32
    %cond3A_409 = arith.cmpi ne, %convert_element_type3A_407, %cond3A_408 : i32
    scf.if %cond3A_409 {
      %scan3A = arith.constant 0 : i32
      %scan3A_1012 = arith.constant 0 : i32
      %scan3A_1013 = arith.constant 64 : i32
      %scan3A_1014 = arith.addi %scan3A_1012, %scan3A_1013 : i32
      %scan3A_1015 = arith.constant 1 : i32
      scf.for %scan3A_1017 = %scan3A_1012 to %scan3A_1014 step %scan3A_1015  : i32 {
        %ge3A = arith.cmpi sge, %scan3A_1017, %squeeze3A_388 : i32
        %lt3A_1018 = arith.cmpi slt, %scan3A_1017, %squeeze3A_390 : i32
        %and3A_1019 = arith.andi %ge3A, %lt3A_1018 : i1
        %convert_element_type3A_1020 = arith.extui %and3A_1019 : i1 to i32
        %cond3A_1021 = arith.constant 0 : i32
        %cond3A_1022 = arith.cmpi ne, %convert_element_type3A_1020, %cond3A_1021 : i32
        scf.if %cond3A_1022 {
          %add3A_1027 = arith.addi %squeeze3A_386, %scan3A_1017 : i32
          %dma_start3A = arith.constant 0 : i32
          %dma_start3A_1028 = arith.constant 0 : i32
          %dma_start3A_1029 = arith.constant 0 : i32
          %dma_start3A_1030 = tpu.memref_slice %arg9[%dma_start3A, %add3A_382, %scan3A_1017, %dma_start3A_1028, %dma_start3A_1029] : memref<2x512x64x4x128xf32, #tpu.memory_space<hbm>> -> memref<1x1x1x4x128xf32, #tpu.memory_space<hbm>>
          %dma_start3A_1031 = tpu.memref_squeeze %dma_start3A_1030 : memref<1x1x1x4x128xf32, #tpu.memory_space<hbm>> -> memref<4x128xf32, #tpu.memory_space<hbm>>
          %dma_start3A_1032 = arith.constant 0 : i32
          %dma_start3A_1033 = arith.constant 0 : i32
          %dma_start3A_1034 = tpu.memref_slice %arg2[%squeeze3A_384, %add3A_1027, %dma_start3A_1032, %dma_start3A_1033] : memref<8x2048x4x128xf32, #tpu.memory_space<hbm>> -> memref<1x1x4x128xf32, #tpu.memory_space<hbm>>
          %dma_start3A_1035 = tpu.memref_squeeze %dma_start3A_1034 : memref<1x1x4x128xf32, #tpu.memory_space<hbm>> -> memref<4x128xf32, #tpu.memory_space<hbm>>
          tpu.enqueue_dma source(%dma_start3A_1035 : memref<4x128xf32, #tpu.memory_space<hbm>>) target(%dma_start3A_1031 : memref<4x128xf32, #tpu.memory_space<hbm>>) target_semaphore(%arg15 : memref<!tpu.dma_semaphore, #tpu.memory_space<semaphore_mem>>)
        } else {
        }
        %not3A = arith.constant true
        %not3A_1023 = arith.xori %and3A_1019, %not3A : i1
        %convert_element_type3A_1024 = arith.extui %not3A_1023 : i1 to i32
        %cond3A_1025 = arith.constant 0 : i32
        %cond3A_1026 = arith.cmpi ne, %convert_element_type3A_1024, %cond3A_1025 : i32
        scf.if %cond3A_1026 {
          %dma_start3A = arith.constant 0 : i32
          %dma_start3A_1027 = arith.constant 0 : i32
          %dma_start3A_1028 = arith.constant 0 : i32
          %dma_start3A_1029 = arith.constant 0 : i32
          %dma_start3A_1030 = tpu.memref_slice %arg14[%dma_start3A, %dma_start3A_1028, %dma_start3A_1029] : memref<64x4x128xf32, #tpu.memory_space<vmem>> -> memref<1x4x128xf32, #tpu.memory_space<vmem>>
          %dma_start3A_1031 = tpu.memref_squeeze %dma_start3A_1030 : memref<1x4x128xf32, #tpu.memory_space<vmem>> -> memref<4x128xf32, #tpu.memory_space<vmem>>
          %dma_start3A_1032 = arith.constant 0 : i32
          %dma_start3A_1033 = arith.constant 0 : i32
          %dma_start3A_1034 = tpu.memref_slice %arg9[%dma_start3A_1027, %add3A_382, %scan3A_1017, %dma_start3A_1032, %dma_start3A_1033] : memref<2x512x64x4x128xf32, #tpu.memory_space<hbm>> -> memref<1x1x1x4x128xf32, #tpu.memory_space<hbm>>
          %dma_start3A_1035 = tpu.memref_squeeze %dma_start3A_1034 : memref<1x1x1x4x128xf32, #tpu.memory_space<hbm>> -> memref<4x128xf32, #tpu.memory_space<hbm>>
          %dma_start3A_1036 = arith.constant 0 : i32
          %dma_start3A_1037 = arith.constant 0 : i32
          %dma_start3A_1038 = tpu.memref_slice %arg9[%dma_start3A_1027, %add3A_382, %scan3A_1017, %dma_start3A_1036, %dma_start3A_1037] : memref<2x512x64x4x128xf32, #tpu.memory_space<hbm>> -> memref<1x1x1x4x128xf32, #tpu.memory_space<hbm>>
          %dma_start3A_1039 = tpu.memref_squeeze %dma_start3A_1038 : memref<1x1x1x4x128xf32, #tpu.memory_space<hbm>> -> memref<4x128xf32, #tpu.memory_space<hbm>>
          %dma_start3A_1040 = arith.constant 0 : i32
          %dma_start3A_1041 = arith.constant 0 : i32
          %dma_start3A_1042 = tpu.memref_slice %arg14[%dma_start3A, %dma_start3A_1040, %dma_start3A_1041] : memref<64x4x128xf32, #tpu.memory_space<vmem>> -> memref<1x4x128xf32, #tpu.memory_space<vmem>>
          %dma_start3A_1043 = tpu.memref_squeeze %dma_start3A_1042 : memref<1x4x128xf32, #tpu.memory_space<vmem>> -> memref<4x128xf32, #tpu.memory_space<vmem>>
          tpu.enqueue_dma source(%dma_start3A_1043 : memref<4x128xf32, #tpu.memory_space<vmem>>) target(%dma_start3A_1039 : memref<4x128xf32, #tpu.memory_space<hbm>>) target_semaphore(%arg15 : memref<!tpu.dma_semaphore, #tpu.memory_space<semaphore_mem>>)
        } else {
        }
      }
      %scan3A_1016 = arith.constant 64 : i32
    } else {
    }
    %eq3A_410 = arith.constant 64 : i32
    %eq3A_411 = arith.cmpi eq, %sub3A_391, %eq3A_410 : i32
    %convert_element_type3A_412 = arith.extui %eq3A_411 : i1 to i32
    %cond3A_413 = arith.constant 0 : i32
    %cond3A_414 = arith.cmpi ne, %convert_element_type3A_412, %cond3A_413 : i32
    scf.if %cond3A_414 {
      %dma_start3A = arith.constant 1 : i32
      %dma_start3A_1012 = arith.constant 0 : i32
      %dma_start3A_1013 = arith.constant 0 : i32
      %dma_start3A_1014 = arith.constant 0 : i32
      %dma_start3A_1015 = tpu.memref_slice %arg9[%dma_start3A, %add3A_382, %dma_start3A_1012, %dma_start3A_1013, %dma_start3A_1014] : memref<2x512x64x4x128xf32, #tpu.memory_space<hbm>> -> memref<1x1x64x4x128xf32, #tpu.memory_space<hbm>>
      %dma_start3A_1016 = tpu.memref_squeeze %dma_start3A_1015 : memref<1x1x64x4x128xf32, #tpu.memory_space<hbm>> -> memref<64x4x128xf32, #tpu.memory_space<hbm>>
      %dma_start3A_1017 = arith.constant 0 : i32
      %dma_start3A_1018 = arith.constant 0 : i32
      %dma_start3A_1019 = tpu.memref_slice %arg3[%squeeze3A_384, %squeeze3A_386, %dma_start3A_1017, %dma_start3A_1018] : memref<8x2048x4x128xf32, #tpu.memory_space<hbm>> -> memref<1x64x4x128xf32, #tpu.memory_space<hbm>>
      %dma_start3A_1020 = tpu.memref_squeeze %dma_start3A_1019 : memref<1x64x4x128xf32, #tpu.memory_space<hbm>> -> memref<64x4x128xf32, #tpu.memory_space<hbm>>
      tpu.enqueue_dma source(%dma_start3A_1020 : memref<64x4x128xf32, #tpu.memory_space<hbm>>) target(%dma_start3A_1016 : memref<64x4x128xf32, #tpu.memory_space<hbm>>) target_semaphore(%arg15 : memref<!tpu.dma_semaphore, #tpu.memory_space<semaphore_mem>>)
    } else {
    }
    %eq3A_415 = arith.constant 0 : i32
    %eq3A_416 = arith.cmpi eq, %sub3A_391, %eq3A_415 : i32
    %convert_element_type3A_417 = arith.extui %eq3A_416 : i1 to i32
    %cond3A_418 = arith.constant 0 : i32
    %cond3A_419 = arith.cmpi ne, %convert_element_type3A_417, %cond3A_418 : i32
    scf.if %cond3A_419 {
      %dma_start3A = arith.constant 1 : i32
      %dma_start3A_1012 = arith.constant 0 : i32
      %dma_start3A_1013 = arith.constant 0 : i32
      %dma_start3A_1014 = arith.constant 0 : i32
      %dma_start3A_1015 = tpu.memref_slice %arg9[%dma_start3A, %add3A_382, %dma_start3A_1012, %dma_start3A_1013, %dma_start3A_1014] : memref<2x512x64x4x128xf32, #tpu.memory_space<hbm>> -> memref<1x1x64x4x128xf32, #tpu.memory_space<hbm>>
      %dma_start3A_1016 = tpu.memref_squeeze %dma_start3A_1015 : memref<1x1x64x4x128xf32, #tpu.memory_space<hbm>> -> memref<64x4x128xf32, #tpu.memory_space<hbm>>
      %dma_start3A_1017 = arith.constant 0 : i32
      %dma_start3A_1018 = arith.constant 0 : i32
      %dma_start3A_1019 = arith.constant 0 : i32
      %dma_start3A_1020 = tpu.memref_slice %arg9[%dma_start3A, %add3A_382, %dma_start3A_1017, %dma_start3A_1018, %dma_start3A_1019] : memref<2x512x64x4x128xf32, #tpu.memory_space<hbm>> -> memref<1x1x64x4x128xf32, #tpu.memory_space<hbm>>
      %dma_start3A_1021 = tpu.memref_squeeze %dma_start3A_1020 : memref<1x1x64x4x128xf32, #tpu.memory_space<hbm>> -> memref<64x4x128xf32, #tpu.memory_space<hbm>>
      tpu.enqueue_dma source(%arg14 : memref<64x4x128xf32, #tpu.memory_space<vmem>>) target(%dma_start3A_1021 : memref<64x4x128xf32, #tpu.memory_space<hbm>>) target_semaphore(%arg15 : memref<!tpu.dma_semaphore, #tpu.memory_space<semaphore_mem>>)
    } else {
    }
    %gt3A_420 = arith.constant 0 : i32
    %gt3A_421 = arith.cmpi sgt, %sub3A_391, %gt3A_420 : i32
    %lt3A_422 = arith.constant 64 : i32
    %lt3A_423 = arith.cmpi slt, %sub3A_391, %lt3A_422 : i32
    %and3A_424 = arith.andi %gt3A_421, %lt3A_423 : i1
    %convert_element_type3A_425 = arith.extui %and3A_424 : i1 to i32
    %cond3A_426 = arith.constant 0 : i32
    %cond3A_427 = arith.cmpi ne, %convert_element_type3A_425, %cond3A_426 : i32
    scf.if %cond3A_427 {
      %scan3A = arith.constant 0 : i32
      %scan3A_1012 = arith.constant 0 : i32
      %scan3A_1013 = arith.constant 64 : i32
      %scan3A_1014 = arith.addi %scan3A_1012, %scan3A_1013 : i32
      %scan3A_1015 = arith.constant 1 : i32
      scf.for %scan3A_1017 = %scan3A_1012 to %scan3A_1014 step %scan3A_1015  : i32 {
        %ge3A = arith.cmpi sge, %scan3A_1017, %squeeze3A_388 : i32
        %lt3A_1018 = arith.cmpi slt, %scan3A_1017, %squeeze3A_390 : i32
        %and3A_1019 = arith.andi %ge3A, %lt3A_1018 : i1
        %convert_element_type3A_1020 = arith.extui %and3A_1019 : i1 to i32
        %cond3A_1021 = arith.constant 0 : i32
        %cond3A_1022 = arith.cmpi ne, %convert_element_type3A_1020, %cond3A_1021 : i32
        scf.if %cond3A_1022 {
          %add3A_1027 = arith.addi %squeeze3A_386, %scan3A_1017 : i32
          %dma_start3A = arith.constant 1 : i32
          %dma_start3A_1028 = arith.constant 0 : i32
          %dma_start3A_1029 = arith.constant 0 : i32
          %dma_start3A_1030 = tpu.memref_slice %arg9[%dma_start3A, %add3A_382, %scan3A_1017, %dma_start3A_1028, %dma_start3A_1029] : memref<2x512x64x4x128xf32, #tpu.memory_space<hbm>> -> memref<1x1x1x4x128xf32, #tpu.memory_space<hbm>>
          %dma_start3A_1031 = tpu.memref_squeeze %dma_start3A_1030 : memref<1x1x1x4x128xf32, #tpu.memory_space<hbm>> -> memref<4x128xf32, #tpu.memory_space<hbm>>
          %dma_start3A_1032 = arith.constant 0 : i32
          %dma_start3A_1033 = arith.constant 0 : i32
          %dma_start3A_1034 = tpu.memref_slice %arg3[%squeeze3A_384, %add3A_1027, %dma_start3A_1032, %dma_start3A_1033] : memref<8x2048x4x128xf32, #tpu.memory_space<hbm>> -> memref<1x1x4x128xf32, #tpu.memory_space<hbm>>
          %dma_start3A_1035 = tpu.memref_squeeze %dma_start3A_1034 : memref<1x1x4x128xf32, #tpu.memory_space<hbm>> -> memref<4x128xf32, #tpu.memory_space<hbm>>
          tpu.enqueue_dma source(%dma_start3A_1035 : memref<4x128xf32, #tpu.memory_space<hbm>>) target(%dma_start3A_1031 : memref<4x128xf32, #tpu.memory_space<hbm>>) target_semaphore(%arg15 : memref<!tpu.dma_semaphore, #tpu.memory_space<semaphore_mem>>)
        } else {
        }
        %not3A = arith.constant true
        %not3A_1023 = arith.xori %and3A_1019, %not3A : i1
        %convert_element_type3A_1024 = arith.extui %not3A_1023 : i1 to i32
        %cond3A_1025 = arith.constant 0 : i32
        %cond3A_1026 = arith.cmpi ne, %convert_element_type3A_1024, %cond3A_1025 : i32
        scf.if %cond3A_1026 {
          %dma_start3A = arith.constant 0 : i32
          %dma_start3A_1027 = arith.constant 1 : i32
          %dma_start3A_1028 = arith.constant 0 : i32
          %dma_start3A_1029 = arith.constant 0 : i32
          %dma_start3A_1030 = tpu.memref_slice %arg14[%dma_start3A, %dma_start3A_1028, %dma_start3A_1029] : memref<64x4x128xf32, #tpu.memory_space<vmem>> -> memref<1x4x128xf32, #tpu.memory_space<vmem>>
          %dma_start3A_1031 = tpu.memref_squeeze %dma_start3A_1030 : memref<1x4x128xf32, #tpu.memory_space<vmem>> -> memref<4x128xf32, #tpu.memory_space<vmem>>
          %dma_start3A_1032 = arith.constant 0 : i32
          %dma_start3A_1033 = arith.constant 0 : i32
          %dma_start3A_1034 = tpu.memref_slice %arg9[%dma_start3A_1027, %add3A_382, %scan3A_1017, %dma_start3A_1032, %dma_start3A_1033] : memref<2x512x64x4x128xf32, #tpu.memory_space<hbm>> -> memref<1x1x1x4x128xf32, #tpu.memory_space<hbm>>
          %dma_start3A_1035 = tpu.memref_squeeze %dma_start3A_1034 : memref<1x1x1x4x128xf32, #tpu.memory_space<hbm>> -> memref<4x128xf32, #tpu.memory_space<hbm>>
          %dma_start3A_1036 = arith.constant 0 : i32
          %dma_start3A_1037 = arith.constant 0 : i32
          %dma_start3A_1038 = tpu.memref_slice %arg9[%dma_start3A_1027, %add3A_382, %scan3A_1017, %dma_start3A_1036, %dma_start3A_1037] : memref<2x512x64x4x128xf32, #tpu.memory_space<hbm>> -> memref<1x1x1x4x128xf32, #tpu.memory_space<hbm>>
          %dma_start3A_1039 = tpu.memref_squeeze %dma_start3A_1038 : memref<1x1x1x4x128xf32, #tpu.memory_space<hbm>> -> memref<4x128xf32, #tpu.memory_space<hbm>>
          %dma_start3A_1040 = arith.constant 0 : i32
          %dma_start3A_1041 = arith.constant 0 : i32
          %dma_start3A_1042 = tpu.memref_slice %arg14[%dma_start3A, %dma_start3A_1040, %dma_start3A_1041] : memref<64x4x128xf32, #tpu.memory_space<vmem>> -> memref<1x4x128xf32, #tpu.memory_space<vmem>>
          %dma_start3A_1043 = tpu.memref_squeeze %dma_start3A_1042 : memref<1x4x128xf32, #tpu.memory_space<vmem>> -> memref<4x128xf32, #tpu.memory_space<vmem>>
          tpu.enqueue_dma source(%dma_start3A_1043 : memref<4x128xf32, #tpu.memory_space<vmem>>) target(%dma_start3A_1039 : memref<4x128xf32, #tpu.memory_space<hbm>>) target_semaphore(%arg15 : memref<!tpu.dma_semaphore, #tpu.memory_space<semaphore_mem>>)
        } else {
        }
      }
      %scan3A_1016 = arith.constant 64 : i32
    } else {
    }
    %add3A_428 = arith.constant 9 : i32
    %add3A_429 = arith.addi %mul3A_2, %add3A_428 : i32
    %slice3A_430 = vector.extract_strided_slice %get3A_4 {offsets = [9], sizes = [1], strides = [1]} : vector<16xi32> to vector<1xi32>
    %squeeze3A_431 = vector.extract %slice3A_430[0] : i32 from vector<1xi32>
    %slice3A_432 = vector.extract_strided_slice %get3A_7 {offsets = [9], sizes = [1], strides = [1]} : vector<16xi32> to vector<1xi32>
    %squeeze3A_433 = vector.extract %slice3A_432[0] : i32 from vector<1xi32>
    %slice3A_434 = vector.extract_strided_slice %get3A_10 {offsets = [9], sizes = [1], strides = [1]} : vector<16xi32> to vector<1xi32>
    %squeeze3A_435 = vector.extract %slice3A_434[0] : i32 from vector<1xi32>
    %slice3A_436 = vector.extract_strided_slice %get3A_13 {offsets = [9], sizes = [1], strides = [1]} : vector<16xi32> to vector<1xi32>
    %squeeze3A_437 = vector.extract %slice3A_436[0] : i32 from vector<1xi32>
    %sub3A_438 = arith.subi %squeeze3A_437, %squeeze3A_435 : i32
    %eq3A_439 = arith.constant 64 : i32
    %eq3A_440 = arith.cmpi eq, %sub3A_438, %eq3A_439 : i32
    %convert_element_type3A_441 = arith.extui %eq3A_440 : i1 to i32
    %cond3A_442 = arith.constant 0 : i32
    %cond3A_443 = arith.cmpi ne, %convert_element_type3A_441, %cond3A_442 : i32
    scf.if %cond3A_443 {
      %dma_start3A = arith.constant 0 : i32
      %dma_start3A_1012 = arith.constant 0 : i32
      %dma_start3A_1013 = arith.constant 0 : i32
      %dma_start3A_1014 = arith.constant 0 : i32
      %dma_start3A_1015 = tpu.memref_slice %arg9[%dma_start3A, %add3A_429, %dma_start3A_1012, %dma_start3A_1013, %dma_start3A_1014] : memref<2x512x64x4x128xf32, #tpu.memory_space<hbm>> -> memref<1x1x64x4x128xf32, #tpu.memory_space<hbm>>
      %dma_start3A_1016 = tpu.memref_squeeze %dma_start3A_1015 : memref<1x1x64x4x128xf32, #tpu.memory_space<hbm>> -> memref<64x4x128xf32, #tpu.memory_space<hbm>>
      %dma_start3A_1017 = arith.constant 0 : i32
      %dma_start3A_1018 = arith.constant 0 : i32
      %dma_start3A_1019 = tpu.memref_slice %arg2[%squeeze3A_431, %squeeze3A_433, %dma_start3A_1017, %dma_start3A_1018] : memref<8x2048x4x128xf32, #tpu.memory_space<hbm>> -> memref<1x64x4x128xf32, #tpu.memory_space<hbm>>
      %dma_start3A_1020 = tpu.memref_squeeze %dma_start3A_1019 : memref<1x64x4x128xf32, #tpu.memory_space<hbm>> -> memref<64x4x128xf32, #tpu.memory_space<hbm>>
      tpu.enqueue_dma source(%dma_start3A_1020 : memref<64x4x128xf32, #tpu.memory_space<hbm>>) target(%dma_start3A_1016 : memref<64x4x128xf32, #tpu.memory_space<hbm>>) target_semaphore(%arg15 : memref<!tpu.dma_semaphore, #tpu.memory_space<semaphore_mem>>)
    } else {
    }
    %eq3A_444 = arith.constant 0 : i32
    %eq3A_445 = arith.cmpi eq, %sub3A_438, %eq3A_444 : i32
    %convert_element_type3A_446 = arith.extui %eq3A_445 : i1 to i32
    %cond3A_447 = arith.constant 0 : i32
    %cond3A_448 = arith.cmpi ne, %convert_element_type3A_446, %cond3A_447 : i32
    scf.if %cond3A_448 {
      %dma_start3A = arith.constant 0 : i32
      %dma_start3A_1012 = arith.constant 0 : i32
      %dma_start3A_1013 = arith.constant 0 : i32
      %dma_start3A_1014 = arith.constant 0 : i32
      %dma_start3A_1015 = tpu.memref_slice %arg9[%dma_start3A, %add3A_429, %dma_start3A_1012, %dma_start3A_1013, %dma_start3A_1014] : memref<2x512x64x4x128xf32, #tpu.memory_space<hbm>> -> memref<1x1x64x4x128xf32, #tpu.memory_space<hbm>>
      %dma_start3A_1016 = tpu.memref_squeeze %dma_start3A_1015 : memref<1x1x64x4x128xf32, #tpu.memory_space<hbm>> -> memref<64x4x128xf32, #tpu.memory_space<hbm>>
      %dma_start3A_1017 = arith.constant 0 : i32
      %dma_start3A_1018 = arith.constant 0 : i32
      %dma_start3A_1019 = arith.constant 0 : i32
      %dma_start3A_1020 = tpu.memref_slice %arg9[%dma_start3A, %add3A_429, %dma_start3A_1017, %dma_start3A_1018, %dma_start3A_1019] : memref<2x512x64x4x128xf32, #tpu.memory_space<hbm>> -> memref<1x1x64x4x128xf32, #tpu.memory_space<hbm>>
      %dma_start3A_1021 = tpu.memref_squeeze %dma_start3A_1020 : memref<1x1x64x4x128xf32, #tpu.memory_space<hbm>> -> memref<64x4x128xf32, #tpu.memory_space<hbm>>
      tpu.enqueue_dma source(%arg14 : memref<64x4x128xf32, #tpu.memory_space<vmem>>) target(%dma_start3A_1021 : memref<64x4x128xf32, #tpu.memory_space<hbm>>) target_semaphore(%arg15 : memref<!tpu.dma_semaphore, #tpu.memory_space<semaphore_mem>>)
    } else {
    }
    %gt3A_449 = arith.constant 0 : i32
    %gt3A_450 = arith.cmpi sgt, %sub3A_438, %gt3A_449 : i32
    %lt3A_451 = arith.constant 64 : i32
    %lt3A_452 = arith.cmpi slt, %sub3A_438, %lt3A_451 : i32
    %and3A_453 = arith.andi %gt3A_450, %lt3A_452 : i1
    %convert_element_type3A_454 = arith.extui %and3A_453 : i1 to i32
    %cond3A_455 = arith.constant 0 : i32
    %cond3A_456 = arith.cmpi ne, %convert_element_type3A_454, %cond3A_455 : i32
    scf.if %cond3A_456 {
      %scan3A = arith.constant 0 : i32
      %scan3A_1012 = arith.constant 0 : i32
      %scan3A_1013 = arith.constant 64 : i32
      %scan3A_1014 = arith.addi %scan3A_1012, %scan3A_1013 : i32
      %scan3A_1015 = arith.constant 1 : i32
      scf.for %scan3A_1017 = %scan3A_1012 to %scan3A_1014 step %scan3A_1015  : i32 {
        %ge3A = arith.cmpi sge, %scan3A_1017, %squeeze3A_435 : i32
        %lt3A_1018 = arith.cmpi slt, %scan3A_1017, %squeeze3A_437 : i32
        %and3A_1019 = arith.andi %ge3A, %lt3A_1018 : i1
        %convert_element_type3A_1020 = arith.extui %and3A_1019 : i1 to i32
        %cond3A_1021 = arith.constant 0 : i32
        %cond3A_1022 = arith.cmpi ne, %convert_element_type3A_1020, %cond3A_1021 : i32
        scf.if %cond3A_1022 {
          %add3A_1027 = arith.addi %squeeze3A_433, %scan3A_1017 : i32
          %dma_start3A = arith.constant 0 : i32
          %dma_start3A_1028 = arith.constant 0 : i32
          %dma_start3A_1029 = arith.constant 0 : i32
          %dma_start3A_1030 = tpu.memref_slice %arg9[%dma_start3A, %add3A_429, %scan3A_1017, %dma_start3A_1028, %dma_start3A_1029] : memref<2x512x64x4x128xf32, #tpu.memory_space<hbm>> -> memref<1x1x1x4x128xf32, #tpu.memory_space<hbm>>
          %dma_start3A_1031 = tpu.memref_squeeze %dma_start3A_1030 : memref<1x1x1x4x128xf32, #tpu.memory_space<hbm>> -> memref<4x128xf32, #tpu.memory_space<hbm>>
          %dma_start3A_1032 = arith.constant 0 : i32
          %dma_start3A_1033 = arith.constant 0 : i32
          %dma_start3A_1034 = tpu.memref_slice %arg2[%squeeze3A_431, %add3A_1027, %dma_start3A_1032, %dma_start3A_1033] : memref<8x2048x4x128xf32, #tpu.memory_space<hbm>> -> memref<1x1x4x128xf32, #tpu.memory_space<hbm>>
          %dma_start3A_1035 = tpu.memref_squeeze %dma_start3A_1034 : memref<1x1x4x128xf32, #tpu.memory_space<hbm>> -> memref<4x128xf32, #tpu.memory_space<hbm>>
          tpu.enqueue_dma source(%dma_start3A_1035 : memref<4x128xf32, #tpu.memory_space<hbm>>) target(%dma_start3A_1031 : memref<4x128xf32, #tpu.memory_space<hbm>>) target_semaphore(%arg15 : memref<!tpu.dma_semaphore, #tpu.memory_space<semaphore_mem>>)
        } else {
        }
        %not3A = arith.constant true
        %not3A_1023 = arith.xori %and3A_1019, %not3A : i1
        %convert_element_type3A_1024 = arith.extui %not3A_1023 : i1 to i32
        %cond3A_1025 = arith.constant 0 : i32
        %cond3A_1026 = arith.cmpi ne, %convert_element_type3A_1024, %cond3A_1025 : i32
        scf.if %cond3A_1026 {
          %dma_start3A = arith.constant 0 : i32
          %dma_start3A_1027 = arith.constant 0 : i32
          %dma_start3A_1028 = arith.constant 0 : i32
          %dma_start3A_1029 = arith.constant 0 : i32
          %dma_start3A_1030 = tpu.memref_slice %arg14[%dma_start3A, %dma_start3A_1028, %dma_start3A_1029] : memref<64x4x128xf32, #tpu.memory_space<vmem>> -> memref<1x4x128xf32, #tpu.memory_space<vmem>>
          %dma_start3A_1031 = tpu.memref_squeeze %dma_start3A_1030 : memref<1x4x128xf32, #tpu.memory_space<vmem>> -> memref<4x128xf32, #tpu.memory_space<vmem>>
          %dma_start3A_1032 = arith.constant 0 : i32
          %dma_start3A_1033 = arith.constant 0 : i32
          %dma_start3A_1034 = tpu.memref_slice %arg9[%dma_start3A_1027, %add3A_429, %scan3A_1017, %dma_start3A_1032, %dma_start3A_1033] : memref<2x512x64x4x128xf32, #tpu.memory_space<hbm>> -> memref<1x1x1x4x128xf32, #tpu.memory_space<hbm>>
          %dma_start3A_1035 = tpu.memref_squeeze %dma_start3A_1034 : memref<1x1x1x4x128xf32, #tpu.memory_space<hbm>> -> memref<4x128xf32, #tpu.memory_space<hbm>>
          %dma_start3A_1036 = arith.constant 0 : i32
          %dma_start3A_1037 = arith.constant 0 : i32
          %dma_start3A_1038 = tpu.memref_slice %arg9[%dma_start3A_1027, %add3A_429, %scan3A_1017, %dma_start3A_1036, %dma_start3A_1037] : memref<2x512x64x4x128xf32, #tpu.memory_space<hbm>> -> memref<1x1x1x4x128xf32, #tpu.memory_space<hbm>>
          %dma_start3A_1039 = tpu.memref_squeeze %dma_start3A_1038 : memref<1x1x1x4x128xf32, #tpu.memory_space<hbm>> -> memref<4x128xf32, #tpu.memory_space<hbm>>
          %dma_start3A_1040 = arith.constant 0 : i32
          %dma_start3A_1041 = arith.constant 0 : i32
          %dma_start3A_1042 = tpu.memref_slice %arg14[%dma_start3A, %dma_start3A_1040, %dma_start3A_1041] : memref<64x4x128xf32, #tpu.memory_space<vmem>> -> memref<1x4x128xf32, #tpu.memory_space<vmem>>
          %dma_start3A_1043 = tpu.memref_squeeze %dma_start3A_1042 : memref<1x4x128xf32, #tpu.memory_space<vmem>> -> memref<4x128xf32, #tpu.memory_space<vmem>>
          tpu.enqueue_dma source(%dma_start3A_1043 : memref<4x128xf32, #tpu.memory_space<vmem>>) target(%dma_start3A_1039 : memref<4x128xf32, #tpu.memory_space<hbm>>) target_semaphore(%arg15 : memref<!tpu.dma_semaphore, #tpu.memory_space<semaphore_mem>>)
        } else {
        }
      }
      %scan3A_1016 = arith.constant 64 : i32
    } else {
    }
    %eq3A_457 = arith.constant 64 : i32
    %eq3A_458 = arith.cmpi eq, %sub3A_438, %eq3A_457 : i32
    %convert_element_type3A_459 = arith.extui %eq3A_458 : i1 to i32
    %cond3A_460 = arith.constant 0 : i32
    %cond3A_461 = arith.cmpi ne, %convert_element_type3A_459, %cond3A_460 : i32
    scf.if %cond3A_461 {
      %dma_start3A = arith.constant 1 : i32
      %dma_start3A_1012 = arith.constant 0 : i32
      %dma_start3A_1013 = arith.constant 0 : i32
      %dma_start3A_1014 = arith.constant 0 : i32
      %dma_start3A_1015 = tpu.memref_slice %arg9[%dma_start3A, %add3A_429, %dma_start3A_1012, %dma_start3A_1013, %dma_start3A_1014] : memref<2x512x64x4x128xf32, #tpu.memory_space<hbm>> -> memref<1x1x64x4x128xf32, #tpu.memory_space<hbm>>
      %dma_start3A_1016 = tpu.memref_squeeze %dma_start3A_1015 : memref<1x1x64x4x128xf32, #tpu.memory_space<hbm>> -> memref<64x4x128xf32, #tpu.memory_space<hbm>>
      %dma_start3A_1017 = arith.constant 0 : i32
      %dma_start3A_1018 = arith.constant 0 : i32
      %dma_start3A_1019 = tpu.memref_slice %arg3[%squeeze3A_431, %squeeze3A_433, %dma_start3A_1017, %dma_start3A_1018] : memref<8x2048x4x128xf32, #tpu.memory_space<hbm>> -> memref<1x64x4x128xf32, #tpu.memory_space<hbm>>
      %dma_start3A_1020 = tpu.memref_squeeze %dma_start3A_1019 : memref<1x64x4x128xf32, #tpu.memory_space<hbm>> -> memref<64x4x128xf32, #tpu.memory_space<hbm>>
      tpu.enqueue_dma source(%dma_start3A_1020 : memref<64x4x128xf32, #tpu.memory_space<hbm>>) target(%dma_start3A_1016 : memref<64x4x128xf32, #tpu.memory_space<hbm>>) target_semaphore(%arg15 : memref<!tpu.dma_semaphore, #tpu.memory_space<semaphore_mem>>)
    } else {
    }
    %eq3A_462 = arith.constant 0 : i32
    %eq3A_463 = arith.cmpi eq, %sub3A_438, %eq3A_462 : i32
    %convert_element_type3A_464 = arith.extui %eq3A_463 : i1 to i32
    %cond3A_465 = arith.constant 0 : i32
    %cond3A_466 = arith.cmpi ne, %convert_element_type3A_464, %cond3A_465 : i32
    scf.if %cond3A_466 {
      %dma_start3A = arith.constant 1 : i32
      %dma_start3A_1012 = arith.constant 0 : i32
      %dma_start3A_1013 = arith.constant 0 : i32
      %dma_start3A_1014 = arith.constant 0 : i32
      %dma_start3A_1015 = tpu.memref_slice %arg9[%dma_start3A, %add3A_429, %dma_start3A_1012, %dma_start3A_1013, %dma_start3A_1014] : memref<2x512x64x4x128xf32, #tpu.memory_space<hbm>> -> memref<1x1x64x4x128xf32, #tpu.memory_space<hbm>>
      %dma_start3A_1016 = tpu.memref_squeeze %dma_start3A_1015 : memref<1x1x64x4x128xf32, #tpu.memory_space<hbm>> -> memref<64x4x128xf32, #tpu.memory_space<hbm>>
      %dma_start3A_1017 = arith.constant 0 : i32
      %dma_start3A_1018 = arith.constant 0 : i32
      %dma_start3A_1019 = arith.constant 0 : i32
      %dma_start3A_1020 = tpu.memref_slice %arg9[%dma_start3A, %add3A_429, %dma_start3A_1017, %dma_start3A_1018, %dma_start3A_1019] : memref<2x512x64x4x128xf32, #tpu.memory_space<hbm>> -> memref<1x1x64x4x128xf32, #tpu.memory_space<hbm>>
      %dma_start3A_1021 = tpu.memref_squeeze %dma_start3A_1020 : memref<1x1x64x4x128xf32, #tpu.memory_space<hbm>> -> memref<64x4x128xf32, #tpu.memory_space<hbm>>
      tpu.enqueue_dma source(%arg14 : memref<64x4x128xf32, #tpu.memory_space<vmem>>) target(%dma_start3A_1021 : memref<64x4x128xf32, #tpu.memory_space<hbm>>) target_semaphore(%arg15 : memref<!tpu.dma_semaphore, #tpu.memory_space<semaphore_mem>>)
    } else {
    }
    %gt3A_467 = arith.constant 0 : i32
    %gt3A_468 = arith.cmpi sgt, %sub3A_438, %gt3A_467 : i32
    %lt3A_469 = arith.constant 64 : i32
    %lt3A_470 = arith.cmpi slt, %sub3A_438, %lt3A_469 : i32
    %and3A_471 = arith.andi %gt3A_468, %lt3A_470 : i1
    %convert_element_type3A_472 = arith.extui %and3A_471 : i1 to i32
    %cond3A_473 = arith.constant 0 : i32
    %cond3A_474 = arith.cmpi ne, %convert_element_type3A_472, %cond3A_473 : i32
    scf.if %cond3A_474 {
      %scan3A = arith.constant 0 : i32
      %scan3A_1012 = arith.constant 0 : i32
      %scan3A_1013 = arith.constant 64 : i32
      %scan3A_1014 = arith.addi %scan3A_1012, %scan3A_1013 : i32
      %scan3A_1015 = arith.constant 1 : i32
      scf.for %scan3A_1017 = %scan3A_1012 to %scan3A_1014 step %scan3A_1015  : i32 {
        %ge3A = arith.cmpi sge, %scan3A_1017, %squeeze3A_435 : i32
        %lt3A_1018 = arith.cmpi slt, %scan3A_1017, %squeeze3A_437 : i32
        %and3A_1019 = arith.andi %ge3A, %lt3A_1018 : i1
        %convert_element_type3A_1020 = arith.extui %and3A_1019 : i1 to i32
        %cond3A_1021 = arith.constant 0 : i32
        %cond3A_1022 = arith.cmpi ne, %convert_element_type3A_1020, %cond3A_1021 : i32
        scf.if %cond3A_1022 {
          %add3A_1027 = arith.addi %squeeze3A_433, %scan3A_1017 : i32
          %dma_start3A = arith.constant 1 : i32
          %dma_start3A_1028 = arith.constant 0 : i32
          %dma_start3A_1029 = arith.constant 0 : i32
          %dma_start3A_1030 = tpu.memref_slice %arg9[%dma_start3A, %add3A_429, %scan3A_1017, %dma_start3A_1028, %dma_start3A_1029] : memref<2x512x64x4x128xf32, #tpu.memory_space<hbm>> -> memref<1x1x1x4x128xf32, #tpu.memory_space<hbm>>
          %dma_start3A_1031 = tpu.memref_squeeze %dma_start3A_1030 : memref<1x1x1x4x128xf32, #tpu.memory_space<hbm>> -> memref<4x128xf32, #tpu.memory_space<hbm>>
          %dma_start3A_1032 = arith.constant 0 : i32
          %dma_start3A_1033 = arith.constant 0 : i32
          %dma_start3A_1034 = tpu.memref_slice %arg3[%squeeze3A_431, %add3A_1027, %dma_start3A_1032, %dma_start3A_1033] : memref<8x2048x4x128xf32, #tpu.memory_space<hbm>> -> memref<1x1x4x128xf32, #tpu.memory_space<hbm>>
          %dma_start3A_1035 = tpu.memref_squeeze %dma_start3A_1034 : memref<1x1x4x128xf32, #tpu.memory_space<hbm>> -> memref<4x128xf32, #tpu.memory_space<hbm>>
          tpu.enqueue_dma source(%dma_start3A_1035 : memref<4x128xf32, #tpu.memory_space<hbm>>) target(%dma_start3A_1031 : memref<4x128xf32, #tpu.memory_space<hbm>>) target_semaphore(%arg15 : memref<!tpu.dma_semaphore, #tpu.memory_space<semaphore_mem>>)
        } else {
        }
        %not3A = arith.constant true
        %not3A_1023 = arith.xori %and3A_1019, %not3A : i1
        %convert_element_type3A_1024 = arith.extui %not3A_1023 : i1 to i32
        %cond3A_1025 = arith.constant 0 : i32
        %cond3A_1026 = arith.cmpi ne, %convert_element_type3A_1024, %cond3A_1025 : i32
        scf.if %cond3A_1026 {
          %dma_start3A = arith.constant 0 : i32
          %dma_start3A_1027 = arith.constant 1 : i32
          %dma_start3A_1028 = arith.constant 0 : i32
          %dma_start3A_1029 = arith.constant 0 : i32
          %dma_start3A_1030 = tpu.memref_slice %arg14[%dma_start3A, %dma_start3A_1028, %dma_start3A_1029] : memref<64x4x128xf32, #tpu.memory_space<vmem>> -> memref<1x4x128xf32, #tpu.memory_space<vmem>>
          %dma_start3A_1031 = tpu.memref_squeeze %dma_start3A_1030 : memref<1x4x128xf32, #tpu.memory_space<vmem>> -> memref<4x128xf32, #tpu.memory_space<vmem>>
          %dma_start3A_1032 = arith.constant 0 : i32
          %dma_start3A_1033 = arith.constant 0 : i32
          %dma_start3A_1034 = tpu.memref_slice %arg9[%dma_start3A_1027, %add3A_429, %scan3A_1017, %dma_start3A_1032, %dma_start3A_1033] : memref<2x512x64x4x128xf32, #tpu.memory_space<hbm>> -> memref<1x1x1x4x128xf32, #tpu.memory_space<hbm>>
          %dma_start3A_1035 = tpu.memref_squeeze %dma_start3A_1034 : memref<1x1x1x4x128xf32, #tpu.memory_space<hbm>> -> memref<4x128xf32, #tpu.memory_space<hbm>>
          %dma_start3A_1036 = arith.constant 0 : i32
          %dma_start3A_1037 = arith.constant 0 : i32
          %dma_start3A_1038 = tpu.memref_slice %arg9[%dma_start3A_1027, %add3A_429, %scan3A_1017, %dma_start3A_1036, %dma_start3A_1037] : memref<2x512x64x4x128xf32, #tpu.memory_space<hbm>> -> memref<1x1x1x4x128xf32, #tpu.memory_space<hbm>>
          %dma_start3A_1039 = tpu.memref_squeeze %dma_start3A_1038 : memref<1x1x1x4x128xf32, #tpu.memory_space<hbm>> -> memref<4x128xf32, #tpu.memory_space<hbm>>
          %dma_start3A_1040 = arith.constant 0 : i32
          %dma_start3A_1041 = arith.constant 0 : i32
          %dma_start3A_1042 = tpu.memref_slice %arg14[%dma_start3A, %dma_start3A_1040, %dma_start3A_1041] : memref<64x4x128xf32, #tpu.memory_space<vmem>> -> memref<1x4x128xf32, #tpu.memory_space<vmem>>
          %dma_start3A_1043 = tpu.memref_squeeze %dma_start3A_1042 : memref<1x4x128xf32, #tpu.memory_space<vmem>> -> memref<4x128xf32, #tpu.memory_space<vmem>>
          tpu.enqueue_dma source(%dma_start3A_1043 : memref<4x128xf32, #tpu.memory_space<vmem>>) target(%dma_start3A_1039 : memref<4x128xf32, #tpu.memory_space<hbm>>) target_semaphore(%arg15 : memref<!tpu.dma_semaphore, #tpu.memory_space<semaphore_mem>>)
        } else {
        }
      }
      %scan3A_1016 = arith.constant 64 : i32
    } else {
    }
    %add3A_475 = arith.constant 10 : i32
    %add3A_476 = arith.addi %mul3A_2, %add3A_475 : i32
    %slice3A_477 = vector.extract_strided_slice %get3A_4 {offsets = [10], sizes = [1], strides = [1]} : vector<16xi32> to vector<1xi32>
    %squeeze3A_478 = vector.extract %slice3A_477[0] : i32 from vector<1xi32>
    %slice3A_479 = vector.extract_strided_slice %get3A_7 {offsets = [10], sizes = [1], strides = [1]} : vector<16xi32> to vector<1xi32>
    %squeeze3A_480 = vector.extract %slice3A_479[0] : i32 from vector<1xi32>
    %slice3A_481 = vector.extract_strided_slice %get3A_10 {offsets = [10], sizes = [1], strides = [1]} : vector<16xi32> to vector<1xi32>
    %squeeze3A_482 = vector.extract %slice3A_481[0] : i32 from vector<1xi32>
    %slice3A_483 = vector.extract_strided_slice %get3A_13 {offsets = [10], sizes = [1], strides = [1]} : vector<16xi32> to vector<1xi32>
    %squeeze3A_484 = vector.extract %slice3A_483[0] : i32 from vector<1xi32>
    %sub3A_485 = arith.subi %squeeze3A_484, %squeeze3A_482 : i32
    %eq3A_486 = arith.constant 64 : i32
    %eq3A_487 = arith.cmpi eq, %sub3A_485, %eq3A_486 : i32
    %convert_element_type3A_488 = arith.extui %eq3A_487 : i1 to i32
    %cond3A_489 = arith.constant 0 : i32
    %cond3A_490 = arith.cmpi ne, %convert_element_type3A_488, %cond3A_489 : i32
    scf.if %cond3A_490 {
      %dma_start3A = arith.constant 0 : i32
      %dma_start3A_1012 = arith.constant 0 : i32
      %dma_start3A_1013 = arith.constant 0 : i32
      %dma_start3A_1014 = arith.constant 0 : i32
      %dma_start3A_1015 = tpu.memref_slice %arg9[%dma_start3A, %add3A_476, %dma_start3A_1012, %dma_start3A_1013, %dma_start3A_1014] : memref<2x512x64x4x128xf32, #tpu.memory_space<hbm>> -> memref<1x1x64x4x128xf32, #tpu.memory_space<hbm>>
      %dma_start3A_1016 = tpu.memref_squeeze %dma_start3A_1015 : memref<1x1x64x4x128xf32, #tpu.memory_space<hbm>> -> memref<64x4x128xf32, #tpu.memory_space<hbm>>
      %dma_start3A_1017 = arith.constant 0 : i32
      %dma_start3A_1018 = arith.constant 0 : i32
      %dma_start3A_1019 = tpu.memref_slice %arg2[%squeeze3A_478, %squeeze3A_480, %dma_start3A_1017, %dma_start3A_1018] : memref<8x2048x4x128xf32, #tpu.memory_space<hbm>> -> memref<1x64x4x128xf32, #tpu.memory_space<hbm>>
      %dma_start3A_1020 = tpu.memref_squeeze %dma_start3A_1019 : memref<1x64x4x128xf32, #tpu.memory_space<hbm>> -> memref<64x4x128xf32, #tpu.memory_space<hbm>>
      tpu.enqueue_dma source(%dma_start3A_1020 : memref<64x4x128xf32, #tpu.memory_space<hbm>>) target(%dma_start3A_1016 : memref<64x4x128xf32, #tpu.memory_space<hbm>>) target_semaphore(%arg15 : memref<!tpu.dma_semaphore, #tpu.memory_space<semaphore_mem>>)
    } else {
    }
    %eq3A_491 = arith.constant 0 : i32
    %eq3A_492 = arith.cmpi eq, %sub3A_485, %eq3A_491 : i32
    %convert_element_type3A_493 = arith.extui %eq3A_492 : i1 to i32
    %cond3A_494 = arith.constant 0 : i32
    %cond3A_495 = arith.cmpi ne, %convert_element_type3A_493, %cond3A_494 : i32
    scf.if %cond3A_495 {
      %dma_start3A = arith.constant 0 : i32
      %dma_start3A_1012 = arith.constant 0 : i32
      %dma_start3A_1013 = arith.constant 0 : i32
      %dma_start3A_1014 = arith.constant 0 : i32
      %dma_start3A_1015 = tpu.memref_slice %arg9[%dma_start3A, %add3A_476, %dma_start3A_1012, %dma_start3A_1013, %dma_start3A_1014] : memref<2x512x64x4x128xf32, #tpu.memory_space<hbm>> -> memref<1x1x64x4x128xf32, #tpu.memory_space<hbm>>
      %dma_start3A_1016 = tpu.memref_squeeze %dma_start3A_1015 : memref<1x1x64x4x128xf32, #tpu.memory_space<hbm>> -> memref<64x4x128xf32, #tpu.memory_space<hbm>>
      %dma_start3A_1017 = arith.constant 0 : i32
      %dma_start3A_1018 = arith.constant 0 : i32
      %dma_start3A_1019 = arith.constant 0 : i32
      %dma_start3A_1020 = tpu.memref_slice %arg9[%dma_start3A, %add3A_476, %dma_start3A_1017, %dma_start3A_1018, %dma_start3A_1019] : memref<2x512x64x4x128xf32, #tpu.memory_space<hbm>> -> memref<1x1x64x4x128xf32, #tpu.memory_space<hbm>>
      %dma_start3A_1021 = tpu.memref_squeeze %dma_start3A_1020 : memref<1x1x64x4x128xf32, #tpu.memory_space<hbm>> -> memref<64x4x128xf32, #tpu.memory_space<hbm>>
      tpu.enqueue_dma source(%arg14 : memref<64x4x128xf32, #tpu.memory_space<vmem>>) target(%dma_start3A_1021 : memref<64x4x128xf32, #tpu.memory_space<hbm>>) target_semaphore(%arg15 : memref<!tpu.dma_semaphore, #tpu.memory_space<semaphore_mem>>)
    } else {
    }
    %gt3A_496 = arith.constant 0 : i32
    %gt3A_497 = arith.cmpi sgt, %sub3A_485, %gt3A_496 : i32
    %lt3A_498 = arith.constant 64 : i32
    %lt3A_499 = arith.cmpi slt, %sub3A_485, %lt3A_498 : i32
    %and3A_500 = arith.andi %gt3A_497, %lt3A_499 : i1
    %convert_element_type3A_501 = arith.extui %and3A_500 : i1 to i32
    %cond3A_502 = arith.constant 0 : i32
    %cond3A_503 = arith.cmpi ne, %convert_element_type3A_501, %cond3A_502 : i32
    scf.if %cond3A_503 {
      %scan3A = arith.constant 0 : i32
      %scan3A_1012 = arith.constant 0 : i32
      %scan3A_1013 = arith.constant 64 : i32
      %scan3A_1014 = arith.addi %scan3A_1012, %scan3A_1013 : i32
      %scan3A_1015 = arith.constant 1 : i32
      scf.for %scan3A_1017 = %scan3A_1012 to %scan3A_1014 step %scan3A_1015  : i32 {
        %ge3A = arith.cmpi sge, %scan3A_1017, %squeeze3A_482 : i32
        %lt3A_1018 = arith.cmpi slt, %scan3A_1017, %squeeze3A_484 : i32
        %and3A_1019 = arith.andi %ge3A, %lt3A_1018 : i1
        %convert_element_type3A_1020 = arith.extui %and3A_1019 : i1 to i32
        %cond3A_1021 = arith.constant 0 : i32
        %cond3A_1022 = arith.cmpi ne, %convert_element_type3A_1020, %cond3A_1021 : i32
        scf.if %cond3A_1022 {
          %add3A_1027 = arith.addi %squeeze3A_480, %scan3A_1017 : i32
          %dma_start3A = arith.constant 0 : i32
          %dma_start3A_1028 = arith.constant 0 : i32
          %dma_start3A_1029 = arith.constant 0 : i32
          %dma_start3A_1030 = tpu.memref_slice %arg9[%dma_start3A, %add3A_476, %scan3A_1017, %dma_start3A_1028, %dma_start3A_1029] : memref<2x512x64x4x128xf32, #tpu.memory_space<hbm>> -> memref<1x1x1x4x128xf32, #tpu.memory_space<hbm>>
          %dma_start3A_1031 = tpu.memref_squeeze %dma_start3A_1030 : memref<1x1x1x4x128xf32, #tpu.memory_space<hbm>> -> memref<4x128xf32, #tpu.memory_space<hbm>>
          %dma_start3A_1032 = arith.constant 0 : i32
          %dma_start3A_1033 = arith.constant 0 : i32
          %dma_start3A_1034 = tpu.memref_slice %arg2[%squeeze3A_478, %add3A_1027, %dma_start3A_1032, %dma_start3A_1033] : memref<8x2048x4x128xf32, #tpu.memory_space<hbm>> -> memref<1x1x4x128xf32, #tpu.memory_space<hbm>>
          %dma_start3A_1035 = tpu.memref_squeeze %dma_start3A_1034 : memref<1x1x4x128xf32, #tpu.memory_space<hbm>> -> memref<4x128xf32, #tpu.memory_space<hbm>>
          tpu.enqueue_dma source(%dma_start3A_1035 : memref<4x128xf32, #tpu.memory_space<hbm>>) target(%dma_start3A_1031 : memref<4x128xf32, #tpu.memory_space<hbm>>) target_semaphore(%arg15 : memref<!tpu.dma_semaphore, #tpu.memory_space<semaphore_mem>>)
        } else {
        }
        %not3A = arith.constant true
        %not3A_1023 = arith.xori %and3A_1019, %not3A : i1
        %convert_element_type3A_1024 = arith.extui %not3A_1023 : i1 to i32
        %cond3A_1025 = arith.constant 0 : i32
        %cond3A_1026 = arith.cmpi ne, %convert_element_type3A_1024, %cond3A_1025 : i32
        scf.if %cond3A_1026 {
          %dma_start3A = arith.constant 0 : i32
          %dma_start3A_1027 = arith.constant 0 : i32
          %dma_start3A_1028 = arith.constant 0 : i32
          %dma_start3A_1029 = arith.constant 0 : i32
          %dma_start3A_1030 = tpu.memref_slice %arg14[%dma_start3A, %dma_start3A_1028, %dma_start3A_1029] : memref<64x4x128xf32, #tpu.memory_space<vmem>> -> memref<1x4x128xf32, #tpu.memory_space<vmem>>
          %dma_start3A_1031 = tpu.memref_squeeze %dma_start3A_1030 : memref<1x4x128xf32, #tpu.memory_space<vmem>> -> memref<4x128xf32, #tpu.memory_space<vmem>>
          %dma_start3A_1032 = arith.constant 0 : i32
          %dma_start3A_1033 = arith.constant 0 : i32
          %dma_start3A_1034 = tpu.memref_slice %arg9[%dma_start3A_1027, %add3A_476, %scan3A_1017, %dma_start3A_1032, %dma_start3A_1033] : memref<2x512x64x4x128xf32, #tpu.memory_space<hbm>> -> memref<1x1x1x4x128xf32, #tpu.memory_space<hbm>>
          %dma_start3A_1035 = tpu.memref_squeeze %dma_start3A_1034 : memref<1x1x1x4x128xf32, #tpu.memory_space<hbm>> -> memref<4x128xf32, #tpu.memory_space<hbm>>
          %dma_start3A_1036 = arith.constant 0 : i32
          %dma_start3A_1037 = arith.constant 0 : i32
          %dma_start3A_1038 = tpu.memref_slice %arg9[%dma_start3A_1027, %add3A_476, %scan3A_1017, %dma_start3A_1036, %dma_start3A_1037] : memref<2x512x64x4x128xf32, #tpu.memory_space<hbm>> -> memref<1x1x1x4x128xf32, #tpu.memory_space<hbm>>
          %dma_start3A_1039 = tpu.memref_squeeze %dma_start3A_1038 : memref<1x1x1x4x128xf32, #tpu.memory_space<hbm>> -> memref<4x128xf32, #tpu.memory_space<hbm>>
          %dma_start3A_1040 = arith.constant 0 : i32
          %dma_start3A_1041 = arith.constant 0 : i32
          %dma_start3A_1042 = tpu.memref_slice %arg14[%dma_start3A, %dma_start3A_1040, %dma_start3A_1041] : memref<64x4x128xf32, #tpu.memory_space<vmem>> -> memref<1x4x128xf32, #tpu.memory_space<vmem>>
          %dma_start3A_1043 = tpu.memref_squeeze %dma_start3A_1042 : memref<1x4x128xf32, #tpu.memory_space<vmem>> -> memref<4x128xf32, #tpu.memory_space<vmem>>
          tpu.enqueue_dma source(%dma_start3A_1043 : memref<4x128xf32, #tpu.memory_space<vmem>>) target(%dma_start3A_1039 : memref<4x128xf32, #tpu.memory_space<hbm>>) target_semaphore(%arg15 : memref<!tpu.dma_semaphore, #tpu.memory_space<semaphore_mem>>)
        } else {
        }
      }
      %scan3A_1016 = arith.constant 64 : i32
    } else {
    }
    %eq3A_504 = arith.constant 64 : i32
    %eq3A_505 = arith.cmpi eq, %sub3A_485, %eq3A_504 : i32
    %convert_element_type3A_506 = arith.extui %eq3A_505 : i1 to i32
    %cond3A_507 = arith.constant 0 : i32
    %cond3A_508 = arith.cmpi ne, %convert_element_type3A_506, %cond3A_507 : i32
    scf.if %cond3A_508 {
      %dma_start3A = arith.constant 1 : i32
      %dma_start3A_1012 = arith.constant 0 : i32
      %dma_start3A_1013 = arith.constant 0 : i32
      %dma_start3A_1014 = arith.constant 0 : i32
      %dma_start3A_1015 = tpu.memref_slice %arg9[%dma_start3A, %add3A_476, %dma_start3A_1012, %dma_start3A_1013, %dma_start3A_1014] : memref<2x512x64x4x128xf32, #tpu.memory_space<hbm>> -> memref<1x1x64x4x128xf32, #tpu.memory_space<hbm>>
      %dma_start3A_1016 = tpu.memref_squeeze %dma_start3A_1015 : memref<1x1x64x4x128xf32, #tpu.memory_space<hbm>> -> memref<64x4x128xf32, #tpu.memory_space<hbm>>
      %dma_start3A_1017 = arith.constant 0 : i32
      %dma_start3A_1018 = arith.constant 0 : i32
      %dma_start3A_1019 = tpu.memref_slice %arg3[%squeeze3A_478, %squeeze3A_480, %dma_start3A_1017, %dma_start3A_1018] : memref<8x2048x4x128xf32, #tpu.memory_space<hbm>> -> memref<1x64x4x128xf32, #tpu.memory_space<hbm>>
      %dma_start3A_1020 = tpu.memref_squeeze %dma_start3A_1019 : memref<1x64x4x128xf32, #tpu.memory_space<hbm>> -> memref<64x4x128xf32, #tpu.memory_space<hbm>>
      tpu.enqueue_dma source(%dma_start3A_1020 : memref<64x4x128xf32, #tpu.memory_space<hbm>>) target(%dma_start3A_1016 : memref<64x4x128xf32, #tpu.memory_space<hbm>>) target_semaphore(%arg15 : memref<!tpu.dma_semaphore, #tpu.memory_space<semaphore_mem>>)
    } else {
    }
    %eq3A_509 = arith.constant 0 : i32
    %eq3A_510 = arith.cmpi eq, %sub3A_485, %eq3A_509 : i32
    %convert_element_type3A_511 = arith.extui %eq3A_510 : i1 to i32
    %cond3A_512 = arith.constant 0 : i32
    %cond3A_513 = arith.cmpi ne, %convert_element_type3A_511, %cond3A_512 : i32
    scf.if %cond3A_513 {
      %dma_start3A = arith.constant 1 : i32
      %dma_start3A_1012 = arith.constant 0 : i32
      %dma_start3A_1013 = arith.constant 0 : i32
      %dma_start3A_1014 = arith.constant 0 : i32
      %dma_start3A_1015 = tpu.memref_slice %arg9[%dma_start3A, %add3A_476, %dma_start3A_1012, %dma_start3A_1013, %dma_start3A_1014] : memref<2x512x64x4x128xf32, #tpu.memory_space<hbm>> -> memref<1x1x64x4x128xf32, #tpu.memory_space<hbm>>
      %dma_start3A_1016 = tpu.memref_squeeze %dma_start3A_1015 : memref<1x1x64x4x128xf32, #tpu.memory_space<hbm>> -> memref<64x4x128xf32, #tpu.memory_space<hbm>>
      %dma_start3A_1017 = arith.constant 0 : i32
      %dma_start3A_1018 = arith.constant 0 : i32
      %dma_start3A_1019 = arith.constant 0 : i32
      %dma_start3A_1020 = tpu.memref_slice %arg9[%dma_start3A, %add3A_476, %dma_start3A_1017, %dma_start3A_1018, %dma_start3A_1019] : memref<2x512x64x4x128xf32, #tpu.memory_space<hbm>> -> memref<1x1x64x4x128xf32, #tpu.memory_space<hbm>>
      %dma_start3A_1021 = tpu.memref_squeeze %dma_start3A_1020 : memref<1x1x64x4x128xf32, #tpu.memory_space<hbm>> -> memref<64x4x128xf32, #tpu.memory_space<hbm>>
      tpu.enqueue_dma source(%arg14 : memref<64x4x128xf32, #tpu.memory_space<vmem>>) target(%dma_start3A_1021 : memref<64x4x128xf32, #tpu.memory_space<hbm>>) target_semaphore(%arg15 : memref<!tpu.dma_semaphore, #tpu.memory_space<semaphore_mem>>)
    } else {
    }
    %gt3A_514 = arith.constant 0 : i32
    %gt3A_515 = arith.cmpi sgt, %sub3A_485, %gt3A_514 : i32
    %lt3A_516 = arith.constant 64 : i32
    %lt3A_517 = arith.cmpi slt, %sub3A_485, %lt3A_516 : i32
    %and3A_518 = arith.andi %gt3A_515, %lt3A_517 : i1
    %convert_element_type3A_519 = arith.extui %and3A_518 : i1 to i32
    %cond3A_520 = arith.constant 0 : i32
    %cond3A_521 = arith.cmpi ne, %convert_element_type3A_519, %cond3A_520 : i32
    scf.if %cond3A_521 {
      %scan3A = arith.constant 0 : i32
      %scan3A_1012 = arith.constant 0 : i32
      %scan3A_1013 = arith.constant 64 : i32
      %scan3A_1014 = arith.addi %scan3A_1012, %scan3A_1013 : i32
      %scan3A_1015 = arith.constant 1 : i32
      scf.for %scan3A_1017 = %scan3A_1012 to %scan3A_1014 step %scan3A_1015  : i32 {
        %ge3A = arith.cmpi sge, %scan3A_1017, %squeeze3A_482 : i32
        %lt3A_1018 = arith.cmpi slt, %scan3A_1017, %squeeze3A_484 : i32
        %and3A_1019 = arith.andi %ge3A, %lt3A_1018 : i1
        %convert_element_type3A_1020 = arith.extui %and3A_1019 : i1 to i32
        %cond3A_1021 = arith.constant 0 : i32
        %cond3A_1022 = arith.cmpi ne, %convert_element_type3A_1020, %cond3A_1021 : i32
        scf.if %cond3A_1022 {
          %add3A_1027 = arith.addi %squeeze3A_480, %scan3A_1017 : i32
          %dma_start3A = arith.constant 1 : i32
          %dma_start3A_1028 = arith.constant 0 : i32
          %dma_start3A_1029 = arith.constant 0 : i32
          %dma_start3A_1030 = tpu.memref_slice %arg9[%dma_start3A, %add3A_476, %scan3A_1017, %dma_start3A_1028, %dma_start3A_1029] : memref<2x512x64x4x128xf32, #tpu.memory_space<hbm>> -> memref<1x1x1x4x128xf32, #tpu.memory_space<hbm>>
          %dma_start3A_1031 = tpu.memref_squeeze %dma_start3A_1030 : memref<1x1x1x4x128xf32, #tpu.memory_space<hbm>> -> memref<4x128xf32, #tpu.memory_space<hbm>>
          %dma_start3A_1032 = arith.constant 0 : i32
          %dma_start3A_1033 = arith.constant 0 : i32
          %dma_start3A_1034 = tpu.memref_slice %arg3[%squeeze3A_478, %add3A_1027, %dma_start3A_1032, %dma_start3A_1033] : memref<8x2048x4x128xf32, #tpu.memory_space<hbm>> -> memref<1x1x4x128xf32, #tpu.memory_space<hbm>>
          %dma_start3A_1035 = tpu.memref_squeeze %dma_start3A_1034 : memref<1x1x4x128xf32, #tpu.memory_space<hbm>> -> memref<4x128xf32, #tpu.memory_space<hbm>>
          tpu.enqueue_dma source(%dma_start3A_1035 : memref<4x128xf32, #tpu.memory_space<hbm>>) target(%dma_start3A_1031 : memref<4x128xf32, #tpu.memory_space<hbm>>) target_semaphore(%arg15 : memref<!tpu.dma_semaphore, #tpu.memory_space<semaphore_mem>>)
        } else {
        }
        %not3A = arith.constant true
        %not3A_1023 = arith.xori %and3A_1019, %not3A : i1
        %convert_element_type3A_1024 = arith.extui %not3A_1023 : i1 to i32
        %cond3A_1025 = arith.constant 0 : i32
        %cond3A_1026 = arith.cmpi ne, %convert_element_type3A_1024, %cond3A_1025 : i32
        scf.if %cond3A_1026 {
          %dma_start3A = arith.constant 0 : i32
          %dma_start3A_1027 = arith.constant 1 : i32
          %dma_start3A_1028 = arith.constant 0 : i32
          %dma_start3A_1029 = arith.constant 0 : i32
          %dma_start3A_1030 = tpu.memref_slice %arg14[%dma_start3A, %dma_start3A_1028, %dma_start3A_1029] : memref<64x4x128xf32, #tpu.memory_space<vmem>> -> memref<1x4x128xf32, #tpu.memory_space<vmem>>
          %dma_start3A_1031 = tpu.memref_squeeze %dma_start3A_1030 : memref<1x4x128xf32, #tpu.memory_space<vmem>> -> memref<4x128xf32, #tpu.memory_space<vmem>>
          %dma_start3A_1032 = arith.constant 0 : i32
          %dma_start3A_1033 = arith.constant 0 : i32
          %dma_start3A_1034 = tpu.memref_slice %arg9[%dma_start3A_1027, %add3A_476, %scan3A_1017, %dma_start3A_1032, %dma_start3A_1033] : memref<2x512x64x4x128xf32, #tpu.memory_space<hbm>> -> memref<1x1x1x4x128xf32, #tpu.memory_space<hbm>>
          %dma_start3A_1035 = tpu.memref_squeeze %dma_start3A_1034 : memref<1x1x1x4x128xf32, #tpu.memory_space<hbm>> -> memref<4x128xf32, #tpu.memory_space<hbm>>
          %dma_start3A_1036 = arith.constant 0 : i32
          %dma_start3A_1037 = arith.constant 0 : i32
          %dma_start3A_1038 = tpu.memref_slice %arg9[%dma_start3A_1027, %add3A_476, %scan3A_1017, %dma_start3A_1036, %dma_start3A_1037] : memref<2x512x64x4x128xf32, #tpu.memory_space<hbm>> -> memref<1x1x1x4x128xf32, #tpu.memory_space<hbm>>
          %dma_start3A_1039 = tpu.memref_squeeze %dma_start3A_1038 : memref<1x1x1x4x128xf32, #tpu.memory_space<hbm>> -> memref<4x128xf32, #tpu.memory_space<hbm>>
          %dma_start3A_1040 = arith.constant 0 : i32
          %dma_start3A_1041 = arith.constant 0 : i32
          %dma_start3A_1042 = tpu.memref_slice %arg14[%dma_start3A, %dma_start3A_1040, %dma_start3A_1041] : memref<64x4x128xf32, #tpu.memory_space<vmem>> -> memref<1x4x128xf32, #tpu.memory_space<vmem>>
          %dma_start3A_1043 = tpu.memref_squeeze %dma_start3A_1042 : memref<1x4x128xf32, #tpu.memory_space<vmem>> -> memref<4x128xf32, #tpu.memory_space<vmem>>
          tpu.enqueue_dma source(%dma_start3A_1043 : memref<4x128xf32, #tpu.memory_space<vmem>>) target(%dma_start3A_1039 : memref<4x128xf32, #tpu.memory_space<hbm>>) target_semaphore(%arg15 : memref<!tpu.dma_semaphore, #tpu.memory_space<semaphore_mem>>)
        } else {
        }
      }
      %scan3A_1016 = arith.constant 64 : i32
    } else {
    }
    %add3A_522 = arith.constant 11 : i32
    %add3A_523 = arith.addi %mul3A_2, %add3A_522 : i32
    %slice3A_524 = vector.extract_strided_slice %get3A_4 {offsets = [11], sizes = [1], strides = [1]} : vector<16xi32> to vector<1xi32>
    %squeeze3A_525 = vector.extract %slice3A_524[0] : i32 from vector<1xi32>
    %slice3A_526 = vector.extract_strided_slice %get3A_7 {offsets = [11], sizes = [1], strides = [1]} : vector<16xi32> to vector<1xi32>
    %squeeze3A_527 = vector.extract %slice3A_526[0] : i32 from vector<1xi32>
    %slice3A_528 = vector.extract_strided_slice %get3A_10 {offsets = [11], sizes = [1], strides = [1]} : vector<16xi32> to vector<1xi32>
    %squeeze3A_529 = vector.extract %slice3A_528[0] : i32 from vector<1xi32>
    %slice3A_530 = vector.extract_strided_slice %get3A_13 {offsets = [11], sizes = [1], strides = [1]} : vector<16xi32> to vector<1xi32>
    %squeeze3A_531 = vector.extract %slice3A_530[0] : i32 from vector<1xi32>
    %sub3A_532 = arith.subi %squeeze3A_531, %squeeze3A_529 : i32
    %eq3A_533 = arith.constant 64 : i32
    %eq3A_534 = arith.cmpi eq, %sub3A_532, %eq3A_533 : i32
    %convert_element_type3A_535 = arith.extui %eq3A_534 : i1 to i32
    %cond3A_536 = arith.constant 0 : i32
    %cond3A_537 = arith.cmpi ne, %convert_element_type3A_535, %cond3A_536 : i32
    scf.if %cond3A_537 {
      %dma_start3A = arith.constant 0 : i32
      %dma_start3A_1012 = arith.constant 0 : i32
      %dma_start3A_1013 = arith.constant 0 : i32
      %dma_start3A_1014 = arith.constant 0 : i32
      %dma_start3A_1015 = tpu.memref_slice %arg9[%dma_start3A, %add3A_523, %dma_start3A_1012, %dma_start3A_1013, %dma_start3A_1014] : memref<2x512x64x4x128xf32, #tpu.memory_space<hbm>> -> memref<1x1x64x4x128xf32, #tpu.memory_space<hbm>>
      %dma_start3A_1016 = tpu.memref_squeeze %dma_start3A_1015 : memref<1x1x64x4x128xf32, #tpu.memory_space<hbm>> -> memref<64x4x128xf32, #tpu.memory_space<hbm>>
      %dma_start3A_1017 = arith.constant 0 : i32
      %dma_start3A_1018 = arith.constant 0 : i32
      %dma_start3A_1019 = tpu.memref_slice %arg2[%squeeze3A_525, %squeeze3A_527, %dma_start3A_1017, %dma_start3A_1018] : memref<8x2048x4x128xf32, #tpu.memory_space<hbm>> -> memref<1x64x4x128xf32, #tpu.memory_space<hbm>>
      %dma_start3A_1020 = tpu.memref_squeeze %dma_start3A_1019 : memref<1x64x4x128xf32, #tpu.memory_space<hbm>> -> memref<64x4x128xf32, #tpu.memory_space<hbm>>
      tpu.enqueue_dma source(%dma_start3A_1020 : memref<64x4x128xf32, #tpu.memory_space<hbm>>) target(%dma_start3A_1016 : memref<64x4x128xf32, #tpu.memory_space<hbm>>) target_semaphore(%arg15 : memref<!tpu.dma_semaphore, #tpu.memory_space<semaphore_mem>>)
    } else {
    }
    %eq3A_538 = arith.constant 0 : i32
    %eq3A_539 = arith.cmpi eq, %sub3A_532, %eq3A_538 : i32
    %convert_element_type3A_540 = arith.extui %eq3A_539 : i1 to i32
    %cond3A_541 = arith.constant 0 : i32
    %cond3A_542 = arith.cmpi ne, %convert_element_type3A_540, %cond3A_541 : i32
    scf.if %cond3A_542 {
      %dma_start3A = arith.constant 0 : i32
      %dma_start3A_1012 = arith.constant 0 : i32
      %dma_start3A_1013 = arith.constant 0 : i32
      %dma_start3A_1014 = arith.constant 0 : i32
      %dma_start3A_1015 = tpu.memref_slice %arg9[%dma_start3A, %add3A_523, %dma_start3A_1012, %dma_start3A_1013, %dma_start3A_1014] : memref<2x512x64x4x128xf32, #tpu.memory_space<hbm>> -> memref<1x1x64x4x128xf32, #tpu.memory_space<hbm>>
      %dma_start3A_1016 = tpu.memref_squeeze %dma_start3A_1015 : memref<1x1x64x4x128xf32, #tpu.memory_space<hbm>> -> memref<64x4x128xf32, #tpu.memory_space<hbm>>
      %dma_start3A_1017 = arith.constant 0 : i32
      %dma_start3A_1018 = arith.constant 0 : i32
      %dma_start3A_1019 = arith.constant 0 : i32
      %dma_start3A_1020 = tpu.memref_slice %arg9[%dma_start3A, %add3A_523, %dma_start3A_1017, %dma_start3A_1018, %dma_start3A_1019] : memref<2x512x64x4x128xf32, #tpu.memory_space<hbm>> -> memref<1x1x64x4x128xf32, #tpu.memory_space<hbm>>
      %dma_start3A_1021 = tpu.memref_squeeze %dma_start3A_1020 : memref<1x1x64x4x128xf32, #tpu.memory_space<hbm>> -> memref<64x4x128xf32, #tpu.memory_space<hbm>>
      tpu.enqueue_dma source(%arg14 : memref<64x4x128xf32, #tpu.memory_space<vmem>>) target(%dma_start3A_1021 : memref<64x4x128xf32, #tpu.memory_space<hbm>>) target_semaphore(%arg15 : memref<!tpu.dma_semaphore, #tpu.memory_space<semaphore_mem>>)
    } else {
    }
    %gt3A_543 = arith.constant 0 : i32
    %gt3A_544 = arith.cmpi sgt, %sub3A_532, %gt3A_543 : i32
    %lt3A_545 = arith.constant 64 : i32
    %lt3A_546 = arith.cmpi slt, %sub3A_532, %lt3A_545 : i32
    %and3A_547 = arith.andi %gt3A_544, %lt3A_546 : i1
    %convert_element_type3A_548 = arith.extui %and3A_547 : i1 to i32
    %cond3A_549 = arith.constant 0 : i32
    %cond3A_550 = arith.cmpi ne, %convert_element_type3A_548, %cond3A_549 : i32
    scf.if %cond3A_550 {
      %scan3A = arith.constant 0 : i32
      %scan3A_1012 = arith.constant 0 : i32
      %scan3A_1013 = arith.constant 64 : i32
      %scan3A_1014 = arith.addi %scan3A_1012, %scan3A_1013 : i32
      %scan3A_1015 = arith.constant 1 : i32
      scf.for %scan3A_1017 = %scan3A_1012 to %scan3A_1014 step %scan3A_1015  : i32 {
        %ge3A = arith.cmpi sge, %scan3A_1017, %squeeze3A_529 : i32
        %lt3A_1018 = arith.cmpi slt, %scan3A_1017, %squeeze3A_531 : i32
        %and3A_1019 = arith.andi %ge3A, %lt3A_1018 : i1
        %convert_element_type3A_1020 = arith.extui %and3A_1019 : i1 to i32
        %cond3A_1021 = arith.constant 0 : i32
        %cond3A_1022 = arith.cmpi ne, %convert_element_type3A_1020, %cond3A_1021 : i32
        scf.if %cond3A_1022 {
          %add3A_1027 = arith.addi %squeeze3A_527, %scan3A_1017 : i32
          %dma_start3A = arith.constant 0 : i32
          %dma_start3A_1028 = arith.constant 0 : i32
          %dma_start3A_1029 = arith.constant 0 : i32
          %dma_start3A_1030 = tpu.memref_slice %arg9[%dma_start3A, %add3A_523, %scan3A_1017, %dma_start3A_1028, %dma_start3A_1029] : memref<2x512x64x4x128xf32, #tpu.memory_space<hbm>> -> memref<1x1x1x4x128xf32, #tpu.memory_space<hbm>>
          %dma_start3A_1031 = tpu.memref_squeeze %dma_start3A_1030 : memref<1x1x1x4x128xf32, #tpu.memory_space<hbm>> -> memref<4x128xf32, #tpu.memory_space<hbm>>
          %dma_start3A_1032 = arith.constant 0 : i32
          %dma_start3A_1033 = arith.constant 0 : i32
          %dma_start3A_1034 = tpu.memref_slice %arg2[%squeeze3A_525, %add3A_1027, %dma_start3A_1032, %dma_start3A_1033] : memref<8x2048x4x128xf32, #tpu.memory_space<hbm>> -> memref<1x1x4x128xf32, #tpu.memory_space<hbm>>
          %dma_start3A_1035 = tpu.memref_squeeze %dma_start3A_1034 : memref<1x1x4x128xf32, #tpu.memory_space<hbm>> -> memref<4x128xf32, #tpu.memory_space<hbm>>
          tpu.enqueue_dma source(%dma_start3A_1035 : memref<4x128xf32, #tpu.memory_space<hbm>>) target(%dma_start3A_1031 : memref<4x128xf32, #tpu.memory_space<hbm>>) target_semaphore(%arg15 : memref<!tpu.dma_semaphore, #tpu.memory_space<semaphore_mem>>)
        } else {
        }
        %not3A = arith.constant true
        %not3A_1023 = arith.xori %and3A_1019, %not3A : i1
        %convert_element_type3A_1024 = arith.extui %not3A_1023 : i1 to i32
        %cond3A_1025 = arith.constant 0 : i32
        %cond3A_1026 = arith.cmpi ne, %convert_element_type3A_1024, %cond3A_1025 : i32
        scf.if %cond3A_1026 {
          %dma_start3A = arith.constant 0 : i32
          %dma_start3A_1027 = arith.constant 0 : i32
          %dma_start3A_1028 = arith.constant 0 : i32
          %dma_start3A_1029 = arith.constant 0 : i32
          %dma_start3A_1030 = tpu.memref_slice %arg14[%dma_start3A, %dma_start3A_1028, %dma_start3A_1029] : memref<64x4x128xf32, #tpu.memory_space<vmem>> -> memref<1x4x128xf32, #tpu.memory_space<vmem>>
          %dma_start3A_1031 = tpu.memref_squeeze %dma_start3A_1030 : memref<1x4x128xf32, #tpu.memory_space<vmem>> -> memref<4x128xf32, #tpu.memory_space<vmem>>
          %dma_start3A_1032 = arith.constant 0 : i32
          %dma_start3A_1033 = arith.constant 0 : i32
          %dma_start3A_1034 = tpu.memref_slice %arg9[%dma_start3A_1027, %add3A_523, %scan3A_1017, %dma_start3A_1032, %dma_start3A_1033] : memref<2x512x64x4x128xf32, #tpu.memory_space<hbm>> -> memref<1x1x1x4x128xf32, #tpu.memory_space<hbm>>
          %dma_start3A_1035 = tpu.memref_squeeze %dma_start3A_1034 : memref<1x1x1x4x128xf32, #tpu.memory_space<hbm>> -> memref<4x128xf32, #tpu.memory_space<hbm>>
          %dma_start3A_1036 = arith.constant 0 : i32
          %dma_start3A_1037 = arith.constant 0 : i32
          %dma_start3A_1038 = tpu.memref_slice %arg9[%dma_start3A_1027, %add3A_523, %scan3A_1017, %dma_start3A_1036, %dma_start3A_1037] : memref<2x512x64x4x128xf32, #tpu.memory_space<hbm>> -> memref<1x1x1x4x128xf32, #tpu.memory_space<hbm>>
          %dma_start3A_1039 = tpu.memref_squeeze %dma_start3A_1038 : memref<1x1x1x4x128xf32, #tpu.memory_space<hbm>> -> memref<4x128xf32, #tpu.memory_space<hbm>>
          %dma_start3A_1040 = arith.constant 0 : i32
          %dma_start3A_1041 = arith.constant 0 : i32
          %dma_start3A_1042 = tpu.memref_slice %arg14[%dma_start3A, %dma_start3A_1040, %dma_start3A_1041] : memref<64x4x128xf32, #tpu.memory_space<vmem>> -> memref<1x4x128xf32, #tpu.memory_space<vmem>>
          %dma_start3A_1043 = tpu.memref_squeeze %dma_start3A_1042 : memref<1x4x128xf32, #tpu.memory_space<vmem>> -> memref<4x128xf32, #tpu.memory_space<vmem>>
          tpu.enqueue_dma source(%dma_start3A_1043 : memref<4x128xf32, #tpu.memory_space<vmem>>) target(%dma_start3A_1039 : memref<4x128xf32, #tpu.memory_space<hbm>>) target_semaphore(%arg15 : memref<!tpu.dma_semaphore, #tpu.memory_space<semaphore_mem>>)
        } else {
        }
      }
      %scan3A_1016 = arith.constant 64 : i32
    } else {
    }
    %eq3A_551 = arith.constant 64 : i32
    %eq3A_552 = arith.cmpi eq, %sub3A_532, %eq3A_551 : i32
    %convert_element_type3A_553 = arith.extui %eq3A_552 : i1 to i32
    %cond3A_554 = arith.constant 0 : i32
    %cond3A_555 = arith.cmpi ne, %convert_element_type3A_553, %cond3A_554 : i32
    scf.if %cond3A_555 {
      %dma_start3A = arith.constant 1 : i32
      %dma_start3A_1012 = arith.constant 0 : i32
      %dma_start3A_1013 = arith.constant 0 : i32
      %dma_start3A_1014 = arith.constant 0 : i32
      %dma_start3A_1015 = tpu.memref_slice %arg9[%dma_start3A, %add3A_523, %dma_start3A_1012, %dma_start3A_1013, %dma_start3A_1014] : memref<2x512x64x4x128xf32, #tpu.memory_space<hbm>> -> memref<1x1x64x4x128xf32, #tpu.memory_space<hbm>>
      %dma_start3A_1016 = tpu.memref_squeeze %dma_start3A_1015 : memref<1x1x64x4x128xf32, #tpu.memory_space<hbm>> -> memref<64x4x128xf32, #tpu.memory_space<hbm>>
      %dma_start3A_1017 = arith.constant 0 : i32
      %dma_start3A_1018 = arith.constant 0 : i32
      %dma_start3A_1019 = tpu.memref_slice %arg3[%squeeze3A_525, %squeeze3A_527, %dma_start3A_1017, %dma_start3A_1018] : memref<8x2048x4x128xf32, #tpu.memory_space<hbm>> -> memref<1x64x4x128xf32, #tpu.memory_space<hbm>>
      %dma_start3A_1020 = tpu.memref_squeeze %dma_start3A_1019 : memref<1x64x4x128xf32, #tpu.memory_space<hbm>> -> memref<64x4x128xf32, #tpu.memory_space<hbm>>
      tpu.enqueue_dma source(%dma_start3A_1020 : memref<64x4x128xf32, #tpu.memory_space<hbm>>) target(%dma_start3A_1016 : memref<64x4x128xf32, #tpu.memory_space<hbm>>) target_semaphore(%arg15 : memref<!tpu.dma_semaphore, #tpu.memory_space<semaphore_mem>>)
    } else {
    }
    %eq3A_556 = arith.constant 0 : i32
    %eq3A_557 = arith.cmpi eq, %sub3A_532, %eq3A_556 : i32
    %convert_element_type3A_558 = arith.extui %eq3A_557 : i1 to i32
    %cond3A_559 = arith.constant 0 : i32
    %cond3A_560 = arith.cmpi ne, %convert_element_type3A_558, %cond3A_559 : i32
    scf.if %cond3A_560 {
      %dma_start3A = arith.constant 1 : i32
      %dma_start3A_1012 = arith.constant 0 : i32
      %dma_start3A_1013 = arith.constant 0 : i32
      %dma_start3A_1014 = arith.constant 0 : i32
      %dma_start3A_1015 = tpu.memref_slice %arg9[%dma_start3A, %add3A_523, %dma_start3A_1012, %dma_start3A_1013, %dma_start3A_1014] : memref<2x512x64x4x128xf32, #tpu.memory_space<hbm>> -> memref<1x1x64x4x128xf32, #tpu.memory_space<hbm>>
      %dma_start3A_1016 = tpu.memref_squeeze %dma_start3A_1015 : memref<1x1x64x4x128xf32, #tpu.memory_space<hbm>> -> memref<64x4x128xf32, #tpu.memory_space<hbm>>
      %dma_start3A_1017 = arith.constant 0 : i32
      %dma_start3A_1018 = arith.constant 0 : i32
      %dma_start3A_1019 = arith.constant 0 : i32
      %dma_start3A_1020 = tpu.memref_slice %arg9[%dma_start3A, %add3A_523, %dma_start3A_1017, %dma_start3A_1018, %dma_start3A_1019] : memref<2x512x64x4x128xf32, #tpu.memory_space<hbm>> -> memref<1x1x64x4x128xf32, #tpu.memory_space<hbm>>
      %dma_start3A_1021 = tpu.memref_squeeze %dma_start3A_1020 : memref<1x1x64x4x128xf32, #tpu.memory_space<hbm>> -> memref<64x4x128xf32, #tpu.memory_space<hbm>>
      tpu.enqueue_dma source(%arg14 : memref<64x4x128xf32, #tpu.memory_space<vmem>>) target(%dma_start3A_1021 : memref<64x4x128xf32, #tpu.memory_space<hbm>>) target_semaphore(%arg15 : memref<!tpu.dma_semaphore, #tpu.memory_space<semaphore_mem>>)
    } else {
    }
    %gt3A_561 = arith.constant 0 : i32
    %gt3A_562 = arith.cmpi sgt, %sub3A_532, %gt3A_561 : i32
    %lt3A_563 = arith.constant 64 : i32
    %lt3A_564 = arith.cmpi slt, %sub3A_532, %lt3A_563 : i32
    %and3A_565 = arith.andi %gt3A_562, %lt3A_564 : i1
    %convert_element_type3A_566 = arith.extui %and3A_565 : i1 to i32
    %cond3A_567 = arith.constant 0 : i32
    %cond3A_568 = arith.cmpi ne, %convert_element_type3A_566, %cond3A_567 : i32
    scf.if %cond3A_568 {
      %scan3A = arith.constant 0 : i32
      %scan3A_1012 = arith.constant 0 : i32
      %scan3A_1013 = arith.constant 64 : i32
      %scan3A_1014 = arith.addi %scan3A_1012, %scan3A_1013 : i32
      %scan3A_1015 = arith.constant 1 : i32
      scf.for %scan3A_1017 = %scan3A_1012 to %scan3A_1014 step %scan3A_1015  : i32 {
        %ge3A = arith.cmpi sge, %scan3A_1017, %squeeze3A_529 : i32
        %lt3A_1018 = arith.cmpi slt, %scan3A_1017, %squeeze3A_531 : i32
        %and3A_1019 = arith.andi %ge3A, %lt3A_1018 : i1
        %convert_element_type3A_1020 = arith.extui %and3A_1019 : i1 to i32
        %cond3A_1021 = arith.constant 0 : i32
        %cond3A_1022 = arith.cmpi ne, %convert_element_type3A_1020, %cond3A_1021 : i32
        scf.if %cond3A_1022 {
          %add3A_1027 = arith.addi %squeeze3A_527, %scan3A_1017 : i32
          %dma_start3A = arith.constant 1 : i32
          %dma_start3A_1028 = arith.constant 0 : i32
          %dma_start3A_1029 = arith.constant 0 : i32
          %dma_start3A_1030 = tpu.memref_slice %arg9[%dma_start3A, %add3A_523, %scan3A_1017, %dma_start3A_1028, %dma_start3A_1029] : memref<2x512x64x4x128xf32, #tpu.memory_space<hbm>> -> memref<1x1x1x4x128xf32, #tpu.memory_space<hbm>>
          %dma_start3A_1031 = tpu.memref_squeeze %dma_start3A_1030 : memref<1x1x1x4x128xf32, #tpu.memory_space<hbm>> -> memref<4x128xf32, #tpu.memory_space<hbm>>
          %dma_start3A_1032 = arith.constant 0 : i32
          %dma_start3A_1033 = arith.constant 0 : i32
          %dma_start3A_1034 = tpu.memref_slice %arg3[%squeeze3A_525, %add3A_1027, %dma_start3A_1032, %dma_start3A_1033] : memref<8x2048x4x128xf32, #tpu.memory_space<hbm>> -> memref<1x1x4x128xf32, #tpu.memory_space<hbm>>
          %dma_start3A_1035 = tpu.memref_squeeze %dma_start3A_1034 : memref<1x1x4x128xf32, #tpu.memory_space<hbm>> -> memref<4x128xf32, #tpu.memory_space<hbm>>
          tpu.enqueue_dma source(%dma_start3A_1035 : memref<4x128xf32, #tpu.memory_space<hbm>>) target(%dma_start3A_1031 : memref<4x128xf32, #tpu.memory_space<hbm>>) target_semaphore(%arg15 : memref<!tpu.dma_semaphore, #tpu.memory_space<semaphore_mem>>)
        } else {
        }
        %not3A = arith.constant true
        %not3A_1023 = arith.xori %and3A_1019, %not3A : i1
        %convert_element_type3A_1024 = arith.extui %not3A_1023 : i1 to i32
        %cond3A_1025 = arith.constant 0 : i32
        %cond3A_1026 = arith.cmpi ne, %convert_element_type3A_1024, %cond3A_1025 : i32
        scf.if %cond3A_1026 {
          %dma_start3A = arith.constant 0 : i32
          %dma_start3A_1027 = arith.constant 1 : i32
          %dma_start3A_1028 = arith.constant 0 : i32
          %dma_start3A_1029 = arith.constant 0 : i32
          %dma_start3A_1030 = tpu.memref_slice %arg14[%dma_start3A, %dma_start3A_1028, %dma_start3A_1029] : memref<64x4x128xf32, #tpu.memory_space<vmem>> -> memref<1x4x128xf32, #tpu.memory_space<vmem>>
          %dma_start3A_1031 = tpu.memref_squeeze %dma_start3A_1030 : memref<1x4x128xf32, #tpu.memory_space<vmem>> -> memref<4x128xf32, #tpu.memory_space<vmem>>
          %dma_start3A_1032 = arith.constant 0 : i32
          %dma_start3A_1033 = arith.constant 0 : i32
          %dma_start3A_1034 = tpu.memref_slice %arg9[%dma_start3A_1027, %add3A_523, %scan3A_1017, %dma_start3A_1032, %dma_start3A_1033] : memref<2x512x64x4x128xf32, #tpu.memory_space<hbm>> -> memref<1x1x1x4x128xf32, #tpu.memory_space<hbm>>
          %dma_start3A_1035 = tpu.memref_squeeze %dma_start3A_1034 : memref<1x1x1x4x128xf32, #tpu.memory_space<hbm>> -> memref<4x128xf32, #tpu.memory_space<hbm>>
          %dma_start3A_1036 = arith.constant 0 : i32
          %dma_start3A_1037 = arith.constant 0 : i32
          %dma_start3A_1038 = tpu.memref_slice %arg9[%dma_start3A_1027, %add3A_523, %scan3A_1017, %dma_start3A_1036, %dma_start3A_1037] : memref<2x512x64x4x128xf32, #tpu.memory_space<hbm>> -> memref<1x1x1x4x128xf32, #tpu.memory_space<hbm>>
          %dma_start3A_1039 = tpu.memref_squeeze %dma_start3A_1038 : memref<1x1x1x4x128xf32, #tpu.memory_space<hbm>> -> memref<4x128xf32, #tpu.memory_space<hbm>>
          %dma_start3A_1040 = arith.constant 0 : i32
          %dma_start3A_1041 = arith.constant 0 : i32
          %dma_start3A_1042 = tpu.memref_slice %arg14[%dma_start3A, %dma_start3A_1040, %dma_start3A_1041] : memref<64x4x128xf32, #tpu.memory_space<vmem>> -> memref<1x4x128xf32, #tpu.memory_space<vmem>>
          %dma_start3A_1043 = tpu.memref_squeeze %dma_start3A_1042 : memref<1x4x128xf32, #tpu.memory_space<vmem>> -> memref<4x128xf32, #tpu.memory_space<vmem>>
          tpu.enqueue_dma source(%dma_start3A_1043 : memref<4x128xf32, #tpu.memory_space<vmem>>) target(%dma_start3A_1039 : memref<4x128xf32, #tpu.memory_space<hbm>>) target_semaphore(%arg15 : memref<!tpu.dma_semaphore, #tpu.memory_space<semaphore_mem>>)
        } else {
        }
      }
      %scan3A_1016 = arith.constant 64 : i32
    } else {
    }
    %add3A_569 = arith.constant 12 : i32
    %add3A_570 = arith.addi %mul3A_2, %add3A_569 : i32
    %slice3A_571 = vector.extract_strided_slice %get3A_4 {offsets = [12], sizes = [1], strides = [1]} : vector<16xi32> to vector<1xi32>
    %squeeze3A_572 = vector.extract %slice3A_571[0] : i32 from vector<1xi32>
    %slice3A_573 = vector.extract_strided_slice %get3A_7 {offsets = [12], sizes = [1], strides = [1]} : vector<16xi32> to vector<1xi32>
    %squeeze3A_574 = vector.extract %slice3A_573[0] : i32 from vector<1xi32>
    %slice3A_575 = vector.extract_strided_slice %get3A_10 {offsets = [12], sizes = [1], strides = [1]} : vector<16xi32> to vector<1xi32>
    %squeeze3A_576 = vector.extract %slice3A_575[0] : i32 from vector<1xi32>
    %slice3A_577 = vector.extract_strided_slice %get3A_13 {offsets = [12], sizes = [1], strides = [1]} : vector<16xi32> to vector<1xi32>
    %squeeze3A_578 = vector.extract %slice3A_577[0] : i32 from vector<1xi32>
    %sub3A_579 = arith.subi %squeeze3A_578, %squeeze3A_576 : i32
    %eq3A_580 = arith.constant 64 : i32
    %eq3A_581 = arith.cmpi eq, %sub3A_579, %eq3A_580 : i32
    %convert_element_type3A_582 = arith.extui %eq3A_581 : i1 to i32
    %cond3A_583 = arith.constant 0 : i32
    %cond3A_584 = arith.cmpi ne, %convert_element_type3A_582, %cond3A_583 : i32
    scf.if %cond3A_584 {
      %dma_start3A = arith.constant 0 : i32
      %dma_start3A_1012 = arith.constant 0 : i32
      %dma_start3A_1013 = arith.constant 0 : i32
      %dma_start3A_1014 = arith.constant 0 : i32
      %dma_start3A_1015 = tpu.memref_slice %arg9[%dma_start3A, %add3A_570, %dma_start3A_1012, %dma_start3A_1013, %dma_start3A_1014] : memref<2x512x64x4x128xf32, #tpu.memory_space<hbm>> -> memref<1x1x64x4x128xf32, #tpu.memory_space<hbm>>
      %dma_start3A_1016 = tpu.memref_squeeze %dma_start3A_1015 : memref<1x1x64x4x128xf32, #tpu.memory_space<hbm>> -> memref<64x4x128xf32, #tpu.memory_space<hbm>>
      %dma_start3A_1017 = arith.constant 0 : i32
      %dma_start3A_1018 = arith.constant 0 : i32
      %dma_start3A_1019 = tpu.memref_slice %arg2[%squeeze3A_572, %squeeze3A_574, %dma_start3A_1017, %dma_start3A_1018] : memref<8x2048x4x128xf32, #tpu.memory_space<hbm>> -> memref<1x64x4x128xf32, #tpu.memory_space<hbm>>
      %dma_start3A_1020 = tpu.memref_squeeze %dma_start3A_1019 : memref<1x64x4x128xf32, #tpu.memory_space<hbm>> -> memref<64x4x128xf32, #tpu.memory_space<hbm>>
      tpu.enqueue_dma source(%dma_start3A_1020 : memref<64x4x128xf32, #tpu.memory_space<hbm>>) target(%dma_start3A_1016 : memref<64x4x128xf32, #tpu.memory_space<hbm>>) target_semaphore(%arg15 : memref<!tpu.dma_semaphore, #tpu.memory_space<semaphore_mem>>)
    } else {
    }
    %eq3A_585 = arith.constant 0 : i32
    %eq3A_586 = arith.cmpi eq, %sub3A_579, %eq3A_585 : i32
    %convert_element_type3A_587 = arith.extui %eq3A_586 : i1 to i32
    %cond3A_588 = arith.constant 0 : i32
    %cond3A_589 = arith.cmpi ne, %convert_element_type3A_587, %cond3A_588 : i32
    scf.if %cond3A_589 {
      %dma_start3A = arith.constant 0 : i32
      %dma_start3A_1012 = arith.constant 0 : i32
      %dma_start3A_1013 = arith.constant 0 : i32
      %dma_start3A_1014 = arith.constant 0 : i32
      %dma_start3A_1015 = tpu.memref_slice %arg9[%dma_start3A, %add3A_570, %dma_start3A_1012, %dma_start3A_1013, %dma_start3A_1014] : memref<2x512x64x4x128xf32, #tpu.memory_space<hbm>> -> memref<1x1x64x4x128xf32, #tpu.memory_space<hbm>>
      %dma_start3A_1016 = tpu.memref_squeeze %dma_start3A_1015 : memref<1x1x64x4x128xf32, #tpu.memory_space<hbm>> -> memref<64x4x128xf32, #tpu.memory_space<hbm>>
      %dma_start3A_1017 = arith.constant 0 : i32
      %dma_start3A_1018 = arith.constant 0 : i32
      %dma_start3A_1019 = arith.constant 0 : i32
      %dma_start3A_1020 = tpu.memref_slice %arg9[%dma_start3A, %add3A_570, %dma_start3A_1017, %dma_start3A_1018, %dma_start3A_1019] : memref<2x512x64x4x128xf32, #tpu.memory_space<hbm>> -> memref<1x1x64x4x128xf32, #tpu.memory_space<hbm>>
      %dma_start3A_1021 = tpu.memref_squeeze %dma_start3A_1020 : memref<1x1x64x4x128xf32, #tpu.memory_space<hbm>> -> memref<64x4x128xf32, #tpu.memory_space<hbm>>
      tpu.enqueue_dma source(%arg14 : memref<64x4x128xf32, #tpu.memory_space<vmem>>) target(%dma_start3A_1021 : memref<64x4x128xf32, #tpu.memory_space<hbm>>) target_semaphore(%arg15 : memref<!tpu.dma_semaphore, #tpu.memory_space<semaphore_mem>>)
    } else {
    }
    %gt3A_590 = arith.constant 0 : i32
    %gt3A_591 = arith.cmpi sgt, %sub3A_579, %gt3A_590 : i32
    %lt3A_592 = arith.constant 64 : i32
    %lt3A_593 = arith.cmpi slt, %sub3A_579, %lt3A_592 : i32
    %and3A_594 = arith.andi %gt3A_591, %lt3A_593 : i1
    %convert_element_type3A_595 = arith.extui %and3A_594 : i1 to i32
    %cond3A_596 = arith.constant 0 : i32
    %cond3A_597 = arith.cmpi ne, %convert_element_type3A_595, %cond3A_596 : i32
    scf.if %cond3A_597 {
      %scan3A = arith.constant 0 : i32
      %scan3A_1012 = arith.constant 0 : i32
      %scan3A_1013 = arith.constant 64 : i32
      %scan3A_1014 = arith.addi %scan3A_1012, %scan3A_1013 : i32
      %scan3A_1015 = arith.constant 1 : i32
      scf.for %scan3A_1017 = %scan3A_1012 to %scan3A_1014 step %scan3A_1015  : i32 {
        %ge3A = arith.cmpi sge, %scan3A_1017, %squeeze3A_576 : i32
        %lt3A_1018 = arith.cmpi slt, %scan3A_1017, %squeeze3A_578 : i32
        %and3A_1019 = arith.andi %ge3A, %lt3A_1018 : i1
        %convert_element_type3A_1020 = arith.extui %and3A_1019 : i1 to i32
        %cond3A_1021 = arith.constant 0 : i32
        %cond3A_1022 = arith.cmpi ne, %convert_element_type3A_1020, %cond3A_1021 : i32
        scf.if %cond3A_1022 {
          %add3A_1027 = arith.addi %squeeze3A_574, %scan3A_1017 : i32
          %dma_start3A = arith.constant 0 : i32
          %dma_start3A_1028 = arith.constant 0 : i32
          %dma_start3A_1029 = arith.constant 0 : i32
          %dma_start3A_1030 = tpu.memref_slice %arg9[%dma_start3A, %add3A_570, %scan3A_1017, %dma_start3A_1028, %dma_start3A_1029] : memref<2x512x64x4x128xf32, #tpu.memory_space<hbm>> -> memref<1x1x1x4x128xf32, #tpu.memory_space<hbm>>
          %dma_start3A_1031 = tpu.memref_squeeze %dma_start3A_1030 : memref<1x1x1x4x128xf32, #tpu.memory_space<hbm>> -> memref<4x128xf32, #tpu.memory_space<hbm>>
          %dma_start3A_1032 = arith.constant 0 : i32
          %dma_start3A_1033 = arith.constant 0 : i32
          %dma_start3A_1034 = tpu.memref_slice %arg2[%squeeze3A_572, %add3A_1027, %dma_start3A_1032, %dma_start3A_1033] : memref<8x2048x4x128xf32, #tpu.memory_space<hbm>> -> memref<1x1x4x128xf32, #tpu.memory_space<hbm>>
          %dma_start3A_1035 = tpu.memref_squeeze %dma_start3A_1034 : memref<1x1x4x128xf32, #tpu.memory_space<hbm>> -> memref<4x128xf32, #tpu.memory_space<hbm>>
          tpu.enqueue_dma source(%dma_start3A_1035 : memref<4x128xf32, #tpu.memory_space<hbm>>) target(%dma_start3A_1031 : memref<4x128xf32, #tpu.memory_space<hbm>>) target_semaphore(%arg15 : memref<!tpu.dma_semaphore, #tpu.memory_space<semaphore_mem>>)
        } else {
        }
        %not3A = arith.constant true
        %not3A_1023 = arith.xori %and3A_1019, %not3A : i1
        %convert_element_type3A_1024 = arith.extui %not3A_1023 : i1 to i32
        %cond3A_1025 = arith.constant 0 : i32
        %cond3A_1026 = arith.cmpi ne, %convert_element_type3A_1024, %cond3A_1025 : i32
        scf.if %cond3A_1026 {
          %dma_start3A = arith.constant 0 : i32
          %dma_start3A_1027 = arith.constant 0 : i32
          %dma_start3A_1028 = arith.constant 0 : i32
          %dma_start3A_1029 = arith.constant 0 : i32
          %dma_start3A_1030 = tpu.memref_slice %arg14[%dma_start3A, %dma_start3A_1028, %dma_start3A_1029] : memref<64x4x128xf32, #tpu.memory_space<vmem>> -> memref<1x4x128xf32, #tpu.memory_space<vmem>>
          %dma_start3A_1031 = tpu.memref_squeeze %dma_start3A_1030 : memref<1x4x128xf32, #tpu.memory_space<vmem>> -> memref<4x128xf32, #tpu.memory_space<vmem>>
          %dma_start3A_1032 = arith.constant 0 : i32
          %dma_start3A_1033 = arith.constant 0 : i32
          %dma_start3A_1034 = tpu.memref_slice %arg9[%dma_start3A_1027, %add3A_570, %scan3A_1017, %dma_start3A_1032, %dma_start3A_1033] : memref<2x512x64x4x128xf32, #tpu.memory_space<hbm>> -> memref<1x1x1x4x128xf32, #tpu.memory_space<hbm>>
          %dma_start3A_1035 = tpu.memref_squeeze %dma_start3A_1034 : memref<1x1x1x4x128xf32, #tpu.memory_space<hbm>> -> memref<4x128xf32, #tpu.memory_space<hbm>>
          %dma_start3A_1036 = arith.constant 0 : i32
          %dma_start3A_1037 = arith.constant 0 : i32
          %dma_start3A_1038 = tpu.memref_slice %arg9[%dma_start3A_1027, %add3A_570, %scan3A_1017, %dma_start3A_1036, %dma_start3A_1037] : memref<2x512x64x4x128xf32, #tpu.memory_space<hbm>> -> memref<1x1x1x4x128xf32, #tpu.memory_space<hbm>>
          %dma_start3A_1039 = tpu.memref_squeeze %dma_start3A_1038 : memref<1x1x1x4x128xf32, #tpu.memory_space<hbm>> -> memref<4x128xf32, #tpu.memory_space<hbm>>
          %dma_start3A_1040 = arith.constant 0 : i32
          %dma_start3A_1041 = arith.constant 0 : i32
          %dma_start3A_1042 = tpu.memref_slice %arg14[%dma_start3A, %dma_start3A_1040, %dma_start3A_1041] : memref<64x4x128xf32, #tpu.memory_space<vmem>> -> memref<1x4x128xf32, #tpu.memory_space<vmem>>
          %dma_start3A_1043 = tpu.memref_squeeze %dma_start3A_1042 : memref<1x4x128xf32, #tpu.memory_space<vmem>> -> memref<4x128xf32, #tpu.memory_space<vmem>>
          tpu.enqueue_dma source(%dma_start3A_1043 : memref<4x128xf32, #tpu.memory_space<vmem>>) target(%dma_start3A_1039 : memref<4x128xf32, #tpu.memory_space<hbm>>) target_semaphore(%arg15 : memref<!tpu.dma_semaphore, #tpu.memory_space<semaphore_mem>>)
        } else {
        }
      }
      %scan3A_1016 = arith.constant 64 : i32
    } else {
    }
    %eq3A_598 = arith.constant 64 : i32
    %eq3A_599 = arith.cmpi eq, %sub3A_579, %eq3A_598 : i32
    %convert_element_type3A_600 = arith.extui %eq3A_599 : i1 to i32
    %cond3A_601 = arith.constant 0 : i32
    %cond3A_602 = arith.cmpi ne, %convert_element_type3A_600, %cond3A_601 : i32
    scf.if %cond3A_602 {
      %dma_start3A = arith.constant 1 : i32
      %dma_start3A_1012 = arith.constant 0 : i32
      %dma_start3A_1013 = arith.constant 0 : i32
      %dma_start3A_1014 = arith.constant 0 : i32
      %dma_start3A_1015 = tpu.memref_slice %arg9[%dma_start3A, %add3A_570, %dma_start3A_1012, %dma_start3A_1013, %dma_start3A_1014] : memref<2x512x64x4x128xf32, #tpu.memory_space<hbm>> -> memref<1x1x64x4x128xf32, #tpu.memory_space<hbm>>
      %dma_start3A_1016 = tpu.memref_squeeze %dma_start3A_1015 : memref<1x1x64x4x128xf32, #tpu.memory_space<hbm>> -> memref<64x4x128xf32, #tpu.memory_space<hbm>>
      %dma_start3A_1017 = arith.constant 0 : i32
      %dma_start3A_1018 = arith.constant 0 : i32
      %dma_start3A_1019 = tpu.memref_slice %arg3[%squeeze3A_572, %squeeze3A_574, %dma_start3A_1017, %dma_start3A_1018] : memref<8x2048x4x128xf32, #tpu.memory_space<hbm>> -> memref<1x64x4x128xf32, #tpu.memory_space<hbm>>
      %dma_start3A_1020 = tpu.memref_squeeze %dma_start3A_1019 : memref<1x64x4x128xf32, #tpu.memory_space<hbm>> -> memref<64x4x128xf32, #tpu.memory_space<hbm>>
      tpu.enqueue_dma source(%dma_start3A_1020 : memref<64x4x128xf32, #tpu.memory_space<hbm>>) target(%dma_start3A_1016 : memref<64x4x128xf32, #tpu.memory_space<hbm>>) target_semaphore(%arg15 : memref<!tpu.dma_semaphore, #tpu.memory_space<semaphore_mem>>)
    } else {
    }
    %eq3A_603 = arith.constant 0 : i32
    %eq3A_604 = arith.cmpi eq, %sub3A_579, %eq3A_603 : i32
    %convert_element_type3A_605 = arith.extui %eq3A_604 : i1 to i32
    %cond3A_606 = arith.constant 0 : i32
    %cond3A_607 = arith.cmpi ne, %convert_element_type3A_605, %cond3A_606 : i32
    scf.if %cond3A_607 {
      %dma_start3A = arith.constant 1 : i32
      %dma_start3A_1012 = arith.constant 0 : i32
      %dma_start3A_1013 = arith.constant 0 : i32
      %dma_start3A_1014 = arith.constant 0 : i32
      %dma_start3A_1015 = tpu.memref_slice %arg9[%dma_start3A, %add3A_570, %dma_start3A_1012, %dma_start3A_1013, %dma_start3A_1014] : memref<2x512x64x4x128xf32, #tpu.memory_space<hbm>> -> memref<1x1x64x4x128xf32, #tpu.memory_space<hbm>>
      %dma_start3A_1016 = tpu.memref_squeeze %dma_start3A_1015 : memref<1x1x64x4x128xf32, #tpu.memory_space<hbm>> -> memref<64x4x128xf32, #tpu.memory_space<hbm>>
      %dma_start3A_1017 = arith.constant 0 : i32
      %dma_start3A_1018 = arith.constant 0 : i32
      %dma_start3A_1019 = arith.constant 0 : i32
      %dma_start3A_1020 = tpu.memref_slice %arg9[%dma_start3A, %add3A_570, %dma_start3A_1017, %dma_start3A_1018, %dma_start3A_1019] : memref<2x512x64x4x128xf32, #tpu.memory_space<hbm>> -> memref<1x1x64x4x128xf32, #tpu.memory_space<hbm>>
      %dma_start3A_1021 = tpu.memref_squeeze %dma_start3A_1020 : memref<1x1x64x4x128xf32, #tpu.memory_space<hbm>> -> memref<64x4x128xf32, #tpu.memory_space<hbm>>
      tpu.enqueue_dma source(%arg14 : memref<64x4x128xf32, #tpu.memory_space<vmem>>) target(%dma_start3A_1021 : memref<64x4x128xf32, #tpu.memory_space<hbm>>) target_semaphore(%arg15 : memref<!tpu.dma_semaphore, #tpu.memory_space<semaphore_mem>>)
    } else {
    }
    %gt3A_608 = arith.constant 0 : i32
    %gt3A_609 = arith.cmpi sgt, %sub3A_579, %gt3A_608 : i32
    %lt3A_610 = arith.constant 64 : i32
    %lt3A_611 = arith.cmpi slt, %sub3A_579, %lt3A_610 : i32
    %and3A_612 = arith.andi %gt3A_609, %lt3A_611 : i1
    %convert_element_type3A_613 = arith.extui %and3A_612 : i1 to i32
    %cond3A_614 = arith.constant 0 : i32
    %cond3A_615 = arith.cmpi ne, %convert_element_type3A_613, %cond3A_614 : i32
    scf.if %cond3A_615 {
      %scan3A = arith.constant 0 : i32
      %scan3A_1012 = arith.constant 0 : i32
      %scan3A_1013 = arith.constant 64 : i32
      %scan3A_1014 = arith.addi %scan3A_1012, %scan3A_1013 : i32
      %scan3A_1015 = arith.constant 1 : i32
      scf.for %scan3A_1017 = %scan3A_1012 to %scan3A_1014 step %scan3A_1015  : i32 {
        %ge3A = arith.cmpi sge, %scan3A_1017, %squeeze3A_576 : i32
        %lt3A_1018 = arith.cmpi slt, %scan3A_1017, %squeeze3A_578 : i32
        %and3A_1019 = arith.andi %ge3A, %lt3A_1018 : i1
        %convert_element_type3A_1020 = arith.extui %and3A_1019 : i1 to i32
        %cond3A_1021 = arith.constant 0 : i32
        %cond3A_1022 = arith.cmpi ne, %convert_element_type3A_1020, %cond3A_1021 : i32
        scf.if %cond3A_1022 {
          %add3A_1027 = arith.addi %squeeze3A_574, %scan3A_1017 : i32
          %dma_start3A = arith.constant 1 : i32
          %dma_start3A_1028 = arith.constant 0 : i32
          %dma_start3A_1029 = arith.constant 0 : i32
          %dma_start3A_1030 = tpu.memref_slice %arg9[%dma_start3A, %add3A_570, %scan3A_1017, %dma_start3A_1028, %dma_start3A_1029] : memref<2x512x64x4x128xf32, #tpu.memory_space<hbm>> -> memref<1x1x1x4x128xf32, #tpu.memory_space<hbm>>
          %dma_start3A_1031 = tpu.memref_squeeze %dma_start3A_1030 : memref<1x1x1x4x128xf32, #tpu.memory_space<hbm>> -> memref<4x128xf32, #tpu.memory_space<hbm>>
          %dma_start3A_1032 = arith.constant 0 : i32
          %dma_start3A_1033 = arith.constant 0 : i32
          %dma_start3A_1034 = tpu.memref_slice %arg3[%squeeze3A_572, %add3A_1027, %dma_start3A_1032, %dma_start3A_1033] : memref<8x2048x4x128xf32, #tpu.memory_space<hbm>> -> memref<1x1x4x128xf32, #tpu.memory_space<hbm>>
          %dma_start3A_1035 = tpu.memref_squeeze %dma_start3A_1034 : memref<1x1x4x128xf32, #tpu.memory_space<hbm>> -> memref<4x128xf32, #tpu.memory_space<hbm>>
          tpu.enqueue_dma source(%dma_start3A_1035 : memref<4x128xf32, #tpu.memory_space<hbm>>) target(%dma_start3A_1031 : memref<4x128xf32, #tpu.memory_space<hbm>>) target_semaphore(%arg15 : memref<!tpu.dma_semaphore, #tpu.memory_space<semaphore_mem>>)
        } else {
        }
        %not3A = arith.constant true
        %not3A_1023 = arith.xori %and3A_1019, %not3A : i1
        %convert_element_type3A_1024 = arith.extui %not3A_1023 : i1 to i32
        %cond3A_1025 = arith.constant 0 : i32
        %cond3A_1026 = arith.cmpi ne, %convert_element_type3A_1024, %cond3A_1025 : i32
        scf.if %cond3A_1026 {
          %dma_start3A = arith.constant 0 : i32
          %dma_start3A_1027 = arith.constant 1 : i32
          %dma_start3A_1028 = arith.constant 0 : i32
          %dma_start3A_1029 = arith.constant 0 : i32
          %dma_start3A_1030 = tpu.memref_slice %arg14[%dma_start3A, %dma_start3A_1028, %dma_start3A_1029] : memref<64x4x128xf32, #tpu.memory_space<vmem>> -> memref<1x4x128xf32, #tpu.memory_space<vmem>>
          %dma_start3A_1031 = tpu.memref_squeeze %dma_start3A_1030 : memref<1x4x128xf32, #tpu.memory_space<vmem>> -> memref<4x128xf32, #tpu.memory_space<vmem>>
          %dma_start3A_1032 = arith.constant 0 : i32
          %dma_start3A_1033 = arith.constant 0 : i32
          %dma_start3A_1034 = tpu.memref_slice %arg9[%dma_start3A_1027, %add3A_570, %scan3A_1017, %dma_start3A_1032, %dma_start3A_1033] : memref<2x512x64x4x128xf32, #tpu.memory_space<hbm>> -> memref<1x1x1x4x128xf32, #tpu.memory_space<hbm>>
          %dma_start3A_1035 = tpu.memref_squeeze %dma_start3A_1034 : memref<1x1x1x4x128xf32, #tpu.memory_space<hbm>> -> memref<4x128xf32, #tpu.memory_space<hbm>>
          %dma_start3A_1036 = arith.constant 0 : i32
          %dma_start3A_1037 = arith.constant 0 : i32
          %dma_start3A_1038 = tpu.memref_slice %arg9[%dma_start3A_1027, %add3A_570, %scan3A_1017, %dma_start3A_1036, %dma_start3A_1037] : memref<2x512x64x4x128xf32, #tpu.memory_space<hbm>> -> memref<1x1x1x4x128xf32, #tpu.memory_space<hbm>>
          %dma_start3A_1039 = tpu.memref_squeeze %dma_start3A_1038 : memref<1x1x1x4x128xf32, #tpu.memory_space<hbm>> -> memref<4x128xf32, #tpu.memory_space<hbm>>
          %dma_start3A_1040 = arith.constant 0 : i32
          %dma_start3A_1041 = arith.constant 0 : i32
          %dma_start3A_1042 = tpu.memref_slice %arg14[%dma_start3A, %dma_start3A_1040, %dma_start3A_1041] : memref<64x4x128xf32, #tpu.memory_space<vmem>> -> memref<1x4x128xf32, #tpu.memory_space<vmem>>
          %dma_start3A_1043 = tpu.memref_squeeze %dma_start3A_1042 : memref<1x4x128xf32, #tpu.memory_space<vmem>> -> memref<4x128xf32, #tpu.memory_space<vmem>>
          tpu.enqueue_dma source(%dma_start3A_1043 : memref<4x128xf32, #tpu.memory_space<vmem>>) target(%dma_start3A_1039 : memref<4x128xf32, #tpu.memory_space<hbm>>) target_semaphore(%arg15 : memref<!tpu.dma_semaphore, #tpu.memory_space<semaphore_mem>>)
        } else {
        }
      }
      %scan3A_1016 = arith.constant 64 : i32
    } else {
    }
    %add3A_616 = arith.constant 13 : i32
    %add3A_617 = arith.addi %mul3A_2, %add3A_616 : i32
    %slice3A_618 = vector.extract_strided_slice %get3A_4 {offsets = [13], sizes = [1], strides = [1]} : vector<16xi32> to vector<1xi32>
    %squeeze3A_619 = vector.extract %slice3A_618[0] : i32 from vector<1xi32>
    %slice3A_620 = vector.extract_strided_slice %get3A_7 {offsets = [13], sizes = [1], strides = [1]} : vector<16xi32> to vector<1xi32>
    %squeeze3A_621 = vector.extract %slice3A_620[0] : i32 from vector<1xi32>
    %slice3A_622 = vector.extract_strided_slice %get3A_10 {offsets = [13], sizes = [1], strides = [1]} : vector<16xi32> to vector<1xi32>
    %squeeze3A_623 = vector.extract %slice3A_622[0] : i32 from vector<1xi32>
    %slice3A_624 = vector.extract_strided_slice %get3A_13 {offsets = [13], sizes = [1], strides = [1]} : vector<16xi32> to vector<1xi32>
    %squeeze3A_625 = vector.extract %slice3A_624[0] : i32 from vector<1xi32>
    %sub3A_626 = arith.subi %squeeze3A_625, %squeeze3A_623 : i32
    %eq3A_627 = arith.constant 64 : i32
    %eq3A_628 = arith.cmpi eq, %sub3A_626, %eq3A_627 : i32
    %convert_element_type3A_629 = arith.extui %eq3A_628 : i1 to i32
    %cond3A_630 = arith.constant 0 : i32
    %cond3A_631 = arith.cmpi ne, %convert_element_type3A_629, %cond3A_630 : i32
    scf.if %cond3A_631 {
      %dma_start3A = arith.constant 0 : i32
      %dma_start3A_1012 = arith.constant 0 : i32
      %dma_start3A_1013 = arith.constant 0 : i32
      %dma_start3A_1014 = arith.constant 0 : i32
      %dma_start3A_1015 = tpu.memref_slice %arg9[%dma_start3A, %add3A_617, %dma_start3A_1012, %dma_start3A_1013, %dma_start3A_1014] : memref<2x512x64x4x128xf32, #tpu.memory_space<hbm>> -> memref<1x1x64x4x128xf32, #tpu.memory_space<hbm>>
      %dma_start3A_1016 = tpu.memref_squeeze %dma_start3A_1015 : memref<1x1x64x4x128xf32, #tpu.memory_space<hbm>> -> memref<64x4x128xf32, #tpu.memory_space<hbm>>
      %dma_start3A_1017 = arith.constant 0 : i32
      %dma_start3A_1018 = arith.constant 0 : i32
      %dma_start3A_1019 = tpu.memref_slice %arg2[%squeeze3A_619, %squeeze3A_621, %dma_start3A_1017, %dma_start3A_1018] : memref<8x2048x4x128xf32, #tpu.memory_space<hbm>> -> memref<1x64x4x128xf32, #tpu.memory_space<hbm>>
      %dma_start3A_1020 = tpu.memref_squeeze %dma_start3A_1019 : memref<1x64x4x128xf32, #tpu.memory_space<hbm>> -> memref<64x4x128xf32, #tpu.memory_space<hbm>>
      tpu.enqueue_dma source(%dma_start3A_1020 : memref<64x4x128xf32, #tpu.memory_space<hbm>>) target(%dma_start3A_1016 : memref<64x4x128xf32, #tpu.memory_space<hbm>>) target_semaphore(%arg15 : memref<!tpu.dma_semaphore, #tpu.memory_space<semaphore_mem>>)
    } else {
    }
    %eq3A_632 = arith.constant 0 : i32
    %eq3A_633 = arith.cmpi eq, %sub3A_626, %eq3A_632 : i32
    %convert_element_type3A_634 = arith.extui %eq3A_633 : i1 to i32
    %cond3A_635 = arith.constant 0 : i32
    %cond3A_636 = arith.cmpi ne, %convert_element_type3A_634, %cond3A_635 : i32
    scf.if %cond3A_636 {
      %dma_start3A = arith.constant 0 : i32
      %dma_start3A_1012 = arith.constant 0 : i32
      %dma_start3A_1013 = arith.constant 0 : i32
      %dma_start3A_1014 = arith.constant 0 : i32
      %dma_start3A_1015 = tpu.memref_slice %arg9[%dma_start3A, %add3A_617, %dma_start3A_1012, %dma_start3A_1013, %dma_start3A_1014] : memref<2x512x64x4x128xf32, #tpu.memory_space<hbm>> -> memref<1x1x64x4x128xf32, #tpu.memory_space<hbm>>
      %dma_start3A_1016 = tpu.memref_squeeze %dma_start3A_1015 : memref<1x1x64x4x128xf32, #tpu.memory_space<hbm>> -> memref<64x4x128xf32, #tpu.memory_space<hbm>>
      %dma_start3A_1017 = arith.constant 0 : i32
      %dma_start3A_1018 = arith.constant 0 : i32
      %dma_start3A_1019 = arith.constant 0 : i32
      %dma_start3A_1020 = tpu.memref_slice %arg9[%dma_start3A, %add3A_617, %dma_start3A_1017, %dma_start3A_1018, %dma_start3A_1019] : memref<2x512x64x4x128xf32, #tpu.memory_space<hbm>> -> memref<1x1x64x4x128xf32, #tpu.memory_space<hbm>>
      %dma_start3A_1021 = tpu.memref_squeeze %dma_start3A_1020 : memref<1x1x64x4x128xf32, #tpu.memory_space<hbm>> -> memref<64x4x128xf32, #tpu.memory_space<hbm>>
      tpu.enqueue_dma source(%arg14 : memref<64x4x128xf32, #tpu.memory_space<vmem>>) target(%dma_start3A_1021 : memref<64x4x128xf32, #tpu.memory_space<hbm>>) target_semaphore(%arg15 : memref<!tpu.dma_semaphore, #tpu.memory_space<semaphore_mem>>)
    } else {
    }
    %gt3A_637 = arith.constant 0 : i32
    %gt3A_638 = arith.cmpi sgt, %sub3A_626, %gt3A_637 : i32
    %lt3A_639 = arith.constant 64 : i32
    %lt3A_640 = arith.cmpi slt, %sub3A_626, %lt3A_639 : i32
    %and3A_641 = arith.andi %gt3A_638, %lt3A_640 : i1
    %convert_element_type3A_642 = arith.extui %and3A_641 : i1 to i32
    %cond3A_643 = arith.constant 0 : i32
    %cond3A_644 = arith.cmpi ne, %convert_element_type3A_642, %cond3A_643 : i32
    scf.if %cond3A_644 {
      %scan3A = arith.constant 0 : i32
      %scan3A_1012 = arith.constant 0 : i32
      %scan3A_1013 = arith.constant 64 : i32
      %scan3A_1014 = arith.addi %scan3A_1012, %scan3A_1013 : i32
      %scan3A_1015 = arith.constant 1 : i32
      scf.for %scan3A_1017 = %scan3A_1012 to %scan3A_1014 step %scan3A_1015  : i32 {
        %ge3A = arith.cmpi sge, %scan3A_1017, %squeeze3A_623 : i32
        %lt3A_1018 = arith.cmpi slt, %scan3A_1017, %squeeze3A_625 : i32
        %and3A_1019 = arith.andi %ge3A, %lt3A_1018 : i1
        %convert_element_type3A_1020 = arith.extui %and3A_1019 : i1 to i32
        %cond3A_1021 = arith.constant 0 : i32
        %cond3A_1022 = arith.cmpi ne, %convert_element_type3A_1020, %cond3A_1021 : i32
        scf.if %cond3A_1022 {
          %add3A_1027 = arith.addi %squeeze3A_621, %scan3A_1017 : i32
          %dma_start3A = arith.constant 0 : i32
          %dma_start3A_1028 = arith.constant 0 : i32
          %dma_start3A_1029 = arith.constant 0 : i32
          %dma_start3A_1030 = tpu.memref_slice %arg9[%dma_start3A, %add3A_617, %scan3A_1017, %dma_start3A_1028, %dma_start3A_1029] : memref<2x512x64x4x128xf32, #tpu.memory_space<hbm>> -> memref<1x1x1x4x128xf32, #tpu.memory_space<hbm>>
          %dma_start3A_1031 = tpu.memref_squeeze %dma_start3A_1030 : memref<1x1x1x4x128xf32, #tpu.memory_space<hbm>> -> memref<4x128xf32, #tpu.memory_space<hbm>>
          %dma_start3A_1032 = arith.constant 0 : i32
          %dma_start3A_1033 = arith.constant 0 : i32
          %dma_start3A_1034 = tpu.memref_slice %arg2[%squeeze3A_619, %add3A_1027, %dma_start3A_1032, %dma_start3A_1033] : memref<8x2048x4x128xf32, #tpu.memory_space<hbm>> -> memref<1x1x4x128xf32, #tpu.memory_space<hbm>>
          %dma_start3A_1035 = tpu.memref_squeeze %dma_start3A_1034 : memref<1x1x4x128xf32, #tpu.memory_space<hbm>> -> memref<4x128xf32, #tpu.memory_space<hbm>>
          tpu.enqueue_dma source(%dma_start3A_1035 : memref<4x128xf32, #tpu.memory_space<hbm>>) target(%dma_start3A_1031 : memref<4x128xf32, #tpu.memory_space<hbm>>) target_semaphore(%arg15 : memref<!tpu.dma_semaphore, #tpu.memory_space<semaphore_mem>>)
        } else {
        }
        %not3A = arith.constant true
        %not3A_1023 = arith.xori %and3A_1019, %not3A : i1
        %convert_element_type3A_1024 = arith.extui %not3A_1023 : i1 to i32
        %cond3A_1025 = arith.constant 0 : i32
        %cond3A_1026 = arith.cmpi ne, %convert_element_type3A_1024, %cond3A_1025 : i32
        scf.if %cond3A_1026 {
          %dma_start3A = arith.constant 0 : i32
          %dma_start3A_1027 = arith.constant 0 : i32
          %dma_start3A_1028 = arith.constant 0 : i32
          %dma_start3A_1029 = arith.constant 0 : i32
          %dma_start3A_1030 = tpu.memref_slice %arg14[%dma_start3A, %dma_start3A_1028, %dma_start3A_1029] : memref<64x4x128xf32, #tpu.memory_space<vmem>> -> memref<1x4x128xf32, #tpu.memory_space<vmem>>
          %dma_start3A_1031 = tpu.memref_squeeze %dma_start3A_1030 : memref<1x4x128xf32, #tpu.memory_space<vmem>> -> memref<4x128xf32, #tpu.memory_space<vmem>>
          %dma_start3A_1032 = arith.constant 0 : i32
          %dma_start3A_1033 = arith.constant 0 : i32
          %dma_start3A_1034 = tpu.memref_slice %arg9[%dma_start3A_1027, %add3A_617, %scan3A_1017, %dma_start3A_1032, %dma_start3A_1033] : memref<2x512x64x4x128xf32, #tpu.memory_space<hbm>> -> memref<1x1x1x4x128xf32, #tpu.memory_space<hbm>>
          %dma_start3A_1035 = tpu.memref_squeeze %dma_start3A_1034 : memref<1x1x1x4x128xf32, #tpu.memory_space<hbm>> -> memref<4x128xf32, #tpu.memory_space<hbm>>
          %dma_start3A_1036 = arith.constant 0 : i32
          %dma_start3A_1037 = arith.constant 0 : i32
          %dma_start3A_1038 = tpu.memref_slice %arg9[%dma_start3A_1027, %add3A_617, %scan3A_1017, %dma_start3A_1036, %dma_start3A_1037] : memref<2x512x64x4x128xf32, #tpu.memory_space<hbm>> -> memref<1x1x1x4x128xf32, #tpu.memory_space<hbm>>
          %dma_start3A_1039 = tpu.memref_squeeze %dma_start3A_1038 : memref<1x1x1x4x128xf32, #tpu.memory_space<hbm>> -> memref<4x128xf32, #tpu.memory_space<hbm>>
          %dma_start3A_1040 = arith.constant 0 : i32
          %dma_start3A_1041 = arith.constant 0 : i32
          %dma_start3A_1042 = tpu.memref_slice %arg14[%dma_start3A, %dma_start3A_1040, %dma_start3A_1041] : memref<64x4x128xf32, #tpu.memory_space<vmem>> -> memref<1x4x128xf32, #tpu.memory_space<vmem>>
          %dma_start3A_1043 = tpu.memref_squeeze %dma_start3A_1042 : memref<1x4x128xf32, #tpu.memory_space<vmem>> -> memref<4x128xf32, #tpu.memory_space<vmem>>
          tpu.enqueue_dma source(%dma_start3A_1043 : memref<4x128xf32, #tpu.memory_space<vmem>>) target(%dma_start3A_1039 : memref<4x128xf32, #tpu.memory_space<hbm>>) target_semaphore(%arg15 : memref<!tpu.dma_semaphore, #tpu.memory_space<semaphore_mem>>)
        } else {
        }
      }
      %scan3A_1016 = arith.constant 64 : i32
    } else {
    }
    %eq3A_645 = arith.constant 64 : i32
    %eq3A_646 = arith.cmpi eq, %sub3A_626, %eq3A_645 : i32
    %convert_element_type3A_647 = arith.extui %eq3A_646 : i1 to i32
    %cond3A_648 = arith.constant 0 : i32
    %cond3A_649 = arith.cmpi ne, %convert_element_type3A_647, %cond3A_648 : i32
    scf.if %cond3A_649 {
      %dma_start3A = arith.constant 1 : i32
      %dma_start3A_1012 = arith.constant 0 : i32
      %dma_start3A_1013 = arith.constant 0 : i32
      %dma_start3A_1014 = arith.constant 0 : i32
      %dma_start3A_1015 = tpu.memref_slice %arg9[%dma_start3A, %add3A_617, %dma_start3A_1012, %dma_start3A_1013, %dma_start3A_1014] : memref<2x512x64x4x128xf32, #tpu.memory_space<hbm>> -> memref<1x1x64x4x128xf32, #tpu.memory_space<hbm>>
      %dma_start3A_1016 = tpu.memref_squeeze %dma_start3A_1015 : memref<1x1x64x4x128xf32, #tpu.memory_space<hbm>> -> memref<64x4x128xf32, #tpu.memory_space<hbm>>
      %dma_start3A_1017 = arith.constant 0 : i32
      %dma_start3A_1018 = arith.constant 0 : i32
      %dma_start3A_1019 = tpu.memref_slice %arg3[%squeeze3A_619, %squeeze3A_621, %dma_start3A_1017, %dma_start3A_1018] : memref<8x2048x4x128xf32, #tpu.memory_space<hbm>> -> memref<1x64x4x128xf32, #tpu.memory_space<hbm>>
      %dma_start3A_1020 = tpu.memref_squeeze %dma_start3A_1019 : memref<1x64x4x128xf32, #tpu.memory_space<hbm>> -> memref<64x4x128xf32, #tpu.memory_space<hbm>>
      tpu.enqueue_dma source(%dma_start3A_1020 : memref<64x4x128xf32, #tpu.memory_space<hbm>>) target(%dma_start3A_1016 : memref<64x4x128xf32, #tpu.memory_space<hbm>>) target_semaphore(%arg15 : memref<!tpu.dma_semaphore, #tpu.memory_space<semaphore_mem>>)
    } else {
    }
    %eq3A_650 = arith.constant 0 : i32
    %eq3A_651 = arith.cmpi eq, %sub3A_626, %eq3A_650 : i32
    %convert_element_type3A_652 = arith.extui %eq3A_651 : i1 to i32
    %cond3A_653 = arith.constant 0 : i32
    %cond3A_654 = arith.cmpi ne, %convert_element_type3A_652, %cond3A_653 : i32
    scf.if %cond3A_654 {
      %dma_start3A = arith.constant 1 : i32
      %dma_start3A_1012 = arith.constant 0 : i32
      %dma_start3A_1013 = arith.constant 0 : i32
      %dma_start3A_1014 = arith.constant 0 : i32
      %dma_start3A_1015 = tpu.memref_slice %arg9[%dma_start3A, %add3A_617, %dma_start3A_1012, %dma_start3A_1013, %dma_start3A_1014] : memref<2x512x64x4x128xf32, #tpu.memory_space<hbm>> -> memref<1x1x64x4x128xf32, #tpu.memory_space<hbm>>
      %dma_start3A_1016 = tpu.memref_squeeze %dma_start3A_1015 : memref<1x1x64x4x128xf32, #tpu.memory_space<hbm>> -> memref<64x4x128xf32, #tpu.memory_space<hbm>>
      %dma_start3A_1017 = arith.constant 0 : i32
      %dma_start3A_1018 = arith.constant 0 : i32
      %dma_start3A_1019 = arith.constant 0 : i32
      %dma_start3A_1020 = tpu.memref_slice %arg9[%dma_start3A, %add3A_617, %dma_start3A_1017, %dma_start3A_1018, %dma_start3A_1019] : memref<2x512x64x4x128xf32, #tpu.memory_space<hbm>> -> memref<1x1x64x4x128xf32, #tpu.memory_space<hbm>>
      %dma_start3A_1021 = tpu.memref_squeeze %dma_start3A_1020 : memref<1x1x64x4x128xf32, #tpu.memory_space<hbm>> -> memref<64x4x128xf32, #tpu.memory_space<hbm>>
      tpu.enqueue_dma source(%arg14 : memref<64x4x128xf32, #tpu.memory_space<vmem>>) target(%dma_start3A_1021 : memref<64x4x128xf32, #tpu.memory_space<hbm>>) target_semaphore(%arg15 : memref<!tpu.dma_semaphore, #tpu.memory_space<semaphore_mem>>)
    } else {
    }
    %gt3A_655 = arith.constant 0 : i32
    %gt3A_656 = arith.cmpi sgt, %sub3A_626, %gt3A_655 : i32
    %lt3A_657 = arith.constant 64 : i32
    %lt3A_658 = arith.cmpi slt, %sub3A_626, %lt3A_657 : i32
    %and3A_659 = arith.andi %gt3A_656, %lt3A_658 : i1
    %convert_element_type3A_660 = arith.extui %and3A_659 : i1 to i32
    %cond3A_661 = arith.constant 0 : i32
    %cond3A_662 = arith.cmpi ne, %convert_element_type3A_660, %cond3A_661 : i32
    scf.if %cond3A_662 {
      %scan3A = arith.constant 0 : i32
      %scan3A_1012 = arith.constant 0 : i32
      %scan3A_1013 = arith.constant 64 : i32
      %scan3A_1014 = arith.addi %scan3A_1012, %scan3A_1013 : i32
      %scan3A_1015 = arith.constant 1 : i32
      scf.for %scan3A_1017 = %scan3A_1012 to %scan3A_1014 step %scan3A_1015  : i32 {
        %ge3A = arith.cmpi sge, %scan3A_1017, %squeeze3A_623 : i32
        %lt3A_1018 = arith.cmpi slt, %scan3A_1017, %squeeze3A_625 : i32
        %and3A_1019 = arith.andi %ge3A, %lt3A_1018 : i1
        %convert_element_type3A_1020 = arith.extui %and3A_1019 : i1 to i32
        %cond3A_1021 = arith.constant 0 : i32
        %cond3A_1022 = arith.cmpi ne, %convert_element_type3A_1020, %cond3A_1021 : i32
        scf.if %cond3A_1022 {
          %add3A_1027 = arith.addi %squeeze3A_621, %scan3A_1017 : i32
          %dma_start3A = arith.constant 1 : i32
          %dma_start3A_1028 = arith.constant 0 : i32
          %dma_start3A_1029 = arith.constant 0 : i32
          %dma_start3A_1030 = tpu.memref_slice %arg9[%dma_start3A, %add3A_617, %scan3A_1017, %dma_start3A_1028, %dma_start3A_1029] : memref<2x512x64x4x128xf32, #tpu.memory_space<hbm>> -> memref<1x1x1x4x128xf32, #tpu.memory_space<hbm>>
          %dma_start3A_1031 = tpu.memref_squeeze %dma_start3A_1030 : memref<1x1x1x4x128xf32, #tpu.memory_space<hbm>> -> memref<4x128xf32, #tpu.memory_space<hbm>>
          %dma_start3A_1032 = arith.constant 0 : i32
          %dma_start3A_1033 = arith.constant 0 : i32
          %dma_start3A_1034 = tpu.memref_slice %arg3[%squeeze3A_619, %add3A_1027, %dma_start3A_1032, %dma_start3A_1033] : memref<8x2048x4x128xf32, #tpu.memory_space<hbm>> -> memref<1x1x4x128xf32, #tpu.memory_space<hbm>>
          %dma_start3A_1035 = tpu.memref_squeeze %dma_start3A_1034 : memref<1x1x4x128xf32, #tpu.memory_space<hbm>> -> memref<4x128xf32, #tpu.memory_space<hbm>>
          tpu.enqueue_dma source(%dma_start3A_1035 : memref<4x128xf32, #tpu.memory_space<hbm>>) target(%dma_start3A_1031 : memref<4x128xf32, #tpu.memory_space<hbm>>) target_semaphore(%arg15 : memref<!tpu.dma_semaphore, #tpu.memory_space<semaphore_mem>>)
        } else {
        }
        %not3A = arith.constant true
        %not3A_1023 = arith.xori %and3A_1019, %not3A : i1
        %convert_element_type3A_1024 = arith.extui %not3A_1023 : i1 to i32
        %cond3A_1025 = arith.constant 0 : i32
        %cond3A_1026 = arith.cmpi ne, %convert_element_type3A_1024, %cond3A_1025 : i32
        scf.if %cond3A_1026 {
          %dma_start3A = arith.constant 0 : i32
          %dma_start3A_1027 = arith.constant 1 : i32
          %dma_start3A_1028 = arith.constant 0 : i32
          %dma_start3A_1029 = arith.constant 0 : i32
          %dma_start3A_1030 = tpu.memref_slice %arg14[%dma_start3A, %dma_start3A_1028, %dma_start3A_1029] : memref<64x4x128xf32, #tpu.memory_space<vmem>> -> memref<1x4x128xf32, #tpu.memory_space<vmem>>
          %dma_start3A_1031 = tpu.memref_squeeze %dma_start3A_1030 : memref<1x4x128xf32, #tpu.memory_space<vmem>> -> memref<4x128xf32, #tpu.memory_space<vmem>>
          %dma_start3A_1032 = arith.constant 0 : i32
          %dma_start3A_1033 = arith.constant 0 : i32
          %dma_start3A_1034 = tpu.memref_slice %arg9[%dma_start3A_1027, %add3A_617, %scan3A_1017, %dma_start3A_1032, %dma_start3A_1033] : memref<2x512x64x4x128xf32, #tpu.memory_space<hbm>> -> memref<1x1x1x4x128xf32, #tpu.memory_space<hbm>>
          %dma_start3A_1035 = tpu.memref_squeeze %dma_start3A_1034 : memref<1x1x1x4x128xf32, #tpu.memory_space<hbm>> -> memref<4x128xf32, #tpu.memory_space<hbm>>
          %dma_start3A_1036 = arith.constant 0 : i32
          %dma_start3A_1037 = arith.constant 0 : i32
          %dma_start3A_1038 = tpu.memref_slice %arg9[%dma_start3A_1027, %add3A_617, %scan3A_1017, %dma_start3A_1036, %dma_start3A_1037] : memref<2x512x64x4x128xf32, #tpu.memory_space<hbm>> -> memref<1x1x1x4x128xf32, #tpu.memory_space<hbm>>
          %dma_start3A_1039 = tpu.memref_squeeze %dma_start3A_1038 : memref<1x1x1x4x128xf32, #tpu.memory_space<hbm>> -> memref<4x128xf32, #tpu.memory_space<hbm>>
          %dma_start3A_1040 = arith.constant 0 : i32
          %dma_start3A_1041 = arith.constant 0 : i32
          %dma_start3A_1042 = tpu.memref_slice %arg14[%dma_start3A, %dma_start3A_1040, %dma_start3A_1041] : memref<64x4x128xf32, #tpu.memory_space<vmem>> -> memref<1x4x128xf32, #tpu.memory_space<vmem>>
          %dma_start3A_1043 = tpu.memref_squeeze %dma_start3A_1042 : memref<1x4x128xf32, #tpu.memory_space<vmem>> -> memref<4x128xf32, #tpu.memory_space<vmem>>
          tpu.enqueue_dma source(%dma_start3A_1043 : memref<4x128xf32, #tpu.memory_space<vmem>>) target(%dma_start3A_1039 : memref<4x128xf32, #tpu.memory_space<hbm>>) target_semaphore(%arg15 : memref<!tpu.dma_semaphore, #tpu.memory_space<semaphore_mem>>)
        } else {
        }
      }
      %scan3A_1016 = arith.constant 64 : i32
    } else {
    }
    %add3A_663 = arith.constant 14 : i32
    %add3A_664 = arith.addi %mul3A_2, %add3A_663 : i32
    %slice3A_665 = vector.extract_strided_slice %get3A_4 {offsets = [14], sizes = [1], strides = [1]} : vector<16xi32> to vector<1xi32>
    %squeeze3A_666 = vector.extract %slice3A_665[0] : i32 from vector<1xi32>
    %slice3A_667 = vector.extract_strided_slice %get3A_7 {offsets = [14], sizes = [1], strides = [1]} : vector<16xi32> to vector<1xi32>
    %squeeze3A_668 = vector.extract %slice3A_667[0] : i32 from vector<1xi32>
    %slice3A_669 = vector.extract_strided_slice %get3A_10 {offsets = [14], sizes = [1], strides = [1]} : vector<16xi32> to vector<1xi32>
    %squeeze3A_670 = vector.extract %slice3A_669[0] : i32 from vector<1xi32>
    %slice3A_671 = vector.extract_strided_slice %get3A_13 {offsets = [14], sizes = [1], strides = [1]} : vector<16xi32> to vector<1xi32>
    %squeeze3A_672 = vector.extract %slice3A_671[0] : i32 from vector<1xi32>
    %sub3A_673 = arith.subi %squeeze3A_672, %squeeze3A_670 : i32
    %eq3A_674 = arith.constant 64 : i32
    %eq3A_675 = arith.cmpi eq, %sub3A_673, %eq3A_674 : i32
    %convert_element_type3A_676 = arith.extui %eq3A_675 : i1 to i32
    %cond3A_677 = arith.constant 0 : i32
    %cond3A_678 = arith.cmpi ne, %convert_element_type3A_676, %cond3A_677 : i32
    scf.if %cond3A_678 {
      %dma_start3A = arith.constant 0 : i32
      %dma_start3A_1012 = arith.constant 0 : i32
      %dma_start3A_1013 = arith.constant 0 : i32
      %dma_start3A_1014 = arith.constant 0 : i32
      %dma_start3A_1015 = tpu.memref_slice %arg9[%dma_start3A, %add3A_664, %dma_start3A_1012, %dma_start3A_1013, %dma_start3A_1014] : memref<2x512x64x4x128xf32, #tpu.memory_space<hbm>> -> memref<1x1x64x4x128xf32, #tpu.memory_space<hbm>>
      %dma_start3A_1016 = tpu.memref_squeeze %dma_start3A_1015 : memref<1x1x64x4x128xf32, #tpu.memory_space<hbm>> -> memref<64x4x128xf32, #tpu.memory_space<hbm>>
      %dma_start3A_1017 = arith.constant 0 : i32
      %dma_start3A_1018 = arith.constant 0 : i32
      %dma_start3A_1019 = tpu.memref_slice %arg2[%squeeze3A_666, %squeeze3A_668, %dma_start3A_1017, %dma_start3A_1018] : memref<8x2048x4x128xf32, #tpu.memory_space<hbm>> -> memref<1x64x4x128xf32, #tpu.memory_space<hbm>>
      %dma_start3A_1020 = tpu.memref_squeeze %dma_start3A_1019 : memref<1x64x4x128xf32, #tpu.memory_space<hbm>> -> memref<64x4x128xf32, #tpu.memory_space<hbm>>
      tpu.enqueue_dma source(%dma_start3A_1020 : memref<64x4x128xf32, #tpu.memory_space<hbm>>) target(%dma_start3A_1016 : memref<64x4x128xf32, #tpu.memory_space<hbm>>) target_semaphore(%arg15 : memref<!tpu.dma_semaphore, #tpu.memory_space<semaphore_mem>>)
    } else {
    }
    %eq3A_679 = arith.constant 0 : i32
    %eq3A_680 = arith.cmpi eq, %sub3A_673, %eq3A_679 : i32
    %convert_element_type3A_681 = arith.extui %eq3A_680 : i1 to i32
    %cond3A_682 = arith.constant 0 : i32
    %cond3A_683 = arith.cmpi ne, %convert_element_type3A_681, %cond3A_682 : i32
    scf.if %cond3A_683 {
      %dma_start3A = arith.constant 0 : i32
      %dma_start3A_1012 = arith.constant 0 : i32
      %dma_start3A_1013 = arith.constant 0 : i32
      %dma_start3A_1014 = arith.constant 0 : i32
      %dma_start3A_1015 = tpu.memref_slice %arg9[%dma_start3A, %add3A_664, %dma_start3A_1012, %dma_start3A_1013, %dma_start3A_1014] : memref<2x512x64x4x128xf32, #tpu.memory_space<hbm>> -> memref<1x1x64x4x128xf32, #tpu.memory_space<hbm>>
      %dma_start3A_1016 = tpu.memref_squeeze %dma_start3A_1015 : memref<1x1x64x4x128xf32, #tpu.memory_space<hbm>> -> memref<64x4x128xf32, #tpu.memory_space<hbm>>
      %dma_start3A_1017 = arith.constant 0 : i32
      %dma_start3A_1018 = arith.constant 0 : i32
      %dma_start3A_1019 = arith.constant 0 : i32
      %dma_start3A_1020 = tpu.memref_slice %arg9[%dma_start3A, %add3A_664, %dma_start3A_1017, %dma_start3A_1018, %dma_start3A_1019] : memref<2x512x64x4x128xf32, #tpu.memory_space<hbm>> -> memref<1x1x64x4x128xf32, #tpu.memory_space<hbm>>
      %dma_start3A_1021 = tpu.memref_squeeze %dma_start3A_1020 : memref<1x1x64x4x128xf32, #tpu.memory_space<hbm>> -> memref<64x4x128xf32, #tpu.memory_space<hbm>>
      tpu.enqueue_dma source(%arg14 : memref<64x4x128xf32, #tpu.memory_space<vmem>>) target(%dma_start3A_1021 : memref<64x4x128xf32, #tpu.memory_space<hbm>>) target_semaphore(%arg15 : memref<!tpu.dma_semaphore, #tpu.memory_space<semaphore_mem>>)
    } else {
    }
    %gt3A_684 = arith.constant 0 : i32
    %gt3A_685 = arith.cmpi sgt, %sub3A_673, %gt3A_684 : i32
    %lt3A_686 = arith.constant 64 : i32
    %lt3A_687 = arith.cmpi slt, %sub3A_673, %lt3A_686 : i32
    %and3A_688 = arith.andi %gt3A_685, %lt3A_687 : i1
    %convert_element_type3A_689 = arith.extui %and3A_688 : i1 to i32
    %cond3A_690 = arith.constant 0 : i32
    %cond3A_691 = arith.cmpi ne, %convert_element_type3A_689, %cond3A_690 : i32
    scf.if %cond3A_691 {
      %scan3A = arith.constant 0 : i32
      %scan3A_1012 = arith.constant 0 : i32
      %scan3A_1013 = arith.constant 64 : i32
      %scan3A_1014 = arith.addi %scan3A_1012, %scan3A_1013 : i32
      %scan3A_1015 = arith.constant 1 : i32
      scf.for %scan3A_1017 = %scan3A_1012 to %scan3A_1014 step %scan3A_1015  : i32 {
        %ge3A = arith.cmpi sge, %scan3A_1017, %squeeze3A_670 : i32
        %lt3A_1018 = arith.cmpi slt, %scan3A_1017, %squeeze3A_672 : i32
        %and3A_1019 = arith.andi %ge3A, %lt3A_1018 : i1
        %convert_element_type3A_1020 = arith.extui %and3A_1019 : i1 to i32
        %cond3A_1021 = arith.constant 0 : i32
        %cond3A_1022 = arith.cmpi ne, %convert_element_type3A_1020, %cond3A_1021 : i32
        scf.if %cond3A_1022 {
          %add3A_1027 = arith.addi %squeeze3A_668, %scan3A_1017 : i32
          %dma_start3A = arith.constant 0 : i32
          %dma_start3A_1028 = arith.constant 0 : i32
          %dma_start3A_1029 = arith.constant 0 : i32
          %dma_start3A_1030 = tpu.memref_slice %arg9[%dma_start3A, %add3A_664, %scan3A_1017, %dma_start3A_1028, %dma_start3A_1029] : memref<2x512x64x4x128xf32, #tpu.memory_space<hbm>> -> memref<1x1x1x4x128xf32, #tpu.memory_space<hbm>>
          %dma_start3A_1031 = tpu.memref_squeeze %dma_start3A_1030 : memref<1x1x1x4x128xf32, #tpu.memory_space<hbm>> -> memref<4x128xf32, #tpu.memory_space<hbm>>
          %dma_start3A_1032 = arith.constant 0 : i32
          %dma_start3A_1033 = arith.constant 0 : i32
          %dma_start3A_1034 = tpu.memref_slice %arg2[%squeeze3A_666, %add3A_1027, %dma_start3A_1032, %dma_start3A_1033] : memref<8x2048x4x128xf32, #tpu.memory_space<hbm>> -> memref<1x1x4x128xf32, #tpu.memory_space<hbm>>
          %dma_start3A_1035 = tpu.memref_squeeze %dma_start3A_1034 : memref<1x1x4x128xf32, #tpu.memory_space<hbm>> -> memref<4x128xf32, #tpu.memory_space<hbm>>
          tpu.enqueue_dma source(%dma_start3A_1035 : memref<4x128xf32, #tpu.memory_space<hbm>>) target(%dma_start3A_1031 : memref<4x128xf32, #tpu.memory_space<hbm>>) target_semaphore(%arg15 : memref<!tpu.dma_semaphore, #tpu.memory_space<semaphore_mem>>)
        } else {
        }
        %not3A = arith.constant true
        %not3A_1023 = arith.xori %and3A_1019, %not3A : i1
        %convert_element_type3A_1024 = arith.extui %not3A_1023 : i1 to i32
        %cond3A_1025 = arith.constant 0 : i32
        %cond3A_1026 = arith.cmpi ne, %convert_element_type3A_1024, %cond3A_1025 : i32
        scf.if %cond3A_1026 {
          %dma_start3A = arith.constant 0 : i32
          %dma_start3A_1027 = arith.constant 0 : i32
          %dma_start3A_1028 = arith.constant 0 : i32
          %dma_start3A_1029 = arith.constant 0 : i32
          %dma_start3A_1030 = tpu.memref_slice %arg14[%dma_start3A, %dma_start3A_1028, %dma_start3A_1029] : memref<64x4x128xf32, #tpu.memory_space<vmem>> -> memref<1x4x128xf32, #tpu.memory_space<vmem>>
          %dma_start3A_1031 = tpu.memref_squeeze %dma_start3A_1030 : memref<1x4x128xf32, #tpu.memory_space<vmem>> -> memref<4x128xf32, #tpu.memory_space<vmem>>
          %dma_start3A_1032 = arith.constant 0 : i32
          %dma_start3A_1033 = arith.constant 0 : i32
          %dma_start3A_1034 = tpu.memref_slice %arg9[%dma_start3A_1027, %add3A_664, %scan3A_1017, %dma_start3A_1032, %dma_start3A_1033] : memref<2x512x64x4x128xf32, #tpu.memory_space<hbm>> -> memref<1x1x1x4x128xf32, #tpu.memory_space<hbm>>
          %dma_start3A_1035 = tpu.memref_squeeze %dma_start3A_1034 : memref<1x1x1x4x128xf32, #tpu.memory_space<hbm>> -> memref<4x128xf32, #tpu.memory_space<hbm>>
          %dma_start3A_1036 = arith.constant 0 : i32
          %dma_start3A_1037 = arith.constant 0 : i32
          %dma_start3A_1038 = tpu.memref_slice %arg9[%dma_start3A_1027, %add3A_664, %scan3A_1017, %dma_start3A_1036, %dma_start3A_1037] : memref<2x512x64x4x128xf32, #tpu.memory_space<hbm>> -> memref<1x1x1x4x128xf32, #tpu.memory_space<hbm>>
          %dma_start3A_1039 = tpu.memref_squeeze %dma_start3A_1038 : memref<1x1x1x4x128xf32, #tpu.memory_space<hbm>> -> memref<4x128xf32, #tpu.memory_space<hbm>>
          %dma_start3A_1040 = arith.constant 0 : i32
          %dma_start3A_1041 = arith.constant 0 : i32
          %dma_start3A_1042 = tpu.memref_slice %arg14[%dma_start3A, %dma_start3A_1040, %dma_start3A_1041] : memref<64x4x128xf32, #tpu.memory_space<vmem>> -> memref<1x4x128xf32, #tpu.memory_space<vmem>>
          %dma_start3A_1043 = tpu.memref_squeeze %dma_start3A_1042 : memref<1x4x128xf32, #tpu.memory_space<vmem>> -> memref<4x128xf32, #tpu.memory_space<vmem>>
          tpu.enqueue_dma source(%dma_start3A_1043 : memref<4x128xf32, #tpu.memory_space<vmem>>) target(%dma_start3A_1039 : memref<4x128xf32, #tpu.memory_space<hbm>>) target_semaphore(%arg15 : memref<!tpu.dma_semaphore, #tpu.memory_space<semaphore_mem>>)
        } else {
        }
      }
      %scan3A_1016 = arith.constant 64 : i32
    } else {
    }
    %eq3A_692 = arith.constant 64 : i32
    %eq3A_693 = arith.cmpi eq, %sub3A_673, %eq3A_692 : i32
    %convert_element_type3A_694 = arith.extui %eq3A_693 : i1 to i32
    %cond3A_695 = arith.constant 0 : i32
    %cond3A_696 = arith.cmpi ne, %convert_element_type3A_694, %cond3A_695 : i32
    scf.if %cond3A_696 {
      %dma_start3A = arith.constant 1 : i32
      %dma_start3A_1012 = arith.constant 0 : i32
      %dma_start3A_1013 = arith.constant 0 : i32
      %dma_start3A_1014 = arith.constant 0 : i32
      %dma_start3A_1015 = tpu.memref_slice %arg9[%dma_start3A, %add3A_664, %dma_start3A_1012, %dma_start3A_1013, %dma_start3A_1014] : memref<2x512x64x4x128xf32, #tpu.memory_space<hbm>> -> memref<1x1x64x4x128xf32, #tpu.memory_space<hbm>>
      %dma_start3A_1016 = tpu.memref_squeeze %dma_start3A_1015 : memref<1x1x64x4x128xf32, #tpu.memory_space<hbm>> -> memref<64x4x128xf32, #tpu.memory_space<hbm>>
      %dma_start3A_1017 = arith.constant 0 : i32
      %dma_start3A_1018 = arith.constant 0 : i32
      %dma_start3A_1019 = tpu.memref_slice %arg3[%squeeze3A_666, %squeeze3A_668, %dma_start3A_1017, %dma_start3A_1018] : memref<8x2048x4x128xf32, #tpu.memory_space<hbm>> -> memref<1x64x4x128xf32, #tpu.memory_space<hbm>>
      %dma_start3A_1020 = tpu.memref_squeeze %dma_start3A_1019 : memref<1x64x4x128xf32, #tpu.memory_space<hbm>> -> memref<64x4x128xf32, #tpu.memory_space<hbm>>
      tpu.enqueue_dma source(%dma_start3A_1020 : memref<64x4x128xf32, #tpu.memory_space<hbm>>) target(%dma_start3A_1016 : memref<64x4x128xf32, #tpu.memory_space<hbm>>) target_semaphore(%arg15 : memref<!tpu.dma_semaphore, #tpu.memory_space<semaphore_mem>>)
    } else {
    }
    %eq3A_697 = arith.constant 0 : i32
    %eq3A_698 = arith.cmpi eq, %sub3A_673, %eq3A_697 : i32
    %convert_element_type3A_699 = arith.extui %eq3A_698 : i1 to i32
    %cond3A_700 = arith.constant 0 : i32
    %cond3A_701 = arith.cmpi ne, %convert_element_type3A_699, %cond3A_700 : i32
    scf.if %cond3A_701 {
      %dma_start3A = arith.constant 1 : i32
      %dma_start3A_1012 = arith.constant 0 : i32
      %dma_start3A_1013 = arith.constant 0 : i32
      %dma_start3A_1014 = arith.constant 0 : i32
      %dma_start3A_1015 = tpu.memref_slice %arg9[%dma_start3A, %add3A_664, %dma_start3A_1012, %dma_start3A_1013, %dma_start3A_1014] : memref<2x512x64x4x128xf32, #tpu.memory_space<hbm>> -> memref<1x1x64x4x128xf32, #tpu.memory_space<hbm>>
      %dma_start3A_1016 = tpu.memref_squeeze %dma_start3A_1015 : memref<1x1x64x4x128xf32, #tpu.memory_space<hbm>> -> memref<64x4x128xf32, #tpu.memory_space<hbm>>
      %dma_start3A_1017 = arith.constant 0 : i32
      %dma_start3A_1018 = arith.constant 0 : i32
      %dma_start3A_1019 = arith.constant 0 : i32
      %dma_start3A_1020 = tpu.memref_slice %arg9[%dma_start3A, %add3A_664, %dma_start3A_1017, %dma_start3A_1018, %dma_start3A_1019] : memref<2x512x64x4x128xf32, #tpu.memory_space<hbm>> -> memref<1x1x64x4x128xf32, #tpu.memory_space<hbm>>
      %dma_start3A_1021 = tpu.memref_squeeze %dma_start3A_1020 : memref<1x1x64x4x128xf32, #tpu.memory_space<hbm>> -> memref<64x4x128xf32, #tpu.memory_space<hbm>>
      tpu.enqueue_dma source(%arg14 : memref<64x4x128xf32, #tpu.memory_space<vmem>>) target(%dma_start3A_1021 : memref<64x4x128xf32, #tpu.memory_space<hbm>>) target_semaphore(%arg15 : memref<!tpu.dma_semaphore, #tpu.memory_space<semaphore_mem>>)
    } else {
    }
    %gt3A_702 = arith.constant 0 : i32
    %gt3A_703 = arith.cmpi sgt, %sub3A_673, %gt3A_702 : i32
    %lt3A_704 = arith.constant 64 : i32
    %lt3A_705 = arith.cmpi slt, %sub3A_673, %lt3A_704 : i32
    %and3A_706 = arith.andi %gt3A_703, %lt3A_705 : i1
    %convert_element_type3A_707 = arith.extui %and3A_706 : i1 to i32
    %cond3A_708 = arith.constant 0 : i32
    %cond3A_709 = arith.cmpi ne, %convert_element_type3A_707, %cond3A_708 : i32
    scf.if %cond3A_709 {
      %scan3A = arith.constant 0 : i32
      %scan3A_1012 = arith.constant 0 : i32
      %scan3A_1013 = arith.constant 64 : i32
      %scan3A_1014 = arith.addi %scan3A_1012, %scan3A_1013 : i32
      %scan3A_1015 = arith.constant 1 : i32
      scf.for %scan3A_1017 = %scan3A_1012 to %scan3A_1014 step %scan3A_1015  : i32 {
        %ge3A = arith.cmpi sge, %scan3A_1017, %squeeze3A_670 : i32
        %lt3A_1018 = arith.cmpi slt, %scan3A_1017, %squeeze3A_672 : i32
        %and3A_1019 = arith.andi %ge3A, %lt3A_1018 : i1
        %convert_element_type3A_1020 = arith.extui %and3A_1019 : i1 to i32
        %cond3A_1021 = arith.constant 0 : i32
        %cond3A_1022 = arith.cmpi ne, %convert_element_type3A_1020, %cond3A_1021 : i32
        scf.if %cond3A_1022 {
          %add3A_1027 = arith.addi %squeeze3A_668, %scan3A_1017 : i32
          %dma_start3A = arith.constant 1 : i32
          %dma_start3A_1028 = arith.constant 0 : i32
          %dma_start3A_1029 = arith.constant 0 : i32
          %dma_start3A_1030 = tpu.memref_slice %arg9[%dma_start3A, %add3A_664, %scan3A_1017, %dma_start3A_1028, %dma_start3A_1029] : memref<2x512x64x4x128xf32, #tpu.memory_space<hbm>> -> memref<1x1x1x4x128xf32, #tpu.memory_space<hbm>>
          %dma_start3A_1031 = tpu.memref_squeeze %dma_start3A_1030 : memref<1x1x1x4x128xf32, #tpu.memory_space<hbm>> -> memref<4x128xf32, #tpu.memory_space<hbm>>
          %dma_start3A_1032 = arith.constant 0 : i32
          %dma_start3A_1033 = arith.constant 0 : i32
          %dma_start3A_1034 = tpu.memref_slice %arg3[%squeeze3A_666, %add3A_1027, %dma_start3A_1032, %dma_start3A_1033] : memref<8x2048x4x128xf32, #tpu.memory_space<hbm>> -> memref<1x1x4x128xf32, #tpu.memory_space<hbm>>
          %dma_start3A_1035 = tpu.memref_squeeze %dma_start3A_1034 : memref<1x1x4x128xf32, #tpu.memory_space<hbm>> -> memref<4x128xf32, #tpu.memory_space<hbm>>
          tpu.enqueue_dma source(%dma_start3A_1035 : memref<4x128xf32, #tpu.memory_space<hbm>>) target(%dma_start3A_1031 : memref<4x128xf32, #tpu.memory_space<hbm>>) target_semaphore(%arg15 : memref<!tpu.dma_semaphore, #tpu.memory_space<semaphore_mem>>)
        } else {
        }
        %not3A = arith.constant true
        %not3A_1023 = arith.xori %and3A_1019, %not3A : i1
        %convert_element_type3A_1024 = arith.extui %not3A_1023 : i1 to i32
        %cond3A_1025 = arith.constant 0 : i32
        %cond3A_1026 = arith.cmpi ne, %convert_element_type3A_1024, %cond3A_1025 : i32
        scf.if %cond3A_1026 {
          %dma_start3A = arith.constant 0 : i32
          %dma_start3A_1027 = arith.constant 1 : i32
          %dma_start3A_1028 = arith.constant 0 : i32
          %dma_start3A_1029 = arith.constant 0 : i32
          %dma_start3A_1030 = tpu.memref_slice %arg14[%dma_start3A, %dma_start3A_1028, %dma_start3A_1029] : memref<64x4x128xf32, #tpu.memory_space<vmem>> -> memref<1x4x128xf32, #tpu.memory_space<vmem>>
          %dma_start3A_1031 = tpu.memref_squeeze %dma_start3A_1030 : memref<1x4x128xf32, #tpu.memory_space<vmem>> -> memref<4x128xf32, #tpu.memory_space<vmem>>
          %dma_start3A_1032 = arith.constant 0 : i32
          %dma_start3A_1033 = arith.constant 0 : i32
          %dma_start3A_1034 = tpu.memref_slice %arg9[%dma_start3A_1027, %add3A_664, %scan3A_1017, %dma_start3A_1032, %dma_start3A_1033] : memref<2x512x64x4x128xf32, #tpu.memory_space<hbm>> -> memref<1x1x1x4x128xf32, #tpu.memory_space<hbm>>
          %dma_start3A_1035 = tpu.memref_squeeze %dma_start3A_1034 : memref<1x1x1x4x128xf32, #tpu.memory_space<hbm>> -> memref<4x128xf32, #tpu.memory_space<hbm>>
          %dma_start3A_1036 = arith.constant 0 : i32
          %dma_start3A_1037 = arith.constant 0 : i32
          %dma_start3A_1038 = tpu.memref_slice %arg9[%dma_start3A_1027, %add3A_664, %scan3A_1017, %dma_start3A_1036, %dma_start3A_1037] : memref<2x512x64x4x128xf32, #tpu.memory_space<hbm>> -> memref<1x1x1x4x128xf32, #tpu.memory_space<hbm>>
          %dma_start3A_1039 = tpu.memref_squeeze %dma_start3A_1038 : memref<1x1x1x4x128xf32, #tpu.memory_space<hbm>> -> memref<4x128xf32, #tpu.memory_space<hbm>>
          %dma_start3A_1040 = arith.constant 0 : i32
          %dma_start3A_1041 = arith.constant 0 : i32
          %dma_start3A_1042 = tpu.memref_slice %arg14[%dma_start3A, %dma_start3A_1040, %dma_start3A_1041] : memref<64x4x128xf32, #tpu.memory_space<vmem>> -> memref<1x4x128xf32, #tpu.memory_space<vmem>>
          %dma_start3A_1043 = tpu.memref_squeeze %dma_start3A_1042 : memref<1x4x128xf32, #tpu.memory_space<vmem>> -> memref<4x128xf32, #tpu.memory_space<vmem>>
          tpu.enqueue_dma source(%dma_start3A_1043 : memref<4x128xf32, #tpu.memory_space<vmem>>) target(%dma_start3A_1039 : memref<4x128xf32, #tpu.memory_space<hbm>>) target_semaphore(%arg15 : memref<!tpu.dma_semaphore, #tpu.memory_space<semaphore_mem>>)
        } else {
        }
      }
      %scan3A_1016 = arith.constant 64 : i32
    } else {
    }
    %add3A_710 = arith.constant 15 : i32
    %add3A_711 = arith.addi %mul3A_2, %add3A_710 : i32
    %slice3A_712 = vector.extract_strided_slice %get3A_4 {offsets = [15], sizes = [1], strides = [1]} : vector<16xi32> to vector<1xi32>
    %squeeze3A_713 = vector.extract %slice3A_712[0] : i32 from vector<1xi32>
    %slice3A_714 = vector.extract_strided_slice %get3A_7 {offsets = [15], sizes = [1], strides = [1]} : vector<16xi32> to vector<1xi32>
    %squeeze3A_715 = vector.extract %slice3A_714[0] : i32 from vector<1xi32>
    %slice3A_716 = vector.extract_strided_slice %get3A_10 {offsets = [15], sizes = [1], strides = [1]} : vector<16xi32> to vector<1xi32>
    %squeeze3A_717 = vector.extract %slice3A_716[0] : i32 from vector<1xi32>
    %slice3A_718 = vector.extract_strided_slice %get3A_13 {offsets = [15], sizes = [1], strides = [1]} : vector<16xi32> to vector<1xi32>
    %squeeze3A_719 = vector.extract %slice3A_718[0] : i32 from vector<1xi32>
    %sub3A_720 = arith.subi %squeeze3A_719, %squeeze3A_717 : i32
    %eq3A_721 = arith.constant 64 : i32
    %eq3A_722 = arith.cmpi eq, %sub3A_720, %eq3A_721 : i32
    %convert_element_type3A_723 = arith.extui %eq3A_722 : i1 to i32
    %cond3A_724 = arith.constant 0 : i32
    %cond3A_725 = arith.cmpi ne, %convert_element_type3A_723, %cond3A_724 : i32
    scf.if %cond3A_725 {
      %dma_start3A = arith.constant 0 : i32
      %dma_start3A_1012 = arith.constant 0 : i32
      %dma_start3A_1013 = arith.constant 0 : i32
      %dma_start3A_1014 = arith.constant 0 : i32
      %dma_start3A_1015 = tpu.memref_slice %arg9[%dma_start3A, %add3A_711, %dma_start3A_1012, %dma_start3A_1013, %dma_start3A_1014] : memref<2x512x64x4x128xf32, #tpu.memory_space<hbm>> -> memref<1x1x64x4x128xf32, #tpu.memory_space<hbm>>
      %dma_start3A_1016 = tpu.memref_squeeze %dma_start3A_1015 : memref<1x1x64x4x128xf32, #tpu.memory_space<hbm>> -> memref<64x4x128xf32, #tpu.memory_space<hbm>>
      %dma_start3A_1017 = arith.constant 0 : i32
      %dma_start3A_1018 = arith.constant 0 : i32
      %dma_start3A_1019 = tpu.memref_slice %arg2[%squeeze3A_713, %squeeze3A_715, %dma_start3A_1017, %dma_start3A_1018] : memref<8x2048x4x128xf32, #tpu.memory_space<hbm>> -> memref<1x64x4x128xf32, #tpu.memory_space<hbm>>
      %dma_start3A_1020 = tpu.memref_squeeze %dma_start3A_1019 : memref<1x64x4x128xf32, #tpu.memory_space<hbm>> -> memref<64x4x128xf32, #tpu.memory_space<hbm>>
      tpu.enqueue_dma source(%dma_start3A_1020 : memref<64x4x128xf32, #tpu.memory_space<hbm>>) target(%dma_start3A_1016 : memref<64x4x128xf32, #tpu.memory_space<hbm>>) target_semaphore(%arg15 : memref<!tpu.dma_semaphore, #tpu.memory_space<semaphore_mem>>)
    } else {
    }
    %eq3A_726 = arith.constant 0 : i32
    %eq3A_727 = arith.cmpi eq, %sub3A_720, %eq3A_726 : i32
    %convert_element_type3A_728 = arith.extui %eq3A_727 : i1 to i32
    %cond3A_729 = arith.constant 0 : i32
    %cond3A_730 = arith.cmpi ne, %convert_element_type3A_728, %cond3A_729 : i32
    scf.if %cond3A_730 {
      %dma_start3A = arith.constant 0 : i32
      %dma_start3A_1012 = arith.constant 0 : i32
      %dma_start3A_1013 = arith.constant 0 : i32
      %dma_start3A_1014 = arith.constant 0 : i32
      %dma_start3A_1015 = tpu.memref_slice %arg9[%dma_start3A, %add3A_711, %dma_start3A_1012, %dma_start3A_1013, %dma_start3A_1014] : memref<2x512x64x4x128xf32, #tpu.memory_space<hbm>> -> memref<1x1x64x4x128xf32, #tpu.memory_space<hbm>>
      %dma_start3A_1016 = tpu.memref_squeeze %dma_start3A_1015 : memref<1x1x64x4x128xf32, #tpu.memory_space<hbm>> -> memref<64x4x128xf32, #tpu.memory_space<hbm>>
      %dma_start3A_1017 = arith.constant 0 : i32
      %dma_start3A_1018 = arith.constant 0 : i32
      %dma_start3A_1019 = arith.constant 0 : i32
      %dma_start3A_1020 = tpu.memref_slice %arg9[%dma_start3A, %add3A_711, %dma_start3A_1017, %dma_start3A_1018, %dma_start3A_1019] : memref<2x512x64x4x128xf32, #tpu.memory_space<hbm>> -> memref<1x1x64x4x128xf32, #tpu.memory_space<hbm>>
      %dma_start3A_1021 = tpu.memref_squeeze %dma_start3A_1020 : memref<1x1x64x4x128xf32, #tpu.memory_space<hbm>> -> memref<64x4x128xf32, #tpu.memory_space<hbm>>
      tpu.enqueue_dma source(%arg14 : memref<64x4x128xf32, #tpu.memory_space<vmem>>) target(%dma_start3A_1021 : memref<64x4x128xf32, #tpu.memory_space<hbm>>) target_semaphore(%arg15 : memref<!tpu.dma_semaphore, #tpu.memory_space<semaphore_mem>>)
    } else {
    }
    %gt3A_731 = arith.constant 0 : i32
    %gt3A_732 = arith.cmpi sgt, %sub3A_720, %gt3A_731 : i32
    %lt3A_733 = arith.constant 64 : i32
    %lt3A_734 = arith.cmpi slt, %sub3A_720, %lt3A_733 : i32
    %and3A_735 = arith.andi %gt3A_732, %lt3A_734 : i1
    %convert_element_type3A_736 = arith.extui %and3A_735 : i1 to i32
    %cond3A_737 = arith.constant 0 : i32
    %cond3A_738 = arith.cmpi ne, %convert_element_type3A_736, %cond3A_737 : i32
    scf.if %cond3A_738 {
      %scan3A = arith.constant 0 : i32
      %scan3A_1012 = arith.constant 0 : i32
      %scan3A_1013 = arith.constant 64 : i32
      %scan3A_1014 = arith.addi %scan3A_1012, %scan3A_1013 : i32
      %scan3A_1015 = arith.constant 1 : i32
      scf.for %scan3A_1017 = %scan3A_1012 to %scan3A_1014 step %scan3A_1015  : i32 {
        %ge3A = arith.cmpi sge, %scan3A_1017, %squeeze3A_717 : i32
        %lt3A_1018 = arith.cmpi slt, %scan3A_1017, %squeeze3A_719 : i32
        %and3A_1019 = arith.andi %ge3A, %lt3A_1018 : i1
        %convert_element_type3A_1020 = arith.extui %and3A_1019 : i1 to i32
        %cond3A_1021 = arith.constant 0 : i32
        %cond3A_1022 = arith.cmpi ne, %convert_element_type3A_1020, %cond3A_1021 : i32
        scf.if %cond3A_1022 {
          %add3A_1027 = arith.addi %squeeze3A_715, %scan3A_1017 : i32
          %dma_start3A = arith.constant 0 : i32
          %dma_start3A_1028 = arith.constant 0 : i32
          %dma_start3A_1029 = arith.constant 0 : i32
          %dma_start3A_1030 = tpu.memref_slice %arg9[%dma_start3A, %add3A_711, %scan3A_1017, %dma_start3A_1028, %dma_start3A_1029] : memref<2x512x64x4x128xf32, #tpu.memory_space<hbm>> -> memref<1x1x1x4x128xf32, #tpu.memory_space<hbm>>
          %dma_start3A_1031 = tpu.memref_squeeze %dma_start3A_1030 : memref<1x1x1x4x128xf32, #tpu.memory_space<hbm>> -> memref<4x128xf32, #tpu.memory_space<hbm>>
          %dma_start3A_1032 = arith.constant 0 : i32
          %dma_start3A_1033 = arith.constant 0 : i32
          %dma_start3A_1034 = tpu.memref_slice %arg2[%squeeze3A_713, %add3A_1027, %dma_start3A_1032, %dma_start3A_1033] : memref<8x2048x4x128xf32, #tpu.memory_space<hbm>> -> memref<1x1x4x128xf32, #tpu.memory_space<hbm>>
          %dma_start3A_1035 = tpu.memref_squeeze %dma_start3A_1034 : memref<1x1x4x128xf32, #tpu.memory_space<hbm>> -> memref<4x128xf32, #tpu.memory_space<hbm>>
          tpu.enqueue_dma source(%dma_start3A_1035 : memref<4x128xf32, #tpu.memory_space<hbm>>) target(%dma_start3A_1031 : memref<4x128xf32, #tpu.memory_space<hbm>>) target_semaphore(%arg15 : memref<!tpu.dma_semaphore, #tpu.memory_space<semaphore_mem>>)
        } else {
        }
        %not3A = arith.constant true
        %not3A_1023 = arith.xori %and3A_1019, %not3A : i1
        %convert_element_type3A_1024 = arith.extui %not3A_1023 : i1 to i32
        %cond3A_1025 = arith.constant 0 : i32
        %cond3A_1026 = arith.cmpi ne, %convert_element_type3A_1024, %cond3A_1025 : i32
        scf.if %cond3A_1026 {
          %dma_start3A = arith.constant 0 : i32
          %dma_start3A_1027 = arith.constant 0 : i32
          %dma_start3A_1028 = arith.constant 0 : i32
          %dma_start3A_1029 = arith.constant 0 : i32
          %dma_start3A_1030 = tpu.memref_slice %arg14[%dma_start3A, %dma_start3A_1028, %dma_start3A_1029] : memref<64x4x128xf32, #tpu.memory_space<vmem>> -> memref<1x4x128xf32, #tpu.memory_space<vmem>>
          %dma_start3A_1031 = tpu.memref_squeeze %dma_start3A_1030 : memref<1x4x128xf32, #tpu.memory_space<vmem>> -> memref<4x128xf32, #tpu.memory_space<vmem>>
          %dma_start3A_1032 = arith.constant 0 : i32
          %dma_start3A_1033 = arith.constant 0 : i32
          %dma_start3A_1034 = tpu.memref_slice %arg9[%dma_start3A_1027, %add3A_711, %scan3A_1017, %dma_start3A_1032, %dma_start3A_1033] : memref<2x512x64x4x128xf32, #tpu.memory_space<hbm>> -> memref<1x1x1x4x128xf32, #tpu.memory_space<hbm>>
          %dma_start3A_1035 = tpu.memref_squeeze %dma_start3A_1034 : memref<1x1x1x4x128xf32, #tpu.memory_space<hbm>> -> memref<4x128xf32, #tpu.memory_space<hbm>>
          %dma_start3A_1036 = arith.constant 0 : i32
          %dma_start3A_1037 = arith.constant 0 : i32
          %dma_start3A_1038 = tpu.memref_slice %arg9[%dma_start3A_1027, %add3A_711, %scan3A_1017, %dma_start3A_1036, %dma_start3A_1037] : memref<2x512x64x4x128xf32, #tpu.memory_space<hbm>> -> memref<1x1x1x4x128xf32, #tpu.memory_space<hbm>>
          %dma_start3A_1039 = tpu.memref_squeeze %dma_start3A_1038 : memref<1x1x1x4x128xf32, #tpu.memory_space<hbm>> -> memref<4x128xf32, #tpu.memory_space<hbm>>
          %dma_start3A_1040 = arith.constant 0 : i32
          %dma_start3A_1041 = arith.constant 0 : i32
          %dma_start3A_1042 = tpu.memref_slice %arg14[%dma_start3A, %dma_start3A_1040, %dma_start3A_1041] : memref<64x4x128xf32, #tpu.memory_space<vmem>> -> memref<1x4x128xf32, #tpu.memory_space<vmem>>
          %dma_start3A_1043 = tpu.memref_squeeze %dma_start3A_1042 : memref<1x4x128xf32, #tpu.memory_space<vmem>> -> memref<4x128xf32, #tpu.memory_space<vmem>>
          tpu.enqueue_dma source(%dma_start3A_1043 : memref<4x128xf32, #tpu.memory_space<vmem>>) target(%dma_start3A_1039 : memref<4x128xf32, #tpu.memory_space<hbm>>) target_semaphore(%arg15 : memref<!tpu.dma_semaphore, #tpu.memory_space<semaphore_mem>>)
        } else {
        }
      }
      %scan3A_1016 = arith.constant 64 : i32
    } else {
    }
    %eq3A_739 = arith.constant 64 : i32
    %eq3A_740 = arith.cmpi eq, %sub3A_720, %eq3A_739 : i32
    %convert_element_type3A_741 = arith.extui %eq3A_740 : i1 to i32
    %cond3A_742 = arith.constant 0 : i32
    %cond3A_743 = arith.cmpi ne, %convert_element_type3A_741, %cond3A_742 : i32
    scf.if %cond3A_743 {
      %dma_start3A = arith.constant 1 : i32
      %dma_start3A_1012 = arith.constant 0 : i32
      %dma_start3A_1013 = arith.constant 0 : i32
      %dma_start3A_1014 = arith.constant 0 : i32
      %dma_start3A_1015 = tpu.memref_slice %arg9[%dma_start3A, %add3A_711, %dma_start3A_1012, %dma_start3A_1013, %dma_start3A_1014] : memref<2x512x64x4x128xf32, #tpu.memory_space<hbm>> -> memref<1x1x64x4x128xf32, #tpu.memory_space<hbm>>
      %dma_start3A_1016 = tpu.memref_squeeze %dma_start3A_1015 : memref<1x1x64x4x128xf32, #tpu.memory_space<hbm>> -> memref<64x4x128xf32, #tpu.memory_space<hbm>>
      %dma_start3A_1017 = arith.constant 0 : i32
      %dma_start3A_1018 = arith.constant 0 : i32
      %dma_start3A_1019 = tpu.memref_slice %arg3[%squeeze3A_713, %squeeze3A_715, %dma_start3A_1017, %dma_start3A_1018] : memref<8x2048x4x128xf32, #tpu.memory_space<hbm>> -> memref<1x64x4x128xf32, #tpu.memory_space<hbm>>
      %dma_start3A_1020 = tpu.memref_squeeze %dma_start3A_1019 : memref<1x64x4x128xf32, #tpu.memory_space<hbm>> -> memref<64x4x128xf32, #tpu.memory_space<hbm>>
      tpu.enqueue_dma source(%dma_start3A_1020 : memref<64x4x128xf32, #tpu.memory_space<hbm>>) target(%dma_start3A_1016 : memref<64x4x128xf32, #tpu.memory_space<hbm>>) target_semaphore(%arg15 : memref<!tpu.dma_semaphore, #tpu.memory_space<semaphore_mem>>)
    } else {
    }
    %eq3A_744 = arith.constant 0 : i32
    %eq3A_745 = arith.cmpi eq, %sub3A_720, %eq3A_744 : i32
    %convert_element_type3A_746 = arith.extui %eq3A_745 : i1 to i32
    %cond3A_747 = arith.constant 0 : i32
    %cond3A_748 = arith.cmpi ne, %convert_element_type3A_746, %cond3A_747 : i32
    scf.if %cond3A_748 {
      %dma_start3A = arith.constant 1 : i32
      %dma_start3A_1012 = arith.constant 0 : i32
      %dma_start3A_1013 = arith.constant 0 : i32
      %dma_start3A_1014 = arith.constant 0 : i32
      %dma_start3A_1015 = tpu.memref_slice %arg9[%dma_start3A, %add3A_711, %dma_start3A_1012, %dma_start3A_1013, %dma_start3A_1014] : memref<2x512x64x4x128xf32, #tpu.memory_space<hbm>> -> memref<1x1x64x4x128xf32, #tpu.memory_space<hbm>>
      %dma_start3A_1016 = tpu.memref_squeeze %dma_start3A_1015 : memref<1x1x64x4x128xf32, #tpu.memory_space<hbm>> -> memref<64x4x128xf32, #tpu.memory_space<hbm>>
      %dma_start3A_1017 = arith.constant 0 : i32
      %dma_start3A_1018 = arith.constant 0 : i32
      %dma_start3A_1019 = arith.constant 0 : i32
      %dma_start3A_1020 = tpu.memref_slice %arg9[%dma_start3A, %add3A_711, %dma_start3A_1017, %dma_start3A_1018, %dma_start3A_1019] : memref<2x512x64x4x128xf32, #tpu.memory_space<hbm>> -> memref<1x1x64x4x128xf32, #tpu.memory_space<hbm>>
      %dma_start3A_1021 = tpu.memref_squeeze %dma_start3A_1020 : memref<1x1x64x4x128xf32, #tpu.memory_space<hbm>> -> memref<64x4x128xf32, #tpu.memory_space<hbm>>
      tpu.enqueue_dma source(%arg14 : memref<64x4x128xf32, #tpu.memory_space<vmem>>) target(%dma_start3A_1021 : memref<64x4x128xf32, #tpu.memory_space<hbm>>) target_semaphore(%arg15 : memref<!tpu.dma_semaphore, #tpu.memory_space<semaphore_mem>>)
    } else {
    }
    %gt3A_749 = arith.constant 0 : i32
    %gt3A_750 = arith.cmpi sgt, %sub3A_720, %gt3A_749 : i32
    %lt3A_751 = arith.constant 64 : i32
    %lt3A_752 = arith.cmpi slt, %sub3A_720, %lt3A_751 : i32
    %and3A_753 = arith.andi %gt3A_750, %lt3A_752 : i1
    %convert_element_type3A_754 = arith.extui %and3A_753 : i1 to i32
    %cond3A_755 = arith.constant 0 : i32
    %cond3A_756 = arith.cmpi ne, %convert_element_type3A_754, %cond3A_755 : i32
    scf.if %cond3A_756 {
      %scan3A = arith.constant 0 : i32
      %scan3A_1012 = arith.constant 0 : i32
      %scan3A_1013 = arith.constant 64 : i32
      %scan3A_1014 = arith.addi %scan3A_1012, %scan3A_1013 : i32
      %scan3A_1015 = arith.constant 1 : i32
      scf.for %scan3A_1017 = %scan3A_1012 to %scan3A_1014 step %scan3A_1015  : i32 {
        %ge3A = arith.cmpi sge, %scan3A_1017, %squeeze3A_717 : i32
        %lt3A_1018 = arith.cmpi slt, %scan3A_1017, %squeeze3A_719 : i32
        %and3A_1019 = arith.andi %ge3A, %lt3A_1018 : i1
        %convert_element_type3A_1020 = arith.extui %and3A_1019 : i1 to i32
        %cond3A_1021 = arith.constant 0 : i32
        %cond3A_1022 = arith.cmpi ne, %convert_element_type3A_1020, %cond3A_1021 : i32
        scf.if %cond3A_1022 {
          %add3A_1027 = arith.addi %squeeze3A_715, %scan3A_1017 : i32
          %dma_start3A = arith.constant 1 : i32
          %dma_start3A_1028 = arith.constant 0 : i32
          %dma_start3A_1029 = arith.constant 0 : i32
          %dma_start3A_1030 = tpu.memref_slice %arg9[%dma_start3A, %add3A_711, %scan3A_1017, %dma_start3A_1028, %dma_start3A_1029] : memref<2x512x64x4x128xf32, #tpu.memory_space<hbm>> -> memref<1x1x1x4x128xf32, #tpu.memory_space<hbm>>
          %dma_start3A_1031 = tpu.memref_squeeze %dma_start3A_1030 : memref<1x1x1x4x128xf32, #tpu.memory_space<hbm>> -> memref<4x128xf32, #tpu.memory_space<hbm>>
          %dma_start3A_1032 = arith.constant 0 : i32
          %dma_start3A_1033 = arith.constant 0 : i32
          %dma_start3A_1034 = tpu.memref_slice %arg3[%squeeze3A_713, %add3A_1027, %dma_start3A_1032, %dma_start3A_1033] : memref<8x2048x4x128xf32, #tpu.memory_space<hbm>> -> memref<1x1x4x128xf32, #tpu.memory_space<hbm>>
          %dma_start3A_1035 = tpu.memref_squeeze %dma_start3A_1034 : memref<1x1x4x128xf32, #tpu.memory_space<hbm>> -> memref<4x128xf32, #tpu.memory_space<hbm>>
          tpu.enqueue_dma source(%dma_start3A_1035 : memref<4x128xf32, #tpu.memory_space<hbm>>) target(%dma_start3A_1031 : memref<4x128xf32, #tpu.memory_space<hbm>>) target_semaphore(%arg15 : memref<!tpu.dma_semaphore, #tpu.memory_space<semaphore_mem>>)
        } else {
        }
        %not3A = arith.constant true
        %not3A_1023 = arith.xori %and3A_1019, %not3A : i1
        %convert_element_type3A_1024 = arith.extui %not3A_1023 : i1 to i32
        %cond3A_1025 = arith.constant 0 : i32
        %cond3A_1026 = arith.cmpi ne, %convert_element_type3A_1024, %cond3A_1025 : i32
        scf.if %cond3A_1026 {
          %dma_start3A = arith.constant 0 : i32
          %dma_start3A_1027 = arith.constant 1 : i32
          %dma_start3A_1028 = arith.constant 0 : i32
          %dma_start3A_1029 = arith.constant 0 : i32
          %dma_start3A_1030 = tpu.memref_slice %arg14[%dma_start3A, %dma_start3A_1028, %dma_start3A_1029] : memref<64x4x128xf32, #tpu.memory_space<vmem>> -> memref<1x4x128xf32, #tpu.memory_space<vmem>>
          %dma_start3A_1031 = tpu.memref_squeeze %dma_start3A_1030 : memref<1x4x128xf32, #tpu.memory_space<vmem>> -> memref<4x128xf32, #tpu.memory_space<vmem>>
          %dma_start3A_1032 = arith.constant 0 : i32
          %dma_start3A_1033 = arith.constant 0 : i32
          %dma_start3A_1034 = tpu.memref_slice %arg9[%dma_start3A_1027, %add3A_711, %scan3A_1017, %dma_start3A_1032, %dma_start3A_1033] : memref<2x512x64x4x128xf32, #tpu.memory_space<hbm>> -> memref<1x1x1x4x128xf32, #tpu.memory_space<hbm>>
          %dma_start3A_1035 = tpu.memref_squeeze %dma_start3A_1034 : memref<1x1x1x4x128xf32, #tpu.memory_space<hbm>> -> memref<4x128xf32, #tpu.memory_space<hbm>>
          %dma_start3A_1036 = arith.constant 0 : i32
          %dma_start3A_1037 = arith.constant 0 : i32
          %dma_start3A_1038 = tpu.memref_slice %arg9[%dma_start3A_1027, %add3A_711, %scan3A_1017, %dma_start3A_1036, %dma_start3A_1037] : memref<2x512x64x4x128xf32, #tpu.memory_space<hbm>> -> memref<1x1x1x4x128xf32, #tpu.memory_space<hbm>>
          %dma_start3A_1039 = tpu.memref_squeeze %dma_start3A_1038 : memref<1x1x1x4x128xf32, #tpu.memory_space<hbm>> -> memref<4x128xf32, #tpu.memory_space<hbm>>
          %dma_start3A_1040 = arith.constant 0 : i32
          %dma_start3A_1041 = arith.constant 0 : i32
          %dma_start3A_1042 = tpu.memref_slice %arg14[%dma_start3A, %dma_start3A_1040, %dma_start3A_1041] : memref<64x4x128xf32, #tpu.memory_space<vmem>> -> memref<1x4x128xf32, #tpu.memory_space<vmem>>
          %dma_start3A_1043 = tpu.memref_squeeze %dma_start3A_1042 : memref<1x4x128xf32, #tpu.memory_space<vmem>> -> memref<4x128xf32, #tpu.memory_space<vmem>>
          tpu.enqueue_dma source(%dma_start3A_1043 : memref<4x128xf32, #tpu.memory_space<vmem>>) target(%dma_start3A_1039 : memref<4x128xf32, #tpu.memory_space<hbm>>) target_semaphore(%arg15 : memref<!tpu.dma_semaphore, #tpu.memory_space<semaphore_mem>>)
        } else {
        }
      }
      %scan3A_1016 = arith.constant 64 : i32
    } else {
    }
    %add3A_757 = arith.constant 0 : i32
    %add3A_758 = arith.addi %mul3A_2, %add3A_757 : i32
    %dma_wait3A = arith.constant 0 : i32
    %dma_wait3A_759 = arith.constant 0 : i32
    %dma_wait3A_760 = arith.constant 0 : i32
    %dma_wait3A_761 = arith.constant 0 : i32
    %dma_wait3A_762 = tpu.memref_slice %arg9[%dma_wait3A, %add3A_758, %dma_wait3A_759, %dma_wait3A_760, %dma_wait3A_761] : memref<2x512x64x4x128xf32, #tpu.memory_space<hbm>> -> memref<1x1x64x4x128xf32, #tpu.memory_space<hbm>>
    %dma_wait3A_763 = tpu.memref_squeeze %dma_wait3A_762 : memref<1x1x64x4x128xf32, #tpu.memory_space<hbm>> -> memref<64x4x128xf32, #tpu.memory_space<hbm>>
    tpu.wait_dma2 semaphore(%arg15 : memref<!tpu.dma_semaphore, #tpu.memory_space<semaphore_mem>>) src(%arg4 : memref<64x4x128xf32, #tpu.memory_space<hbm>>) dst(%dma_wait3A_763 : memref<64x4x128xf32, #tpu.memory_space<hbm>>)
    %add3A_764 = arith.constant 0 : i32
    %add3A_765 = arith.addi %mul3A_2, %add3A_764 : i32
    %dma_wait3A_766 = arith.constant 1 : i32
    %dma_wait3A_767 = arith.constant 0 : i32
    %dma_wait3A_768 = arith.constant 0 : i32
    %dma_wait3A_769 = arith.constant 0 : i32
    %dma_wait3A_770 = tpu.memref_slice %arg9[%dma_wait3A_766, %add3A_765, %dma_wait3A_767, %dma_wait3A_768, %dma_wait3A_769] : memref<2x512x64x4x128xf32, #tpu.memory_space<hbm>> -> memref<1x1x64x4x128xf32, #tpu.memory_space<hbm>>
    %dma_wait3A_771 = tpu.memref_squeeze %dma_wait3A_770 : memref<1x1x64x4x128xf32, #tpu.memory_space<hbm>> -> memref<64x4x128xf32, #tpu.memory_space<hbm>>
    tpu.wait_dma2 semaphore(%arg15 : memref<!tpu.dma_semaphore, #tpu.memory_space<semaphore_mem>>) src(%arg4 : memref<64x4x128xf32, #tpu.memory_space<hbm>>) dst(%dma_wait3A_771 : memref<64x4x128xf32, #tpu.memory_space<hbm>>)
    %add3A_772 = arith.constant 1 : i32
    %add3A_773 = arith.addi %mul3A_2, %add3A_772 : i32
    %dma_wait3A_774 = arith.constant 0 : i32
    %dma_wait3A_775 = arith.constant 0 : i32
    %dma_wait3A_776 = arith.constant 0 : i32
    %dma_wait3A_777 = arith.constant 0 : i32
    %dma_wait3A_778 = tpu.memref_slice %arg9[%dma_wait3A_774, %add3A_773, %dma_wait3A_775, %dma_wait3A_776, %dma_wait3A_777] : memref<2x512x64x4x128xf32, #tpu.memory_space<hbm>> -> memref<1x1x64x4x128xf32, #tpu.memory_space<hbm>>
    %dma_wait3A_779 = tpu.memref_squeeze %dma_wait3A_778 : memref<1x1x64x4x128xf32, #tpu.memory_space<hbm>> -> memref<64x4x128xf32, #tpu.memory_space<hbm>>
    tpu.wait_dma2 semaphore(%arg15 : memref<!tpu.dma_semaphore, #tpu.memory_space<semaphore_mem>>) src(%arg4 : memref<64x4x128xf32, #tpu.memory_space<hbm>>) dst(%dma_wait3A_779 : memref<64x4x128xf32, #tpu.memory_space<hbm>>)
    %add3A_780 = arith.constant 1 : i32
    %add3A_781 = arith.addi %mul3A_2, %add3A_780 : i32
    %dma_wait3A_782 = arith.constant 1 : i32
    %dma_wait3A_783 = arith.constant 0 : i32
    %dma_wait3A_784 = arith.constant 0 : i32
    %dma_wait3A_785 = arith.constant 0 : i32
    %dma_wait3A_786 = tpu.memref_slice %arg9[%dma_wait3A_782, %add3A_781, %dma_wait3A_783, %dma_wait3A_784, %dma_wait3A_785] : memref<2x512x64x4x128xf32, #tpu.memory_space<hbm>> -> memref<1x1x64x4x128xf32, #tpu.memory_space<hbm>>
    %dma_wait3A_787 = tpu.memref_squeeze %dma_wait3A_786 : memref<1x1x64x4x128xf32, #tpu.memory_space<hbm>> -> memref<64x4x128xf32, #tpu.memory_space<hbm>>
    tpu.wait_dma2 semaphore(%arg15 : memref<!tpu.dma_semaphore, #tpu.memory_space<semaphore_mem>>) src(%arg4 : memref<64x4x128xf32, #tpu.memory_space<hbm>>) dst(%dma_wait3A_787 : memref<64x4x128xf32, #tpu.memory_space<hbm>>)
    %add3A_788 = arith.constant 2 : i32
    %add3A_789 = arith.addi %mul3A_2, %add3A_788 : i32
    %dma_wait3A_790 = arith.constant 0 : i32
    %dma_wait3A_791 = arith.constant 0 : i32
    %dma_wait3A_792 = arith.constant 0 : i32
    %dma_wait3A_793 = arith.constant 0 : i32
    %dma_wait3A_794 = tpu.memref_slice %arg9[%dma_wait3A_790, %add3A_789, %dma_wait3A_791, %dma_wait3A_792, %dma_wait3A_793] : memref<2x512x64x4x128xf32, #tpu.memory_space<hbm>> -> memref<1x1x64x4x128xf32, #tpu.memory_space<hbm>>
    %dma_wait3A_795 = tpu.memref_squeeze %dma_wait3A_794 : memref<1x1x64x4x128xf32, #tpu.memory_space<hbm>> -> memref<64x4x128xf32, #tpu.memory_space<hbm>>
    tpu.wait_dma2 semaphore(%arg15 : memref<!tpu.dma_semaphore, #tpu.memory_space<semaphore_mem>>) src(%arg4 : memref<64x4x128xf32, #tpu.memory_space<hbm>>) dst(%dma_wait3A_795 : memref<64x4x128xf32, #tpu.memory_space<hbm>>)
    %add3A_796 = arith.constant 2 : i32
    %add3A_797 = arith.addi %mul3A_2, %add3A_796 : i32
    %dma_wait3A_798 = arith.constant 1 : i32
    %dma_wait3A_799 = arith.constant 0 : i32
    %dma_wait3A_800 = arith.constant 0 : i32
    %dma_wait3A_801 = arith.constant 0 : i32
    %dma_wait3A_802 = tpu.memref_slice %arg9[%dma_wait3A_798, %add3A_797, %dma_wait3A_799, %dma_wait3A_800, %dma_wait3A_801] : memref<2x512x64x4x128xf32, #tpu.memory_space<hbm>> -> memref<1x1x64x4x128xf32, #tpu.memory_space<hbm>>
    %dma_wait3A_803 = tpu.memref_squeeze %dma_wait3A_802 : memref<1x1x64x4x128xf32, #tpu.memory_space<hbm>> -> memref<64x4x128xf32, #tpu.memory_space<hbm>>
    tpu.wait_dma2 semaphore(%arg15 : memref<!tpu.dma_semaphore, #tpu.memory_space<semaphore_mem>>) src(%arg4 : memref<64x4x128xf32, #tpu.memory_space<hbm>>) dst(%dma_wait3A_803 : memref<64x4x128xf32, #tpu.memory_space<hbm>>)
    %add3A_804 = arith.constant 3 : i32
    %add3A_805 = arith.addi %mul3A_2, %add3A_804 : i32
    %dma_wait3A_806 = arith.constant 0 : i32
    %dma_wait3A_807 = arith.constant 0 : i32
    %dma_wait3A_808 = arith.constant 0 : i32
    %dma_wait3A_809 = arith.constant 0 : i32
    %dma_wait3A_810 = tpu.memref_slice %arg9[%dma_wait3A_806, %add3A_805, %dma_wait3A_807, %dma_wait3A_808, %dma_wait3A_809] : memref<2x512x64x4x128xf32, #tpu.memory_space<hbm>> -> memref<1x1x64x4x128xf32, #tpu.memory_space<hbm>>
    %dma_wait3A_811 = tpu.memref_squeeze %dma_wait3A_810 : memref<1x1x64x4x128xf32, #tpu.memory_space<hbm>> -> memref<64x4x128xf32, #tpu.memory_space<hbm>>
    tpu.wait_dma2 semaphore(%arg15 : memref<!tpu.dma_semaphore, #tpu.memory_space<semaphore_mem>>) src(%arg4 : memref<64x4x128xf32, #tpu.memory_space<hbm>>) dst(%dma_wait3A_811 : memref<64x4x128xf32, #tpu.memory_space<hbm>>)
    %add3A_812 = arith.constant 3 : i32
    %add3A_813 = arith.addi %mul3A_2, %add3A_812 : i32
    %dma_wait3A_814 = arith.constant 1 : i32
    %dma_wait3A_815 = arith.constant 0 : i32
    %dma_wait3A_816 = arith.constant 0 : i32
    %dma_wait3A_817 = arith.constant 0 : i32
    %dma_wait3A_818 = tpu.memref_slice %arg9[%dma_wait3A_814, %add3A_813, %dma_wait3A_815, %dma_wait3A_816, %dma_wait3A_817] : memref<2x512x64x4x128xf32, #tpu.memory_space<hbm>> -> memref<1x1x64x4x128xf32, #tpu.memory_space<hbm>>
    %dma_wait3A_819 = tpu.memref_squeeze %dma_wait3A_818 : memref<1x1x64x4x128xf32, #tpu.memory_space<hbm>> -> memref<64x4x128xf32, #tpu.memory_space<hbm>>
    tpu.wait_dma2 semaphore(%arg15 : memref<!tpu.dma_semaphore, #tpu.memory_space<semaphore_mem>>) src(%arg4 : memref<64x4x128xf32, #tpu.memory_space<hbm>>) dst(%dma_wait3A_819 : memref<64x4x128xf32, #tpu.memory_space<hbm>>)
    %add3A_820 = arith.constant 4 : i32
    %add3A_821 = arith.addi %mul3A_2, %add3A_820 : i32
    %dma_wait3A_822 = arith.constant 0 : i32
    %dma_wait3A_823 = arith.constant 0 : i32
    %dma_wait3A_824 = arith.constant 0 : i32
    %dma_wait3A_825 = arith.constant 0 : i32
    %dma_wait3A_826 = tpu.memref_slice %arg9[%dma_wait3A_822, %add3A_821, %dma_wait3A_823, %dma_wait3A_824, %dma_wait3A_825] : memref<2x512x64x4x128xf32, #tpu.memory_space<hbm>> -> memref<1x1x64x4x128xf32, #tpu.memory_space<hbm>>
    %dma_wait3A_827 = tpu.memref_squeeze %dma_wait3A_826 : memref<1x1x64x4x128xf32, #tpu.memory_space<hbm>> -> memref<64x4x128xf32, #tpu.memory_space<hbm>>
    tpu.wait_dma2 semaphore(%arg15 : memref<!tpu.dma_semaphore, #tpu.memory_space<semaphore_mem>>) src(%arg4 : memref<64x4x128xf32, #tpu.memory_space<hbm>>) dst(%dma_wait3A_827 : memref<64x4x128xf32, #tpu.memory_space<hbm>>)
    %add3A_828 = arith.constant 4 : i32
    %add3A_829 = arith.addi %mul3A_2, %add3A_828 : i32
    %dma_wait3A_830 = arith.constant 1 : i32
    %dma_wait3A_831 = arith.constant 0 : i32
    %dma_wait3A_832 = arith.constant 0 : i32
    %dma_wait3A_833 = arith.constant 0 : i32
    %dma_wait3A_834 = tpu.memref_slice %arg9[%dma_wait3A_830, %add3A_829, %dma_wait3A_831, %dma_wait3A_832, %dma_wait3A_833] : memref<2x512x64x4x128xf32, #tpu.memory_space<hbm>> -> memref<1x1x64x4x128xf32, #tpu.memory_space<hbm>>
    %dma_wait3A_835 = tpu.memref_squeeze %dma_wait3A_834 : memref<1x1x64x4x128xf32, #tpu.memory_space<hbm>> -> memref<64x4x128xf32, #tpu.memory_space<hbm>>
    tpu.wait_dma2 semaphore(%arg15 : memref<!tpu.dma_semaphore, #tpu.memory_space<semaphore_mem>>) src(%arg4 : memref<64x4x128xf32, #tpu.memory_space<hbm>>) dst(%dma_wait3A_835 : memref<64x4x128xf32, #tpu.memory_space<hbm>>)
    %add3A_836 = arith.constant 5 : i32
    %add3A_837 = arith.addi %mul3A_2, %add3A_836 : i32
    %dma_wait3A_838 = arith.constant 0 : i32
    %dma_wait3A_839 = arith.constant 0 : i32
    %dma_wait3A_840 = arith.constant 0 : i32
    %dma_wait3A_841 = arith.constant 0 : i32
    %dma_wait3A_842 = tpu.memref_slice %arg9[%dma_wait3A_838, %add3A_837, %dma_wait3A_839, %dma_wait3A_840, %dma_wait3A_841] : memref<2x512x64x4x128xf32, #tpu.memory_space<hbm>> -> memref<1x1x64x4x128xf32, #tpu.memory_space<hbm>>
    %dma_wait3A_843 = tpu.memref_squeeze %dma_wait3A_842 : memref<1x1x64x4x128xf32, #tpu.memory_space<hbm>> -> memref<64x4x128xf32, #tpu.memory_space<hbm>>
    tpu.wait_dma2 semaphore(%arg15 : memref<!tpu.dma_semaphore, #tpu.memory_space<semaphore_mem>>) src(%arg4 : memref<64x4x128xf32, #tpu.memory_space<hbm>>) dst(%dma_wait3A_843 : memref<64x4x128xf32, #tpu.memory_space<hbm>>)
    %add3A_844 = arith.constant 5 : i32
    %add3A_845 = arith.addi %mul3A_2, %add3A_844 : i32
    %dma_wait3A_846 = arith.constant 1 : i32
    %dma_wait3A_847 = arith.constant 0 : i32
    %dma_wait3A_848 = arith.constant 0 : i32
    %dma_wait3A_849 = arith.constant 0 : i32
    %dma_wait3A_850 = tpu.memref_slice %arg9[%dma_wait3A_846, %add3A_845, %dma_wait3A_847, %dma_wait3A_848, %dma_wait3A_849] : memref<2x512x64x4x128xf32, #tpu.memory_space<hbm>> -> memref<1x1x64x4x128xf32, #tpu.memory_space<hbm>>
    %dma_wait3A_851 = tpu.memref_squeeze %dma_wait3A_850 : memref<1x1x64x4x128xf32, #tpu.memory_space<hbm>> -> memref<64x4x128xf32, #tpu.memory_space<hbm>>
    tpu.wait_dma2 semaphore(%arg15 : memref<!tpu.dma_semaphore, #tpu.memory_space<semaphore_mem>>) src(%arg4 : memref<64x4x128xf32, #tpu.memory_space<hbm>>) dst(%dma_wait3A_851 : memref<64x4x128xf32, #tpu.memory_space<hbm>>)
    %add3A_852 = arith.constant 6 : i32
    %add3A_853 = arith.addi %mul3A_2, %add3A_852 : i32
    %dma_wait3A_854 = arith.constant 0 : i32
    %dma_wait3A_855 = arith.constant 0 : i32
    %dma_wait3A_856 = arith.constant 0 : i32
    %dma_wait3A_857 = arith.constant 0 : i32
    %dma_wait3A_858 = tpu.memref_slice %arg9[%dma_wait3A_854, %add3A_853, %dma_wait3A_855, %dma_wait3A_856, %dma_wait3A_857] : memref<2x512x64x4x128xf32, #tpu.memory_space<hbm>> -> memref<1x1x64x4x128xf32, #tpu.memory_space<hbm>>
    %dma_wait3A_859 = tpu.memref_squeeze %dma_wait3A_858 : memref<1x1x64x4x128xf32, #tpu.memory_space<hbm>> -> memref<64x4x128xf32, #tpu.memory_space<hbm>>
    tpu.wait_dma2 semaphore(%arg15 : memref<!tpu.dma_semaphore, #tpu.memory_space<semaphore_mem>>) src(%arg4 : memref<64x4x128xf32, #tpu.memory_space<hbm>>) dst(%dma_wait3A_859 : memref<64x4x128xf32, #tpu.memory_space<hbm>>)
    %add3A_860 = arith.constant 6 : i32
    %add3A_861 = arith.addi %mul3A_2, %add3A_860 : i32
    %dma_wait3A_862 = arith.constant 1 : i32
    %dma_wait3A_863 = arith.constant 0 : i32
    %dma_wait3A_864 = arith.constant 0 : i32
    %dma_wait3A_865 = arith.constant 0 : i32
    %dma_wait3A_866 = tpu.memref_slice %arg9[%dma_wait3A_862, %add3A_861, %dma_wait3A_863, %dma_wait3A_864, %dma_wait3A_865] : memref<2x512x64x4x128xf32, #tpu.memory_space<hbm>> -> memref<1x1x64x4x128xf32, #tpu.memory_space<hbm>>
    %dma_wait3A_867 = tpu.memref_squeeze %dma_wait3A_866 : memref<1x1x64x4x128xf32, #tpu.memory_space<hbm>> -> memref<64x4x128xf32, #tpu.memory_space<hbm>>
    tpu.wait_dma2 semaphore(%arg15 : memref<!tpu.dma_semaphore, #tpu.memory_space<semaphore_mem>>) src(%arg4 : memref<64x4x128xf32, #tpu.memory_space<hbm>>) dst(%dma_wait3A_867 : memref<64x4x128xf32, #tpu.memory_space<hbm>>)
    %add3A_868 = arith.constant 7 : i32
    %add3A_869 = arith.addi %mul3A_2, %add3A_868 : i32
    %dma_wait3A_870 = arith.constant 0 : i32
    %dma_wait3A_871 = arith.constant 0 : i32
    %dma_wait3A_872 = arith.constant 0 : i32
    %dma_wait3A_873 = arith.constant 0 : i32
    %dma_wait3A_874 = tpu.memref_slice %arg9[%dma_wait3A_870, %add3A_869, %dma_wait3A_871, %dma_wait3A_872, %dma_wait3A_873] : memref<2x512x64x4x128xf32, #tpu.memory_space<hbm>> -> memref<1x1x64x4x128xf32, #tpu.memory_space<hbm>>
    %dma_wait3A_875 = tpu.memref_squeeze %dma_wait3A_874 : memref<1x1x64x4x128xf32, #tpu.memory_space<hbm>> -> memref<64x4x128xf32, #tpu.memory_space<hbm>>
    tpu.wait_dma2 semaphore(%arg15 : memref<!tpu.dma_semaphore, #tpu.memory_space<semaphore_mem>>) src(%arg4 : memref<64x4x128xf32, #tpu.memory_space<hbm>>) dst(%dma_wait3A_875 : memref<64x4x128xf32, #tpu.memory_space<hbm>>)
    %add3A_876 = arith.constant 7 : i32
    %add3A_877 = arith.addi %mul3A_2, %add3A_876 : i32
    %dma_wait3A_878 = arith.constant 1 : i32
    %dma_wait3A_879 = arith.constant 0 : i32
    %dma_wait3A_880 = arith.constant 0 : i32
    %dma_wait3A_881 = arith.constant 0 : i32
    %dma_wait3A_882 = tpu.memref_slice %arg9[%dma_wait3A_878, %add3A_877, %dma_wait3A_879, %dma_wait3A_880, %dma_wait3A_881] : memref<2x512x64x4x128xf32, #tpu.memory_space<hbm>> -> memref<1x1x64x4x128xf32, #tpu.memory_space<hbm>>
    %dma_wait3A_883 = tpu.memref_squeeze %dma_wait3A_882 : memref<1x1x64x4x128xf32, #tpu.memory_space<hbm>> -> memref<64x4x128xf32, #tpu.memory_space<hbm>>
    tpu.wait_dma2 semaphore(%arg15 : memref<!tpu.dma_semaphore, #tpu.memory_space<semaphore_mem>>) src(%arg4 : memref<64x4x128xf32, #tpu.memory_space<hbm>>) dst(%dma_wait3A_883 : memref<64x4x128xf32, #tpu.memory_space<hbm>>)
    %add3A_884 = arith.constant 8 : i32
    %add3A_885 = arith.addi %mul3A_2, %add3A_884 : i32
    %dma_wait3A_886 = arith.constant 0 : i32
    %dma_wait3A_887 = arith.constant 0 : i32
    %dma_wait3A_888 = arith.constant 0 : i32
    %dma_wait3A_889 = arith.constant 0 : i32
    %dma_wait3A_890 = tpu.memref_slice %arg9[%dma_wait3A_886, %add3A_885, %dma_wait3A_887, %dma_wait3A_888, %dma_wait3A_889] : memref<2x512x64x4x128xf32, #tpu.memory_space<hbm>> -> memref<1x1x64x4x128xf32, #tpu.memory_space<hbm>>
    %dma_wait3A_891 = tpu.memref_squeeze %dma_wait3A_890 : memref<1x1x64x4x128xf32, #tpu.memory_space<hbm>> -> memref<64x4x128xf32, #tpu.memory_space<hbm>>
    tpu.wait_dma2 semaphore(%arg15 : memref<!tpu.dma_semaphore, #tpu.memory_space<semaphore_mem>>) src(%arg4 : memref<64x4x128xf32, #tpu.memory_space<hbm>>) dst(%dma_wait3A_891 : memref<64x4x128xf32, #tpu.memory_space<hbm>>)
    %add3A_892 = arith.constant 8 : i32
    %add3A_893 = arith.addi %mul3A_2, %add3A_892 : i32
    %dma_wait3A_894 = arith.constant 1 : i32
    %dma_wait3A_895 = arith.constant 0 : i32
    %dma_wait3A_896 = arith.constant 0 : i32
    %dma_wait3A_897 = arith.constant 0 : i32
    %dma_wait3A_898 = tpu.memref_slice %arg9[%dma_wait3A_894, %add3A_893, %dma_wait3A_895, %dma_wait3A_896, %dma_wait3A_897] : memref<2x512x64x4x128xf32, #tpu.memory_space<hbm>> -> memref<1x1x64x4x128xf32, #tpu.memory_space<hbm>>
    %dma_wait3A_899 = tpu.memref_squeeze %dma_wait3A_898 : memref<1x1x64x4x128xf32, #tpu.memory_space<hbm>> -> memref<64x4x128xf32, #tpu.memory_space<hbm>>
    tpu.wait_dma2 semaphore(%arg15 : memref<!tpu.dma_semaphore, #tpu.memory_space<semaphore_mem>>) src(%arg4 : memref<64x4x128xf32, #tpu.memory_space<hbm>>) dst(%dma_wait3A_899 : memref<64x4x128xf32, #tpu.memory_space<hbm>>)
    %add3A_900 = arith.constant 9 : i32
    %add3A_901 = arith.addi %mul3A_2, %add3A_900 : i32
    %dma_wait3A_902 = arith.constant 0 : i32
    %dma_wait3A_903 = arith.constant 0 : i32
    %dma_wait3A_904 = arith.constant 0 : i32
    %dma_wait3A_905 = arith.constant 0 : i32
    %dma_wait3A_906 = tpu.memref_slice %arg9[%dma_wait3A_902, %add3A_901, %dma_wait3A_903, %dma_wait3A_904, %dma_wait3A_905] : memref<2x512x64x4x128xf32, #tpu.memory_space<hbm>> -> memref<1x1x64x4x128xf32, #tpu.memory_space<hbm>>
    %dma_wait3A_907 = tpu.memref_squeeze %dma_wait3A_906 : memref<1x1x64x4x128xf32, #tpu.memory_space<hbm>> -> memref<64x4x128xf32, #tpu.memory_space<hbm>>
    tpu.wait_dma2 semaphore(%arg15 : memref<!tpu.dma_semaphore, #tpu.memory_space<semaphore_mem>>) src(%arg4 : memref<64x4x128xf32, #tpu.memory_space<hbm>>) dst(%dma_wait3A_907 : memref<64x4x128xf32, #tpu.memory_space<hbm>>)
    %add3A_908 = arith.constant 9 : i32
    %add3A_909 = arith.addi %mul3A_2, %add3A_908 : i32
    %dma_wait3A_910 = arith.constant 1 : i32
    %dma_wait3A_911 = arith.constant 0 : i32
    %dma_wait3A_912 = arith.constant 0 : i32
    %dma_wait3A_913 = arith.constant 0 : i32
    %dma_wait3A_914 = tpu.memref_slice %arg9[%dma_wait3A_910, %add3A_909, %dma_wait3A_911, %dma_wait3A_912, %dma_wait3A_913] : memref<2x512x64x4x128xf32, #tpu.memory_space<hbm>> -> memref<1x1x64x4x128xf32, #tpu.memory_space<hbm>>
    %dma_wait3A_915 = tpu.memref_squeeze %dma_wait3A_914 : memref<1x1x64x4x128xf32, #tpu.memory_space<hbm>> -> memref<64x4x128xf32, #tpu.memory_space<hbm>>
    tpu.wait_dma2 semaphore(%arg15 : memref<!tpu.dma_semaphore, #tpu.memory_space<semaphore_mem>>) src(%arg4 : memref<64x4x128xf32, #tpu.memory_space<hbm>>) dst(%dma_wait3A_915 : memref<64x4x128xf32, #tpu.memory_space<hbm>>)
    %add3A_916 = arith.constant 10 : i32
    %add3A_917 = arith.addi %mul3A_2, %add3A_916 : i32
    %dma_wait3A_918 = arith.constant 0 : i32
    %dma_wait3A_919 = arith.constant 0 : i32
    %dma_wait3A_920 = arith.constant 0 : i32
    %dma_wait3A_921 = arith.constant 0 : i32
    %dma_wait3A_922 = tpu.memref_slice %arg9[%dma_wait3A_918, %add3A_917, %dma_wait3A_919, %dma_wait3A_920, %dma_wait3A_921] : memref<2x512x64x4x128xf32, #tpu.memory_space<hbm>> -> memref<1x1x64x4x128xf32, #tpu.memory_space<hbm>>
    %dma_wait3A_923 = tpu.memref_squeeze %dma_wait3A_922 : memref<1x1x64x4x128xf32, #tpu.memory_space<hbm>> -> memref<64x4x128xf32, #tpu.memory_space<hbm>>
    tpu.wait_dma2 semaphore(%arg15 : memref<!tpu.dma_semaphore, #tpu.memory_space<semaphore_mem>>) src(%arg4 : memref<64x4x128xf32, #tpu.memory_space<hbm>>) dst(%dma_wait3A_923 : memref<64x4x128xf32, #tpu.memory_space<hbm>>)
    %add3A_924 = arith.constant 10 : i32
    %add3A_925 = arith.addi %mul3A_2, %add3A_924 : i32
    %dma_wait3A_926 = arith.constant 1 : i32
    %dma_wait3A_927 = arith.constant 0 : i32
    %dma_wait3A_928 = arith.constant 0 : i32
    %dma_wait3A_929 = arith.constant 0 : i32
    %dma_wait3A_930 = tpu.memref_slice %arg9[%dma_wait3A_926, %add3A_925, %dma_wait3A_927, %dma_wait3A_928, %dma_wait3A_929] : memref<2x512x64x4x128xf32, #tpu.memory_space<hbm>> -> memref<1x1x64x4x128xf32, #tpu.memory_space<hbm>>
    %dma_wait3A_931 = tpu.memref_squeeze %dma_wait3A_930 : memref<1x1x64x4x128xf32, #tpu.memory_space<hbm>> -> memref<64x4x128xf32, #tpu.memory_space<hbm>>
    tpu.wait_dma2 semaphore(%arg15 : memref<!tpu.dma_semaphore, #tpu.memory_space<semaphore_mem>>) src(%arg4 : memref<64x4x128xf32, #tpu.memory_space<hbm>>) dst(%dma_wait3A_931 : memref<64x4x128xf32, #tpu.memory_space<hbm>>)
    %add3A_932 = arith.constant 11 : i32
    %add3A_933 = arith.addi %mul3A_2, %add3A_932 : i32
    %dma_wait3A_934 = arith.constant 0 : i32
    %dma_wait3A_935 = arith.constant 0 : i32
    %dma_wait3A_936 = arith.constant 0 : i32
    %dma_wait3A_937 = arith.constant 0 : i32
    %dma_wait3A_938 = tpu.memref_slice %arg9[%dma_wait3A_934, %add3A_933, %dma_wait3A_935, %dma_wait3A_936, %dma_wait3A_937] : memref<2x512x64x4x128xf32, #tpu.memory_space<hbm>> -> memref<1x1x64x4x128xf32, #tpu.memory_space<hbm>>
    %dma_wait3A_939 = tpu.memref_squeeze %dma_wait3A_938 : memref<1x1x64x4x128xf32, #tpu.memory_space<hbm>> -> memref<64x4x128xf32, #tpu.memory_space<hbm>>
    tpu.wait_dma2 semaphore(%arg15 : memref<!tpu.dma_semaphore, #tpu.memory_space<semaphore_mem>>) src(%arg4 : memref<64x4x128xf32, #tpu.memory_space<hbm>>) dst(%dma_wait3A_939 : memref<64x4x128xf32, #tpu.memory_space<hbm>>)
    %add3A_940 = arith.constant 11 : i32
    %add3A_941 = arith.addi %mul3A_2, %add3A_940 : i32
    %dma_wait3A_942 = arith.constant 1 : i32
    %dma_wait3A_943 = arith.constant 0 : i32
    %dma_wait3A_944 = arith.constant 0 : i32
    %dma_wait3A_945 = arith.constant 0 : i32
    %dma_wait3A_946 = tpu.memref_slice %arg9[%dma_wait3A_942, %add3A_941, %dma_wait3A_943, %dma_wait3A_944, %dma_wait3A_945] : memref<2x512x64x4x128xf32, #tpu.memory_space<hbm>> -> memref<1x1x64x4x128xf32, #tpu.memory_space<hbm>>
    %dma_wait3A_947 = tpu.memref_squeeze %dma_wait3A_946 : memref<1x1x64x4x128xf32, #tpu.memory_space<hbm>> -> memref<64x4x128xf32, #tpu.memory_space<hbm>>
    tpu.wait_dma2 semaphore(%arg15 : memref<!tpu.dma_semaphore, #tpu.memory_space<semaphore_mem>>) src(%arg4 : memref<64x4x128xf32, #tpu.memory_space<hbm>>) dst(%dma_wait3A_947 : memref<64x4x128xf32, #tpu.memory_space<hbm>>)
    %add3A_948 = arith.constant 12 : i32
    %add3A_949 = arith.addi %mul3A_2, %add3A_948 : i32
    %dma_wait3A_950 = arith.constant 0 : i32
    %dma_wait3A_951 = arith.constant 0 : i32
    %dma_wait3A_952 = arith.constant 0 : i32
    %dma_wait3A_953 = arith.constant 0 : i32
    %dma_wait3A_954 = tpu.memref_slice %arg9[%dma_wait3A_950, %add3A_949, %dma_wait3A_951, %dma_wait3A_952, %dma_wait3A_953] : memref<2x512x64x4x128xf32, #tpu.memory_space<hbm>> -> memref<1x1x64x4x128xf32, #tpu.memory_space<hbm>>
    %dma_wait3A_955 = tpu.memref_squeeze %dma_wait3A_954 : memref<1x1x64x4x128xf32, #tpu.memory_space<hbm>> -> memref<64x4x128xf32, #tpu.memory_space<hbm>>
    tpu.wait_dma2 semaphore(%arg15 : memref<!tpu.dma_semaphore, #tpu.memory_space<semaphore_mem>>) src(%arg4 : memref<64x4x128xf32, #tpu.memory_space<hbm>>) dst(%dma_wait3A_955 : memref<64x4x128xf32, #tpu.memory_space<hbm>>)
    %add3A_956 = arith.constant 12 : i32
    %add3A_957 = arith.addi %mul3A_2, %add3A_956 : i32
    %dma_wait3A_958 = arith.constant 1 : i32
    %dma_wait3A_959 = arith.constant 0 : i32
    %dma_wait3A_960 = arith.constant 0 : i32
    %dma_wait3A_961 = arith.constant 0 : i32
    %dma_wait3A_962 = tpu.memref_slice %arg9[%dma_wait3A_958, %add3A_957, %dma_wait3A_959, %dma_wait3A_960, %dma_wait3A_961] : memref<2x512x64x4x128xf32, #tpu.memory_space<hbm>> -> memref<1x1x64x4x128xf32, #tpu.memory_space<hbm>>
    %dma_wait3A_963 = tpu.memref_squeeze %dma_wait3A_962 : memref<1x1x64x4x128xf32, #tpu.memory_space<hbm>> -> memref<64x4x128xf32, #tpu.memory_space<hbm>>
    tpu.wait_dma2 semaphore(%arg15 : memref<!tpu.dma_semaphore, #tpu.memory_space<semaphore_mem>>) src(%arg4 : memref<64x4x128xf32, #tpu.memory_space<hbm>>) dst(%dma_wait3A_963 : memref<64x4x128xf32, #tpu.memory_space<hbm>>)
    %add3A_964 = arith.constant 13 : i32
    %add3A_965 = arith.addi %mul3A_2, %add3A_964 : i32
    %dma_wait3A_966 = arith.constant 0 : i32
    %dma_wait3A_967 = arith.constant 0 : i32
    %dma_wait3A_968 = arith.constant 0 : i32
    %dma_wait3A_969 = arith.constant 0 : i32
    %dma_wait3A_970 = tpu.memref_slice %arg9[%dma_wait3A_966, %add3A_965, %dma_wait3A_967, %dma_wait3A_968, %dma_wait3A_969] : memref<2x512x64x4x128xf32, #tpu.memory_space<hbm>> -> memref<1x1x64x4x128xf32, #tpu.memory_space<hbm>>
    %dma_wait3A_971 = tpu.memref_squeeze %dma_wait3A_970 : memref<1x1x64x4x128xf32, #tpu.memory_space<hbm>> -> memref<64x4x128xf32, #tpu.memory_space<hbm>>
    tpu.wait_dma2 semaphore(%arg15 : memref<!tpu.dma_semaphore, #tpu.memory_space<semaphore_mem>>) src(%arg4 : memref<64x4x128xf32, #tpu.memory_space<hbm>>) dst(%dma_wait3A_971 : memref<64x4x128xf32, #tpu.memory_space<hbm>>)
    %add3A_972 = arith.constant 13 : i32
    %add3A_973 = arith.addi %mul3A_2, %add3A_972 : i32
    %dma_wait3A_974 = arith.constant 1 : i32
    %dma_wait3A_975 = arith.constant 0 : i32
    %dma_wait3A_976 = arith.constant 0 : i32
    %dma_wait3A_977 = arith.constant 0 : i32
    %dma_wait3A_978 = tpu.memref_slice %arg9[%dma_wait3A_974, %add3A_973, %dma_wait3A_975, %dma_wait3A_976, %dma_wait3A_977] : memref<2x512x64x4x128xf32, #tpu.memory_space<hbm>> -> memref<1x1x64x4x128xf32, #tpu.memory_space<hbm>>
    %dma_wait3A_979 = tpu.memref_squeeze %dma_wait3A_978 : memref<1x1x64x4x128xf32, #tpu.memory_space<hbm>> -> memref<64x4x128xf32, #tpu.memory_space<hbm>>
    tpu.wait_dma2 semaphore(%arg15 : memref<!tpu.dma_semaphore, #tpu.memory_space<semaphore_mem>>) src(%arg4 : memref<64x4x128xf32, #tpu.memory_space<hbm>>) dst(%dma_wait3A_979 : memref<64x4x128xf32, #tpu.memory_space<hbm>>)
    %add3A_980 = arith.constant 14 : i32
    %add3A_981 = arith.addi %mul3A_2, %add3A_980 : i32
    %dma_wait3A_982 = arith.constant 0 : i32
    %dma_wait3A_983 = arith.constant 0 : i32
    %dma_wait3A_984 = arith.constant 0 : i32
    %dma_wait3A_985 = arith.constant 0 : i32
    %dma_wait3A_986 = tpu.memref_slice %arg9[%dma_wait3A_982, %add3A_981, %dma_wait3A_983, %dma_wait3A_984, %dma_wait3A_985] : memref<2x512x64x4x128xf32, #tpu.memory_space<hbm>> -> memref<1x1x64x4x128xf32, #tpu.memory_space<hbm>>
    %dma_wait3A_987 = tpu.memref_squeeze %dma_wait3A_986 : memref<1x1x64x4x128xf32, #tpu.memory_space<hbm>> -> memref<64x4x128xf32, #tpu.memory_space<hbm>>
    tpu.wait_dma2 semaphore(%arg15 : memref<!tpu.dma_semaphore, #tpu.memory_space<semaphore_mem>>) src(%arg4 : memref<64x4x128xf32, #tpu.memory_space<hbm>>) dst(%dma_wait3A_987 : memref<64x4x128xf32, #tpu.memory_space<hbm>>)
    %add3A_988 = arith.constant 14 : i32
    %add3A_989 = arith.addi %mul3A_2, %add3A_988 : i32
    %dma_wait3A_990 = arith.constant 1 : i32
    %dma_wait3A_991 = arith.constant 0 : i32
    %dma_wait3A_992 = arith.constant 0 : i32
    %dma_wait3A_993 = arith.constant 0 : i32
    %dma_wait3A_994 = tpu.memref_slice %arg9[%dma_wait3A_990, %add3A_989, %dma_wait3A_991, %dma_wait3A_992, %dma_wait3A_993] : memref<2x512x64x4x128xf32, #tpu.memory_space<hbm>> -> memref<1x1x64x4x128xf32, #tpu.memory_space<hbm>>
    %dma_wait3A_995 = tpu.memref_squeeze %dma_wait3A_994 : memref<1x1x64x4x128xf32, #tpu.memory_space<hbm>> -> memref<64x4x128xf32, #tpu.memory_space<hbm>>
    tpu.wait_dma2 semaphore(%arg15 : memref<!tpu.dma_semaphore, #tpu.memory_space<semaphore_mem>>) src(%arg4 : memref<64x4x128xf32, #tpu.memory_space<hbm>>) dst(%dma_wait3A_995 : memref<64x4x128xf32, #tpu.memory_space<hbm>>)
    %add3A_996 = arith.constant 15 : i32
    %add3A_997 = arith.addi %mul3A_2, %add3A_996 : i32
    %dma_wait3A_998 = arith.constant 0 : i32
    %dma_wait3A_999 = arith.constant 0 : i32
    %dma_wait3A_1000 = arith.constant 0 : i32
    %dma_wait3A_1001 = arith.constant 0 : i32
    %dma_wait3A_1002 = tpu.memref_slice %arg9[%dma_wait3A_998, %add3A_997, %dma_wait3A_999, %dma_wait3A_1000, %dma_wait3A_1001] : memref<2x512x64x4x128xf32, #tpu.memory_space<hbm>> -> memref<1x1x64x4x128xf32, #tpu.memory_space<hbm>>
    %dma_wait3A_1003 = tpu.memref_squeeze %dma_wait3A_1002 : memref<1x1x64x4x128xf32, #tpu.memory_space<hbm>> -> memref<64x4x128xf32, #tpu.memory_space<hbm>>
    tpu.wait_dma2 semaphore(%arg15 : memref<!tpu.dma_semaphore, #tpu.memory_space<semaphore_mem>>) src(%arg4 : memref<64x4x128xf32, #tpu.memory_space<hbm>>) dst(%dma_wait3A_1003 : memref<64x4x128xf32, #tpu.memory_space<hbm>>)
    %add3A_1004 = arith.constant 15 : i32
    %add3A_1005 = arith.addi %mul3A_2, %add3A_1004 : i32
    %dma_wait3A_1006 = arith.constant 1 : i32
    %dma_wait3A_1007 = arith.constant 0 : i32
    %dma_wait3A_1008 = arith.constant 0 : i32
    %dma_wait3A_1009 = arith.constant 0 : i32
    %dma_wait3A_1010 = tpu.memref_slice %arg9[%dma_wait3A_1006, %add3A_1005, %dma_wait3A_1007, %dma_wait3A_1008, %dma_wait3A_1009] : memref<2x512x64x4x128xf32, #tpu.memory_space<hbm>> -> memref<1x1x64x4x128xf32, #tpu.memory_space<hbm>>
    %dma_wait3A_1011 = tpu.memref_squeeze %dma_wait3A_1010 : memref<1x1x64x4x128xf32, #tpu.memory_space<hbm>> -> memref<64x4x128xf32, #tpu.memory_space<hbm>>
    tpu.wait_dma2 semaphore(%arg15 : memref<!tpu.dma_semaphore, #tpu.memory_space<semaphore_mem>>) src(%arg4 : memref<64x4x128xf32, #tpu.memory_space<hbm>>) dst(%dma_wait3A_1011 : memref<64x4x128xf32, #tpu.memory_space<hbm>>)
    return
  }
}

</mosaic_0001>

<sc_bundles>
// kernel: kernel.3.cloned.1.call-start
scs
__scs_entry_jumppad:
0x0: {  	(pc) =	sbr.rel $0x88, $3  }
0x1: {  	(tag) =	ssettag $0x0;
	lr =	simm.s32 $0x1  }
0x2: {  	[smem:$0x3F9C] =	sst lr;
	_ =	strace $0xD0000000  }
0x3: {  	_ = 	snop  }
0x4: {  	_ = 	snop  }
0x5: {  	_ = 	snop  }
0x6: {  	_ = 	snop  }
0x7: {  	_ = 	snop  }
__scs_overlays_trampoline_lowered:
0x8: {  	[smem:$0x3FAB] =	sst s0  }
0x9: {  	[smem:$0x3FAC] =	sst s1  }
0xa: {  	[smem:$0x3FAD] =	sst s2  }
0xb: {  	[smem:$0x3FAE] =	sst s3  }
0xc: {  	[smem:$0x3FAF] =	sst s4  }
0xd: {  	[smem:$0x3FB0] =	sst s5  }
0xe: {  	[smem:$0x3FB1] =	sst s6  }
0xf: {  	[smem:$0x3FB2] =	sst s7  }
0x10: {  	[smem:$0x3FB3] =	sst s8  }
0x11: {  	[smem:$0x3FB4] =	sst s9;
	s0 =	simm.s32 @!p0 $0x0  }
0x12: {  	s1 =	sld [smem:$0x3F9A];
	s0 =	simm.s32 @p0 $0x1  }
0x13: {  	[smem:$0x3FB5] =	sst s0;
	s0 =	simm.s32 @!p1 $0x0  }
0x14: {  	s2 =	sld [smem:$0x3F99];
	s0 =	simm.s32 @p1 $0x1  }
0x15: {  	[smem:$0x3FB6] =	sst s0;
	s0 =	simm.s32 @!p2 $0x0  }
0x16: {  	s3 =	sld [smem:$0x3FDB];
	s0 =	simm.s32 @p2 $0x1  }
0x17: {  	s4 =	simm.s32 $0x1BF5;
	[smem:$0x3FB8] =	sst s0  }
0x18: {  	s0 =	sld [smem:$0x3F9B];
	_ =	swait.ge [sflag:s4], $0x0  }
0x19: {  	s7 =	sld [smem:$0x3F9C]  }
0x1a: {  	s8 =	sadd.s32 $0xFFFFE003, lr  }
0x1b: {  	s9 =	sadd.s32 $0xFFFFFEF7, lr;
	s5 =	simm.s32 $0xFFFFFFFF;
	p2 =	slt.u32 s8, $0xFFFFF086  }
0x1c: {  	p1 =	slt.u32 s9, $0xF7A;
	s5 =	simm.s32 @!p2 $0x0  }
0x1d: {  	s5 =	simm.s32 @p1 $0x1;
	p0 =	seq.s32 s7, s2  }
0x1e: {  	s7 =	smul.u32 @!p0 $0xF7A, s2;
	p2 =	seq.s32 @!p0 s5, $0x0  }
0x1f: {  	s9 =	smul.u32 $0xF7A, s1;
	s8 =	simm.s32 @!p0 $0x1BF5;
	p2 =	por !p2, p0  }
0x20: {  	[sflag:s8] =	ssyncset.s32 @!p0 $0xFFFFF086;
	s6 =	sadd.s32 @!p0 s3, s7;
	s7 =	simm.s32 @!p0 $0x108  }
0x21: {  	s3 =	sadd.s32 s3, s9;
	s6 =	sadd.s32 @!p0 $0x88, s6;
	s7 =	simm.s32 @p2 $0x1082  }
0x22: {  	[simem:s7], [sflag:s8] =	dma.local @!p0 [hbm:s6], $0xF7A  }
0x23: {  	s9 =	sor.u32 $0xD0000000, s2;
	s6 =	simm.s32 $0x108;
	_ =	swait.ge @!p0 [sflag:s8], $0x0  }
0x24: {  	s3 =	sadd.s32 $0x88, s3;
	s6 =	simm.s32 @!p1 $0x1082;
	[sflag:s4] =	ssyncset.s32 $0xFFFFF086  }
0x25: {  	[simem:s6], [sflag:s4] =	dma.local [hbm:s3], $0xF7A  }
0x26: {  	[smem:$0x3F9C] =	sst s1;
	(tag) =	ssettag s2;
	_ =	strace s9  }
0x27: {  	s1 =	sld [smem:$0x3FAC]  }
0x28: {  	s2 =	sld [smem:$0x3FAD]  }
0x29: {  	s4 =	sld [smem:$0x3FAF]  }
0x2a: {  	p0 =	seq.s32 s5, $0x0;
	s5 =	sld [smem:$0x3FB0]  }
0x2b: {  	s6 =	sld [smem:$0x3FB1]  }
0x2c: {  	s7 =	sld [smem:$0x3FB2]  }
0x2d: {  	s3 =	simm.s32 $0x108;
	s8 =	sld [smem:$0x3FB3]  }
0x2e: {  	s3 =	simm.s32 @!p0 $0x1082;
	s9 =	sld [smem:$0x3FB4]  }
0x2f: {  	lr =	sadd.s32 s0, s3;
	s0 =	sld [smem:$0x3FAB]  }
0x30: {  	s3 =	sld [smem:$0x3FAE]  }
0x31: {  	[smem:$0x3FB7] =	sst s10  }
0x32: {  	s10 =	sld [smem:$0x3FB5];
	_ =	sdelay $0x3  }
0x33: {  	p0 =	seq.s32 s10, $0x1;
	s10 =	sld [smem:$0x3FB7];
	_ =	sdelay $0x3  }
0x34: {  	[smem:$0x3FB7] =	sst s10  }
0x35: {  	s10 =	sld [smem:$0x3FB6];
	_ =	sdelay $0x3  }
0x36: {  	p1 =	seq.s32 s10, $0x1;
	s10 =	sld [smem:$0x3FB7];
	_ =	sdelay $0x3  }
0x37: {  	[smem:$0x3FB7] =	sst s10  }
0x38: {  	s10 =	sld [smem:$0x3FB8]  }
0x39: {  	_ = 	snop;
	(pc) =	sbr.ind lr, $3  }
0x3a: {  	_ = 	snop  }
0x3b: {  	_ = 	snop  }
0x3c: {  	p2 =	seq.s32 s10, $0x1;
	s10 =	sld [smem:$0x3FB7]  }
0x3d: {  	_ =	shalt  }
0x3e: {  	_ =	shalt  }
0x3f: {  	_ =	shalt  }
0x40: {  	_ =	shalt  }
0x41: {  	_ =	shalt  }
0x42: {  	_ =	shalt  }
0x43: {  	_ =	shalt  }
0x44: {  	_ =	shalt  }
0x45: {  	_ =	shalt  }
0x46: {  	_ =	shalt  }
0x47: {  	_ =	shalt  }
0x48: {  	_ =	shalt  }
0x49: {  	_ =	shalt  }
0x4a: {  	_ =	shalt  }
0x4b: {  	_ =	shalt  }
0x4c: {  	_ =	shalt  }
0x4d: {  	_ =	shalt  }
0x4e: {  	_ =	shalt  }
0x4f: {  	_ =	shalt  }
0x50: {  	_ =	shalt  }
0x51: {  	_ =	shalt  }
0x52: {  	_ =	shalt  }
0x53: {  	_ =	shalt  }
0x54: {  	_ =	shalt  }
0x55: {  	_ =	shalt  }
0x56: {  	_ =	shalt  }
0x57: {  	_ =	shalt  }
0x58: {  	_ =	shalt  }
0x59: {  	_ =	shalt  }
0x5a: {  	_ =	shalt  }
0x5b: {  	_ =	shalt  }
0x5c: {  	_ =	shalt  }
0x5d: {  	_ =	shalt  }
0x5e: {  	_ =	shalt  }
0x5f: {  	_ =	shalt  }
0x60: {  	_ =	shalt  }
0x61: {  	_ =	shalt  }
0x62: {  	_ =	shalt  }
0x63: {  	_ =	shalt  }
0x64: {  	_ =	shalt  }
0x65: {  	_ =	shalt  }
0x66: {  	_ =	shalt  }
0x67: {  	_ =	shalt  }
0x68: {  	_ =	shalt  }
0x69: {  	_ =	shalt  }
0x6a: {  	_ =	shalt  }
0x6b: {  	_ =	shalt  }
0x6c: {  	_ =	shalt  }
0x6d: {  	_ =	shalt  }
0x6e: {  	_ =	shalt  }
0x6f: {  	_ =	shalt  }
0x70: {  	_ =	shalt  }
0x71: {  	_ =	shalt  }
0x72: {  	_ =	shalt  }
0x73: {  	_ =	shalt  }
0x74: {  	_ =	shalt  }
0x75: {  	_ =	shalt  }
0x76: {  	_ =	shalt  }
0x77: {  	_ =	shalt  }
0x78: {  	_ =	shalt  }
0x79: {  	_ =	shalt  }
0x7a: {  	_ =	shalt  }
0x7b: {  	_ =	shalt  }
0x7c: {  	_ =	shalt  }
0x7d: {  	_ =	shalt  }
0x7e: {  	_ =	shalt  }
0x7f: {  	_ =	shalt  }
0x80: {  	_ =	shalt  }
0x81: {  	_ =	shalt  }
0x82: {  	_ =	shalt  }
0x83: {  	_ =	shalt  }
0x84: {  	_ =	shalt  }
0x85: {  	_ =	shalt  }
0x86: {  	_ =	shalt  }
0x87: {  	_ =	shalt  }
.Lfunc_end0:
.L_simem_size_0:
called_computation_lowered:
.L_overlay_start_0:
0x88: {  	s2 =	sld [smem:$0x3FD9]  }
0x89: {  	s3 =	sld [smem:$0x3FFE];
	_ =	sdelay $0x1  }
0x8a: {  	s1 =	srdreg.scid  }
0x8b: {  	s0 =	sand.u32 $0x1, s1  }
0x8c: {  	s17 =	sshll.u32 s0, $0xA;
	s2 =	sadd.s32 s3, s2  }
0x8d: {  	s2 =	sadd.s32 s2, s17  }
0x8e: {  	[smem:$0x3FC3] =	sst s2  }
0x8f: {  	_ = 	snop  }
0x90: {  	s2 =	sld [smem:$0x3FC9]  }
0x91: {  	s18 =	sld [smem:$0x3FC8]  }
0x92: {  	s4 =	sld [smem:$0x3FD0];
	(tm) =	ssettm $0x1  }
0x93: {  	s5 =	sld [smem:$0x3FFB];
	_ =	sdelay $0x3  }
0x94: {  	_ =	strace s5  }
0x95: {  	s5 =	sld [smem:$0x3FFC];
	_ =	sdelay $0x3  }
0x96: {  	_ =	strace s5  }
0x97: {  	s5 =	sld [smem:$0x3FFD];
	_ =	sdelay $0x3  }
0x98: {  	_ =	strace s5  }
0x99: {  	_ =	strace $0x8FFFFFFF  }
0x9a: {  	s19 =	sld [smem:$0x3FDB];
	_ =	sdelay $0x1  }
0x9b: {  	s6 =	simm.s32 $_scs_section_size  }
0x9c: {  	s7 =	simm.s32 $_size__tile_overlayer_lowered;
	s8 =	simm.s32 $_tile_overlayer_lowered  }
0x9d: {  	s22 =	simm.s32 $0x1BFF;
	s21 =	sshll.u32 s8, $0x1;
	s5 =	sadd.s32 s6, s19  }
0x9e: {  	s9 =	simm.s32 $0x0;
	s20 =	sshll.u32 s7, $0x1;
	s7 =	sadd.s32 s21, s5  }
0x9f: {  	[timem:s9], [sflag:s22] =	dma.local [hbm:s7], s20  }
0xa0: {  	_ =	swait.ge [sflag:s22], s20  }
0xa1: {  	s6 =	ssub.s32 $0x0, s20;
	[sflag:s22] =	ssyncset.done $0x0  }
0xa2: {  	[sflag:s22] =	ssyncadd.s32 s6;
	_ =	sdelay $0x1  }
0xa3: {  	s23 =	simm.s32 $0x1B8B  }
0xa4: {  	_ =	swait.ge [sflag:s23], $0x1  }
0xa5: {  	[sflag:s23] =	ssyncset.done $0x0  }
0xa6: {  	s25 =	simm.s32 $0x1B8E;
	s24 =	sld [smem:$0x3FFE];
	[sflag:s23] =	ssyncadd.s32 $0xFFFFFFFF  }
0xa7: {  	s26 =	simm.s32 $execute0_lowered;
	[smem:$0x3FD2] =	sst s25  }
0xa8: {  	s7 =	sshll.u32 s26, $0x1;
	_ =	strace $0x80000046;
	[dreg:$0x1] =	wrdreg $0xFFFFFFFF  }
0xa9: {  	s28 =	simm.s32 $_size_execute0_lowered;
	s5 =	sadd.s32 s5, s7;
	[dreg:$0x0] =	wrdreg $0x0  }
0xaa: {  	s7 =	sshll.u32 s28, $0x1;
	[dreg:$0x2] =	wrdreg s5  }
0xab: {  	[dreg:$0x3] =	wrdreg s7  }
0xac: {  	[dreg:$0x4] =	wrdreg $0xC0  }
0xad: {  	_ =	task [dreg:s9], $0x5FFFF  }
0xae: {  	[dreg:$0x1] =	wrdreg $0xFFFFFFFF  }
0xaf: {  	[dreg:$0x0] =	wrdreg $0x60  }
0xb0: {  	[dreg:$0x2] =	wrdreg s2  }
0xb1: {  	[dreg:$0x3] =	wrdreg s18  }
0xb2: {  	[dreg:$0x4] =	wrdreg s24  }
0xb3: {  	[dreg:$0x5] =	wrdreg s4  }
0xb4: {  	[dreg:$0x6] =	wrdreg $0x9  }
0xb5: {  	_ =	task.clear_ibuf [dreg:s9], $0x7FFFF;
	_ =	strace $0x90000046  }
0xb6: {  	s29 =	simm.s32 $0x9;
	_ =	strace $0x80000048  }
0xb7: {  	_ =	swait.ge [sflag:s29], $0x1  }
0xb8: {  	[sflag:s29] =	ssyncadd.s32 $0xFFFFFFFF  }
0xb9: {  	_ =	strace $0x90000048  }
0xba: {  	_ =	sfence  }
0xbb: {  	s30 =	sld [smem:$0x0];
	_ =	sdelay $0x2  }
0xbc: {  	s31 =	sshll.u32 s1, $0xD;
	s1 =	sshrl.u32 s1, $0x2  }
0xbd: {  	s3 =	sand.u32 $0x4000, s31;
	s1 =	sadd.s32 s1, s30  }
0xbe: {  	s0 =	sor.u32 s3, s0;
	s1 =	sshll.u32 s1, $0x11  }
0xbf: {  	s0 =	sor.u32 s1, s0  }
0xc0: {  	s0 =	sadd.s32 $0x8F2B, s0  }
0xc1: {  	[sflag:s0] =	ssyncadd.remote.s32 $0x1  }
0xc2: {  	_ =	sfence.sel $0xFFFF  }
0xc3: {  	[dreg:$0x0] =	wrdreg $0xFFFFFFFF;
	(pc) =	sbr.abs _section_cstart, $3  }
0xc4: {  	[dreg:$0x1] =	wrdreg $0xFFFFFFFF  }
0xc5: {  	_ =	task.clear_ibuf [dreg:s9], $0x2FFFF;
	_ =	strace $0x9FFFFFFF  }
0xc6: {  	(tm) =	ssettm $0x7FFFFFFF  }
0xc7: {  	_ =	shalt  }
tec
execute0_lowered:
.L_overlay_start_1:
0x0: {  	(tag) =	ssettag $0x1  }
0x1: {  	s1 =	srdreg.scid  }
0x2: {  	s0 =	stileid.u32;
	s7 =	sand.u32 $0x1, s1  }
0x3: {  	s21 =	sshll.u32 s0, $0x5;
	s2 =	sshll.u32 s7, $0x4  }
0x4: {  	s6 =	rddreg [dreg:$0x3];
	s8 =	sor.u32 s2, s21  }
0x5: {  	s1 =	simm.s32 $0x0;
	s22 =	ssub.s32 $0x2, s7;
	s4 =	sshll.u32 s8, $0xC  }
0x6: {  	[smem:$0x7FF] =	sst s1;
	s3 =	sshrl.u32 s22, $0x1;
	s23 =	sor.u32 $0x1000, s4  }
0x7: {  	s13 =	ssub.s32 s22, s3;
	s3 =	sadd.s32 $0x200000, s6;
	s5 =	sadd.s32 s6, s23  }
0x8: {  	s24 =	sor.u32 $0x2000, s4;
	s2 =	sadd.s32 s23, s3;
	[dreg:$0x5] =	wrdreg s5  }
0x9: {  	s26 =	sor.u32 $0x3000, s4;
	s25 =	sadd.s32 s6, s24;
	[dreg:$0x6] =	wrdreg s2  }
0xa: {  	s10 =	sor.u32 $0x4000, s4;
	s9 =	sadd.s32 s6, s26;
	[dreg:$0x7] =	wrdreg s25  }
0xb: {  	s12 =	sor.u32 $0x5000, s4;
	s11 =	sadd.s32 s6, s10;
	[dreg:$0x9] =	wrdreg s9  }
0xc: {  	s15 =	sor.u32 $0x6000, s4;
	s14 =	sadd.s32 s6, s12;
	[dreg:$0xb] =	wrdreg s11  }
0xd: {  	s17 =	sor.u32 $0x7000, s4;
	s16 =	sadd.s32 s6, s15;
	[dreg:$0xd] =	wrdreg s14  }
0xe: {  	s19 =	sor.u32 $0x8000, s4;
	s18 =	sadd.s32 s6, s17;
	[dreg:$0xf] =	wrdreg s16  }
0xf: {  	s21 =	sor.u32 $0x9000, s4;
	s20 =	sadd.s32 s6, s19;
	[dreg:$0x11] =	wrdreg s18  }
0x10: {  	s22 =	sadd.s32 s6, s21;
	[dreg:$0x13] =	wrdreg s20  }
0x11: {  	s5 =	sadd.s32 s24, s3;
	[dreg:$0x15] =	wrdreg s22  }
0x12: {  	s23 =	sor.u32 $0xA000, s4;
	s2 =	sadd.s32 s26, s3;
	[dreg:$0x8] =	wrdreg s5  }
0x13: {  	s24 =	sadd.s32 s6, s23;
	[dreg:$0xa] =	wrdreg s2  }
0x14: {  	s5 =	sadd.s32 s10, s3;
	[dreg:$0x17] =	wrdreg s24  }
0x15: {  	s25 =	sor.u32 $0xB000, s4;
	s2 =	sadd.s32 s12, s3;
	[dreg:$0xc] =	wrdreg s5  }
0x16: {  	s9 =	sor.u32 $0xC000, s4;
	s26 =	sadd.s32 s6, s25;
	[dreg:$0xe] =	wrdreg s2  }
0x17: {  	s10 =	sadd.s32 s6, s9;
	[dreg:$0x19] =	wrdreg s26  }
0x18: {  	s7 =	sshll.u32 s7, $0x10;
	[dreg:$0x1b] =	wrdreg s10  }
0x19: {  	s8 =	sshrl.u32 s8, $0x3;
	s5 =	sadd.s32 s15, s3;
	s10 =	rddreg [dreg:$0x2]  }
0x1a: {  	s31 =	sadd.s32 s6, s4;
	s2 =	sadd.s32 s17, s3;
	[dreg:$0x10] =	wrdreg s5  }
0x1b: {  	s11 =	sor.u32 $0xD000, s4;
	[dreg:$0x12] =	wrdreg s2;
	s5 =	sadd.s32 s19, s3  }
0x1c: {  	s14 =	sor.u32 $0xF000, s4;
	s2 =	sadd.s32 s21, s3;
	[dreg:$0x14] =	wrdreg s5  }
0x1d: {  	s12 =	sor.u32 $0xE000, s4;
	[dreg:$0x16] =	wrdreg s2;
	s5 =	sadd.s32 s23, s3  }
0x1e: {  	s26 =	sadd.s32 s6, s11;
	s2 =	sadd.s32 s25, s3;
	[dreg:$0x18] =	wrdreg s5  }
0x1f: {  	[dreg:$0x1a] =	wrdreg s2;
	s5 =	sadd.s32 s9, s3;
	s9 =	sshll.u32 s0, $0x11  }
0x20: {  	s2 =	sadd.s32 s4, s3;
	s4 =	rddreg [dreg:$0x0];
	s9 =	sadd.s32 s9, s6  }
0x21: {  	s29 =	sadd.s32 s6, s12;
	[dreg:$0x1c] =	wrdreg s5;
	s22 =	sadd.s32 s7, s9  }
0x22: {  	s5 =	sadd.s32 s6, s14;
	s6 =	rddreg [dreg:$0x1];
	s16 =	sadd.s32 $0x200000, s22  }
0x23: {  	_ =	strace $0x80000047;
	s17 =	sadd.s32 $0x1000, s22;
	[dreg:$0x1d] =	wrdreg s16  }
0x24: {  	s28 =	sadd.s32 s11, s3;
	s18 =	sadd.s32 $0x201000, s22;
	[dreg:$0x1e] =	wrdreg s17  }
0x25: {  	s30 =	sadd.s32 s12, s3;
	s19 =	sadd.s32 $0x2000, s22;
	[dreg:$0x1f] =	wrdreg s18  }
0x26: {  	s15 =	sadd.s32 s8, s10;
	s20 =	sadd.s32 $0x202000, s22;
	[smem:$0x7E2] =	sst s19  }
0x27: {  	s8 =	sadd.s32 $0x1600, s10;
	s21 =	sadd.s32 $0x3000, s22;
	[smem:$0x7E3] =	sst s20  }
0x28: {  	s10 =	sadd.s32 $0x1200, s15;
	s23 =	sadd.s32 $0x203000, s22;
	[smem:$0x7E4] =	sst s21  }
0x29: {  	s11 =	sadd.s32 $0x1400, s15;
	s24 =	sadd.s32 $0x4000, s22;
	[smem:$0x7E5] =	sst s23  }
0x2a: {  	s12 =	sadd.s32 $0x3000, s15;
	s25 =	sadd.s32 $0x204000, s22;
	[smem:$0x7E6] =	sst s24  }
0x2b: {  	s3 =	sadd.s32 s14, s3;
	s14 =	sadd.s32 $0x5000, s22;
	[smem:$0x7E7] =	sst s25  }
0x2c: {  	s9 =	sadd.s32 $0x1000, s15;
	s15 =	sadd.s32 $0x205000, s22;
	[smem:$0x7E8] =	sst s14  }
0x2d: {  	[smem:$0x7E9] =	sst s15;
	s16 =	sadd.s32 $0x6000, s22  }
0x2e: {  	s17 =	sadd.s32 $0x206000, s22;
	[smem:$0x7EA] =	sst s16  }
0x2f: {  	s18 =	sadd.s32 $0x7000, s22;
	[smem:$0x7EB] =	sst s17  }
0x30: {  	s19 =	sadd.s32 $0x207000, s22;
	[smem:$0x7EC] =	sst s18  }
0x31: {  	s20 =	sadd.s32 $0x8000, s22;
	[smem:$0x7ED] =	sst s19  }
0x32: {  	s21 =	sadd.s32 $0x208000, s22;
	[smem:$0x7EE] =	sst s20  }
0x33: {  	s23 =	sadd.s32 $0x9000, s22;
	[smem:$0x7EF] =	sst s21  }
0x34: {  	s24 =	sadd.s32 $0x209000, s22;
	[smem:$0x7F0] =	sst s23  }
0x35: {  	s25 =	sadd.s32 $0xA000, s22;
	[smem:$0x7F1] =	sst s24  }
0x36: {  	s14 =	sadd.s32 $0x20A000, s22;
	[smem:$0x7F2] =	sst s25  }
0x37: {  	s15 =	sadd.s32 $0xB000, s22;
	[smem:$0x7F3] =	sst s14  }
0x38: {  	[smem:$0x7F4] =	sst s15;
	s16 =	sadd.s32 $0x20B000, s22  }
0x39: {  	s17 =	sadd.s32 $0xC000, s22;
	[smem:$0x7F5] =	sst s16  }
0x3a: {  	s18 =	sadd.s32 $0x20C000, s22;
	[smem:$0x7F6] =	sst s17  }
0x3b: {  	s19 =	sadd.s32 $0xD000, s22;
	[smem:$0x7F7] =	sst s18  }
0x3c: {  	s20 =	sadd.s32 $0x20D000, s22;
	[smem:$0x7F8] =	sst s19  }
.Ltmp0:
0x3d: {  	s21 =	sadd.s32 $0xE000, s22;
	[smem:$0x7F9] =	sst s20;
	(pc) =	sbr.rel .LBB2_1-.Ltmp0, $4  }
0x3e: {  	s13 =	smax.u32 s13, $0x1;
	s23 =	sadd.s32 $0x20E000, s22;
	[smem:$0x7FA] =	sst s21  }
0x3f: {  	s24 =	sadd.s32 $0xF000, s22;
	s25 =	sadd.s32 $0x20F000, s22;
	[smem:$0x7FB] =	sst s23  }
0x40: {  	s14 =	simm.s32 $0x200;
	s15 =	simm.s32 $0x2;
	[smem:$0x7FC] =	sst s24  }
0x41: {  	[smem:$0x7FD] =	sst s25;
	s16 =	simm.s32 $0x1;
	s17 =	simm.s32 $0x0  }
.LBB2_146:
0x42: {  	s18 =	sshll.u32 s20, $0x14;
	s7 =	sshll.u32 s7, $0x9  }
0x43: {  	s7 =	sadd.s32 s18, s7  }
0x44: {  	s25 =	sshll.u32 s0, $0x6;
	s7 =	sshrl.u32 s7, $0x3  }
0x45: {  	s18 =	sor.u32 $0x1C01, s25;
	s19 =	sadd.s32 s4, s7;
	s7 =	sadd.s32 s6, s7  }
0x46: {  	[hbm:s5], [sflag:s18] =	dma.local [hbm:s19], $0x1000  }
0x47: {  	[hbm:s3], [sflag:s18] =	dma.local [hbm:s7], $0x1000  }
.LBB2_129:
0x48: {  	_ =	swait.ge [sflag:s16], $0x1000  }
0x49: {  	[sflag:s16] =	ssyncset.done $0x0  }
0x4a: {  	[sflag:s16] =	ssyncadd.s32 $0xFFFFF000  }
0x4b: {  	_ =	swait.ge [sflag:s16], $0x1000  }
0x4c: {  	[sflag:s16] =	ssyncset.done $0x0  }
0x4d: {  	[sflag:s16] =	ssyncadd.s32 $0xFFFFF000  }
0x4e: {  	_ =	swait.ge [sflag:s16], $0x1000  }
0x4f: {  	[sflag:s16] =	ssyncset.done $0x0  }
0x50: {  	[sflag:s16] =	ssyncadd.s32 $0xFFFFF000  }
0x51: {  	_ =	swait.ge [sflag:s16], $0x1000  }
0x52: {  	[sflag:s16] =	ssyncset.done $0x0  }
0x53: {  	[sflag:s16] =	ssyncadd.s32 $0xFFFFF000  }
0x54: {  	_ =	swait.ge [sflag:s16], $0x1000  }
0x55: {  	[sflag:s16] =	ssyncset.done $0x0  }
0x56: {  	[sflag:s16] =	ssyncadd.s32 $0xFFFFF000  }
0x57: {  	_ =	swait.ge [sflag:s16], $0x1000  }
0x58: {  	[sflag:s16] =	ssyncset.done $0x0  }
0x59: {  	[sflag:s16] =	ssyncadd.s32 $0xFFFFF000  }
0x5a: {  	_ =	swait.ge [sflag:s16], $0x1000  }
0x5b: {  	[sflag:s16] =	ssyncset.done $0x0  }
0x5c: {  	[sflag:s16] =	ssyncadd.s32 $0xFFFFF000  }
0x5d: {  	_ =	swait.ge [sflag:s16], $0x1000  }
0x5e: {  	[sflag:s16] =	ssyncset.done $0x0  }
0x5f: {  	[sflag:s16] =	ssyncadd.s32 $0xFFFFF000  }
0x60: {  	_ =	swait.ge [sflag:s16], $0x1000  }
0x61: {  	[sflag:s16] =	ssyncset.done $0x0  }
0x62: {  	[sflag:s16] =	ssyncadd.s32 $0xFFFFF000  }
0x63: {  	_ =	swait.ge [sflag:s16], $0x1000  }
0x64: {  	[sflag:s16] =	ssyncset.done $0x0  }
0x65: {  	[sflag:s16] =	ssyncadd.s32 $0xFFFFF000  }
0x66: {  	_ =	swait.ge [sflag:s16], $0x1000  }
0x67: {  	[sflag:s16] =	ssyncset.done $0x0  }
0x68: {  	[sflag:s16] =	ssyncadd.s32 $0xFFFFF000  }
0x69: {  	_ =	swait.ge [sflag:s16], $0x1000  }
0x6a: {  	[sflag:s16] =	ssyncset.done $0x0  }
0x6b: {  	[sflag:s16] =	ssyncadd.s32 $0xFFFFF000  }
0x6c: {  	_ =	swait.ge [sflag:s16], $0x1000  }
0x6d: {  	[sflag:s16] =	ssyncset.done $0x0  }
0x6e: {  	[sflag:s16] =	ssyncadd.s32 $0xFFFFF000  }
0x6f: {  	_ =	swait.ge [sflag:s16], $0x1000  }
0x70: {  	[sflag:s16] =	ssyncset.done $0x0  }
0x71: {  	[sflag:s16] =	ssyncadd.s32 $0xFFFFF000  }
0x72: {  	_ =	swait.ge [sflag:s16], $0x1000  }
0x73: {  	[sflag:s16] =	ssyncset.done $0x0  }
0x74: {  	[sflag:s16] =	ssyncadd.s32 $0xFFFFF000  }
0x75: {  	_ =	swait.ge [sflag:s16], $0x1000  }
0x76: {  	[sflag:s16] =	ssyncset.done $0x0  }
0x77: {  	[sflag:s16] =	ssyncadd.s32 $0xFFFFF000  }
0x78: {  	_ =	swait.ge [sflag:s16], $0x1000  }
0x79: {  	[sflag:s16] =	ssyncset.done $0x0  }
0x7a: {  	[sflag:s16] =	ssyncadd.s32 $0xFFFFF000  }
0x7b: {  	_ =	swait.ge [sflag:s16], $0x1000  }
0x7c: {  	[sflag:s16] =	ssyncset.done $0x0  }
0x7d: {  	[sflag:s16] =	ssyncadd.s32 $0xFFFFF000  }
0x7e: {  	_ =	swait.ge [sflag:s16], $0x1000  }
0x7f: {  	[sflag:s16] =	ssyncset.done $0x0  }
0x80: {  	[sflag:s16] =	ssyncadd.s32 $0xFFFFF000  }
0x81: {  	_ =	swait.ge [sflag:s16], $0x1000  }
0x82: {  	[sflag:s16] =	ssyncset.done $0x0  }
0x83: {  	[sflag:s16] =	ssyncadd.s32 $0xFFFFF000  }
0x84: {  	_ =	swait.ge [sflag:s16], $0x1000  }
0x85: {  	[sflag:s16] =	ssyncset.done $0x0  }
0x86: {  	[sflag:s16] =	ssyncadd.s32 $0xFFFFF000  }
0x87: {  	_ =	swait.ge [sflag:s16], $0x1000  }
0x88: {  	[sflag:s16] =	ssyncset.done $0x0  }
0x89: {  	[sflag:s16] =	ssyncadd.s32 $0xFFFFF000  }
0x8a: {  	_ =	swait.ge [sflag:s16], $0x1000  }
0x8b: {  	[sflag:s16] =	ssyncset.done $0x0  }
0x8c: {  	[sflag:s16] =	ssyncadd.s32 $0xFFFFF000  }
0x8d: {  	_ =	swait.ge [sflag:s16], $0x1000  }
0x8e: {  	[sflag:s16] =	ssyncset.done $0x0  }
0x8f: {  	[sflag:s16] =	ssyncadd.s32 $0xFFFFF000  }
0x90: {  	_ =	swait.ge [sflag:s16], $0x1000  }
0x91: {  	[sflag:s16] =	ssyncset.done $0x0  }
0x92: {  	[sflag:s16] =	ssyncadd.s32 $0xFFFFF000  }
0x93: {  	_ =	swait.ge [sflag:s16], $0x1000  }
0x94: {  	[sflag:s16] =	ssyncset.done $0x0  }
0x95: {  	[sflag:s16] =	ssyncadd.s32 $0xFFFFF000  }
0x96: {  	_ =	swait.ge [sflag:s16], $0x1000  }
0x97: {  	[sflag:s16] =	ssyncset.done $0x0  }
0x98: {  	[sflag:s16] =	ssyncadd.s32 $0xFFFFF000  }
0x99: {  	_ =	swait.ge [sflag:s16], $0x1000  }
0x9a: {  	[sflag:s16] =	ssyncset.done $0x0  }
0x9b: {  	[sflag:s16] =	ssyncadd.s32 $0xFFFFF000  }
0x9c: {  	_ =	swait.ge [sflag:s16], $0x1000  }
0x9d: {  	[sflag:s16] =	ssyncset.done $0x0  }
0x9e: {  	[sflag:s16] =	ssyncadd.s32 $0xFFFFF000  }
0x9f: {  	_ =	swait.ge [sflag:s16], $0x1000  }
0xa0: {  	[sflag:s16] =	ssyncset.done $0x0  }
0xa1: {  	s17 =	sadd.s32 $0x1, s17;
	[sflag:s16] =	ssyncadd.s32 $0xFFFFF000  }
0xa2: {  	p0 =	sne.s32 s17, s13;
	_ =	swait.ge [sflag:s16], $0x1000  }
.Ltmp1:
0xa3: {  	[sflag:s16] =	ssyncset.done $0x0;
	(pc) =	sbr.rel @!p0 .LBB2_130-.Ltmp1, $4  }
0xa4: {  	[sflag:s16] =	ssyncadd.s32 $0xFFFFF000  }
0xa5: {  	_ =	swait.ge [sflag:s16], $0x1000  }
0xa6: {  	[sflag:s16] =	ssyncset.done $0x0  }
0xa7: {  	[sflag:s16] =	ssyncadd.s32 $0xFFFFF000  }
.LBB2_1:
0xa8: {  	[tilespmem:s14], [sflag:$0x2] =	stream.linear.gather [hbm4b:s8+s1], $0x8000, $0x38;
	[tilespmem:$0x8200] =	vst v63  }
0xa9: {  	_ =	swait.ge [sflag:s15], $0x8000  }
0xaa: {  	[sflag:s15] =	ssyncset.done $0x0  }
0xab: {  	[sflag:s15] =	ssyncadd.s32 $0xFFFF8000  }
0xac: {  	[tilespmem:s1], [sflag:$0x2] =	stream.linear.gather [hbm4b:s9+s1], $0x10, $0x38;
	[tilespmem:$0x8200] =	vst v63  }
0xad: {  	_ =	swait.ge [sflag:s15], $0x10  }
0xae: {  	[sflag:s15] =	ssyncset.done $0x0  }
0xaf: {  	s7 =	simm.s32 $0x80;
	[sflag:s15] =	ssyncadd.s32 $0xFFFFFFF0  }
0xb0: {  	[tilespmem:s7], [sflag:$0x2] =	stream.linear.gather [hbm4b:s10+s1], $0x10, $0x38;
	[tilespmem:$0x8200] =	vst v63  }
0xb1: {  	_ =	swait.ge [sflag:s15], $0x10  }
0xb2: {  	[sflag:s15] =	ssyncset.done $0x0  }
0xb3: {  	s24 =	simm.s32 $0x100;
	[sflag:s15] =	ssyncadd.s32 $0xFFFFFFF0  }
0xb4: {  	[tilespmem:s24], [sflag:$0x2] =	stream.linear.gather [hbm4b:s11+s1], $0x10, $0x38;
	[tilespmem:$0x8200] =	vst v63  }
0xb5: {  	_ =	swait.ge [sflag:s15], $0x10  }
0xb6: {  	[sflag:s15] =	ssyncset.done $0x0  }
0xb7: {  	s25 =	simm.s32 $0x180;
	[sflag:s15] =	ssyncadd.s32 $0xFFFFFFF0  }
0xb8: {  	[tilespmem:s25], [sflag:$0x2] =	stream.linear.gather [hbm4b:s12+s1], $0x10, $0x38;
	[tilespmem:$0x8200] =	vst v63  }
0xb9: {  	_ =	swait.ge [sflag:s15], $0x10  }
0xba: {  	[sflag:s15] =	ssyncset.done $0x0  }
0xbb: {  	[sflag:s15] =	ssyncadd.s32 $0xFFFFFFF0  }
0xbc: {  	v0 =	vld [tilespmem:$0x0]  }
0xbd: {  	v1 =	vld [tilespmem:$0x80]  }
0xbe: {  	v2 =	vld [tilespmem:$0x100]  }
0xbf: {  	v3 =	vld [tilespmem:$0x180];
	_ =	sdelay $0x1  }
0xc0: {  	(v2sf) =	vpush v0, $0x0  }
0xc1: {  	(v2sf) =	vpush v1, $0x0  }
0xc2: {  	(v2sf) =	vpush v2, $0x0  }
0xc3: {  	(v2sf) =	vpush v3, $0x0;
	_ =	sdelay $0xb  }
0xc4: {  	s20 =	spop (v2sf)  }
0xc5: {  	s7 =	spop (v2sf)  }
0xc6: {  	s18 =	spop (v2sf)  }
0xc7: {  	s19 =	spop (v2sf)  }
0xc8: {  	s21 =	ssub.s32 s19, s18  }
0xc9: {  	p0 =	seq.s32 s21, $0x40  }
.Ltmp2:
0xca: {  	_ = 	snop;
	(pc) =	sbr.rel @!p0 .LBB2_2-.Ltmp2, $1  }
0xcb: {  	_ =	sdelay $0x3  }
0xcc: {  	s18 =	sshll.u32 s20, $0x14;
	s7 =	sshll.u32 s7, $0x9  }
.Ltmp3:
0xcd: {  	s7 =	sadd.s32 s18, s7;
	(pc) =	sbr.rel .LBB2_9-.Ltmp3, $4  }
0xce: {  	s25 =	sshll.u32 s0, $0x6;
	s7 =	sshrl.u32 s7, $0x3  }
0xcf: {  	s18 =	sor.u32 $0x1C01, s25;
	s19 =	sadd.s32 s4, s7;
	s7 =	sadd.s32 s6, s7  }
0xd0: {  	[hbm:s31], [sflag:s18] =	dma.local [hbm:s19], $0x1000  }
0xd1: {  	[hbm:s2], [sflag:s18] =	dma.local [hbm:s7], $0x1000  }
.LBB2_2:
0xd2: {  	p0 =	seq.s32 s19, s18  }
.Ltmp4:
0xd3: {  	_ = 	snop;
	(pc) =	sbr.rel @!p0 .LBB2_4-.Ltmp4, $1  }
0xd4: {  	_ =	sdelay $0x3  }
.Ltmp5:
0xd5: {  	(pc) =	sbr.rel .LBB2_9-.Ltmp5, $4  }
0xd6: {  	_ = 	snop  }
0xd7: {  	[hbm4b:s31+s1] =	stream.linear.scatter [tilespmem:s14], [sflag:$0x1], $0x8000, $0x38;
	[tilespmem:$0x8200] =	vst v63  }
0xd8: {  	_ = 	snop  }
0xd9: {  	[hbm4b:s2+s1] =	stream.linear.scatter [tilespmem:s14], [sflag:$0x1], $0x8000, $0x38;
	[tilespmem:$0x8200] =	vst v63  }
.LBB2_4:
0xda: {  	p0 =	sgt.u32 s21, $0x3F  }
.Ltmp6:
0xdb: {  	_ = 	snop;
	(pc) =	sbr.rel @p0 .LBB2_9-.Ltmp6, $1  }
0xdc: {  	_ =	sdelay $0x3  }
0xdd: {  	s20 =	sshll.u32 s20, $0x14;
	s7 =	sshll.u32 s7, $0x9  }
0xde: {  	s23 =	sadd.s32 s7, s20  }
0xdf: {  	s21 =	simm.s32 $0x0;
	s7 =	smov.u32 s22;
	s20 =	smov.u32 s23  }
.LBB2_6:
0xe0: {  	p0 =	slt.s32 s21, s18  }
0xe1: {  	p1 =	sge.s32 @!p0 s21, s19  }
0xe2: {  	p0 =	por p0, p1  }
0xe3: {  	[hbm4b:s7+s1] =	stream.linear.scatter @p0 [tilespmem:s14], [sflag:$0x1], $0x200, $0x38;
	[tilespmem:$0x8200] =	vst v63  }
0xe4: {  	s24 =	sshrl.u32 @!p0 s20, $0x3;
	s25 =	sshll.u32 @!p0 s0, $0x6  }
0xe5: {  	s21 =	sadd.s32 $0x1, s21;
	s24 =	sadd.s32 @!p0 s4, s24;
	s25 =	sor.u32 @!p0 $0x1C01, s25  }
0xe6: {  	[hbm:s7], [sflag:s25] =	dma.local @!p0 [hbm:s24], $0x40  }
0xe7: {  	p0 =	sne.s32 s21, $0x40  }
.Ltmp7:
0xe8: {  	_ = 	snop;
	(pc) =	sbr.rel @p0 .LBB2_6-.Ltmp7, $2  }
0xe9: {  	_ =	sdelay $0x2  }
0xea: {  	s20 =	sadd.s32 $0x200, s20;
	s7 =	sadd.s32 $0x40, s7  }
0xeb: {  	s21 =	simm.s32 $0x0;
	s7 =	rddreg [dreg:$0x1d]  }
.LBB2_8:
0xec: {  	p0 =	slt.s32 s21, s18  }
0xed: {  	p1 =	sge.s32 @!p0 s21, s19  }
0xee: {  	p0 =	por p0, p1  }
0xef: {  	[hbm4b:s7+s1] =	stream.linear.scatter @p0 [tilespmem:s14], [sflag:$0x1], $0x200, $0x38;
	[tilespmem:$0x8200] =	vst v63  }
0xf0: {  	s20 =	sshrl.u32 @!p0 s23, $0x3;
	s24 =	sshll.u32 @!p0 s0, $0x6  }
0xf1: {  	s21 =	sadd.s32 $0x1, s21;
	s20 =	sadd.s32 @!p0 s6, s20;
	s24 =	sor.u32 @!p0 $0x1C01, s24  }
0xf2: {  	[hbm:s7], [sflag:s24] =	dma.local @!p0 [hbm:s20], $0x40  }
0xf3: {  	p0 =	sne.s32 s21, $0x40  }
.Ltmp8:
0xf4: {  	_ = 	snop;
	(pc) =	sbr.rel @p0 .LBB2_8-.Ltmp8, $2  }
0xf5: {  	_ =	sdelay $0x2  }
0xf6: {  	s23 =	sadd.s32 $0x200, s23;
	s7 =	sadd.s32 $0x40, s7  }
.LBB2_9:
0xf7: {  	(v2sf) =	vpush v0, $0x1  }
0xf8: {  	(v2sf) =	vpush v1, $0x1  }
0xf9: {  	(v2sf) =	vpush v2, $0x1  }
0xfa: {  	(v2sf) =	vpush v3, $0x1;
	_ =	sdelay $0xb  }
0xfb: {  	s20 =	spop (v2sf)  }
0xfc: {  	s7 =	spop (v2sf)  }
0xfd: {  	s18 =	spop (v2sf)  }
0xfe: {  	s19 =	spop (v2sf)  }
0xff: {  	s21 =	ssub.s32 s19, s18  }
0x100: {  	p0 =	seq.s32 s21, $0x40  }
.Ltmp9:
0x101: {  	_ = 	snop;
	(pc) =	sbr.rel @!p0 .LBB2_10-.Ltmp9, $1  }
0x102: {  	_ =	sdelay $0x3  }
0x103: {  	s18 =	sshll.u32 s20, $0x14;
	s7 =	sshll.u32 s7, $0x9  }
0x104: {  	s7 =	sadd.s32 s18, s7  }
.Ltmp10:
0x105: {  	s24 =	sshll.u32 s0, $0x6;
	s7 =	sshrl.u32 s7, $0x3;
	(pc) =	sbr.rel .LBB2_17-.Ltmp10, $4  }
0x106: {  	s25 =	rddreg [dreg:$0x5];
	s18 =	sor.u32 $0x1C01, s24;
	s19 =	sadd.s32 s4, s7  }
0x107: {  	[hbm:s25], [sflag:s18] =	dma.local [hbm:s19], $0x1000  }
0x108: {  	s7 =	sadd.s32 s6, s7;
	s19 =	rddreg [dreg:$0x6]  }
0x109: {  	[hbm:s19], [sflag:s18] =	dma.local [hbm:s7], $0x1000  }
.LBB2_10:
0x10a: {  	p0 =	seq.s32 s19, s18  }
.Ltmp11:
0x10b: {  	_ = 	snop;
	(pc) =	sbr.rel @!p0 .LBB2_12-.Ltmp11, $1  }
0x10c: {  	_ =	sdelay $0x3  }
.Ltmp12:
0x10d: {  	(pc) =	sbr.rel .LBB2_17-.Ltmp12, $4  }
0x10e: {  	s7 =	rddreg [dreg:$0x5]  }
0x10f: {  	[hbm4b:s7+s1] =	stream.linear.scatter [tilespmem:s14], [sflag:$0x1], $0x8000, $0x38;
	[tilespmem:$0x8200] =	vst v63  }
0x110: {  	s25 =	rddreg [dreg:$0x6]  }
0x111: {  	[hbm4b:s25+s1] =	stream.linear.scatter [tilespmem:s14], [sflag:$0x1], $0x8000, $0x38;
	[tilespmem:$0x8200] =	vst v63  }
.LBB2_12:
0x112: {  	p0 =	sgt.u32 s21, $0x3F  }
.Ltmp13:
0x113: {  	_ = 	snop;
	(pc) =	sbr.rel @p0 .LBB2_17-.Ltmp13, $1  }
0x114: {  	_ =	sdelay $0x3  }
0x115: {  	s20 =	sshll.u32 s20, $0x14;
	s7 =	sshll.u32 s7, $0x9  }
0x116: {  	s20 =	sadd.s32 s7, s20  }
0x117: {  	s21 =	simm.s32 $0x0;
	s7 =	rddreg [dreg:$0x1e];
	s23 =	smov.u32 s20  }
.LBB2_14:
0x118: {  	p0 =	slt.s32 s21, s18  }
0x119: {  	p1 =	sge.s32 @!p0 s21, s19  }
0x11a: {  	p0 =	por p0, p1  }
0x11b: {  	[hbm4b:s7+s1] =	stream.linear.scatter @p0 [tilespmem:s14], [sflag:$0x1], $0x200, $0x38;
	[tilespmem:$0x8200] =	vst v63  }
0x11c: {  	s24 =	sshrl.u32 @!p0 s23, $0x3;
	s25 =	sshll.u32 @!p0 s0, $0x6  }
0x11d: {  	s21 =	sadd.s32 $0x1, s21;
	s24 =	sadd.s32 @!p0 s4, s24;
	s25 =	sor.u32 @!p0 $0x1C01, s25  }
0x11e: {  	[hbm:s7], [sflag:s25] =	dma.local @!p0 [hbm:s24], $0x40  }
0x11f: {  	p0 =	sne.s32 s21, $0x40  }
.Ltmp14:
0x120: {  	_ = 	snop;
	(pc) =	sbr.rel @p0 .LBB2_14-.Ltmp14, $2  }
0x121: {  	_ =	sdelay $0x2  }
0x122: {  	s23 =	sadd.s32 $0x200, s23;
	s7 =	sadd.s32 $0x40, s7  }
0x123: {  	s21 =	simm.s32 $0x0;
	s7 =	rddreg [dreg:$0x1f]  }
.LBB2_16:
0x124: {  	p0 =	slt.s32 s21, s18  }
0x125: {  	p1 =	sge.s32 @!p0 s21, s19  }
0x126: {  	p0 =	por p0, p1  }
0x127: {  	[hbm4b:s7+s1] =	stream.linear.scatter @p0 [tilespmem:s14], [sflag:$0x1], $0x200, $0x38;
	[tilespmem:$0x8200] =	vst v63  }
0x128: {  	s23 =	sshrl.u32 @!p0 s20, $0x3;
	s24 =	sshll.u32 @!p0 s0, $0x6  }
0x129: {  	s21 =	sadd.s32 $0x1, s21;
	s23 =	sadd.s32 @!p0 s6, s23;
	s24 =	sor.u32 @!p0 $0x1C01, s24  }
0x12a: {  	[hbm:s7], [sflag:s24] =	dma.local @!p0 [hbm:s23], $0x40  }
0x12b: {  	p0 =	sne.s32 s21, $0x40  }
.Ltmp15:
0x12c: {  	_ = 	snop;
	(pc) =	sbr.rel @p0 .LBB2_16-.Ltmp15, $2  }
0x12d: {  	_ =	sdelay $0x2  }
0x12e: {  	s20 =	sadd.s32 $0x200, s20;
	s7 =	sadd.s32 $0x40, s7  }
.LBB2_17:
0x12f: {  	(v2sf) =	vpush v0, $0x2  }
0x130: {  	(v2sf) =	vpush v1, $0x2  }
0x131: {  	(v2sf) =	vpush v2, $0x2  }
0x132: {  	(v2sf) =	vpush v3, $0x2;
	_ =	sdelay $0xb  }
0x133: {  	s20 =	spop (v2sf)  }
0x134: {  	s7 =	spop (v2sf)  }
0x135: {  	s18 =	spop (v2sf)  }
0x136: {  	s19 =	spop (v2sf)  }
0x137: {  	s21 =	ssub.s32 s19, s18  }
0x138: {  	p0 =	seq.s32 s21, $0x40  }
.Ltmp16:
0x139: {  	_ = 	snop;
	(pc) =	sbr.rel @!p0 .LBB2_18-.Ltmp16, $1  }
0x13a: {  	_ =	sdelay $0x3  }
0x13b: {  	s18 =	sshll.u32 s20, $0x14;
	s7 =	sshll.u32 s7, $0x9  }
0x13c: {  	s7 =	sadd.s32 s18, s7  }
.Ltmp17:
0x13d: {  	s24 =	sshll.u32 s0, $0x6;
	s7 =	sshrl.u32 s7, $0x3;
	(pc) =	sbr.rel .LBB2_25-.Ltmp17, $4  }
0x13e: {  	s25 =	rddreg [dreg:$0x7];
	s18 =	sor.u32 $0x1C01, s24;
	s19 =	sadd.s32 s4, s7  }
0x13f: {  	[hbm:s25], [sflag:s18] =	dma.local [hbm:s19], $0x1000  }
0x140: {  	s7 =	sadd.s32 s6, s7;
	s19 =	rddreg [dreg:$0x8]  }
0x141: {  	[hbm:s19], [sflag:s18] =	dma.local [hbm:s7], $0x1000  }
.LBB2_18:
0x142: {  	p0 =	seq.s32 s19, s18  }
.Ltmp18:
0x143: {  	_ = 	snop;
	(pc) =	sbr.rel @!p0 .LBB2_20-.Ltmp18, $1  }
0x144: {  	_ =	sdelay $0x3  }
.Ltmp19:
0x145: {  	(pc) =	sbr.rel .LBB2_25-.Ltmp19, $4  }
0x146: {  	s7 =	rddreg [dreg:$0x7]  }
0x147: {  	[hbm4b:s7+s1] =	stream.linear.scatter [tilespmem:s14], [sflag:$0x1], $0x8000, $0x38;
	[tilespmem:$0x8200] =	vst v63  }
0x148: {  	s25 =	rddreg [dreg:$0x8]  }
0x149: {  	[hbm4b:s25+s1] =	stream.linear.scatter [tilespmem:s14], [sflag:$0x1], $0x8000, $0x38;
	[tilespmem:$0x8200] =	vst v63  }
.LBB2_20:
0x14a: {  	p0 =	sgt.u32 s21, $0x3F  }
.Ltmp20:
0x14b: {  	_ = 	snop;
	(pc) =	sbr.rel @p0 .LBB2_25-.Ltmp20, $1  }
0x14c: {  	_ =	sdelay $0x3  }
0x14d: {  	s20 =	sshll.u32 s20, $0x14;
	s7 =	sshll.u32 s7, $0x9  }
0x14e: {  	s20 =	sadd.s32 s7, s20  }
0x14f: {  	s21 =	simm.s32 $0x0;
	s7 =	sld [smem:$0x7E2];
	s23 =	smov.u32 s20  }
.LBB2_22:
0x150: {  	p0 =	slt.s32 s21, s18  }
0x151: {  	p1 =	sge.s32 @!p0 s21, s19  }
0x152: {  	p0 =	por p0, p1  }
0x153: {  	[hbm4b:s7+s1] =	stream.linear.scatter @p0 [tilespmem:s14], [sflag:$0x1], $0x200, $0x38;
	[tilespmem:$0x8200] =	vst v63  }
0x154: {  	s24 =	sshrl.u32 @!p0 s23, $0x3;
	s25 =	sshll.u32 @!p0 s0, $0x6  }
0x155: {  	s21 =	sadd.s32 $0x1, s21;
	s24 =	sadd.s32 @!p0 s4, s24;
	s25 =	sor.u32 @!p0 $0x1C01, s25  }
0x156: {  	[hbm:s7], [sflag:s25] =	dma.local @!p0 [hbm:s24], $0x40  }
0x157: {  	p0 =	sne.s32 s21, $0x40  }
.Ltmp21:
0x158: {  	_ = 	snop;
	(pc) =	sbr.rel @p0 .LBB2_22-.Ltmp21, $2  }
0x159: {  	_ =	sdelay $0x2  }
0x15a: {  	s23 =	sadd.s32 $0x200, s23;
	s7 =	sadd.s32 $0x40, s7  }
0x15b: {  	s21 =	simm.s32 $0x0;
	s7 =	sld [smem:$0x7E3]  }
.LBB2_24:
0x15c: {  	p0 =	slt.s32 s21, s18  }
0x15d: {  	p1 =	sge.s32 @!p0 s21, s19  }
0x15e: {  	p0 =	por p0, p1  }
0x15f: {  	[hbm4b:s7+s1] =	stream.linear.scatter @p0 [tilespmem:s14], [sflag:$0x1], $0x200, $0x38;
	[tilespmem:$0x8200] =	vst v63  }
0x160: {  	s23 =	sshrl.u32 @!p0 s20, $0x3;
	s24 =	sshll.u32 @!p0 s0, $0x6  }
0x161: {  	s21 =	sadd.s32 $0x1, s21;
	s23 =	sadd.s32 @!p0 s6, s23;
	s24 =	sor.u32 @!p0 $0x1C01, s24  }
0x162: {  	[hbm:s7], [sflag:s24] =	dma.local @!p0 [hbm:s23], $0x40  }
0x163: {  	p0 =	sne.s32 s21, $0x40  }
.Ltmp22:
0x164: {  	_ = 	snop;
	(pc) =	sbr.rel @p0 .LBB2_24-.Ltmp22, $2  }
0x165: {  	_ =	sdelay $0x2  }
0x166: {  	s20 =	sadd.s32 $0x200, s20;
	s7 =	sadd.s32 $0x40, s7  }
.LBB2_25:
0x167: {  	(v2sf) =	vpush v0, $0x3  }
0x168: {  	(v2sf) =	vpush v1, $0x3  }
0x169: {  	(v2sf) =	vpush v2, $0x3  }
0x16a: {  	(v2sf) =	vpush v3, $0x3;
	_ =	sdelay $0xb  }
0x16b: {  	s20 =	spop (v2sf)  }
0x16c: {  	s7 =	spop (v2sf)  }
0x16d: {  	s18 =	spop (v2sf)  }
0x16e: {  	s19 =	spop (v2sf)  }
0x16f: {  	s21 =	ssub.s32 s19, s18  }
0x170: {  	p0 =	seq.s32 s21, $0x40  }
.Ltmp23:
0x171: {  	_ = 	snop;
	(pc) =	sbr.rel @!p0 .LBB2_26-.Ltmp23, $1  }
0x172: {  	_ =	sdelay $0x3  }
0x173: {  	s18 =	sshll.u32 s20, $0x14;
	s7 =	sshll.u32 s7, $0x9  }
0x174: {  	s7 =	sadd.s32 s18, s7  }
.Ltmp24:
0x175: {  	s24 =	sshll.u32 s0, $0x6;
	s7 =	sshrl.u32 s7, $0x3;
	(pc) =	sbr.rel .LBB2_33-.Ltmp24, $4  }
0x176: {  	s25 =	rddreg [dreg:$0x9];
	s18 =	sor.u32 $0x1C01, s24;
	s19 =	sadd.s32 s4, s7  }
0x177: {  	[hbm:s25], [sflag:s18] =	dma.local [hbm:s19], $0x1000  }
0x178: {  	s7 =	sadd.s32 s6, s7;
	s19 =	rddreg [dreg:$0xa]  }
0x179: {  	[hbm:s19], [sflag:s18] =	dma.local [hbm:s7], $0x1000  }
.LBB2_26:
0x17a: {  	p0 =	seq.s32 s19, s18  }
.Ltmp25:
0x17b: {  	_ = 	snop;
	(pc) =	sbr.rel @!p0 .LBB2_28-.Ltmp25, $1  }
0x17c: {  	_ =	sdelay $0x3  }
.Ltmp26:
0x17d: {  	(pc) =	sbr.rel .LBB2_33-.Ltmp26, $4  }
0x17e: {  	s7 =	rddreg [dreg:$0x9]  }
0x17f: {  	[hbm4b:s7+s1] =	stream.linear.scatter [tilespmem:s14], [sflag:$0x1], $0x8000, $0x38;
	[tilespmem:$0x8200] =	vst v63  }
0x180: {  	s25 =	rddreg [dreg:$0xa]  }
0x181: {  	[hbm4b:s25+s1] =	stream.linear.scatter [tilespmem:s14], [sflag:$0x1], $0x8000, $0x38;
	[tilespmem:$0x8200] =	vst v63  }
.LBB2_28:
0x182: {  	p0 =	sgt.u32 s21, $0x3F  }
.Ltmp27:
0x183: {  	_ = 	snop;
	(pc) =	sbr.rel @p0 .LBB2_33-.Ltmp27, $1  }
0x184: {  	_ =	sdelay $0x3  }
0x185: {  	s20 =	sshll.u32 s20, $0x14;
	s7 =	sshll.u32 s7, $0x9  }
0x186: {  	s20 =	sadd.s32 s7, s20  }
0x187: {  	s21 =	simm.s32 $0x0;
	s7 =	sld [smem:$0x7E4];
	s23 =	smov.u32 s20  }
.LBB2_30:
0x188: {  	p0 =	slt.s32 s21, s18  }
0x189: {  	p1 =	sge.s32 @!p0 s21, s19  }
0x18a: {  	p0 =	por p0, p1  }
0x18b: {  	[hbm4b:s7+s1] =	stream.linear.scatter @p0 [tilespmem:s14], [sflag:$0x1], $0x200, $0x38;
	[tilespmem:$0x8200] =	vst v63  }
0x18c: {  	s24 =	sshrl.u32 @!p0 s23, $0x3;
	s25 =	sshll.u32 @!p0 s0, $0x6  }
0x18d: {  	s21 =	sadd.s32 $0x1, s21;
	s24 =	sadd.s32 @!p0 s4, s24;
	s25 =	sor.u32 @!p0 $0x1C01, s25  }
0x18e: {  	[hbm:s7], [sflag:s25] =	dma.local @!p0 [hbm:s24], $0x40  }
0x18f: {  	p0 =	sne.s32 s21, $0x40  }
.Ltmp28:
0x190: {  	_ = 	snop;
	(pc) =	sbr.rel @p0 .LBB2_30-.Ltmp28, $2  }
0x191: {  	_ =	sdelay $0x2  }
0x192: {  	s23 =	sadd.s32 $0x200, s23;
	s7 =	sadd.s32 $0x40, s7  }
0x193: {  	s21 =	simm.s32 $0x0;
	s7 =	sld [smem:$0x7E5]  }
.LBB2_32:
0x194: {  	p0 =	slt.s32 s21, s18  }
0x195: {  	p1 =	sge.s32 @!p0 s21, s19  }
0x196: {  	p0 =	por p0, p1  }
0x197: {  	[hbm4b:s7+s1] =	stream.linear.scatter @p0 [tilespmem:s14], [sflag:$0x1], $0x200, $0x38;
	[tilespmem:$0x8200] =	vst v63  }
0x198: {  	s23 =	sshrl.u32 @!p0 s20, $0x3;
	s24 =	sshll.u32 @!p0 s0, $0x6  }
0x199: {  	s21 =	sadd.s32 $0x1, s21;
	s23 =	sadd.s32 @!p0 s6, s23;
	s24 =	sor.u32 @!p0 $0x1C01, s24  }
0x19a: {  	[hbm:s7], [sflag:s24] =	dma.local @!p0 [hbm:s23], $0x40  }
0x19b: {  	p0 =	sne.s32 s21, $0x40  }
.Ltmp29:
0x19c: {  	_ = 	snop;
	(pc) =	sbr.rel @p0 .LBB2_32-.Ltmp29, $2  }
0x19d: {  	_ =	sdelay $0x2  }
0x19e: {  	s20 =	sadd.s32 $0x200, s20;
	s7 =	sadd.s32 $0x40, s7  }
.LBB2_33:
0x19f: {  	(v2sf) =	vpush v0, $0x4  }
0x1a0: {  	(v2sf) =	vpush v1, $0x4  }
0x1a1: {  	(v2sf) =	vpush v2, $0x4  }
0x1a2: {  	(v2sf) =	vpush v3, $0x4;
	_ =	sdelay $0xb  }
0x1a3: {  	s20 =	spop (v2sf)  }
0x1a4: {  	s7 =	spop (v2sf)  }
0x1a5: {  	s18 =	spop (v2sf)  }
0x1a6: {  	s19 =	spop (v2sf)  }
0x1a7: {  	s21 =	ssub.s32 s19, s18  }
0x1a8: {  	p0 =	seq.s32 s21, $0x40  }
.Ltmp30:
0x1a9: {  	_ = 	snop;
	(pc) =	sbr.rel @!p0 .LBB2_34-.Ltmp30, $1  }
0x1aa: {  	_ =	sdelay $0x3  }
0x1ab: {  	s18 =	sshll.u32 s20, $0x14;
	s7 =	sshll.u32 s7, $0x9  }
0x1ac: {  	s7 =	sadd.s32 s18, s7  }
.Ltmp31:
0x1ad: {  	s24 =	sshll.u32 s0, $0x6;
	s7 =	sshrl.u32 s7, $0x3;
	(pc) =	sbr.rel .LBB2_41-.Ltmp31, $4  }
0x1ae: {  	s25 =	rddreg [dreg:$0xb];
	s18 =	sor.u32 $0x1C01, s24;
	s19 =	sadd.s32 s4, s7  }
0x1af: {  	[hbm:s25], [sflag:s18] =	dma.local [hbm:s19], $0x1000  }
0x1b0: {  	s7 =	sadd.s32 s6, s7;
	s19 =	rddreg [dreg:$0xc]  }
0x1b1: {  	[hbm:s19], [sflag:s18] =	dma.local [hbm:s7], $0x1000  }
.LBB2_34:
0x1b2: {  	p0 =	seq.s32 s19, s18  }
.Ltmp32:
0x1b3: {  	_ = 	snop;
	(pc) =	sbr.rel @!p0 .LBB2_36-.Ltmp32, $1  }
0x1b4: {  	_ =	sdelay $0x3  }
.Ltmp33:
0x1b5: {  	(pc) =	sbr.rel .LBB2_41-.Ltmp33, $4  }
0x1b6: {  	s7 =	rddreg [dreg:$0xb]  }
0x1b7: {  	[hbm4b:s7+s1] =	stream.linear.scatter [tilespmem:s14], [sflag:$0x1], $0x8000, $0x38;
	[tilespmem:$0x8200] =	vst v63  }
0x1b8: {  	s25 =	rddreg [dreg:$0xc]  }
0x1b9: {  	[hbm4b:s25+s1] =	stream.linear.scatter [tilespmem:s14], [sflag:$0x1], $0x8000, $0x38;
	[tilespmem:$0x8200] =	vst v63  }
.LBB2_36:
0x1ba: {  	p0 =	sgt.u32 s21, $0x3F  }
.Ltmp34:
0x1bb: {  	_ = 	snop;
	(pc) =	sbr.rel @p0 .LBB2_41-.Ltmp34, $1  }
0x1bc: {  	_ =	sdelay $0x3  }
0x1bd: {  	s20 =	sshll.u32 s20, $0x14;
	s7 =	sshll.u32 s7, $0x9  }
0x1be: {  	s20 =	sadd.s32 s7, s20  }
0x1bf: {  	s21 =	simm.s32 $0x0;
	s7 =	sld [smem:$0x7E6];
	s23 =	smov.u32 s20  }
.LBB2_38:
0x1c0: {  	p0 =	slt.s32 s21, s18  }
0x1c1: {  	p1 =	sge.s32 @!p0 s21, s19  }
0x1c2: {  	p0 =	por p0, p1  }
0x1c3: {  	[hbm4b:s7+s1] =	stream.linear.scatter @p0 [tilespmem:s14], [sflag:$0x1], $0x200, $0x38;
	[tilespmem:$0x8200] =	vst v63  }
0x1c4: {  	s24 =	sshrl.u32 @!p0 s23, $0x3;
	s25 =	sshll.u32 @!p0 s0, $0x6  }
0x1c5: {  	s21 =	sadd.s32 $0x1, s21;
	s24 =	sadd.s32 @!p0 s4, s24;
	s25 =	sor.u32 @!p0 $0x1C01, s25  }
0x1c6: {  	[hbm:s7], [sflag:s25] =	dma.local @!p0 [hbm:s24], $0x40  }
0x1c7: {  	p0 =	sne.s32 s21, $0x40  }
.Ltmp35:
0x1c8: {  	_ = 	snop;
	(pc) =	sbr.rel @p0 .LBB2_38-.Ltmp35, $2  }
0x1c9: {  	_ =	sdelay $0x2  }
0x1ca: {  	s23 =	sadd.s32 $0x200, s23;
	s7 =	sadd.s32 $0x40, s7  }
0x1cb: {  	s21 =	simm.s32 $0x0;
	s7 =	sld [smem:$0x7E7]  }
.LBB2_40:
0x1cc: {  	p0 =	slt.s32 s21, s18  }
0x1cd: {  	p1 =	sge.s32 @!p0 s21, s19  }
0x1ce: {  	p0 =	por p0, p1  }
0x1cf: {  	[hbm4b:s7+s1] =	stream.linear.scatter @p0 [tilespmem:s14], [sflag:$0x1], $0x200, $0x38;
	[tilespmem:$0x8200] =	vst v63  }
0x1d0: {  	s23 =	sshrl.u32 @!p0 s20, $0x3;
	s24 =	sshll.u32 @!p0 s0, $0x6  }
0x1d1: {  	s21 =	sadd.s32 $0x1, s21;
	s23 =	sadd.s32 @!p0 s6, s23;
	s24 =	sor.u32 @!p0 $0x1C01, s24  }
0x1d2: {  	[hbm:s7], [sflag:s24] =	dma.local @!p0 [hbm:s23], $0x40  }
0x1d3: {  	p0 =	sne.s32 s21, $0x40  }
.Ltmp36:
0x1d4: {  	_ = 	snop;
	(pc) =	sbr.rel @p0 .LBB2_40-.Ltmp36, $2  }
0x1d5: {  	_ =	sdelay $0x2  }
0x1d6: {  	s20 =	sadd.s32 $0x200, s20;
	s7 =	sadd.s32 $0x40, s7  }
.LBB2_41:
0x1d7: {  	(v2sf) =	vpush v0, $0x5  }
0x1d8: {  	(v2sf) =	vpush v1, $0x5  }
0x1d9: {  	(v2sf) =	vpush v2, $0x5  }
0x1da: {  	(v2sf) =	vpush v3, $0x5;
	_ =	sdelay $0xb  }
0x1db: {  	s20 =	spop (v2sf)  }
0x1dc: {  	s7 =	spop (v2sf)  }
0x1dd: {  	s18 =	spop (v2sf)  }
0x1de: {  	s19 =	spop (v2sf)  }
0x1df: {  	s21 =	ssub.s32 s19, s18  }
0x1e0: {  	p0 =	seq.s32 s21, $0x40  }
.Ltmp37:
0x1e1: {  	_ = 	snop;
	(pc) =	sbr.rel @!p0 .LBB2_42-.Ltmp37, $1  }
0x1e2: {  	_ =	sdelay $0x3  }
0x1e3: {  	s18 =	sshll.u32 s20, $0x14;
	s7 =	sshll.u32 s7, $0x9  }
0x1e4: {  	s7 =	sadd.s32 s18, s7  }
.Ltmp38:
0x1e5: {  	s24 =	sshll.u32 s0, $0x6;
	s7 =	sshrl.u32 s7, $0x3;
	(pc) =	sbr.rel .LBB2_49-.Ltmp38, $4  }
0x1e6: {  	s25 =	rddreg [dreg:$0xd];
	s18 =	sor.u32 $0x1C01, s24;
	s19 =	sadd.s32 s4, s7  }
0x1e7: {  	[hbm:s25], [sflag:s18] =	dma.local [hbm:s19], $0x1000  }
0x1e8: {  	s7 =	sadd.s32 s6, s7;
	s19 =	rddreg [dreg:$0xe]  }
0x1e9: {  	[hbm:s19], [sflag:s18] =	dma.local [hbm:s7], $0x1000  }
.LBB2_42:
0x1ea: {  	p0 =	seq.s32 s19, s18  }
.Ltmp39:
0x1eb: {  	_ = 	snop;
	(pc) =	sbr.rel @!p0 .LBB2_44-.Ltmp39, $1  }
0x1ec: {  	_ =	sdelay $0x3  }
.Ltmp40:
0x1ed: {  	(pc) =	sbr.rel .LBB2_49-.Ltmp40, $4  }
0x1ee: {  	s7 =	rddreg [dreg:$0xd]  }
0x1ef: {  	[hbm4b:s7+s1] =	stream.linear.scatter [tilespmem:s14], [sflag:$0x1], $0x8000, $0x38;
	[tilespmem:$0x8200] =	vst v63  }
0x1f0: {  	s25 =	rddreg [dreg:$0xe]  }
0x1f1: {  	[hbm4b:s25+s1] =	stream.linear.scatter [tilespmem:s14], [sflag:$0x1], $0x8000, $0x38;
	[tilespmem:$0x8200] =	vst v63  }
.LBB2_44:
0x1f2: {  	p0 =	sgt.u32 s21, $0x3F  }
.Ltmp41:
0x1f3: {  	_ = 	snop;
	(pc) =	sbr.rel @p0 .LBB2_49-.Ltmp41, $1  }
0x1f4: {  	_ =	sdelay $0x3  }
0x1f5: {  	s20 =	sshll.u32 s20, $0x14;
	s7 =	sshll.u32 s7, $0x9  }
0x1f6: {  	s20 =	sadd.s32 s7, s20  }
0x1f7: {  	s21 =	simm.s32 $0x0;
	s7 =	sld [smem:$0x7E8];
	s23 =	smov.u32 s20  }
.LBB2_46:
0x1f8: {  	p0 =	slt.s32 s21, s18  }
0x1f9: {  	p1 =	sge.s32 @!p0 s21, s19  }
0x1fa: {  	p0 =	por p0, p1  }
0x1fb: {  	[hbm4b:s7+s1] =	stream.linear.scatter @p0 [tilespmem:s14], [sflag:$0x1], $0x200, $0x38;
	[tilespmem:$0x8200] =	vst v63  }
0x1fc: {  	s24 =	sshrl.u32 @!p0 s23, $0x3;
	s25 =	sshll.u32 @!p0 s0, $0x6  }
0x1fd: {  	s21 =	sadd.s32 $0x1, s21;
	s24 =	sadd.s32 @!p0 s4, s24;
	s25 =	sor.u32 @!p0 $0x1C01, s25  }
0x1fe: {  	[hbm:s7], [sflag:s25] =	dma.local @!p0 [hbm:s24], $0x40  }
0x1ff: {  	p0 =	sne.s32 s21, $0x40  }
.Ltmp42:
0x200: {  	_ = 	snop;
	(pc) =	sbr.rel @p0 .LBB2_46-.Ltmp42, $2  }
0x201: {  	_ =	sdelay $0x2  }
0x202: {  	s23 =	sadd.s32 $0x200, s23;
	s7 =	sadd.s32 $0x40, s7  }
0x203: {  	s21 =	simm.s32 $0x0;
	s7 =	sld [smem:$0x7E9]  }
.LBB2_48:
0x204: {  	p0 =	slt.s32 s21, s18  }
0x205: {  	p1 =	sge.s32 @!p0 s21, s19  }
0x206: {  	p0 =	por p0, p1  }
0x207: {  	[hbm4b:s7+s1] =	stream.linear.scatter @p0 [tilespmem:s14], [sflag:$0x1], $0x200, $0x38;
	[tilespmem:$0x8200] =	vst v63  }
0x208: {  	s23 =	sshrl.u32 @!p0 s20, $0x3;
	s24 =	sshll.u32 @!p0 s0, $0x6  }
0x209: {  	s21 =	sadd.s32 $0x1, s21;
	s23 =	sadd.s32 @!p0 s6, s23;
	s24 =	sor.u32 @!p0 $0x1C01, s24  }
0x20a: {  	[hbm:s7], [sflag:s24] =	dma.local @!p0 [hbm:s23], $0x40  }
0x20b: {  	p0 =	sne.s32 s21, $0x40  }
.Ltmp43:
0x20c: {  	_ = 	snop;
	(pc) =	sbr.rel @p0 .LBB2_48-.Ltmp43, $2  }
0x20d: {  	_ =	sdelay $0x2  }
0x20e: {  	s20 =	sadd.s32 $0x200, s20;
	s7 =	sadd.s32 $0x40, s7  }
.LBB2_49:
0x20f: {  	(v2sf) =	vpush v0, $0x6  }
0x210: {  	(v2sf) =	vpush v1, $0x6  }
0x211: {  	(v2sf) =	vpush v2, $0x6  }
0x212: {  	(v2sf) =	vpush v3, $0x6;
	_ =	sdelay $0xb  }
0x213: {  	s20 =	spop (v2sf)  }
0x214: {  	s7 =	spop (v2sf)  }
0x215: {  	s18 =	spop (v2sf)  }
0x216: {  	s19 =	spop (v2sf)  }
0x217: {  	s21 =	ssub.s32 s19, s18  }
0x218: {  	p0 =	seq.s32 s21, $0x40  }
.Ltmp44:
0x219: {  	_ = 	snop;
	(pc) =	sbr.rel @!p0 .LBB2_50-.Ltmp44, $1  }
0x21a: {  	_ =	sdelay $0x3  }
0x21b: {  	s18 =	sshll.u32 s20, $0x14;
	s7 =	sshll.u32 s7, $0x9  }
0x21c: {  	s7 =	sadd.s32 s18, s7  }
.Ltmp45:
0x21d: {  	s24 =	sshll.u32 s0, $0x6;
	s7 =	sshrl.u32 s7, $0x3;
	(pc) =	sbr.rel .LBB2_57-.Ltmp45, $4  }
0x21e: {  	s25 =	rddreg [dreg:$0xf];
	s18 =	sor.u32 $0x1C01, s24;
	s19 =	sadd.s32 s4, s7  }
0x21f: {  	[hbm:s25], [sflag:s18] =	dma.local [hbm:s19], $0x1000  }
0x220: {  	s7 =	sadd.s32 s6, s7;
	s19 =	rddreg [dreg:$0x10]  }
0x221: {  	[hbm:s19], [sflag:s18] =	dma.local [hbm:s7], $0x1000  }
.LBB2_50:
0x222: {  	p0 =	seq.s32 s19, s18  }
.Ltmp46:
0x223: {  	_ = 	snop;
	(pc) =	sbr.rel @!p0 .LBB2_52-.Ltmp46, $1  }
0x224: {  	_ =	sdelay $0x3  }
.Ltmp47:
0x225: {  	(pc) =	sbr.rel .LBB2_57-.Ltmp47, $4  }
0x226: {  	s7 =	rddreg [dreg:$0xf]  }
0x227: {  	[hbm4b:s7+s1] =	stream.linear.scatter [tilespmem:s14], [sflag:$0x1], $0x8000, $0x38;
	[tilespmem:$0x8200] =	vst v63  }
0x228: {  	s25 =	rddreg [dreg:$0x10]  }
0x229: {  	[hbm4b:s25+s1] =	stream.linear.scatter [tilespmem:s14], [sflag:$0x1], $0x8000, $0x38;
	[tilespmem:$0x8200] =	vst v63  }
.LBB2_52:
0x22a: {  	p0 =	sgt.u32 s21, $0x3F  }
.Ltmp48:
0x22b: {  	_ = 	snop;
	(pc) =	sbr.rel @p0 .LBB2_57-.Ltmp48, $1  }
0x22c: {  	_ =	sdelay $0x3  }
0x22d: {  	s20 =	sshll.u32 s20, $0x14;
	s7 =	sshll.u32 s7, $0x9  }
0x22e: {  	s20 =	sadd.s32 s7, s20  }
0x22f: {  	s21 =	simm.s32 $0x0;
	s7 =	sld [smem:$0x7EA];
	s23 =	smov.u32 s20  }
.LBB2_54:
0x230: {  	p0 =	slt.s32 s21, s18  }
0x231: {  	p1 =	sge.s32 @!p0 s21, s19  }
0x232: {  	p0 =	por p0, p1  }
0x233: {  	[hbm4b:s7+s1] =	stream.linear.scatter @p0 [tilespmem:s14], [sflag:$0x1], $0x200, $0x38;
	[tilespmem:$0x8200] =	vst v63  }
0x234: {  	s24 =	sshrl.u32 @!p0 s23, $0x3;
	s25 =	sshll.u32 @!p0 s0, $0x6  }
0x235: {  	s21 =	sadd.s32 $0x1, s21;
	s24 =	sadd.s32 @!p0 s4, s24;
	s25 =	sor.u32 @!p0 $0x1C01, s25  }
0x236: {  	[hbm:s7], [sflag:s25] =	dma.local @!p0 [hbm:s24], $0x40  }
0x237: {  	p0 =	sne.s32 s21, $0x40  }
.Ltmp49:
0x238: {  	_ = 	snop;
	(pc) =	sbr.rel @p0 .LBB2_54-.Ltmp49, $2  }
0x239: {  	_ =	sdelay $0x2  }
0x23a: {  	s23 =	sadd.s32 $0x200, s23;
	s7 =	sadd.s32 $0x40, s7  }
0x23b: {  	s21 =	simm.s32 $0x0;
	s7 =	sld [smem:$0x7EB]  }
.LBB2_56:
0x23c: {  	p0 =	slt.s32 s21, s18  }
0x23d: {  	p1 =	sge.s32 @!p0 s21, s19  }
0x23e: {  	p0 =	por p0, p1  }
0x23f: {  	[hbm4b:s7+s1] =	stream.linear.scatter @p0 [tilespmem:s14], [sflag:$0x1], $0x200, $0x38;
	[tilespmem:$0x8200] =	vst v63  }
0x240: {  	s23 =	sshrl.u32 @!p0 s20, $0x3;
	s24 =	sshll.u32 @!p0 s0, $0x6  }
0x241: {  	s21 =	sadd.s32 $0x1, s21;
	s23 =	sadd.s32 @!p0 s6, s23;
	s24 =	sor.u32 @!p0 $0x1C01, s24  }
0x242: {  	[hbm:s7], [sflag:s24] =	dma.local @!p0 [hbm:s23], $0x40  }
0x243: {  	p0 =	sne.s32 s21, $0x40  }
.Ltmp50:
0x244: {  	_ = 	snop;
	(pc) =	sbr.rel @p0 .LBB2_56-.Ltmp50, $2  }
0x245: {  	_ =	sdelay $0x2  }
0x246: {  	s20 =	sadd.s32 $0x200, s20;
	s7 =	sadd.s32 $0x40, s7  }
.LBB2_57:
0x247: {  	(v2sf) =	vpush v0, $0x7  }
0x248: {  	(v2sf) =	vpush v1, $0x7  }
0x249: {  	(v2sf) =	vpush v2, $0x7  }
0x24a: {  	(v2sf) =	vpush v3, $0x7;
	_ =	sdelay $0xb  }
0x24b: {  	s20 =	spop (v2sf)  }
0x24c: {  	s7 =	spop (v2sf)  }
0x24d: {  	s18 =	spop (v2sf)  }
0x24e: {  	s19 =	spop (v2sf)  }
0x24f: {  	s21 =	ssub.s32 s19, s18  }
0x250: {  	p0 =	seq.s32 s21, $0x40  }
.Ltmp51:
0x251: {  	_ = 	snop;
	(pc) =	sbr.rel @!p0 .LBB2_58-.Ltmp51, $1  }
0x252: {  	_ =	sdelay $0x3  }
0x253: {  	s18 =	sshll.u32 s20, $0x14;
	s7 =	sshll.u32 s7, $0x9  }
0x254: {  	s7 =	sadd.s32 s18, s7  }
.Ltmp52:
0x255: {  	s24 =	sshll.u32 s0, $0x6;
	s7 =	sshrl.u32 s7, $0x3;
	(pc) =	sbr.rel .LBB2_65-.Ltmp52, $4  }
0x256: {  	s25 =	rddreg [dreg:$0x11];
	s18 =	sor.u32 $0x1C01, s24;
	s19 =	sadd.s32 s4, s7  }
0x257: {  	[hbm:s25], [sflag:s18] =	dma.local [hbm:s19], $0x1000  }
0x258: {  	s7 =	sadd.s32 s6, s7;
	s19 =	rddreg [dreg:$0x12]  }
0x259: {  	[hbm:s19], [sflag:s18] =	dma.local [hbm:s7], $0x1000  }
.LBB2_58:
0x25a: {  	p0 =	seq.s32 s19, s18  }
.Ltmp53:
0x25b: {  	_ = 	snop;
	(pc) =	sbr.rel @!p0 .LBB2_60-.Ltmp53, $1  }
0x25c: {  	_ =	sdelay $0x3  }
.Ltmp54:
0x25d: {  	(pc) =	sbr.rel .LBB2_65-.Ltmp54, $4  }
0x25e: {  	s7 =	rddreg [dreg:$0x11]  }
0x25f: {  	[hbm4b:s7+s1] =	stream.linear.scatter [tilespmem:s14], [sflag:$0x1], $0x8000, $0x38;
	[tilespmem:$0x8200] =	vst v63  }
0x260: {  	s25 =	rddreg [dreg:$0x12]  }
0x261: {  	[hbm4b:s25+s1] =	stream.linear.scatter [tilespmem:s14], [sflag:$0x1], $0x8000, $0x38;
	[tilespmem:$0x8200] =	vst v63  }
.LBB2_60:
0x262: {  	p0 =	sgt.u32 s21, $0x3F  }
.Ltmp55:
0x263: {  	_ = 	snop;
	(pc) =	sbr.rel @p0 .LBB2_65-.Ltmp55, $1  }
0x264: {  	_ =	sdelay $0x3  }
0x265: {  	s20 =	sshll.u32 s20, $0x14;
	s7 =	sshll.u32 s7, $0x9  }
0x266: {  	s20 =	sadd.s32 s7, s20  }
0x267: {  	s21 =	simm.s32 $0x0;
	s7 =	sld [smem:$0x7EC];
	s23 =	smov.u32 s20  }
.LBB2_62:
0x268: {  	p0 =	slt.s32 s21, s18  }
0x269: {  	p1 =	sge.s32 @!p0 s21, s19  }
0x26a: {  	p0 =	por p0, p1  }
0x26b: {  	[hbm4b:s7+s1] =	stream.linear.scatter @p0 [tilespmem:s14], [sflag:$0x1], $0x200, $0x38;
	[tilespmem:$0x8200] =	vst v63  }
0x26c: {  	s24 =	sshrl.u32 @!p0 s23, $0x3;
	s25 =	sshll.u32 @!p0 s0, $0x6  }
0x26d: {  	s21 =	sadd.s32 $0x1, s21;
	s24 =	sadd.s32 @!p0 s4, s24;
	s25 =	sor.u32 @!p0 $0x1C01, s25  }
0x26e: {  	[hbm:s7], [sflag:s25] =	dma.local @!p0 [hbm:s24], $0x40  }
0x26f: {  	p0 =	sne.s32 s21, $0x40  }
.Ltmp56:
0x270: {  	_ = 	snop;
	(pc) =	sbr.rel @p0 .LBB2_62-.Ltmp56, $2  }
0x271: {  	_ =	sdelay $0x2  }
0x272: {  	s23 =	sadd.s32 $0x200, s23;
	s7 =	sadd.s32 $0x40, s7  }
0x273: {  	s21 =	simm.s32 $0x0;
	s7 =	sld [smem:$0x7ED]  }
.LBB2_64:
0x274: {  	p0 =	slt.s32 s21, s18  }
0x275: {  	p1 =	sge.s32 @!p0 s21, s19  }
0x276: {  	p0 =	por p0, p1  }
0x277: {  	[hbm4b:s7+s1] =	stream.linear.scatter @p0 [tilespmem:s14], [sflag:$0x1], $0x200, $0x38;
	[tilespmem:$0x8200] =	vst v63  }
0x278: {  	s23 =	sshrl.u32 @!p0 s20, $0x3;
	s24 =	sshll.u32 @!p0 s0, $0x6  }
0x279: {  	s21 =	sadd.s32 $0x1, s21;
	s23 =	sadd.s32 @!p0 s6, s23;
	s24 =	sor.u32 @!p0 $0x1C01, s24  }
0x27a: {  	[hbm:s7], [sflag:s24] =	dma.local @!p0 [hbm:s23], $0x40  }
0x27b: {  	p0 =	sne.s32 s21, $0x40  }
.Ltmp57:
0x27c: {  	_ = 	snop;
	(pc) =	sbr.rel @p0 .LBB2_64-.Ltmp57, $2  }
0x27d: {  	_ =	sdelay $0x2  }
0x27e: {  	s20 =	sadd.s32 $0x200, s20;
	s7 =	sadd.s32 $0x40, s7  }
.LBB2_65:
0x27f: {  	(v2sf) =	vpush v0, $0x8  }
0x280: {  	(v2sf) =	vpush v1, $0x8  }
0x281: {  	(v2sf) =	vpush v2, $0x8  }
0x282: {  	(v2sf) =	vpush v3, $0x8;
	_ =	sdelay $0xb  }
0x283: {  	s20 =	spop (v2sf)  }
0x284: {  	s7 =	spop (v2sf)  }
0x285: {  	s18 =	spop (v2sf)  }
0x286: {  	s19 =	spop (v2sf)  }
0x287: {  	s21 =	ssub.s32 s19, s18  }
0x288: {  	p0 =	seq.s32 s21, $0x40  }
.Ltmp58:
0x289: {  	_ = 	snop;
	(pc) =	sbr.rel @!p0 .LBB2_66-.Ltmp58, $1  }
0x28a: {  	_ =	sdelay $0x3  }
0x28b: {  	s18 =	sshll.u32 s20, $0x14;
	s7 =	sshll.u32 s7, $0x9  }
0x28c: {  	s7 =	sadd.s32 s18, s7  }
.Ltmp59:
0x28d: {  	s24 =	sshll.u32 s0, $0x6;
	s7 =	sshrl.u32 s7, $0x3;
	(pc) =	sbr.rel .LBB2_73-.Ltmp59, $4  }
0x28e: {  	s25 =	rddreg [dreg:$0x13];
	s18 =	sor.u32 $0x1C01, s24;
	s19 =	sadd.s32 s4, s7  }
0x28f: {  	[hbm:s25], [sflag:s18] =	dma.local [hbm:s19], $0x1000  }
0x290: {  	s7 =	sadd.s32 s6, s7;
	s19 =	rddreg [dreg:$0x14]  }
0x291: {  	[hbm:s19], [sflag:s18] =	dma.local [hbm:s7], $0x1000  }
.LBB2_66:
0x292: {  	p0 =	seq.s32 s19, s18  }
.Ltmp60:
0x293: {  	_ = 	snop;
	(pc) =	sbr.rel @!p0 .LBB2_68-.Ltmp60, $1  }
0x294: {  	_ =	sdelay $0x3  }
.Ltmp61:
0x295: {  	(pc) =	sbr.rel .LBB2_73-.Ltmp61, $4  }
0x296: {  	s7 =	rddreg [dreg:$0x13]  }
0x297: {  	[hbm4b:s7+s1] =	stream.linear.scatter [tilespmem:s14], [sflag:$0x1], $0x8000, $0x38;
	[tilespmem:$0x8200] =	vst v63  }
0x298: {  	s25 =	rddreg [dreg:$0x14]  }
0x299: {  	[hbm4b:s25+s1] =	stream.linear.scatter [tilespmem:s14], [sflag:$0x1], $0x8000, $0x38;
	[tilespmem:$0x8200] =	vst v63  }
.LBB2_68:
0x29a: {  	p0 =	sgt.u32 s21, $0x3F  }
.Ltmp62:
0x29b: {  	_ = 	snop;
	(pc) =	sbr.rel @p0 .LBB2_73-.Ltmp62, $1  }
0x29c: {  	_ =	sdelay $0x3  }
0x29d: {  	s20 =	sshll.u32 s20, $0x14;
	s7 =	sshll.u32 s7, $0x9  }
0x29e: {  	s20 =	sadd.s32 s7, s20  }
0x29f: {  	s21 =	simm.s32 $0x0;
	s7 =	sld [smem:$0x7EE];
	s23 =	smov.u32 s20  }
.LBB2_70:
0x2a0: {  	p0 =	slt.s32 s21, s18  }
0x2a1: {  	p1 =	sge.s32 @!p0 s21, s19  }
0x2a2: {  	p0 =	por p0, p1  }
0x2a3: {  	[hbm4b:s7+s1] =	stream.linear.scatter @p0 [tilespmem:s14], [sflag:$0x1], $0x200, $0x38;
	[tilespmem:$0x8200] =	vst v63  }
0x2a4: {  	s24 =	sshrl.u32 @!p0 s23, $0x3;
	s25 =	sshll.u32 @!p0 s0, $0x6  }
0x2a5: {  	s21 =	sadd.s32 $0x1, s21;
	s24 =	sadd.s32 @!p0 s4, s24;
	s25 =	sor.u32 @!p0 $0x1C01, s25  }
0x2a6: {  	[hbm:s7], [sflag:s25] =	dma.local @!p0 [hbm:s24], $0x40  }
0x2a7: {  	p0 =	sne.s32 s21, $0x40  }
.Ltmp63:
0x2a8: {  	_ = 	snop;
	(pc) =	sbr.rel @p0 .LBB2_70-.Ltmp63, $2  }
0x2a9: {  	_ =	sdelay $0x2  }
0x2aa: {  	s23 =	sadd.s32 $0x200, s23;
	s7 =	sadd.s32 $0x40, s7  }
0x2ab: {  	s21 =	simm.s32 $0x0;
	s7 =	sld [smem:$0x7EF]  }
.LBB2_72:
0x2ac: {  	p0 =	slt.s32 s21, s18  }
0x2ad: {  	p1 =	sge.s32 @!p0 s21, s19  }
0x2ae: {  	p0 =	por p0, p1  }
0x2af: {  	[hbm4b:s7+s1] =	stream.linear.scatter @p0 [tilespmem:s14], [sflag:$0x1], $0x200, $0x38;
	[tilespmem:$0x8200] =	vst v63  }
0x2b0: {  	s23 =	sshrl.u32 @!p0 s20, $0x3;
	s24 =	sshll.u32 @!p0 s0, $0x6  }
0x2b1: {  	s21 =	sadd.s32 $0x1, s21;
	s23 =	sadd.s32 @!p0 s6, s23;
	s24 =	sor.u32 @!p0 $0x1C01, s24  }
0x2b2: {  	[hbm:s7], [sflag:s24] =	dma.local @!p0 [hbm:s23], $0x40  }
0x2b3: {  	p0 =	sne.s32 s21, $0x40  }
.Ltmp64:
0x2b4: {  	_ = 	snop;
	(pc) =	sbr.rel @p0 .LBB2_72-.Ltmp64, $2  }
0x2b5: {  	_ =	sdelay $0x2  }
0x2b6: {  	s20 =	sadd.s32 $0x200, s20;
	s7 =	sadd.s32 $0x40, s7  }
.LBB2_73:
0x2b7: {  	(v2sf) =	vpush v0, $0x9  }
0x2b8: {  	(v2sf) =	vpush v1, $0x9  }
0x2b9: {  	(v2sf) =	vpush v2, $0x9  }
0x2ba: {  	(v2sf) =	vpush v3, $0x9;
	_ =	sdelay $0xb  }
0x2bb: {  	s20 =	spop (v2sf)  }
0x2bc: {  	s7 =	spop (v2sf)  }
0x2bd: {  	s18 =	spop (v2sf)  }
0x2be: {  	s19 =	spop (v2sf)  }
0x2bf: {  	s21 =	ssub.s32 s19, s18  }
0x2c0: {  	p0 =	seq.s32 s21, $0x40  }
.Ltmp65:
0x2c1: {  	_ = 	snop;
	(pc) =	sbr.rel @!p0 .LBB2_74-.Ltmp65, $1  }
0x2c2: {  	_ =	sdelay $0x3  }
0x2c3: {  	s18 =	sshll.u32 s20, $0x14;
	s7 =	sshll.u32 s7, $0x9  }
0x2c4: {  	s7 =	sadd.s32 s18, s7  }
.Ltmp66:
0x2c5: {  	s24 =	sshll.u32 s0, $0x6;
	s7 =	sshrl.u32 s7, $0x3;
	(pc) =	sbr.rel .LBB2_81-.Ltmp66, $4  }
0x2c6: {  	s25 =	rddreg [dreg:$0x15];
	s18 =	sor.u32 $0x1C01, s24;
	s19 =	sadd.s32 s4, s7  }
0x2c7: {  	[hbm:s25], [sflag:s18] =	dma.local [hbm:s19], $0x1000  }
0x2c8: {  	s7 =	sadd.s32 s6, s7;
	s19 =	rddreg [dreg:$0x16]  }
0x2c9: {  	[hbm:s19], [sflag:s18] =	dma.local [hbm:s7], $0x1000  }
.LBB2_74:
0x2ca: {  	p0 =	seq.s32 s19, s18  }
.Ltmp67:
0x2cb: {  	_ = 	snop;
	(pc) =	sbr.rel @!p0 .LBB2_76-.Ltmp67, $1  }
0x2cc: {  	_ =	sdelay $0x3  }
.Ltmp68:
0x2cd: {  	(pc) =	sbr.rel .LBB2_81-.Ltmp68, $4  }
0x2ce: {  	s7 =	rddreg [dreg:$0x15]  }
0x2cf: {  	[hbm4b:s7+s1] =	stream.linear.scatter [tilespmem:s14], [sflag:$0x1], $0x8000, $0x38;
	[tilespmem:$0x8200] =	vst v63  }
0x2d0: {  	s25 =	rddreg [dreg:$0x16]  }
0x2d1: {  	[hbm4b:s25+s1] =	stream.linear.scatter [tilespmem:s14], [sflag:$0x1], $0x8000, $0x38;
	[tilespmem:$0x8200] =	vst v63  }
.LBB2_76:
0x2d2: {  	p0 =	sgt.u32 s21, $0x3F  }
.Ltmp69:
0x2d3: {  	_ = 	snop;
	(pc) =	sbr.rel @p0 .LBB2_81-.Ltmp69, $1  }
0x2d4: {  	_ =	sdelay $0x3  }
0x2d5: {  	s20 =	sshll.u32 s20, $0x14;
	s7 =	sshll.u32 s7, $0x9  }
0x2d6: {  	s20 =	sadd.s32 s7, s20  }
0x2d7: {  	s21 =	simm.s32 $0x0;
	s7 =	sld [smem:$0x7F0];
	s23 =	smov.u32 s20  }
.LBB2_78:
0x2d8: {  	p0 =	slt.s32 s21, s18  }
0x2d9: {  	p1 =	sge.s32 @!p0 s21, s19  }
0x2da: {  	p0 =	por p0, p1  }
0x2db: {  	[hbm4b:s7+s1] =	stream.linear.scatter @p0 [tilespmem:s14], [sflag:$0x1], $0x200, $0x38;
	[tilespmem:$0x8200] =	vst v63  }
0x2dc: {  	s24 =	sshrl.u32 @!p0 s23, $0x3;
	s25 =	sshll.u32 @!p0 s0, $0x6  }
0x2dd: {  	s21 =	sadd.s32 $0x1, s21;
	s24 =	sadd.s32 @!p0 s4, s24;
	s25 =	sor.u32 @!p0 $0x1C01, s25  }
0x2de: {  	[hbm:s7], [sflag:s25] =	dma.local @!p0 [hbm:s24], $0x40  }
0x2df: {  	p0 =	sne.s32 s21, $0x40  }
.Ltmp70:
0x2e0: {  	_ = 	snop;
	(pc) =	sbr.rel @p0 .LBB2_78-.Ltmp70, $2  }
0x2e1: {  	_ =	sdelay $0x2  }
0x2e2: {  	s23 =	sadd.s32 $0x200, s23;
	s7 =	sadd.s32 $0x40, s7  }
0x2e3: {  	s21 =	simm.s32 $0x0;
	s7 =	sld [smem:$0x7F1]  }
.LBB2_80:
0x2e4: {  	p0 =	slt.s32 s21, s18  }
0x2e5: {  	p1 =	sge.s32 @!p0 s21, s19  }
0x2e6: {  	p0 =	por p0, p1  }
0x2e7: {  	[hbm4b:s7+s1] =	stream.linear.scatter @p0 [tilespmem:s14], [sflag:$0x1], $0x200, $0x38;
	[tilespmem:$0x8200] =	vst v63  }
0x2e8: {  	s23 =	sshrl.u32 @!p0 s20, $0x3;
	s24 =	sshll.u32 @!p0 s0, $0x6  }
0x2e9: {  	s21 =	sadd.s32 $0x1, s21;
	s23 =	sadd.s32 @!p0 s6, s23;
	s24 =	sor.u32 @!p0 $0x1C01, s24  }
0x2ea: {  	[hbm:s7], [sflag:s24] =	dma.local @!p0 [hbm:s23], $0x40  }
0x2eb: {  	p0 =	sne.s32 s21, $0x40  }
.Ltmp71:
0x2ec: {  	_ = 	snop;
	(pc) =	sbr.rel @p0 .LBB2_80-.Ltmp71, $2  }
0x2ed: {  	_ =	sdelay $0x2  }
0x2ee: {  	s20 =	sadd.s32 $0x200, s20;
	s7 =	sadd.s32 $0x40, s7  }
.LBB2_81:
0x2ef: {  	(v2sf) =	vpush v0, $0xA  }
0x2f0: {  	(v2sf) =	vpush v1, $0xA  }
0x2f1: {  	(v2sf) =	vpush v2, $0xA  }
0x2f2: {  	(v2sf) =	vpush v3, $0xA;
	_ =	sdelay $0xb  }
0x2f3: {  	s20 =	spop (v2sf)  }
0x2f4: {  	s7 =	spop (v2sf)  }
0x2f5: {  	s18 =	spop (v2sf)  }
0x2f6: {  	s19 =	spop (v2sf)  }
0x2f7: {  	s21 =	ssub.s32 s19, s18  }
0x2f8: {  	p0 =	seq.s32 s21, $0x40  }
.Ltmp72:
0x2f9: {  	_ = 	snop;
	(pc) =	sbr.rel @!p0 .LBB2_82-.Ltmp72, $1  }
0x2fa: {  	_ =	sdelay $0x3  }
0x2fb: {  	s18 =	sshll.u32 s20, $0x14;
	s7 =	sshll.u32 s7, $0x9  }
0x2fc: {  	s7 =	sadd.s32 s18, s7  }
.Ltmp73:
0x2fd: {  	s24 =	sshll.u32 s0, $0x6;
	s7 =	sshrl.u32 s7, $0x3;
	(pc) =	sbr.rel .LBB2_89-.Ltmp73, $4  }
0x2fe: {  	s25 =	rddreg [dreg:$0x17];
	s18 =	sor.u32 $0x1C01, s24;
	s19 =	sadd.s32 s4, s7  }
0x2ff: {  	[hbm:s25], [sflag:s18] =	dma.local [hbm:s19], $0x1000  }
0x300: {  	s7 =	sadd.s32 s6, s7;
	s19 =	rddreg [dreg:$0x18]  }
0x301: {  	[hbm:s19], [sflag:s18] =	dma.local [hbm:s7], $0x1000  }
.LBB2_82:
0x302: {  	p0 =	seq.s32 s19, s18  }
.Ltmp74:
0x303: {  	_ = 	snop;
	(pc) =	sbr.rel @!p0 .LBB2_84-.Ltmp74, $1  }
0x304: {  	_ =	sdelay $0x3  }
.Ltmp75:
0x305: {  	(pc) =	sbr.rel .LBB2_89-.Ltmp75, $4  }
0x306: {  	s7 =	rddreg [dreg:$0x17]  }
0x307: {  	[hbm4b:s7+s1] =	stream.linear.scatter [tilespmem:s14], [sflag:$0x1], $0x8000, $0x38;
	[tilespmem:$0x8200] =	vst v63  }
0x308: {  	s25 =	rddreg [dreg:$0x18]  }
0x309: {  	[hbm4b:s25+s1] =	stream.linear.scatter [tilespmem:s14], [sflag:$0x1], $0x8000, $0x38;
	[tilespmem:$0x8200] =	vst v63  }
.LBB2_84:
0x30a: {  	p0 =	sgt.u32 s21, $0x3F  }
.Ltmp76:
0x30b: {  	_ = 	snop;
	(pc) =	sbr.rel @p0 .LBB2_89-.Ltmp76, $1  }
0x30c: {  	_ =	sdelay $0x3  }
0x30d: {  	s20 =	sshll.u32 s20, $0x14;
	s7 =	sshll.u32 s7, $0x9  }
0x30e: {  	s20 =	sadd.s32 s7, s20  }
0x30f: {  	s21 =	simm.s32 $0x0;
	s7 =	sld [smem:$0x7F2];
	s23 =	smov.u32 s20  }
.LBB2_86:
0x310: {  	p0 =	slt.s32 s21, s18  }
0x311: {  	p1 =	sge.s32 @!p0 s21, s19  }
0x312: {  	p0 =	por p0, p1  }
0x313: {  	[hbm4b:s7+s1] =	stream.linear.scatter @p0 [tilespmem:s14], [sflag:$0x1], $0x200, $0x38;
	[tilespmem:$0x8200] =	vst v63  }
0x314: {  	s24 =	sshrl.u32 @!p0 s23, $0x3;
	s25 =	sshll.u32 @!p0 s0, $0x6  }
0x315: {  	s21 =	sadd.s32 $0x1, s21;
	s24 =	sadd.s32 @!p0 s4, s24;
	s25 =	sor.u32 @!p0 $0x1C01, s25  }
0x316: {  	[hbm:s7], [sflag:s25] =	dma.local @!p0 [hbm:s24], $0x40  }
0x317: {  	p0 =	sne.s32 s21, $0x40  }
.Ltmp77:
0x318: {  	_ = 	snop;
	(pc) =	sbr.rel @p0 .LBB2_86-.Ltmp77, $2  }
0x319: {  	_ =	sdelay $0x2  }
0x31a: {  	s23 =	sadd.s32 $0x200, s23;
	s7 =	sadd.s32 $0x40, s7  }
0x31b: {  	s21 =	simm.s32 $0x0;
	s7 =	sld [smem:$0x7F3]  }
.LBB2_88:
0x31c: {  	p0 =	slt.s32 s21, s18  }
0x31d: {  	p1 =	sge.s32 @!p0 s21, s19  }
0x31e: {  	p0 =	por p0, p1  }
0x31f: {  	[hbm4b:s7+s1] =	stream.linear.scatter @p0 [tilespmem:s14], [sflag:$0x1], $0x200, $0x38;
	[tilespmem:$0x8200] =	vst v63  }
0x320: {  	s23 =	sshrl.u32 @!p0 s20, $0x3;
	s24 =	sshll.u32 @!p0 s0, $0x6  }
0x321: {  	s21 =	sadd.s32 $0x1, s21;
	s23 =	sadd.s32 @!p0 s6, s23;
	s24 =	sor.u32 @!p0 $0x1C01, s24  }
0x322: {  	[hbm:s7], [sflag:s24] =	dma.local @!p0 [hbm:s23], $0x40  }
0x323: {  	p0 =	sne.s32 s21, $0x40  }
.Ltmp78:
0x324: {  	_ = 	snop;
	(pc) =	sbr.rel @p0 .LBB2_88-.Ltmp78, $2  }
0x325: {  	_ =	sdelay $0x2  }
0x326: {  	s20 =	sadd.s32 $0x200, s20;
	s7 =	sadd.s32 $0x40, s7  }
.LBB2_89:
0x327: {  	(v2sf) =	vpush v0, $0xB  }
0x328: {  	(v2sf) =	vpush v1, $0xB  }
0x329: {  	(v2sf) =	vpush v2, $0xB  }
0x32a: {  	(v2sf) =	vpush v3, $0xB;
	_ =	sdelay $0xb  }
0x32b: {  	s20 =	spop (v2sf)  }
0x32c: {  	s7 =	spop (v2sf)  }
0x32d: {  	s18 =	spop (v2sf)  }
0x32e: {  	s19 =	spop (v2sf)  }
0x32f: {  	s21 =	ssub.s32 s19, s18  }
0x330: {  	p0 =	seq.s32 s21, $0x40  }
.Ltmp79:
0x331: {  	_ = 	snop;
	(pc) =	sbr.rel @!p0 .LBB2_90-.Ltmp79, $1  }
0x332: {  	_ =	sdelay $0x3  }
0x333: {  	s18 =	sshll.u32 s20, $0x14;
	s7 =	sshll.u32 s7, $0x9  }
0x334: {  	s7 =	sadd.s32 s18, s7  }
.Ltmp80:
0x335: {  	s24 =	sshll.u32 s0, $0x6;
	s7 =	sshrl.u32 s7, $0x3;
	(pc) =	sbr.rel .LBB2_97-.Ltmp80, $4  }
0x336: {  	s25 =	rddreg [dreg:$0x19];
	s18 =	sor.u32 $0x1C01, s24;
	s19 =	sadd.s32 s4, s7  }
0x337: {  	[hbm:s25], [sflag:s18] =	dma.local [hbm:s19], $0x1000  }
0x338: {  	s7 =	sadd.s32 s6, s7;
	s19 =	rddreg [dreg:$0x1a]  }
0x339: {  	[hbm:s19], [sflag:s18] =	dma.local [hbm:s7], $0x1000  }
.LBB2_90:
0x33a: {  	p0 =	seq.s32 s19, s18  }
.Ltmp81:
0x33b: {  	_ = 	snop;
	(pc) =	sbr.rel @!p0 .LBB2_92-.Ltmp81, $1  }
0x33c: {  	_ =	sdelay $0x3  }
.Ltmp82:
0x33d: {  	(pc) =	sbr.rel .LBB2_97-.Ltmp82, $4  }
0x33e: {  	s7 =	rddreg [dreg:$0x19]  }
0x33f: {  	[hbm4b:s7+s1] =	stream.linear.scatter [tilespmem:s14], [sflag:$0x1], $0x8000, $0x38;
	[tilespmem:$0x8200] =	vst v63  }
0x340: {  	s25 =	rddreg [dreg:$0x1a]  }
0x341: {  	[hbm4b:s25+s1] =	stream.linear.scatter [tilespmem:s14], [sflag:$0x1], $0x8000, $0x38;
	[tilespmem:$0x8200] =	vst v63  }
.LBB2_92:
0x342: {  	p0 =	sgt.u32 s21, $0x3F  }
.Ltmp83:
0x343: {  	_ = 	snop;
	(pc) =	sbr.rel @p0 .LBB2_97-.Ltmp83, $1  }
0x344: {  	_ =	sdelay $0x3  }
0x345: {  	s20 =	sshll.u32 s20, $0x14;
	s7 =	sshll.u32 s7, $0x9  }
0x346: {  	s20 =	sadd.s32 s7, s20  }
0x347: {  	s21 =	simm.s32 $0x0;
	s7 =	sld [smem:$0x7F4];
	s23 =	smov.u32 s20  }
.LBB2_94:
0x348: {  	p0 =	slt.s32 s21, s18  }
0x349: {  	p1 =	sge.s32 @!p0 s21, s19  }
0x34a: {  	p0 =	por p0, p1  }
0x34b: {  	[hbm4b:s7+s1] =	stream.linear.scatter @p0 [tilespmem:s14], [sflag:$0x1], $0x200, $0x38;
	[tilespmem:$0x8200] =	vst v63  }
0x34c: {  	s24 =	sshrl.u32 @!p0 s23, $0x3;
	s25 =	sshll.u32 @!p0 s0, $0x6  }
0x34d: {  	s21 =	sadd.s32 $0x1, s21;
	s24 =	sadd.s32 @!p0 s4, s24;
	s25 =	sor.u32 @!p0 $0x1C01, s25  }
0x34e: {  	[hbm:s7], [sflag:s25] =	dma.local @!p0 [hbm:s24], $0x40  }
0x34f: {  	p0 =	sne.s32 s21, $0x40  }
.Ltmp84:
0x350: {  	_ = 	snop;
	(pc) =	sbr.rel @p0 .LBB2_94-.Ltmp84, $2  }
0x351: {  	_ =	sdelay $0x2  }
0x352: {  	s23 =	sadd.s32 $0x200, s23;
	s7 =	sadd.s32 $0x40, s7  }
0x353: {  	s21 =	simm.s32 $0x0;
	s7 =	sld [smem:$0x7F5]  }
.LBB2_96:
0x354: {  	p0 =	slt.s32 s21, s18  }
0x355: {  	p1 =	sge.s32 @!p0 s21, s19  }
0x356: {  	p0 =	por p0, p1  }
0x357: {  	[hbm4b:s7+s1] =	stream.linear.scatter @p0 [tilespmem:s14], [sflag:$0x1], $0x200, $0x38;
	[tilespmem:$0x8200] =	vst v63  }
0x358: {  	s23 =	sshrl.u32 @!p0 s20, $0x3;
	s24 =	sshll.u32 @!p0 s0, $0x6  }
0x359: {  	s21 =	sadd.s32 $0x1, s21;
	s23 =	sadd.s32 @!p0 s6, s23;
	s24 =	sor.u32 @!p0 $0x1C01, s24  }
0x35a: {  	[hbm:s7], [sflag:s24] =	dma.local @!p0 [hbm:s23], $0x40  }
0x35b: {  	p0 =	sne.s32 s21, $0x40  }
.Ltmp85:
0x35c: {  	_ = 	snop;
	(pc) =	sbr.rel @p0 .LBB2_96-.Ltmp85, $2  }
0x35d: {  	_ =	sdelay $0x2  }
0x35e: {  	s20 =	sadd.s32 $0x200, s20;
	s7 =	sadd.s32 $0x40, s7  }
.LBB2_97:
0x35f: {  	(v2sf) =	vpush v0, $0xC  }
0x360: {  	(v2sf) =	vpush v1, $0xC  }
0x361: {  	(v2sf) =	vpush v2, $0xC  }
0x362: {  	(v2sf) =	vpush v3, $0xC;
	_ =	sdelay $0xb  }
0x363: {  	s20 =	spop (v2sf)  }
0x364: {  	s7 =	spop (v2sf)  }
0x365: {  	s18 =	spop (v2sf)  }
0x366: {  	s19 =	spop (v2sf)  }
0x367: {  	s21 =	ssub.s32 s19, s18  }
0x368: {  	p0 =	seq.s32 s21, $0x40  }
.Ltmp86:
0x369: {  	_ = 	snop;
	(pc) =	sbr.rel @!p0 .LBB2_98-.Ltmp86, $1  }
0x36a: {  	_ =	sdelay $0x3  }
0x36b: {  	s18 =	sshll.u32 s20, $0x14;
	s7 =	sshll.u32 s7, $0x9  }
0x36c: {  	s7 =	sadd.s32 s18, s7  }
.Ltmp87:
0x36d: {  	s24 =	sshll.u32 s0, $0x6;
	s7 =	sshrl.u32 s7, $0x3;
	(pc) =	sbr.rel .LBB2_105-.Ltmp87, $4  }
0x36e: {  	s25 =	rddreg [dreg:$0x1b];
	s18 =	sor.u32 $0x1C01, s24;
	s19 =	sadd.s32 s4, s7  }
0x36f: {  	[hbm:s25], [sflag:s18] =	dma.local [hbm:s19], $0x1000  }
0x370: {  	s7 =	sadd.s32 s6, s7;
	s19 =	rddreg [dreg:$0x1c]  }
0x371: {  	[hbm:s19], [sflag:s18] =	dma.local [hbm:s7], $0x1000  }
.LBB2_98:
0x372: {  	p0 =	seq.s32 s19, s18  }
.Ltmp88:
0x373: {  	_ = 	snop;
	(pc) =	sbr.rel @!p0 .LBB2_100-.Ltmp88, $1  }
0x374: {  	_ =	sdelay $0x3  }
.Ltmp89:
0x375: {  	(pc) =	sbr.rel .LBB2_105-.Ltmp89, $4  }
0x376: {  	s7 =	rddreg [dreg:$0x1b]  }
0x377: {  	[hbm4b:s7+s1] =	stream.linear.scatter [tilespmem:s14], [sflag:$0x1], $0x8000, $0x38;
	[tilespmem:$0x8200] =	vst v63  }
0x378: {  	s25 =	rddreg [dreg:$0x1c]  }
0x379: {  	[hbm4b:s25+s1] =	stream.linear.scatter [tilespmem:s14], [sflag:$0x1], $0x8000, $0x38;
	[tilespmem:$0x8200] =	vst v63  }
.LBB2_100:
0x37a: {  	p0 =	sgt.u32 s21, $0x3F  }
.Ltmp90:
0x37b: {  	_ = 	snop;
	(pc) =	sbr.rel @p0 .LBB2_105-.Ltmp90, $1  }
0x37c: {  	_ =	sdelay $0x3  }
0x37d: {  	s20 =	sshll.u32 s20, $0x14;
	s7 =	sshll.u32 s7, $0x9  }
0x37e: {  	s20 =	sadd.s32 s7, s20  }
0x37f: {  	s21 =	simm.s32 $0x0;
	s7 =	sld [smem:$0x7F6];
	s23 =	smov.u32 s20  }
.LBB2_102:
0x380: {  	p0 =	slt.s32 s21, s18  }
0x381: {  	p1 =	sge.s32 @!p0 s21, s19  }
0x382: {  	p0 =	por p0, p1  }
0x383: {  	[hbm4b:s7+s1] =	stream.linear.scatter @p0 [tilespmem:s14], [sflag:$0x1], $0x200, $0x38;
	[tilespmem:$0x8200] =	vst v63  }
0x384: {  	s24 =	sshrl.u32 @!p0 s23, $0x3;
	s25 =	sshll.u32 @!p0 s0, $0x6  }
0x385: {  	s21 =	sadd.s32 $0x1, s21;
	s24 =	sadd.s32 @!p0 s4, s24;
	s25 =	sor.u32 @!p0 $0x1C01, s25  }
0x386: {  	[hbm:s7], [sflag:s25] =	dma.local @!p0 [hbm:s24], $0x40  }
0x387: {  	p0 =	sne.s32 s21, $0x40  }
.Ltmp91:
0x388: {  	_ = 	snop;
	(pc) =	sbr.rel @p0 .LBB2_102-.Ltmp91, $2  }
0x389: {  	_ =	sdelay $0x2  }
0x38a: {  	s23 =	sadd.s32 $0x200, s23;
	s7 =	sadd.s32 $0x40, s7  }
0x38b: {  	s21 =	simm.s32 $0x0;
	s7 =	sld [smem:$0x7F7]  }
.LBB2_104:
0x38c: {  	p0 =	slt.s32 s21, s18  }
0x38d: {  	p1 =	sge.s32 @!p0 s21, s19  }
0x38e: {  	p0 =	por p0, p1  }
0x38f: {  	[hbm4b:s7+s1] =	stream.linear.scatter @p0 [tilespmem:s14], [sflag:$0x1], $0x200, $0x38;
	[tilespmem:$0x8200] =	vst v63  }
0x390: {  	s23 =	sshrl.u32 @!p0 s20, $0x3;
	s24 =	sshll.u32 @!p0 s0, $0x6  }
0x391: {  	s21 =	sadd.s32 $0x1, s21;
	s23 =	sadd.s32 @!p0 s6, s23;
	s24 =	sor.u32 @!p0 $0x1C01, s24  }
0x392: {  	[hbm:s7], [sflag:s24] =	dma.local @!p0 [hbm:s23], $0x40  }
0x393: {  	p0 =	sne.s32 s21, $0x40  }
.Ltmp92:
0x394: {  	_ = 	snop;
	(pc) =	sbr.rel @p0 .LBB2_104-.Ltmp92, $2  }
0x395: {  	_ =	sdelay $0x2  }
0x396: {  	s20 =	sadd.s32 $0x200, s20;
	s7 =	sadd.s32 $0x40, s7  }
.LBB2_105:
0x397: {  	(v2sf) =	vpush v0, $0xD  }
0x398: {  	(v2sf) =	vpush v1, $0xD  }
0x399: {  	(v2sf) =	vpush v2, $0xD  }
0x39a: {  	(v2sf) =	vpush v3, $0xD;
	_ =	sdelay $0xb  }
0x39b: {  	s20 =	spop (v2sf)  }
0x39c: {  	s7 =	spop (v2sf)  }
0x39d: {  	s18 =	spop (v2sf)  }
0x39e: {  	s19 =	spop (v2sf)  }
0x39f: {  	s21 =	ssub.s32 s19, s18  }
0x3a0: {  	p0 =	seq.s32 s21, $0x40  }
.Ltmp93:
0x3a1: {  	_ = 	snop;
	(pc) =	sbr.rel @!p0 .LBB2_106-.Ltmp93, $1  }
0x3a2: {  	_ =	sdelay $0x3  }
0x3a3: {  	s18 =	sshll.u32 s20, $0x14;
	s7 =	sshll.u32 s7, $0x9  }
.Ltmp94:
0x3a4: {  	s7 =	sadd.s32 s18, s7;
	(pc) =	sbr.rel .LBB2_113-.Ltmp94, $4  }
0x3a5: {  	s25 =	sshll.u32 s0, $0x6;
	s7 =	sshrl.u32 s7, $0x3  }
0x3a6: {  	s18 =	sor.u32 $0x1C01, s25;
	s19 =	sadd.s32 s4, s7;
	s7 =	sadd.s32 s6, s7  }
0x3a7: {  	[hbm:s26], [sflag:s18] =	dma.local [hbm:s19], $0x1000  }
0x3a8: {  	[hbm:s28], [sflag:s18] =	dma.local [hbm:s7], $0x1000  }
.LBB2_106:
0x3a9: {  	p0 =	seq.s32 s19, s18  }
.Ltmp95:
0x3aa: {  	_ = 	snop;
	(pc) =	sbr.rel @!p0 .LBB2_108-.Ltmp95, $1  }
0x3ab: {  	_ =	sdelay $0x3  }
.Ltmp96:
0x3ac: {  	(pc) =	sbr.rel .LBB2_113-.Ltmp96, $4  }
0x3ad: {  	_ = 	snop  }
0x3ae: {  	[hbm4b:s26+s1] =	stream.linear.scatter [tilespmem:s14], [sflag:$0x1], $0x8000, $0x38;
	[tilespmem:$0x8200] =	vst v63  }
0x3af: {  	_ = 	snop  }
0x3b0: {  	[hbm4b:s28+s1] =	stream.linear.scatter [tilespmem:s14], [sflag:$0x1], $0x8000, $0x38;
	[tilespmem:$0x8200] =	vst v63  }
.LBB2_108:
0x3b1: {  	p0 =	sgt.u32 s21, $0x3F  }
.Ltmp97:
0x3b2: {  	_ = 	snop;
	(pc) =	sbr.rel @p0 .LBB2_113-.Ltmp97, $1  }
0x3b3: {  	_ =	sdelay $0x3  }
0x3b4: {  	s20 =	sshll.u32 s20, $0x14;
	s7 =	sshll.u32 s7, $0x9  }
0x3b5: {  	s20 =	sadd.s32 s7, s20  }
0x3b6: {  	s21 =	simm.s32 $0x0;
	s7 =	sld [smem:$0x7F8];
	s23 =	smov.u32 s20  }
.LBB2_110:
0x3b7: {  	p0 =	slt.s32 s21, s18  }
0x3b8: {  	p1 =	sge.s32 @!p0 s21, s19  }
0x3b9: {  	p0 =	por p0, p1  }
0x3ba: {  	[hbm4b:s7+s1] =	stream.linear.scatter @p0 [tilespmem:s14], [sflag:$0x1], $0x200, $0x38;
	[tilespmem:$0x8200] =	vst v63  }
0x3bb: {  	s24 =	sshrl.u32 @!p0 s23, $0x3;
	s25 =	sshll.u32 @!p0 s0, $0x6  }
0x3bc: {  	s21 =	sadd.s32 $0x1, s21;
	s24 =	sadd.s32 @!p0 s4, s24;
	s25 =	sor.u32 @!p0 $0x1C01, s25  }
0x3bd: {  	[hbm:s7], [sflag:s25] =	dma.local @!p0 [hbm:s24], $0x40  }
0x3be: {  	p0 =	sne.s32 s21, $0x40  }
.Ltmp98:
0x3bf: {  	_ = 	snop;
	(pc) =	sbr.rel @p0 .LBB2_110-.Ltmp98, $2  }
0x3c0: {  	_ =	sdelay $0x2  }
0x3c1: {  	s23 =	sadd.s32 $0x200, s23;
	s7 =	sadd.s32 $0x40, s7  }
0x3c2: {  	s21 =	simm.s32 $0x0;
	s7 =	sld [smem:$0x7F9]  }
.LBB2_112:
0x3c3: {  	p0 =	slt.s32 s21, s18  }
0x3c4: {  	p1 =	sge.s32 @!p0 s21, s19  }
0x3c5: {  	p0 =	por p0, p1  }
0x3c6: {  	[hbm4b:s7+s1] =	stream.linear.scatter @p0 [tilespmem:s14], [sflag:$0x1], $0x200, $0x38;
	[tilespmem:$0x8200] =	vst v63  }
0x3c7: {  	s23 =	sshrl.u32 @!p0 s20, $0x3;
	s24 =	sshll.u32 @!p0 s0, $0x6  }
0x3c8: {  	s21 =	sadd.s32 $0x1, s21;
	s23 =	sadd.s32 @!p0 s6, s23;
	s24 =	sor.u32 @!p0 $0x1C01, s24  }
0x3c9: {  	[hbm:s7], [sflag:s24] =	dma.local @!p0 [hbm:s23], $0x40  }
0x3ca: {  	p0 =	sne.s32 s21, $0x40  }
.Ltmp99:
0x3cb: {  	_ = 	snop;
	(pc) =	sbr.rel @p0 .LBB2_112-.Ltmp99, $2  }
0x3cc: {  	_ =	sdelay $0x2  }
0x3cd: {  	s20 =	sadd.s32 $0x200, s20;
	s7 =	sadd.s32 $0x40, s7  }
.LBB2_113:
0x3ce: {  	(v2sf) =	vpush v0, $0xE  }
0x3cf: {  	(v2sf) =	vpush v1, $0xE  }
0x3d0: {  	(v2sf) =	vpush v2, $0xE  }
0x3d1: {  	(v2sf) =	vpush v3, $0xE;
	_ =	sdelay $0xb  }
0x3d2: {  	s20 =	spop (v2sf)  }
0x3d3: {  	s7 =	spop (v2sf)  }
0x3d4: {  	s18 =	spop (v2sf)  }
0x3d5: {  	s19 =	spop (v2sf)  }
0x3d6: {  	s21 =	ssub.s32 s19, s18  }
0x3d7: {  	p0 =	seq.s32 s21, $0x40  }
.Ltmp100:
0x3d8: {  	_ = 	snop;
	(pc) =	sbr.rel @!p0 .LBB2_114-.Ltmp100, $1  }
0x3d9: {  	_ =	sdelay $0x3  }
0x3da: {  	s18 =	sshll.u32 s20, $0x14;
	s7 =	sshll.u32 s7, $0x9  }
.Ltmp101:
0x3db: {  	s7 =	sadd.s32 s18, s7;
	(pc) =	sbr.rel .LBB2_121-.Ltmp101, $4  }
0x3dc: {  	s25 =	sshll.u32 s0, $0x6;
	s7 =	sshrl.u32 s7, $0x3  }
0x3dd: {  	s18 =	sor.u32 $0x1C01, s25;
	s19 =	sadd.s32 s4, s7;
	s7 =	sadd.s32 s6, s7  }
0x3de: {  	[hbm:s29], [sflag:s18] =	dma.local [hbm:s19], $0x1000  }
0x3df: {  	[hbm:s30], [sflag:s18] =	dma.local [hbm:s7], $0x1000  }
.LBB2_114:
0x3e0: {  	p0 =	seq.s32 s19, s18  }
.Ltmp102:
0x3e1: {  	_ = 	snop;
	(pc) =	sbr.rel @!p0 .LBB2_116-.Ltmp102, $1  }
0x3e2: {  	_ =	sdelay $0x3  }
.Ltmp103:
0x3e3: {  	(pc) =	sbr.rel .LBB2_121-.Ltmp103, $4  }
0x3e4: {  	_ = 	snop  }
0x3e5: {  	[hbm4b:s29+s1] =	stream.linear.scatter [tilespmem:s14], [sflag:$0x1], $0x8000, $0x38;
	[tilespmem:$0x8200] =	vst v63  }
0x3e6: {  	_ = 	snop  }
0x3e7: {  	[hbm4b:s30+s1] =	stream.linear.scatter [tilespmem:s14], [sflag:$0x1], $0x8000, $0x38;
	[tilespmem:$0x8200] =	vst v63  }
.LBB2_116:
0x3e8: {  	p0 =	sgt.u32 s21, $0x3F  }
.Ltmp104:
0x3e9: {  	_ = 	snop;
	(pc) =	sbr.rel @p0 .LBB2_121-.Ltmp104, $1  }
0x3ea: {  	_ =	sdelay $0x3  }
0x3eb: {  	s20 =	sshll.u32 s20, $0x14;
	s7 =	sshll.u32 s7, $0x9  }
0x3ec: {  	s20 =	sadd.s32 s7, s20  }
0x3ed: {  	s21 =	simm.s32 $0x0;
	s7 =	sld [smem:$0x7FA];
	s23 =	smov.u32 s20  }
.LBB2_118:
0x3ee: {  	p0 =	slt.s32 s21, s18  }
0x3ef: {  	p1 =	sge.s32 @!p0 s21, s19  }
0x3f0: {  	p0 =	por p0, p1  }
0x3f1: {  	[hbm4b:s7+s1] =	stream.linear.scatter @p0 [tilespmem:s14], [sflag:$0x1], $0x200, $0x38;
	[tilespmem:$0x8200] =	vst v63  }
0x3f2: {  	s24 =	sshrl.u32 @!p0 s23, $0x3;
	s25 =	sshll.u32 @!p0 s0, $0x6  }
0x3f3: {  	s21 =	sadd.s32 $0x1, s21;
	s24 =	sadd.s32 @!p0 s4, s24;
	s25 =	sor.u32 @!p0 $0x1C01, s25  }
0x3f4: {  	[hbm:s7], [sflag:s25] =	dma.local @!p0 [hbm:s24], $0x40  }
0x3f5: {  	p0 =	sne.s32 s21, $0x40  }
.Ltmp105:
0x3f6: {  	_ = 	snop;
	(pc) =	sbr.rel @p0 .LBB2_118-.Ltmp105, $2  }
0x3f7: {  	_ =	sdelay $0x2  }
0x3f8: {  	s23 =	sadd.s32 $0x200, s23;
	s7 =	sadd.s32 $0x40, s7  }
0x3f9: {  	s21 =	simm.s32 $0x0;
	s7 =	sld [smem:$0x7FB]  }
.LBB2_120:
0x3fa: {  	p0 =	slt.s32 s21, s18  }
0x3fb: {  	p1 =	sge.s32 @!p0 s21, s19  }
0x3fc: {  	p0 =	por p0, p1  }
0x3fd: {  	[hbm4b:s7+s1] =	stream.linear.scatter @p0 [tilespmem:s14], [sflag:$0x1], $0x200, $0x38;
	[tilespmem:$0x8200] =	vst v63  }
0x3fe: {  	s23 =	sshrl.u32 @!p0 s20, $0x3;
	s24 =	sshll.u32 @!p0 s0, $0x6  }
0x3ff: {  	s21 =	sadd.s32 $0x1, s21;
	s23 =	sadd.s32 @!p0 s6, s23;
	s24 =	sor.u32 @!p0 $0x1C01, s24  }
0x400: {  	[hbm:s7], [sflag:s24] =	dma.local @!p0 [hbm:s23], $0x40  }
0x401: {  	p0 =	sne.s32 s21, $0x40  }
.Ltmp106:
0x402: {  	_ = 	snop;
	(pc) =	sbr.rel @p0 .LBB2_120-.Ltmp106, $2  }
0x403: {  	_ =	sdelay $0x2  }
0x404: {  	s20 =	sadd.s32 $0x200, s20;
	s7 =	sadd.s32 $0x40, s7  }
.LBB2_121:
0x405: {  	(v2sf) =	vpush v0, $0xF  }
0x406: {  	(v2sf) =	vpush v1, $0xF  }
0x407: {  	(v2sf) =	vpush v2, $0xF  }
0x408: {  	(v2sf) =	vpush v3, $0xF;
	_ =	sdelay $0xb  }
0x409: {  	s20 =	spop (v2sf)  }
0x40a: {  	s7 =	spop (v2sf)  }
0x40b: {  	s18 =	spop (v2sf)  }
0x40c: {  	s19 =	spop (v2sf)  }
0x40d: {  	s21 =	ssub.s32 s19, s18  }
0x40e: {  	p0 =	seq.s32 s21, $0x40  }
.Ltmp107:
0x40f: {  	_ = 	snop;
	(pc) =	sbr.rel @p0 .LBB2_146-.Ltmp107, $1  }
0x410: {  	_ =	sdelay $0x3  }
0x411: {  	p0 =	seq.s32 s19, s18  }
.Ltmp108:
0x412: {  	_ = 	snop;
	(pc) =	sbr.rel @!p0 .LBB2_124-.Ltmp108, $1  }
0x413: {  	_ =	sdelay $0x3  }
.Ltmp109:
0x414: {  	(pc) =	sbr.rel .LBB2_129-.Ltmp109, $4  }
0x415: {  	_ = 	snop  }
0x416: {  	[hbm4b:s5+s1] =	stream.linear.scatter [tilespmem:s14], [sflag:$0x1], $0x8000, $0x38;
	[tilespmem:$0x8200] =	vst v63  }
0x417: {  	_ = 	snop  }
0x418: {  	[hbm4b:s3+s1] =	stream.linear.scatter [tilespmem:s14], [sflag:$0x1], $0x8000, $0x38;
	[tilespmem:$0x8200] =	vst v63  }
.LBB2_124:
0x419: {  	p0 =	sgt.u32 s21, $0x3F  }
.Ltmp110:
0x41a: {  	_ = 	snop;
	(pc) =	sbr.rel @p0 .LBB2_129-.Ltmp110, $1  }
0x41b: {  	_ =	sdelay $0x3  }
0x41c: {  	s20 =	sshll.u32 s20, $0x14;
	s7 =	sshll.u32 s7, $0x9  }
0x41d: {  	s20 =	sadd.s32 s7, s20  }
0x41e: {  	s21 =	simm.s32 $0x0;
	s7 =	sld [smem:$0x7FC];
	s23 =	smov.u32 s20  }
.LBB2_126:
0x41f: {  	p0 =	slt.s32 s21, s18  }
0x420: {  	p1 =	sge.s32 @!p0 s21, s19  }
0x421: {  	p0 =	por p0, p1  }
0x422: {  	[hbm4b:s7+s1] =	stream.linear.scatter @p0 [tilespmem:s14], [sflag:$0x1], $0x200, $0x38;
	[tilespmem:$0x8200] =	vst v63  }
0x423: {  	s24 =	sshrl.u32 @!p0 s23, $0x3;
	s25 =	sshll.u32 @!p0 s0, $0x6  }
0x424: {  	s21 =	sadd.s32 $0x1, s21;
	s24 =	sadd.s32 @!p0 s4, s24;
	s25 =	sor.u32 @!p0 $0x1C01, s25  }
0x425: {  	[hbm:s7], [sflag:s25] =	dma.local @!p0 [hbm:s24], $0x40  }
0x426: {  	p0 =	sne.s32 s21, $0x40  }
.Ltmp111:
0x427: {  	_ = 	snop;
	(pc) =	sbr.rel @p0 .LBB2_126-.Ltmp111, $2  }
0x428: {  	_ =	sdelay $0x2  }
0x429: {  	s23 =	sadd.s32 $0x200, s23;
	s7 =	sadd.s32 $0x40, s7  }
0x42a: {  	s21 =	simm.s32 $0x0;
	s7 =	sld [smem:$0x7FD]  }
.LBB2_128:
0x42b: {  	p0 =	slt.s32 s21, s18  }
0x42c: {  	p1 =	sge.s32 @!p0 s21, s19  }
0x42d: {  	p0 =	por p0, p1  }
0x42e: {  	[hbm4b:s7+s1] =	stream.linear.scatter @p0 [tilespmem:s14], [sflag:$0x1], $0x200, $0x38;
	[tilespmem:$0x8200] =	vst v63  }
0x42f: {  	s23 =	sshrl.u32 @!p0 s20, $0x3;
	s24 =	sshll.u32 @!p0 s0, $0x6  }
0x430: {  	s21 =	sadd.s32 $0x1, s21;
	s23 =	sadd.s32 @!p0 s6, s23;
	s24 =	sor.u32 @!p0 $0x1C01, s24  }
0x431: {  	[hbm:s7], [sflag:s24] =	dma.local @!p0 [hbm:s23], $0x40  }
0x432: {  	p0 =	sne.s32 s21, $0x40  }
.Ltmp112:
0x433: {  	_ = 	snop;
	(pc) =	sbr.rel @p0 .LBB2_128-.Ltmp112, $2  }
0x434: {  	_ =	sdelay $0x2  }
0x435: {  	s20 =	sadd.s32 $0x200, s20;
	s7 =	sadd.s32 $0x40, s7  }
.Ltmp113:
0x436: {  	_ = 	snop;
	(pc) =	sbr.rel .LBB2_129-.Ltmp113, $1  }
0x437: {  	_ =	sdelay $0x3  }
.LBB2_130:
0x438: {  	_ =	sfence.sel $0x180000  }
0x439: {  	[bflag:$0x0] =	sbarrier.arrive $0xFFFF  }
0x43a: {  	_ =	strace $0x90000047  }
0x43b: {  	[bflag:$0x2] =	sbarrier.arrive $0xFFFF  }
0x43c: {  	p0 =	sne.s32 s0, $0x0;
	s0 =	rddreg [dreg:$0x4]  }
0x43d: {  	s0 =	sadd.s32 @!p0 $0x100000, s0  }
0x43e: {  	[sflag:s0] =	ssyncadd.tile.s32 @!p0 $0x1;
	_ =	shalt  }
.Lfunc_end2:
_tile_overlayer_lowered:
.L_overlay_start_2:
0x43f: {  	(tag) =	ssettag $0x2  }
0x440: {  	s0 =	rddreg [dreg:$0x0];
	s2 =	stileid.u32  }
0x441: {  	s1 =	rddreg [dreg:$0x1];
	p0 =	sne.s32 s2, $0x0  }
0x442: {  	s3 =	rddreg [dreg:$0x2];
	[bflag:$0x3] =	sbarrier.arrive $0xFFFF;
	s2 =	simm.s32 @!p0 $0x1C02  }
0x443: {  	[timem:s3], [sflag:s2] =	dma.local @!p0 [hbm:s0], s1  }
0x444: {  	s0 =	simm.s32 @!p0 $0x2  }
0x445: {  	_ =	swait.ge @!p0 [sflag:s0], s1  }
0x446: {  	s1 =	ssub.s32 @!p0 $0x0, s1;
	[sflag:s0] =	ssyncset.done @!p0 $0x0  }
0x447: {  	[sflag:s0] =	ssyncadd.s32 @!p0 s1  }
0x448: {  	[bflag:$0x3] =	sbarrier.arrive $0xFFFF  }
0x449: {  	_ =	shalt  }

</sc_bundles>
